<compile_context>
chip_gen: v7x
topology: tpu7x:2x2x1
jax: 0.10.2.dev20260603
libtpu: 0.0.44.dev20260713+nightly
codegen_flags: <defaults>
</compile_context>

<pallas_src>
import jax
import jax.numpy as jnp
from jax import lax
from jax.experimental import pallas as pl
from jax.experimental.pallas import tpu as pltpu
from jax.experimental.pallas import tpu_sc as plsc

B = 16384
L = 200
D = 32
NC = 2
NS = 16
NW = NC * NS
UW = B // NW
CU = 8
NCHUNK = UW // CU
LH = 100


def _tec_body(users_hbm, pred_hbm, iemb_hbm, uemb_hbm, out_hbm,
              uidx, usup, idx, urows, irows, outv, sem_s, sem_g, sem_w):
    wid = lax.axis_index("s") * NC + lax.axis_index("c")
    base = wid * UW
    lanes = lax.iota(jnp.int32, 16)
    ulane = lanes & (CU - 1)
    srow = lanes >> 3
    lo8 = lanes < 8

    def stage_start(c, s):
        row0 = base + c * CU
        pltpu.async_copy(users_hbm.at[pl.ds(row0, CU)], uidx[s], sem_s[s])
        pltpu.async_copy(pred_hbm.at[pl.ds(row0, CU)], idx[s], sem_s[s])

    def stage_wait(s):
        pltpu.make_async_copy(users_hbm.at[pl.ds(0, CU)], uidx[s], sem_s[s]).wait()
        pltpu.make_async_copy(pred_hbm.at[pl.ds(0, CU)], idx[s], sem_s[s]).wait()

    def gathers_start(s):
        ul = plsc.load_gather(uidx[s], [ulane])
        plsc.store_scatter(usup[s], [ulane], ul >> 2, mask=lo8)
        pltpu.async_copy(uemb_hbm.at[usup[s]], urows[s], sem_g[s])
        for j in range(CU):
            for h in range(2):
                pltpu.async_copy(
                    iemb_hbm.at[idx[s].at[j, h]],
                    irows[s].at[pl.ds((j * 2 + h) * LH, LH)],
                    sem_g[s])

    def gathers_wait(s):
        pltpu.make_async_copy(uemb_hbm.at[pl.ds(0, CU)], urows[s], sem_g[s]).wait()
        pltpu.make_async_copy(iemb_hbm.at[pl.ds(0, CU * L)], irows[s], sem_g[s]).wait()

    def writeback_start(c, s):
        row0 = base + c * CU
        pltpu.async_copy(outv[s], out_hbm.at[pl.ds(row0, CU)], sem_w[s])

    def writeback_wait(s):
        pltpu.make_async_copy(outv[s], out_hbm.at[pl.ds(0, CU)], sem_w[s]).wait()

    def compute(s):
        ir = irows[s]
        ur = urows[s]
        ov = outv[s]
        uload = plsc.load_gather(uidx[s], [ulane])
        uoff = (uload & 3) * D

        @plsc.parallel_loop(0, L, step=2, unroll=8)
        def slot_body(l):
            rows = ulane * L + (l + srow)
            acc = jnp.zeros((16,), jnp.float32)
            for d in range(D):
                col = (lanes + d) & (D - 1)
                iv = plsc.load_gather(ir, [rows, col])
                uv = plsc.load_gather(ur, [ulane, uoff + col])
                t = uv - iv
                acc = acc + t * t
            plsc.store_scatter(ov, [ulane, l + srow], -acc)

    stage_start(0, 0)
    stage_wait(0)
    gathers_start(0)
    stage_start(1, 1)

    def pair_body(k, _):
        for s in (0, 1):
            c = 2 * k + s
            gathers_wait(s)

            @pl.when(c + 1 < NCHUNK)
            def _():
                stage_wait(s ^ 1)
                gathers_start(s ^ 1)

            @pl.when(c + 2 < NCHUNK)
            def _():
                stage_start(c + 2, s)

            @pl.when(c >= 2)
            def _():
                writeback_wait(s)

            compute(s)
            writeback_start(c, s)
        return _

    lax.fori_loop(0, NCHUNK // 2, pair_body, None)
    writeback_wait(0)
    writeback_wait(1)


def kernel(users, pred_items, i_emb_weight, u_emb_weight):
    mesh = plsc.VectorSubcoreMesh(core_axis_name="c", subcore_axis_name="s")

    def body(users_hbm, pred_hbm, iemb_hbm, uemb_hbm, out_hbm,
             uidx0, uidx1, usup0, usup1, idx0, idx1, urows0, urows1,
             irows0, irows1,
             out0, out1, sem_s0, sem_s1, sem_g0, sem_g1, sem_w0, sem_w1):
        _tec_body(users_hbm, pred_hbm, iemb_hbm, uemb_hbm, out_hbm,
                  (uidx0, uidx1), (usup0, usup1), (idx0, idx1),
                  (urows0, urows1),
                  (irows0, irows1), (out0, out1),
                  (sem_s0, sem_s1), (sem_g0, sem_g1), (sem_w0, sem_w1))

    k = pl.kernel(
        body,
        out_type=jax.ShapeDtypeStruct((B, L), jnp.float32),
        mesh=mesh,
        compiler_params=pltpu.CompilerParams(
            needs_layout_passes=False, use_tc_tiling_on_sc=False),
        scratch_types=[
            pltpu.VMEM((CU,), jnp.int32),
            pltpu.VMEM((CU,), jnp.int32),
            pltpu.VMEM((CU,), jnp.int32),
            pltpu.VMEM((CU,), jnp.int32),
            pltpu.VMEM((CU, 2, LH), jnp.int32),
            pltpu.VMEM((CU, 2, LH), jnp.int32),
            pltpu.VMEM((CU, 128), jnp.float32),
            pltpu.VMEM((CU, 128), jnp.float32),
            pltpu.VMEM((CU * L, D), jnp.float32),
            pltpu.VMEM((CU * L, D), jnp.float32),
            pltpu.VMEM((CU, L), jnp.float32),
            pltpu.VMEM((CU, L), jnp.float32),
            pltpu.SemaphoreType.DMA,
            pltpu.SemaphoreType.DMA,
            pltpu.SemaphoreType.DMA,
            pltpu.SemaphoreType.DMA,
            pltpu.SemaphoreType.DMA,
            pltpu.SemaphoreType.DMA,
        ],
    )
    return k(users, pred_items.reshape(B, 2, LH), i_emb_weight,
             u_emb_weight.reshape(250000, 128))

# --- scband reference (transcript-rebuilt; emitter-appended) ---
"""Pipeline reference for scband-user-long-term-preference-modeling-62989990363358 (READ-ONLY COPY).

The authoritative reference and input builder live on the scoring server;
editing this copy changes nothing except your own understanding.
"""

import math
import jax, jax.numpy as jnp
import numpy as np

N_USERS = 1000000
N_ITEMS = 1000000
N_HIDDEN = 32
BATCH = 16384
N_PRED = 200


def setup_inputs(seed: int = 0) -> dict:
    key = jax.random.key(seed)
    k_users, k_items, k_iw, k_uw = jax.random.split(key, 4)
    users = jax.random.randint(k_users, (BATCH,), 0, N_USERS, dtype=jnp.int64 if jax.config.jax_enable_x64 else jnp.int32).astype(jnp.int32)
    pred_items = jax.random.randint(k_items, (BATCH, N_PRED), 0, N_ITEMS).astype(jnp.int32)
    std = math.sqrt(0.1 / N_HIDDEN)
    i_emb_weight = jax.random.normal(k_iw, (N_ITEMS, N_HIDDEN), dtype=jnp.float32) * std
    # padding_idx=0 on item embedding -> zero row 0
    i_emb_weight = i_emb_weight.at[0].set(0.0)
    u_emb_weight = jax.random.normal(k_uw, (N_USERS, N_HIDDEN), dtype=jnp.float32) * std
    return {"users": users, "pred_items": pred_items, "i_emb_weight": i_emb_weight, "u_emb_weight": u_emb_weight}


def reference(users, pred_items, i_emb_weight, u_emb_weight):
    # i_emb(pred_items): embedding gather -> [B, L, d]
    i_emb = jnp.take(i_emb_weight, pred_items, axis=0)
    # u_emb(users): embedding gather -> [B, d]
    u_emb = jnp.take(u_emb_weight, users, axis=0)
    # add_item_dim: [B, d] -> [B, 1, d]
    u_emb = u_emb[:, None, :]
    # score_dist with p=2: -sum(|u - i|^2, axis=-1) -> [B, L]
    score = -jnp.sum(jnp.abs(u_emb - i_emb) ** 2, axis=-1)
    return score

if __name__ == "__main__":
    import jax
    _d = setup_inputs()
    print(jax.jit(kernel)(*tuple(_d.values())))

</pallas_src>

<mosaic_0001>
#map = affine_map<(d0, d1) -> (0)>
#map1 = affine_map<(d0, d1) -> (0, 0, 0)>
#map2 = affine_map<(d0, d1) -> (0, 0)>
module attributes {stable_mosaic.version = 14 : i64} {
  func.func @body(%arg0: i32, %arg1: i32, %arg2: memref<16384xi32, #tpu.memory_space<hbm>>, %arg3: memref<16384x2x100xi32, #tpu.memory_space<hbm>>, %arg4: memref<1000000x32xf32, #tpu.memory_space<hbm>>, %arg5: memref<250000x128xf32, #tpu.memory_space<hbm>>, %arg6: memref<16384x200xf32, #tpu.memory_space<hbm>>, %arg7: memref<8xi32, #tpu.memory_space<vmem>>, %arg8: memref<8xi32, #tpu.memory_space<vmem>>, %arg9: memref<8xi32, #tpu.memory_space<vmem>>, %arg10: memref<8xi32, #tpu.memory_space<vmem>>, %arg11: memref<8x2x100xi32, #tpu.memory_space<vmem>>, %arg12: memref<8x2x100xi32, #tpu.memory_space<vmem>>, %arg13: memref<8x128xf32, #tpu.memory_space<vmem>>, %arg14: memref<8x128xf32, #tpu.memory_space<vmem>>, %arg15: memref<1600x32xf32, #tpu.memory_space<vmem>>, %arg16: memref<1600x32xf32, #tpu.memory_space<vmem>>, %arg17: memref<8x200xf32, #tpu.memory_space<vmem>>, %arg18: memref<8x200xf32, #tpu.memory_space<vmem>>, %arg19: memref<!tpu.dma_semaphore, #tpu.memory_space<semaphore_mem>>, %arg20: memref<!tpu.dma_semaphore, #tpu.memory_space<semaphore_mem>>, %arg21: memref<!tpu.dma_semaphore, #tpu.memory_space<semaphore_mem>>, %arg22: memref<!tpu.dma_semaphore, #tpu.memory_space<semaphore_mem>>, %arg23: memref<!tpu.dma_semaphore, #tpu.memory_space<semaphore_mem>>, %arg24: memref<!tpu.dma_semaphore, #tpu.memory_space<semaphore_mem>>) attributes {dimension_semantics = [#tpu.dimension_semantics<core_parallel>, #tpu.dimension_semantics<subcore_parallel>], iteration_bounds = array<i64: 2, 16>, scalar_prefetch = 0 : i64, scratch_operands = 18 : i64, tpu.core_type = #tpu.core_type<sc_vector_subcore>, window_params = [{transform_indices = #map}, {transform_indices = #map1}, {transform_indices = #map2}, {transform_indices = #map2}, {transform_indices = #map2}]} {
    %mul3A = arith.constant 2 : i32
    %mul3A_0 = arith.muli %arg1, %mul3A : i32
    %add3A = arith.addi %mul3A_0, %arg0 : i32
    %mul3A_1 = arith.constant 512 : i32
    %mul3A_2 = arith.muli %add3A, %mul3A_1 : i32
    %iota3A = tpu.iota {dimensions = array<i32: 0>} : vector<16xi32>
    %and3A = arith.constant 7 : i32
    %and3A_3 = vector.broadcast %and3A : i32 to vector<16xi32>
    %and3A_4 = arith.andi %iota3A, %and3A_3 : vector<16xi32>
    %shift_right_arithmetic3A = arith.constant 3 : i32
    %shift_right_arithmetic3A_5 = vector.broadcast %shift_right_arithmetic3A : i32 to vector<16xi32>
    %shift_right_arithmetic3A_6 = arith.shrsi %iota3A, %shift_right_arithmetic3A_5 : vector<16xi32>
    %lt3A = arith.constant 8 : i32
    %lt3A_7 = vector.broadcast %lt3A : i32 to vector<16xi32>
    %lt3A_8 = arith.cmpi slt, %iota3A, %lt3A_7 : vector<16xi32>
    %add3A_9 = arith.constant 0 : i32
    %add3A_10 = arith.addi %mul3A_2, %add3A_9 : i32
    %dma_start3A = tpu.memref_slice %arg2[%add3A_10] : memref<16384xi32, #tpu.memory_space<hbm>> -> memref<8xi32, #tpu.memory_space<hbm>>
    %dma_start3A_11 = tpu.memref_slice %arg2[%add3A_10] : memref<16384xi32, #tpu.memory_space<hbm>> -> memref<8xi32, #tpu.memory_space<hbm>>
    tpu.enqueue_dma source(%dma_start3A_11 : memref<8xi32, #tpu.memory_space<hbm>>) target(%arg7 : memref<8xi32, #tpu.memory_space<vmem>>) target_semaphore(%arg19 : memref<!tpu.dma_semaphore, #tpu.memory_space<semaphore_mem>>)
    %dma_start3A_12 = arith.constant 0 : i32
    %dma_start3A_13 = arith.constant 0 : i32
    %dma_start3A_14 = tpu.memref_slice %arg3[%add3A_10, %dma_start3A_12, %dma_start3A_13] : memref<16384x2x100xi32, #tpu.memory_space<hbm>> -> memref<8x2x100xi32, #tpu.memory_space<hbm>>
    %dma_start3A_15 = arith.constant 0 : i32
    %dma_start3A_16 = arith.constant 0 : i32
    %dma_start3A_17 = tpu.memref_slice %arg3[%add3A_10, %dma_start3A_15, %dma_start3A_16] : memref<16384x2x100xi32, #tpu.memory_space<hbm>> -> memref<8x2x100xi32, #tpu.memory_space<hbm>>
    tpu.enqueue_dma source(%dma_start3A_17 : memref<8x2x100xi32, #tpu.memory_space<hbm>>) target(%arg11 : memref<8x2x100xi32, #tpu.memory_space<vmem>>) target_semaphore(%arg19 : memref<!tpu.dma_semaphore, #tpu.memory_space<semaphore_mem>>)
    %dma_wait3A = arith.constant 0 : i32
    %dma_wait3A_18 = tpu.memref_slice %arg2[%dma_wait3A] : memref<16384xi32, #tpu.memory_space<hbm>> -> memref<8xi32, #tpu.memory_space<hbm>>
    %dma_wait3A_19 = arith.constant 0 : i32
    %dma_wait3A_20 = tpu.memref_slice %arg2[%dma_wait3A_19] : memref<16384xi32, #tpu.memory_space<hbm>> -> memref<8xi32, #tpu.memory_space<hbm>>
    tpu.wait_dma2 semaphore(%arg19 : memref<!tpu.dma_semaphore, #tpu.memory_space<semaphore_mem>>) src(%dma_wait3A_20 : memref<8xi32, #tpu.memory_space<hbm>>) dst(%arg7 : memref<8xi32, #tpu.memory_space<vmem>>)
    %dma_wait3A_21 = arith.constant 0 : i32
    %dma_wait3A_22 = arith.constant 0 : i32
    %dma_wait3A_23 = arith.constant 0 : i32
    %dma_wait3A_24 = tpu.memref_slice %arg3[%dma_wait3A_21, %dma_wait3A_22, %dma_wait3A_23] : memref<16384x2x100xi32, #tpu.memory_space<hbm>> -> memref<8x2x100xi32, #tpu.memory_space<hbm>>
    %dma_wait3A_25 = arith.constant 0 : i32
    %dma_wait3A_26 = arith.constant 0 : i32
    %dma_wait3A_27 = arith.constant 0 : i32
    %dma_wait3A_28 = tpu.memref_slice %arg3[%dma_wait3A_25, %dma_wait3A_26, %dma_wait3A_27] : memref<16384x2x100xi32, #tpu.memory_space<hbm>> -> memref<8x2x100xi32, #tpu.memory_space<hbm>>
    tpu.wait_dma2 semaphore(%arg19 : memref<!tpu.dma_semaphore, #tpu.memory_space<semaphore_mem>>) src(%dma_wait3A_28 : memref<8x2x100xi32, #tpu.memory_space<hbm>>) dst(%arg11 : memref<8x2x100xi32, #tpu.memory_space<vmem>>)
    %gather3A = tpu.vector_load_idx %arg7[%and3A_4] : memref<8xi32, #tpu.memory_space<vmem>>[vector<16xi32>], vector<16xi32>,
    %shift_right_arithmetic3A_29 = arith.constant 2 : i32
    %shift_right_arithmetic3A_30 = vector.broadcast %shift_right_arithmetic3A_29 : i32 to vector<16xi32>
    %shift_right_arithmetic3A_31 = arith.shrsi %gather3A, %shift_right_arithmetic3A_30 : vector<16xi32>
    tpu.vector_store_idx %arg9[%and3A_4], %shift_right_arithmetic3A_31 masked %lt3A_8 : memref<8xi32, #tpu.memory_space<vmem>>[vector<16xi32>], vector<16xi32>, vector<16xi1>
    %dma_start3A_32 = arith.constant 0 : i32
    %dma_start3A_33 = arith.constant 0 : i32
    %dma_start3A_34 = tpu.memref_slice %arg5[%dma_start3A_32, %dma_start3A_33] : memref<250000x128xf32, #tpu.memory_space<hbm>> -> memref<250000x128xf32, #tpu.memory_space<hbm>>
    tpu.enqueue_indirect_dma source(%dma_start3A_34 : memref<250000x128xf32, #tpu.memory_space<hbm>>) target(%arg13 : memref<8x128xf32, #tpu.memory_space<vmem>>) offsets(%arg9 : memref<8xi32, #tpu.memory_space<vmem>>) semaphore(%arg21 : memref<!tpu.dma_semaphore, #tpu.memory_space<semaphore_mem>>)
    %dma_start3A_35 = arith.constant 0 : i32
    %dma_start3A_36 = arith.constant 0 : i32
    %dma_start3A_37 = arith.constant 0 : i32
    %dma_start3A_38 = arith.constant 0 : i32
    %dma_start3A_39 = tpu.memref_slice %arg15[%dma_start3A_37, %dma_start3A_38] : memref<1600x32xf32, #tpu.memory_space<vmem>> -> memref<100x32xf32, #tpu.memory_space<vmem>>
    %dma_start3A_40 = arith.constant 0 : i32
    %dma_start3A_41 = tpu.memref_slice %arg11[%dma_start3A_35, %dma_start3A_36, %dma_start3A_40] : memref<8x2x100xi32, #tpu.memory_space<vmem>> -> memref<1x1x100xi32, #tpu.memory_space<vmem>>
    %dma_start3A_42 = tpu.memref_squeeze %dma_start3A_41 : memref<1x1x100xi32, #tpu.memory_space<vmem>> -> memref<100xi32, #tpu.memory_space<vmem>>
    %dma_start3A_43 = arith.constant 0 : i32
    %dma_start3A_44 = arith.constant 0 : i32
    %dma_start3A_45 = tpu.memref_slice %arg4[%dma_start3A_43, %dma_start3A_44] : memref<1000000x32xf32, #tpu.memory_space<hbm>> -> memref<1000000x32xf32, #tpu.memory_space<hbm>>
    tpu.enqueue_indirect_dma source(%dma_start3A_45 : memref<1000000x32xf32, #tpu.memory_space<hbm>>) target(%dma_start3A_39 : memref<100x32xf32, #tpu.memory_space<vmem>>) offsets(%dma_start3A_42 : memref<100xi32, #tpu.memory_space<vmem>>) semaphore(%arg21 : memref<!tpu.dma_semaphore, #tpu.memory_space<semaphore_mem>>)
    %dma_start3A_46 = arith.constant 0 : i32
    %dma_start3A_47 = arith.constant 1 : i32
    %dma_start3A_48 = arith.constant 100 : i32
    %dma_start3A_49 = arith.constant 0 : i32
    %dma_start3A_50 = tpu.memref_slice %arg15[%dma_start3A_48, %dma_start3A_49] : memref<1600x32xf32, #tpu.memory_space<vmem>> -> memref<100x32xf32, #tpu.memory_space<vmem>>
    %dma_start3A_51 = arith.constant 0 : i32
    %dma_start3A_52 = tpu.memref_slice %arg11[%dma_start3A_46, %dma_start3A_47, %dma_start3A_51] : memref<8x2x100xi32, #tpu.memory_space<vmem>> -> memref<1x1x100xi32, #tpu.memory_space<vmem>>
    %dma_start3A_53 = tpu.memref_squeeze %dma_start3A_52 : memref<1x1x100xi32, #tpu.memory_space<vmem>> -> memref<100xi32, #tpu.memory_space<vmem>>
    %dma_start3A_54 = arith.constant 0 : i32
    %dma_start3A_55 = arith.constant 0 : i32
    %dma_start3A_56 = tpu.memref_slice %arg4[%dma_start3A_54, %dma_start3A_55] : memref<1000000x32xf32, #tpu.memory_space<hbm>> -> memref<1000000x32xf32, #tpu.memory_space<hbm>>
    tpu.enqueue_indirect_dma source(%dma_start3A_56 : memref<1000000x32xf32, #tpu.memory_space<hbm>>) target(%dma_start3A_50 : memref<100x32xf32, #tpu.memory_space<vmem>>) offsets(%dma_start3A_53 : memref<100xi32, #tpu.memory_space<vmem>>) semaphore(%arg21 : memref<!tpu.dma_semaphore, #tpu.memory_space<semaphore_mem>>)
    %dma_start3A_57 = arith.constant 1 : i32
    %dma_start3A_58 = arith.constant 0 : i32
    %dma_start3A_59 = arith.constant 200 : i32
    %dma_start3A_60 = arith.constant 0 : i32
    %dma_start3A_61 = tpu.memref_slice %arg15[%dma_start3A_59, %dma_start3A_60] : memref<1600x32xf32, #tpu.memory_space<vmem>> -> memref<100x32xf32, #tpu.memory_space<vmem>>
    %dma_start3A_62 = arith.constant 0 : i32
    %dma_start3A_63 = tpu.memref_slice %arg11[%dma_start3A_57, %dma_start3A_58, %dma_start3A_62] : memref<8x2x100xi32, #tpu.memory_space<vmem>> -> memref<1x1x100xi32, #tpu.memory_space<vmem>>
    %dma_start3A_64 = tpu.memref_squeeze %dma_start3A_63 : memref<1x1x100xi32, #tpu.memory_space<vmem>> -> memref<100xi32, #tpu.memory_space<vmem>>
    %dma_start3A_65 = arith.constant 0 : i32
    %dma_start3A_66 = arith.constant 0 : i32
    %dma_start3A_67 = tpu.memref_slice %arg4[%dma_start3A_65, %dma_start3A_66] : memref<1000000x32xf32, #tpu.memory_space<hbm>> -> memref<1000000x32xf32, #tpu.memory_space<hbm>>
    tpu.enqueue_indirect_dma source(%dma_start3A_67 : memref<1000000x32xf32, #tpu.memory_space<hbm>>) target(%dma_start3A_61 : memref<100x32xf32, #tpu.memory_space<vmem>>) offsets(%dma_start3A_64 : memref<100xi32, #tpu.memory_space<vmem>>) semaphore(%arg21 : memref<!tpu.dma_semaphore, #tpu.memory_space<semaphore_mem>>)
    %dma_start3A_68 = arith.constant 1 : i32
    %dma_start3A_69 = arith.constant 1 : i32
    %dma_start3A_70 = arith.constant 300 : i32
    %dma_start3A_71 = arith.constant 0 : i32
    %dma_start3A_72 = tpu.memref_slice %arg15[%dma_start3A_70, %dma_start3A_71] : memref<1600x32xf32, #tpu.memory_space<vmem>> -> memref<100x32xf32, #tpu.memory_space<vmem>>
    %dma_start3A_73 = arith.constant 0 : i32
    %dma_start3A_74 = tpu.memref_slice %arg11[%dma_start3A_68, %dma_start3A_69, %dma_start3A_73] : memref<8x2x100xi32, #tpu.memory_space<vmem>> -> memref<1x1x100xi32, #tpu.memory_space<vmem>>
    %dma_start3A_75 = tpu.memref_squeeze %dma_start3A_74 : memref<1x1x100xi32, #tpu.memory_space<vmem>> -> memref<100xi32, #tpu.memory_space<vmem>>
    %dma_start3A_76 = arith.constant 0 : i32
    %dma_start3A_77 = arith.constant 0 : i32
    %dma_start3A_78 = tpu.memref_slice %arg4[%dma_start3A_76, %dma_start3A_77] : memref<1000000x32xf32, #tpu.memory_space<hbm>> -> memref<1000000x32xf32, #tpu.memory_space<hbm>>
    tpu.enqueue_indirect_dma source(%dma_start3A_78 : memref<1000000x32xf32, #tpu.memory_space<hbm>>) target(%dma_start3A_72 : memref<100x32xf32, #tpu.memory_space<vmem>>) offsets(%dma_start3A_75 : memref<100xi32, #tpu.memory_space<vmem>>) semaphore(%arg21 : memref<!tpu.dma_semaphore, #tpu.memory_space<semaphore_mem>>)
    %dma_start3A_79 = arith.constant 2 : i32
    %dma_start3A_80 = arith.constant 0 : i32
    %dma_start3A_81 = arith.constant 400 : i32
    %dma_start3A_82 = arith.constant 0 : i32
    %dma_start3A_83 = tpu.memref_slice %arg15[%dma_start3A_81, %dma_start3A_82] : memref<1600x32xf32, #tpu.memory_space<vmem>> -> memref<100x32xf32, #tpu.memory_space<vmem>>
    %dma_start3A_84 = arith.constant 0 : i32
    %dma_start3A_85 = tpu.memref_slice %arg11[%dma_start3A_79, %dma_start3A_80, %dma_start3A_84] : memref<8x2x100xi32, #tpu.memory_space<vmem>> -> memref<1x1x100xi32, #tpu.memory_space<vmem>>
    %dma_start3A_86 = tpu.memref_squeeze %dma_start3A_85 : memref<1x1x100xi32, #tpu.memory_space<vmem>> -> memref<100xi32, #tpu.memory_space<vmem>>
    %dma_start3A_87 = arith.constant 0 : i32
    %dma_start3A_88 = arith.constant 0 : i32
    %dma_start3A_89 = tpu.memref_slice %arg4[%dma_start3A_87, %dma_start3A_88] : memref<1000000x32xf32, #tpu.memory_space<hbm>> -> memref<1000000x32xf32, #tpu.memory_space<hbm>>
    tpu.enqueue_indirect_dma source(%dma_start3A_89 : memref<1000000x32xf32, #tpu.memory_space<hbm>>) target(%dma_start3A_83 : memref<100x32xf32, #tpu.memory_space<vmem>>) offsets(%dma_start3A_86 : memref<100xi32, #tpu.memory_space<vmem>>) semaphore(%arg21 : memref<!tpu.dma_semaphore, #tpu.memory_space<semaphore_mem>>)
    %dma_start3A_90 = arith.constant 2 : i32
    %dma_start3A_91 = arith.constant 1 : i32
    %dma_start3A_92 = arith.constant 500 : i32
    %dma_start3A_93 = arith.constant 0 : i32
    %dma_start3A_94 = tpu.memref_slice %arg15[%dma_start3A_92, %dma_start3A_93] : memref<1600x32xf32, #tpu.memory_space<vmem>> -> memref<100x32xf32, #tpu.memory_space<vmem>>
    %dma_start3A_95 = arith.constant 0 : i32
    %dma_start3A_96 = tpu.memref_slice %arg11[%dma_start3A_90, %dma_start3A_91, %dma_start3A_95] : memref<8x2x100xi32, #tpu.memory_space<vmem>> -> memref<1x1x100xi32, #tpu.memory_space<vmem>>
    %dma_start3A_97 = tpu.memref_squeeze %dma_start3A_96 : memref<1x1x100xi32, #tpu.memory_space<vmem>> -> memref<100xi32, #tpu.memory_space<vmem>>
    %dma_start3A_98 = arith.constant 0 : i32
    %dma_start3A_99 = arith.constant 0 : i32
    %dma_start3A_100 = tpu.memref_slice %arg4[%dma_start3A_98, %dma_start3A_99] : memref<1000000x32xf32, #tpu.memory_space<hbm>> -> memref<1000000x32xf32, #tpu.memory_space<hbm>>
    tpu.enqueue_indirect_dma source(%dma_start3A_100 : memref<1000000x32xf32, #tpu.memory_space<hbm>>) target(%dma_start3A_94 : memref<100x32xf32, #tpu.memory_space<vmem>>) offsets(%dma_start3A_97 : memref<100xi32, #tpu.memory_space<vmem>>) semaphore(%arg21 : memref<!tpu.dma_semaphore, #tpu.memory_space<semaphore_mem>>)
    %dma_start3A_101 = arith.constant 3 : i32
    %dma_start3A_102 = arith.constant 0 : i32
    %dma_start3A_103 = arith.constant 600 : i32
    %dma_start3A_104 = arith.constant 0 : i32
    %dma_start3A_105 = tpu.memref_slice %arg15[%dma_start3A_103, %dma_start3A_104] : memref<1600x32xf32, #tpu.memory_space<vmem>> -> memref<100x32xf32, #tpu.memory_space<vmem>>
    %dma_start3A_106 = arith.constant 0 : i32
    %dma_start3A_107 = tpu.memref_slice %arg11[%dma_start3A_101, %dma_start3A_102, %dma_start3A_106] : memref<8x2x100xi32, #tpu.memory_space<vmem>> -> memref<1x1x100xi32, #tpu.memory_space<vmem>>
    %dma_start3A_108 = tpu.memref_squeeze %dma_start3A_107 : memref<1x1x100xi32, #tpu.memory_space<vmem>> -> memref<100xi32, #tpu.memory_space<vmem>>
    %dma_start3A_109 = arith.constant 0 : i32
    %dma_start3A_110 = arith.constant 0 : i32
    %dma_start3A_111 = tpu.memref_slice %arg4[%dma_start3A_109, %dma_start3A_110] : memref<1000000x32xf32, #tpu.memory_space<hbm>> -> memref<1000000x32xf32, #tpu.memory_space<hbm>>
    tpu.enqueue_indirect_dma source(%dma_start3A_111 : memref<1000000x32xf32, #tpu.memory_space<hbm>>) target(%dma_start3A_105 : memref<100x32xf32, #tpu.memory_space<vmem>>) offsets(%dma_start3A_108 : memref<100xi32, #tpu.memory_space<vmem>>) semaphore(%arg21 : memref<!tpu.dma_semaphore, #tpu.memory_space<semaphore_mem>>)
    %dma_start3A_112 = arith.constant 3 : i32
    %dma_start3A_113 = arith.constant 1 : i32
    %dma_start3A_114 = arith.constant 700 : i32
    %dma_start3A_115 = arith.constant 0 : i32
    %dma_start3A_116 = tpu.memref_slice %arg15[%dma_start3A_114, %dma_start3A_115] : memref<1600x32xf32, #tpu.memory_space<vmem>> -> memref<100x32xf32, #tpu.memory_space<vmem>>
    %dma_start3A_117 = arith.constant 0 : i32
    %dma_start3A_118 = tpu.memref_slice %arg11[%dma_start3A_112, %dma_start3A_113, %dma_start3A_117] : memref<8x2x100xi32, #tpu.memory_space<vmem>> -> memref<1x1x100xi32, #tpu.memory_space<vmem>>
    %dma_start3A_119 = tpu.memref_squeeze %dma_start3A_118 : memref<1x1x100xi32, #tpu.memory_space<vmem>> -> memref<100xi32, #tpu.memory_space<vmem>>
    %dma_start3A_120 = arith.constant 0 : i32
    %dma_start3A_121 = arith.constant 0 : i32
    %dma_start3A_122 = tpu.memref_slice %arg4[%dma_start3A_120, %dma_start3A_121] : memref<1000000x32xf32, #tpu.memory_space<hbm>> -> memref<1000000x32xf32, #tpu.memory_space<hbm>>
    tpu.enqueue_indirect_dma source(%dma_start3A_122 : memref<1000000x32xf32, #tpu.memory_space<hbm>>) target(%dma_start3A_116 : memref<100x32xf32, #tpu.memory_space<vmem>>) offsets(%dma_start3A_119 : memref<100xi32, #tpu.memory_space<vmem>>) semaphore(%arg21 : memref<!tpu.dma_semaphore, #tpu.memory_space<semaphore_mem>>)
    %dma_start3A_123 = arith.constant 4 : i32
    %dma_start3A_124 = arith.constant 0 : i32
    %dma_start3A_125 = arith.constant 800 : i32
    %dma_start3A_126 = arith.constant 0 : i32
    %dma_start3A_127 = tpu.memref_slice %arg15[%dma_start3A_125, %dma_start3A_126] : memref<1600x32xf32, #tpu.memory_space<vmem>> -> memref<100x32xf32, #tpu.memory_space<vmem>>
    %dma_start3A_128 = arith.constant 0 : i32
    %dma_start3A_129 = tpu.memref_slice %arg11[%dma_start3A_123, %dma_start3A_124, %dma_start3A_128] : memref<8x2x100xi32, #tpu.memory_space<vmem>> -> memref<1x1x100xi32, #tpu.memory_space<vmem>>
    %dma_start3A_130 = tpu.memref_squeeze %dma_start3A_129 : memref<1x1x100xi32, #tpu.memory_space<vmem>> -> memref<100xi32, #tpu.memory_space<vmem>>
    %dma_start3A_131 = arith.constant 0 : i32
    %dma_start3A_132 = arith.constant 0 : i32
    %dma_start3A_133 = tpu.memref_slice %arg4[%dma_start3A_131, %dma_start3A_132] : memref<1000000x32xf32, #tpu.memory_space<hbm>> -> memref<1000000x32xf32, #tpu.memory_space<hbm>>
    tpu.enqueue_indirect_dma source(%dma_start3A_133 : memref<1000000x32xf32, #tpu.memory_space<hbm>>) target(%dma_start3A_127 : memref<100x32xf32, #tpu.memory_space<vmem>>) offsets(%dma_start3A_130 : memref<100xi32, #tpu.memory_space<vmem>>) semaphore(%arg21 : memref<!tpu.dma_semaphore, #tpu.memory_space<semaphore_mem>>)
    %dma_start3A_134 = arith.constant 4 : i32
    %dma_start3A_135 = arith.constant 1 : i32
    %dma_start3A_136 = arith.constant 900 : i32
    %dma_start3A_137 = arith.constant 0 : i32
    %dma_start3A_138 = tpu.memref_slice %arg15[%dma_start3A_136, %dma_start3A_137] : memref<1600x32xf32, #tpu.memory_space<vmem>> -> memref<100x32xf32, #tpu.memory_space<vmem>>
    %dma_start3A_139 = arith.constant 0 : i32
    %dma_start3A_140 = tpu.memref_slice %arg11[%dma_start3A_134, %dma_start3A_135, %dma_start3A_139] : memref<8x2x100xi32, #tpu.memory_space<vmem>> -> memref<1x1x100xi32, #tpu.memory_space<vmem>>
    %dma_start3A_141 = tpu.memref_squeeze %dma_start3A_140 : memref<1x1x100xi32, #tpu.memory_space<vmem>> -> memref<100xi32, #tpu.memory_space<vmem>>
    %dma_start3A_142 = arith.constant 0 : i32
    %dma_start3A_143 = arith.constant 0 : i32
    %dma_start3A_144 = tpu.memref_slice %arg4[%dma_start3A_142, %dma_start3A_143] : memref<1000000x32xf32, #tpu.memory_space<hbm>> -> memref<1000000x32xf32, #tpu.memory_space<hbm>>
    tpu.enqueue_indirect_dma source(%dma_start3A_144 : memref<1000000x32xf32, #tpu.memory_space<hbm>>) target(%dma_start3A_138 : memref<100x32xf32, #tpu.memory_space<vmem>>) offsets(%dma_start3A_141 : memref<100xi32, #tpu.memory_space<vmem>>) semaphore(%arg21 : memref<!tpu.dma_semaphore, #tpu.memory_space<semaphore_mem>>)
    %dma_start3A_145 = arith.constant 5 : i32
    %dma_start3A_146 = arith.constant 0 : i32
    %dma_start3A_147 = arith.constant 1000 : i32
    %dma_start3A_148 = arith.constant 0 : i32
    %dma_start3A_149 = tpu.memref_slice %arg15[%dma_start3A_147, %dma_start3A_148] : memref<1600x32xf32, #tpu.memory_space<vmem>> -> memref<100x32xf32, #tpu.memory_space<vmem>>
    %dma_start3A_150 = arith.constant 0 : i32
    %dma_start3A_151 = tpu.memref_slice %arg11[%dma_start3A_145, %dma_start3A_146, %dma_start3A_150] : memref<8x2x100xi32, #tpu.memory_space<vmem>> -> memref<1x1x100xi32, #tpu.memory_space<vmem>>
    %dma_start3A_152 = tpu.memref_squeeze %dma_start3A_151 : memref<1x1x100xi32, #tpu.memory_space<vmem>> -> memref<100xi32, #tpu.memory_space<vmem>>
    %dma_start3A_153 = arith.constant 0 : i32
    %dma_start3A_154 = arith.constant 0 : i32
    %dma_start3A_155 = tpu.memref_slice %arg4[%dma_start3A_153, %dma_start3A_154] : memref<1000000x32xf32, #tpu.memory_space<hbm>> -> memref<1000000x32xf32, #tpu.memory_space<hbm>>
    tpu.enqueue_indirect_dma source(%dma_start3A_155 : memref<1000000x32xf32, #tpu.memory_space<hbm>>) target(%dma_start3A_149 : memref<100x32xf32, #tpu.memory_space<vmem>>) offsets(%dma_start3A_152 : memref<100xi32, #tpu.memory_space<vmem>>) semaphore(%arg21 : memref<!tpu.dma_semaphore, #tpu.memory_space<semaphore_mem>>)
    %dma_start3A_156 = arith.constant 5 : i32
    %dma_start3A_157 = arith.constant 1 : i32
    %dma_start3A_158 = arith.constant 1100 : i32
    %dma_start3A_159 = arith.constant 0 : i32
    %dma_start3A_160 = tpu.memref_slice %arg15[%dma_start3A_158, %dma_start3A_159] : memref<1600x32xf32, #tpu.memory_space<vmem>> -> memref<100x32xf32, #tpu.memory_space<vmem>>
    %dma_start3A_161 = arith.constant 0 : i32
    %dma_start3A_162 = tpu.memref_slice %arg11[%dma_start3A_156, %dma_start3A_157, %dma_start3A_161] : memref<8x2x100xi32, #tpu.memory_space<vmem>> -> memref<1x1x100xi32, #tpu.memory_space<vmem>>
    %dma_start3A_163 = tpu.memref_squeeze %dma_start3A_162 : memref<1x1x100xi32, #tpu.memory_space<vmem>> -> memref<100xi32, #tpu.memory_space<vmem>>
    %dma_start3A_164 = arith.constant 0 : i32
    %dma_start3A_165 = arith.constant 0 : i32
    %dma_start3A_166 = tpu.memref_slice %arg4[%dma_start3A_164, %dma_start3A_165] : memref<1000000x32xf32, #tpu.memory_space<hbm>> -> memref<1000000x32xf32, #tpu.memory_space<hbm>>
    tpu.enqueue_indirect_dma source(%dma_start3A_166 : memref<1000000x32xf32, #tpu.memory_space<hbm>>) target(%dma_start3A_160 : memref<100x32xf32, #tpu.memory_space<vmem>>) offsets(%dma_start3A_163 : memref<100xi32, #tpu.memory_space<vmem>>) semaphore(%arg21 : memref<!tpu.dma_semaphore, #tpu.memory_space<semaphore_mem>>)
    %dma_start3A_167 = arith.constant 6 : i32
    %dma_start3A_168 = arith.constant 0 : i32
    %dma_start3A_169 = arith.constant 1200 : i32
    %dma_start3A_170 = arith.constant 0 : i32
    %dma_start3A_171 = tpu.memref_slice %arg15[%dma_start3A_169, %dma_start3A_170] : memref<1600x32xf32, #tpu.memory_space<vmem>> -> memref<100x32xf32, #tpu.memory_space<vmem>>
    %dma_start3A_172 = arith.constant 0 : i32
    %dma_start3A_173 = tpu.memref_slice %arg11[%dma_start3A_167, %dma_start3A_168, %dma_start3A_172] : memref<8x2x100xi32, #tpu.memory_space<vmem>> -> memref<1x1x100xi32, #tpu.memory_space<vmem>>
    %dma_start3A_174 = tpu.memref_squeeze %dma_start3A_173 : memref<1x1x100xi32, #tpu.memory_space<vmem>> -> memref<100xi32, #tpu.memory_space<vmem>>
    %dma_start3A_175 = arith.constant 0 : i32
    %dma_start3A_176 = arith.constant 0 : i32
    %dma_start3A_177 = tpu.memref_slice %arg4[%dma_start3A_175, %dma_start3A_176] : memref<1000000x32xf32, #tpu.memory_space<hbm>> -> memref<1000000x32xf32, #tpu.memory_space<hbm>>
    tpu.enqueue_indirect_dma source(%dma_start3A_177 : memref<1000000x32xf32, #tpu.memory_space<hbm>>) target(%dma_start3A_171 : memref<100x32xf32, #tpu.memory_space<vmem>>) offsets(%dma_start3A_174 : memref<100xi32, #tpu.memory_space<vmem>>) semaphore(%arg21 : memref<!tpu.dma_semaphore, #tpu.memory_space<semaphore_mem>>)
    %dma_start3A_178 = arith.constant 6 : i32
    %dma_start3A_179 = arith.constant 1 : i32
    %dma_start3A_180 = arith.constant 1300 : i32
    %dma_start3A_181 = arith.constant 0 : i32
    %dma_start3A_182 = tpu.memref_slice %arg15[%dma_start3A_180, %dma_start3A_181] : memref<1600x32xf32, #tpu.memory_space<vmem>> -> memref<100x32xf32, #tpu.memory_space<vmem>>
    %dma_start3A_183 = arith.constant 0 : i32
    %dma_start3A_184 = tpu.memref_slice %arg11[%dma_start3A_178, %dma_start3A_179, %dma_start3A_183] : memref<8x2x100xi32, #tpu.memory_space<vmem>> -> memref<1x1x100xi32, #tpu.memory_space<vmem>>
    %dma_start3A_185 = tpu.memref_squeeze %dma_start3A_184 : memref<1x1x100xi32, #tpu.memory_space<vmem>> -> memref<100xi32, #tpu.memory_space<vmem>>
    %dma_start3A_186 = arith.constant 0 : i32
    %dma_start3A_187 = arith.constant 0 : i32
    %dma_start3A_188 = tpu.memref_slice %arg4[%dma_start3A_186, %dma_start3A_187] : memref<1000000x32xf32, #tpu.memory_space<hbm>> -> memref<1000000x32xf32, #tpu.memory_space<hbm>>
    tpu.enqueue_indirect_dma source(%dma_start3A_188 : memref<1000000x32xf32, #tpu.memory_space<hbm>>) target(%dma_start3A_182 : memref<100x32xf32, #tpu.memory_space<vmem>>) offsets(%dma_start3A_185 : memref<100xi32, #tpu.memory_space<vmem>>) semaphore(%arg21 : memref<!tpu.dma_semaphore, #tpu.memory_space<semaphore_mem>>)
    %dma_start3A_189 = arith.constant 7 : i32
    %dma_start3A_190 = arith.constant 0 : i32
    %dma_start3A_191 = arith.constant 1400 : i32
    %dma_start3A_192 = arith.constant 0 : i32
    %dma_start3A_193 = tpu.memref_slice %arg15[%dma_start3A_191, %dma_start3A_192] : memref<1600x32xf32, #tpu.memory_space<vmem>> -> memref<100x32xf32, #tpu.memory_space<vmem>>
    %dma_start3A_194 = arith.constant 0 : i32
    %dma_start3A_195 = tpu.memref_slice %arg11[%dma_start3A_189, %dma_start3A_190, %dma_start3A_194] : memref<8x2x100xi32, #tpu.memory_space<vmem>> -> memref<1x1x100xi32, #tpu.memory_space<vmem>>
    %dma_start3A_196 = tpu.memref_squeeze %dma_start3A_195 : memref<1x1x100xi32, #tpu.memory_space<vmem>> -> memref<100xi32, #tpu.memory_space<vmem>>
    %dma_start3A_197 = arith.constant 0 : i32
    %dma_start3A_198 = arith.constant 0 : i32
    %dma_start3A_199 = tpu.memref_slice %arg4[%dma_start3A_197, %dma_start3A_198] : memref<1000000x32xf32, #tpu.memory_space<hbm>> -> memref<1000000x32xf32, #tpu.memory_space<hbm>>
    tpu.enqueue_indirect_dma source(%dma_start3A_199 : memref<1000000x32xf32, #tpu.memory_space<hbm>>) target(%dma_start3A_193 : memref<100x32xf32, #tpu.memory_space<vmem>>) offsets(%dma_start3A_196 : memref<100xi32, #tpu.memory_space<vmem>>) semaphore(%arg21 : memref<!tpu.dma_semaphore, #tpu.memory_space<semaphore_mem>>)
    %dma_start3A_200 = arith.constant 7 : i32
    %dma_start3A_201 = arith.constant 1 : i32
    %dma_start3A_202 = arith.constant 1500 : i32
    %dma_start3A_203 = arith.constant 0 : i32
    %dma_start3A_204 = tpu.memref_slice %arg15[%dma_start3A_202, %dma_start3A_203] : memref<1600x32xf32, #tpu.memory_space<vmem>> -> memref<100x32xf32, #tpu.memory_space<vmem>>
    %dma_start3A_205 = arith.constant 0 : i32
    %dma_start3A_206 = tpu.memref_slice %arg11[%dma_start3A_200, %dma_start3A_201, %dma_start3A_205] : memref<8x2x100xi32, #tpu.memory_space<vmem>> -> memref<1x1x100xi32, #tpu.memory_space<vmem>>
    %dma_start3A_207 = tpu.memref_squeeze %dma_start3A_206 : memref<1x1x100xi32, #tpu.memory_space<vmem>> -> memref<100xi32, #tpu.memory_space<vmem>>
    %dma_start3A_208 = arith.constant 0 : i32
    %dma_start3A_209 = arith.constant 0 : i32
    %dma_start3A_210 = tpu.memref_slice %arg4[%dma_start3A_208, %dma_start3A_209] : memref<1000000x32xf32, #tpu.memory_space<hbm>> -> memref<1000000x32xf32, #tpu.memory_space<hbm>>
    tpu.enqueue_indirect_dma source(%dma_start3A_210 : memref<1000000x32xf32, #tpu.memory_space<hbm>>) target(%dma_start3A_204 : memref<100x32xf32, #tpu.memory_space<vmem>>) offsets(%dma_start3A_207 : memref<100xi32, #tpu.memory_space<vmem>>) semaphore(%arg21 : memref<!tpu.dma_semaphore, #tpu.memory_space<semaphore_mem>>)
    %add3A_211 = arith.constant 8 : i32
    %add3A_212 = arith.addi %mul3A_2, %add3A_211 : i32
    %dma_start3A_213 = tpu.memref_slice %arg2[%add3A_212] : memref<16384xi32, #tpu.memory_space<hbm>> -> memref<8xi32, #tpu.memory_space<hbm>>
    %dma_start3A_214 = tpu.memref_slice %arg2[%add3A_212] : memref<16384xi32, #tpu.memory_space<hbm>> -> memref<8xi32, #tpu.memory_space<hbm>>
    tpu.enqueue_dma source(%dma_start3A_214 : memref<8xi32, #tpu.memory_space<hbm>>) target(%arg8 : memref<8xi32, #tpu.memory_space<vmem>>) target_semaphore(%arg20 : memref<!tpu.dma_semaphore, #tpu.memory_space<semaphore_mem>>)
    %dma_start3A_215 = arith.constant 0 : i32
    %dma_start3A_216 = arith.constant 0 : i32
    %dma_start3A_217 = tpu.memref_slice %arg3[%add3A_212, %dma_start3A_215, %dma_start3A_216] : memref<16384x2x100xi32, #tpu.memory_space<hbm>> -> memref<8x2x100xi32, #tpu.memory_space<hbm>>
    %dma_start3A_218 = arith.constant 0 : i32
    %dma_start3A_219 = arith.constant 0 : i32
    %dma_start3A_220 = tpu.memref_slice %arg3[%add3A_212, %dma_start3A_218, %dma_start3A_219] : memref<16384x2x100xi32, #tpu.memory_space<hbm>> -> memref<8x2x100xi32, #tpu.memory_space<hbm>>
    tpu.enqueue_dma source(%dma_start3A_220 : memref<8x2x100xi32, #tpu.memory_space<hbm>>) target(%arg12 : memref<8x2x100xi32, #tpu.memory_space<vmem>>) target_semaphore(%arg20 : memref<!tpu.dma_semaphore, #tpu.memory_space<semaphore_mem>>)
    %scan3A = arith.constant 0 : i32
    %scan3A_221 = arith.constant 32 : i32
    %scan3A_222 = arith.addi %scan3A, %scan3A_221 : i32
    %scan3A_223 = arith.constant 1 : i32
    scf.for %scan3A_237 = %scan3A to %scan3A_222 step %scan3A_223  : i32 {
      %mul3A_238 = arith.constant 2 : i32
      %mul3A_239 = arith.muli %mul3A_238, %scan3A_237 : i32
      %add3A_240 = arith.constant 0 : i32
      %add3A_241 = arith.addi %mul3A_239, %add3A_240 : i32
      %dma_wait3A_242 = arith.constant 0 : i32
      %dma_wait3A_243 = arith.constant 0 : i32
      %dma_wait3A_244 = tpu.memref_slice %arg5[%dma_wait3A_242, %dma_wait3A_243] : memref<250000x128xf32, #tpu.memory_space<hbm>> -> memref<8x128xf32, #tpu.memory_space<hbm>>
      %dma_wait3A_245 = arith.constant 0 : i32
      %dma_wait3A_246 = arith.constant 0 : i32
      %dma_wait3A_247 = tpu.memref_slice %arg5[%dma_wait3A_245, %dma_wait3A_246] : memref<250000x128xf32, #tpu.memory_space<hbm>> -> memref<8x128xf32, #tpu.memory_space<hbm>>
      tpu.wait_dma2 semaphore(%arg21 : memref<!tpu.dma_semaphore, #tpu.memory_space<semaphore_mem>>) src(%dma_wait3A_247 : memref<8x128xf32, #tpu.memory_space<hbm>>) dst(%arg13 : memref<8x128xf32, #tpu.memory_space<vmem>>)
      %dma_wait3A_248 = arith.constant 0 : i32
      %dma_wait3A_249 = arith.constant 0 : i32
      %dma_wait3A_250 = tpu.memref_slice %arg4[%dma_wait3A_248, %dma_wait3A_249] : memref<1000000x32xf32, #tpu.memory_space<hbm>> -> memref<1600x32xf32, #tpu.memory_space<hbm>>
      %dma_wait3A_251 = arith.constant 0 : i32
      %dma_wait3A_252 = arith.constant 0 : i32
      %dma_wait3A_253 = tpu.memref_slice %arg4[%dma_wait3A_251, %dma_wait3A_252] : memref<1000000x32xf32, #tpu.memory_space<hbm>> -> memref<1600x32xf32, #tpu.memory_space<hbm>>
      tpu.wait_dma2 semaphore(%arg21 : memref<!tpu.dma_semaphore, #tpu.memory_space<semaphore_mem>>) src(%dma_wait3A_253 : memref<1600x32xf32, #tpu.memory_space<hbm>>) dst(%arg15 : memref<1600x32xf32, #tpu.memory_space<vmem>>)
      %add3A_254 = arith.constant 1 : i32
      %add3A_255 = arith.addi %add3A_241, %add3A_254 : i32
      %lt3A_256 = arith.constant 64 : i32
      %lt3A_257 = arith.cmpi slt, %add3A_255, %lt3A_256 : i32
      %convert_element_type3A = arith.extui %lt3A_257 : i1 to i32
      %cond3A = arith.constant 0 : i32
      %cond3A_258 = arith.cmpi ne, %convert_element_type3A, %cond3A : i32
      scf.if %cond3A_258 {
        %dma_wait3A_338 = arith.constant 0 : i32
        %dma_wait3A_339 = tpu.memref_slice %arg2[%dma_wait3A_338] : memref<16384xi32, #tpu.memory_space<hbm>> -> memref<8xi32, #tpu.memory_space<hbm>>
        %dma_wait3A_340 = arith.constant 0 : i32
        %dma_wait3A_341 = tpu.memref_slice %arg2[%dma_wait3A_340] : memref<16384xi32, #tpu.memory_space<hbm>> -> memref<8xi32, #tpu.memory_space<hbm>>
        tpu.wait_dma2 semaphore(%arg20 : memref<!tpu.dma_semaphore, #tpu.memory_space<semaphore_mem>>) src(%dma_wait3A_341 : memref<8xi32, #tpu.memory_space<hbm>>) dst(%arg8 : memref<8xi32, #tpu.memory_space<vmem>>)
        %dma_wait3A_342 = arith.constant 0 : i32
        %dma_wait3A_343 = arith.constant 0 : i32
        %dma_wait3A_344 = arith.constant 0 : i32
        %dma_wait3A_345 = tpu.memref_slice %arg3[%dma_wait3A_342, %dma_wait3A_343, %dma_wait3A_344] : memref<16384x2x100xi32, #tpu.memory_space<hbm>> -> memref<8x2x100xi32, #tpu.memory_space<hbm>>
        %dma_wait3A_346 = arith.constant 0 : i32
        %dma_wait3A_347 = arith.constant 0 : i32
        %dma_wait3A_348 = arith.constant 0 : i32
        %dma_wait3A_349 = tpu.memref_slice %arg3[%dma_wait3A_346, %dma_wait3A_347, %dma_wait3A_348] : memref<16384x2x100xi32, #tpu.memory_space<hbm>> -> memref<8x2x100xi32, #tpu.memory_space<hbm>>
        tpu.wait_dma2 semaphore(%arg20 : memref<!tpu.dma_semaphore, #tpu.memory_space<semaphore_mem>>) src(%dma_wait3A_349 : memref<8x2x100xi32, #tpu.memory_space<hbm>>) dst(%arg12 : memref<8x2x100xi32, #tpu.memory_space<vmem>>)
        %gather3A_350 = tpu.vector_load_idx %arg8[%and3A_4] : memref<8xi32, #tpu.memory_space<vmem>>[vector<16xi32>], vector<16xi32>,
        %shift_right_arithmetic3A_351 = arith.constant 2 : i32
        %shift_right_arithmetic3A_352 = vector.broadcast %shift_right_arithmetic3A_351 : i32 to vector<16xi32>
        %shift_right_arithmetic3A_353 = arith.shrsi %gather3A_350, %shift_right_arithmetic3A_352 : vector<16xi32>
        tpu.vector_store_idx %arg10[%and3A_4], %shift_right_arithmetic3A_353 masked %lt3A_8 : memref<8xi32, #tpu.memory_space<vmem>>[vector<16xi32>], vector<16xi32>, vector<16xi1>
        %dma_start3A_354 = arith.constant 0 : i32
        %dma_start3A_355 = arith.constant 0 : i32
        %dma_start3A_356 = tpu.memref_slice %arg5[%dma_start3A_354, %dma_start3A_355] : memref<250000x128xf32, #tpu.memory_space<hbm>> -> memref<250000x128xf32, #tpu.memory_space<hbm>>
        tpu.enqueue_indirect_dma source(%dma_start3A_356 : memref<250000x128xf32, #tpu.memory_space<hbm>>) target(%arg14 : memref<8x128xf32, #tpu.memory_space<vmem>>) offsets(%arg10 : memref<8xi32, #tpu.memory_space<vmem>>) semaphore(%arg22 : memref<!tpu.dma_semaphore, #tpu.memory_space<semaphore_mem>>)
        %dma_start3A_357 = arith.constant 0 : i32
        %dma_start3A_358 = arith.constant 0 : i32
        %dma_start3A_359 = arith.constant 0 : i32
        %dma_start3A_360 = arith.constant 0 : i32
        %dma_start3A_361 = tpu.memref_slice %arg16[%dma_start3A_359, %dma_start3A_360] : memref<1600x32xf32, #tpu.memory_space<vmem>> -> memref<100x32xf32, #tpu.memory_space<vmem>>
        %dma_start3A_362 = arith.constant 0 : i32
        %dma_start3A_363 = tpu.memref_slice %arg12[%dma_start3A_357, %dma_start3A_358, %dma_start3A_362] : memref<8x2x100xi32, #tpu.memory_space<vmem>> -> memref<1x1x100xi32, #tpu.memory_space<vmem>>
        %dma_start3A_364 = tpu.memref_squeeze %dma_start3A_363 : memref<1x1x100xi32, #tpu.memory_space<vmem>> -> memref<100xi32, #tpu.memory_space<vmem>>
        %dma_start3A_365 = arith.constant 0 : i32
        %dma_start3A_366 = arith.constant 0 : i32
        %dma_start3A_367 = tpu.memref_slice %arg4[%dma_start3A_365, %dma_start3A_366] : memref<1000000x32xf32, #tpu.memory_space<hbm>> -> memref<1000000x32xf32, #tpu.memory_space<hbm>>
        tpu.enqueue_indirect_dma source(%dma_start3A_367 : memref<1000000x32xf32, #tpu.memory_space<hbm>>) target(%dma_start3A_361 : memref<100x32xf32, #tpu.memory_space<vmem>>) offsets(%dma_start3A_364 : memref<100xi32, #tpu.memory_space<vmem>>) semaphore(%arg22 : memref<!tpu.dma_semaphore, #tpu.memory_space<semaphore_mem>>)
        %dma_start3A_368 = arith.constant 0 : i32
        %dma_start3A_369 = arith.constant 1 : i32
        %dma_start3A_370 = arith.constant 100 : i32
        %dma_start3A_371 = arith.constant 0 : i32
        %dma_start3A_372 = tpu.memref_slice %arg16[%dma_start3A_370, %dma_start3A_371] : memref<1600x32xf32, #tpu.memory_space<vmem>> -> memref<100x32xf32, #tpu.memory_space<vmem>>
        %dma_start3A_373 = arith.constant 0 : i32
        %dma_start3A_374 = tpu.memref_slice %arg12[%dma_start3A_368, %dma_start3A_369, %dma_start3A_373] : memref<8x2x100xi32, #tpu.memory_space<vmem>> -> memref<1x1x100xi32, #tpu.memory_space<vmem>>
        %dma_start3A_375 = tpu.memref_squeeze %dma_start3A_374 : memref<1x1x100xi32, #tpu.memory_space<vmem>> -> memref<100xi32, #tpu.memory_space<vmem>>
        %dma_start3A_376 = arith.constant 0 : i32
        %dma_start3A_377 = arith.constant 0 : i32
        %dma_start3A_378 = tpu.memref_slice %arg4[%dma_start3A_376, %dma_start3A_377] : memref<1000000x32xf32, #tpu.memory_space<hbm>> -> memref<1000000x32xf32, #tpu.memory_space<hbm>>
        tpu.enqueue_indirect_dma source(%dma_start3A_378 : memref<1000000x32xf32, #tpu.memory_space<hbm>>) target(%dma_start3A_372 : memref<100x32xf32, #tpu.memory_space<vmem>>) offsets(%dma_start3A_375 : memref<100xi32, #tpu.memory_space<vmem>>) semaphore(%arg22 : memref<!tpu.dma_semaphore, #tpu.memory_space<semaphore_mem>>)
        %dma_start3A_379 = arith.constant 1 : i32
        %dma_start3A_380 = arith.constant 0 : i32
        %dma_start3A_381 = arith.constant 200 : i32
        %dma_start3A_382 = arith.constant 0 : i32
        %dma_start3A_383 = tpu.memref_slice %arg16[%dma_start3A_381, %dma_start3A_382] : memref<1600x32xf32, #tpu.memory_space<vmem>> -> memref<100x32xf32, #tpu.memory_space<vmem>>
        %dma_start3A_384 = arith.constant 0 : i32
        %dma_start3A_385 = tpu.memref_slice %arg12[%dma_start3A_379, %dma_start3A_380, %dma_start3A_384] : memref<8x2x100xi32, #tpu.memory_space<vmem>> -> memref<1x1x100xi32, #tpu.memory_space<vmem>>
        %dma_start3A_386 = tpu.memref_squeeze %dma_start3A_385 : memref<1x1x100xi32, #tpu.memory_space<vmem>> -> memref<100xi32, #tpu.memory_space<vmem>>
        %dma_start3A_387 = arith.constant 0 : i32
        %dma_start3A_388 = arith.constant 0 : i32
        %dma_start3A_389 = tpu.memref_slice %arg4[%dma_start3A_387, %dma_start3A_388] : memref<1000000x32xf32, #tpu.memory_space<hbm>> -> memref<1000000x32xf32, #tpu.memory_space<hbm>>
        tpu.enqueue_indirect_dma source(%dma_start3A_389 : memref<1000000x32xf32, #tpu.memory_space<hbm>>) target(%dma_start3A_383 : memref<100x32xf32, #tpu.memory_space<vmem>>) offsets(%dma_start3A_386 : memref<100xi32, #tpu.memory_space<vmem>>) semaphore(%arg22 : memref<!tpu.dma_semaphore, #tpu.memory_space<semaphore_mem>>)
        %dma_start3A_390 = arith.constant 1 : i32
        %dma_start3A_391 = arith.constant 1 : i32
        %dma_start3A_392 = arith.constant 300 : i32
        %dma_start3A_393 = arith.constant 0 : i32
        %dma_start3A_394 = tpu.memref_slice %arg16[%dma_start3A_392, %dma_start3A_393] : memref<1600x32xf32, #tpu.memory_space<vmem>> -> memref<100x32xf32, #tpu.memory_space<vmem>>
        %dma_start3A_395 = arith.constant 0 : i32
        %dma_start3A_396 = tpu.memref_slice %arg12[%dma_start3A_390, %dma_start3A_391, %dma_start3A_395] : memref<8x2x100xi32, #tpu.memory_space<vmem>> -> memref<1x1x100xi32, #tpu.memory_space<vmem>>
        %dma_start3A_397 = tpu.memref_squeeze %dma_start3A_396 : memref<1x1x100xi32, #tpu.memory_space<vmem>> -> memref<100xi32, #tpu.memory_space<vmem>>
        %dma_start3A_398 = arith.constant 0 : i32
        %dma_start3A_399 = arith.constant 0 : i32
        %dma_start3A_400 = tpu.memref_slice %arg4[%dma_start3A_398, %dma_start3A_399] : memref<1000000x32xf32, #tpu.memory_space<hbm>> -> memref<1000000x32xf32, #tpu.memory_space<hbm>>
        tpu.enqueue_indirect_dma source(%dma_start3A_400 : memref<1000000x32xf32, #tpu.memory_space<hbm>>) target(%dma_start3A_394 : memref<100x32xf32, #tpu.memory_space<vmem>>) offsets(%dma_start3A_397 : memref<100xi32, #tpu.memory_space<vmem>>) semaphore(%arg22 : memref<!tpu.dma_semaphore, #tpu.memory_space<semaphore_mem>>)
        %dma_start3A_401 = arith.constant 2 : i32
        %dma_start3A_402 = arith.constant 0 : i32
        %dma_start3A_403 = arith.constant 400 : i32
        %dma_start3A_404 = arith.constant 0 : i32
        %dma_start3A_405 = tpu.memref_slice %arg16[%dma_start3A_403, %dma_start3A_404] : memref<1600x32xf32, #tpu.memory_space<vmem>> -> memref<100x32xf32, #tpu.memory_space<vmem>>
        %dma_start3A_406 = arith.constant 0 : i32
        %dma_start3A_407 = tpu.memref_slice %arg12[%dma_start3A_401, %dma_start3A_402, %dma_start3A_406] : memref<8x2x100xi32, #tpu.memory_space<vmem>> -> memref<1x1x100xi32, #tpu.memory_space<vmem>>
        %dma_start3A_408 = tpu.memref_squeeze %dma_start3A_407 : memref<1x1x100xi32, #tpu.memory_space<vmem>> -> memref<100xi32, #tpu.memory_space<vmem>>
        %dma_start3A_409 = arith.constant 0 : i32
        %dma_start3A_410 = arith.constant 0 : i32
        %dma_start3A_411 = tpu.memref_slice %arg4[%dma_start3A_409, %dma_start3A_410] : memref<1000000x32xf32, #tpu.memory_space<hbm>> -> memref<1000000x32xf32, #tpu.memory_space<hbm>>
        tpu.enqueue_indirect_dma source(%dma_start3A_411 : memref<1000000x32xf32, #tpu.memory_space<hbm>>) target(%dma_start3A_405 : memref<100x32xf32, #tpu.memory_space<vmem>>) offsets(%dma_start3A_408 : memref<100xi32, #tpu.memory_space<vmem>>) semaphore(%arg22 : memref<!tpu.dma_semaphore, #tpu.memory_space<semaphore_mem>>)
        %dma_start3A_412 = arith.constant 2 : i32
        %dma_start3A_413 = arith.constant 1 : i32
        %dma_start3A_414 = arith.constant 500 : i32
        %dma_start3A_415 = arith.constant 0 : i32
        %dma_start3A_416 = tpu.memref_slice %arg16[%dma_start3A_414, %dma_start3A_415] : memref<1600x32xf32, #tpu.memory_space<vmem>> -> memref<100x32xf32, #tpu.memory_space<vmem>>
        %dma_start3A_417 = arith.constant 0 : i32
        %dma_start3A_418 = tpu.memref_slice %arg12[%dma_start3A_412, %dma_start3A_413, %dma_start3A_417] : memref<8x2x100xi32, #tpu.memory_space<vmem>> -> memref<1x1x100xi32, #tpu.memory_space<vmem>>
        %dma_start3A_419 = tpu.memref_squeeze %dma_start3A_418 : memref<1x1x100xi32, #tpu.memory_space<vmem>> -> memref<100xi32, #tpu.memory_space<vmem>>
        %dma_start3A_420 = arith.constant 0 : i32
        %dma_start3A_421 = arith.constant 0 : i32
        %dma_start3A_422 = tpu.memref_slice %arg4[%dma_start3A_420, %dma_start3A_421] : memref<1000000x32xf32, #tpu.memory_space<hbm>> -> memref<1000000x32xf32, #tpu.memory_space<hbm>>
        tpu.enqueue_indirect_dma source(%dma_start3A_422 : memref<1000000x32xf32, #tpu.memory_space<hbm>>) target(%dma_start3A_416 : memref<100x32xf32, #tpu.memory_space<vmem>>) offsets(%dma_start3A_419 : memref<100xi32, #tpu.memory_space<vmem>>) semaphore(%arg22 : memref<!tpu.dma_semaphore, #tpu.memory_space<semaphore_mem>>)
        %dma_start3A_423 = arith.constant 3 : i32
        %dma_start3A_424 = arith.constant 0 : i32
        %dma_start3A_425 = arith.constant 600 : i32
        %dma_start3A_426 = arith.constant 0 : i32
        %dma_start3A_427 = tpu.memref_slice %arg16[%dma_start3A_425, %dma_start3A_426] : memref<1600x32xf32, #tpu.memory_space<vmem>> -> memref<100x32xf32, #tpu.memory_space<vmem>>
        %dma_start3A_428 = arith.constant 0 : i32
        %dma_start3A_429 = tpu.memref_slice %arg12[%dma_start3A_423, %dma_start3A_424, %dma_start3A_428] : memref<8x2x100xi32, #tpu.memory_space<vmem>> -> memref<1x1x100xi32, #tpu.memory_space<vmem>>
        %dma_start3A_430 = tpu.memref_squeeze %dma_start3A_429 : memref<1x1x100xi32, #tpu.memory_space<vmem>> -> memref<100xi32, #tpu.memory_space<vmem>>
        %dma_start3A_431 = arith.constant 0 : i32
        %dma_start3A_432 = arith.constant 0 : i32
        %dma_start3A_433 = tpu.memref_slice %arg4[%dma_start3A_431, %dma_start3A_432] : memref<1000000x32xf32, #tpu.memory_space<hbm>> -> memref<1000000x32xf32, #tpu.memory_space<hbm>>
        tpu.enqueue_indirect_dma source(%dma_start3A_433 : memref<1000000x32xf32, #tpu.memory_space<hbm>>) target(%dma_start3A_427 : memref<100x32xf32, #tpu.memory_space<vmem>>) offsets(%dma_start3A_430 : memref<100xi32, #tpu.memory_space<vmem>>) semaphore(%arg22 : memref<!tpu.dma_semaphore, #tpu.memory_space<semaphore_mem>>)
        %dma_start3A_434 = arith.constant 3 : i32
        %dma_start3A_435 = arith.constant 1 : i32
        %dma_start3A_436 = arith.constant 700 : i32
        %dma_start3A_437 = arith.constant 0 : i32
        %dma_start3A_438 = tpu.memref_slice %arg16[%dma_start3A_436, %dma_start3A_437] : memref<1600x32xf32, #tpu.memory_space<vmem>> -> memref<100x32xf32, #tpu.memory_space<vmem>>
        %dma_start3A_439 = arith.constant 0 : i32
        %dma_start3A_440 = tpu.memref_slice %arg12[%dma_start3A_434, %dma_start3A_435, %dma_start3A_439] : memref<8x2x100xi32, #tpu.memory_space<vmem>> -> memref<1x1x100xi32, #tpu.memory_space<vmem>>
        %dma_start3A_441 = tpu.memref_squeeze %dma_start3A_440 : memref<1x1x100xi32, #tpu.memory_space<vmem>> -> memref<100xi32, #tpu.memory_space<vmem>>
        %dma_start3A_442 = arith.constant 0 : i32
        %dma_start3A_443 = arith.constant 0 : i32
        %dma_start3A_444 = tpu.memref_slice %arg4[%dma_start3A_442, %dma_start3A_443] : memref<1000000x32xf32, #tpu.memory_space<hbm>> -> memref<1000000x32xf32, #tpu.memory_space<hbm>>
        tpu.enqueue_indirect_dma source(%dma_start3A_444 : memref<1000000x32xf32, #tpu.memory_space<hbm>>) target(%dma_start3A_438 : memref<100x32xf32, #tpu.memory_space<vmem>>) offsets(%dma_start3A_441 : memref<100xi32, #tpu.memory_space<vmem>>) semaphore(%arg22 : memref<!tpu.dma_semaphore, #tpu.memory_space<semaphore_mem>>)
        %dma_start3A_445 = arith.constant 4 : i32
        %dma_start3A_446 = arith.constant 0 : i32
        %dma_start3A_447 = arith.constant 800 : i32
        %dma_start3A_448 = arith.constant 0 : i32
        %dma_start3A_449 = tpu.memref_slice %arg16[%dma_start3A_447, %dma_start3A_448] : memref<1600x32xf32, #tpu.memory_space<vmem>> -> memref<100x32xf32, #tpu.memory_space<vmem>>
        %dma_start3A_450 = arith.constant 0 : i32
        %dma_start3A_451 = tpu.memref_slice %arg12[%dma_start3A_445, %dma_start3A_446, %dma_start3A_450] : memref<8x2x100xi32, #tpu.memory_space<vmem>> -> memref<1x1x100xi32, #tpu.memory_space<vmem>>
        %dma_start3A_452 = tpu.memref_squeeze %dma_start3A_451 : memref<1x1x100xi32, #tpu.memory_space<vmem>> -> memref<100xi32, #tpu.memory_space<vmem>>
        %dma_start3A_453 = arith.constant 0 : i32
        %dma_start3A_454 = arith.constant 0 : i32
        %dma_start3A_455 = tpu.memref_slice %arg4[%dma_start3A_453, %dma_start3A_454] : memref<1000000x32xf32, #tpu.memory_space<hbm>> -> memref<1000000x32xf32, #tpu.memory_space<hbm>>
        tpu.enqueue_indirect_dma source(%dma_start3A_455 : memref<1000000x32xf32, #tpu.memory_space<hbm>>) target(%dma_start3A_449 : memref<100x32xf32, #tpu.memory_space<vmem>>) offsets(%dma_start3A_452 : memref<100xi32, #tpu.memory_space<vmem>>) semaphore(%arg22 : memref<!tpu.dma_semaphore, #tpu.memory_space<semaphore_mem>>)
        %dma_start3A_456 = arith.constant 4 : i32
        %dma_start3A_457 = arith.constant 1 : i32
        %dma_start3A_458 = arith.constant 900 : i32
        %dma_start3A_459 = arith.constant 0 : i32
        %dma_start3A_460 = tpu.memref_slice %arg16[%dma_start3A_458, %dma_start3A_459] : memref<1600x32xf32, #tpu.memory_space<vmem>> -> memref<100x32xf32, #tpu.memory_space<vmem>>
        %dma_start3A_461 = arith.constant 0 : i32
        %dma_start3A_462 = tpu.memref_slice %arg12[%dma_start3A_456, %dma_start3A_457, %dma_start3A_461] : memref<8x2x100xi32, #tpu.memory_space<vmem>> -> memref<1x1x100xi32, #tpu.memory_space<vmem>>
        %dma_start3A_463 = tpu.memref_squeeze %dma_start3A_462 : memref<1x1x100xi32, #tpu.memory_space<vmem>> -> memref<100xi32, #tpu.memory_space<vmem>>
        %dma_start3A_464 = arith.constant 0 : i32
        %dma_start3A_465 = arith.constant 0 : i32
        %dma_start3A_466 = tpu.memref_slice %arg4[%dma_start3A_464, %dma_start3A_465] : memref<1000000x32xf32, #tpu.memory_space<hbm>> -> memref<1000000x32xf32, #tpu.memory_space<hbm>>
        tpu.enqueue_indirect_dma source(%dma_start3A_466 : memref<1000000x32xf32, #tpu.memory_space<hbm>>) target(%dma_start3A_460 : memref<100x32xf32, #tpu.memory_space<vmem>>) offsets(%dma_start3A_463 : memref<100xi32, #tpu.memory_space<vmem>>) semaphore(%arg22 : memref<!tpu.dma_semaphore, #tpu.memory_space<semaphore_mem>>)
        %dma_start3A_467 = arith.constant 5 : i32
        %dma_start3A_468 = arith.constant 0 : i32
        %dma_start3A_469 = arith.constant 1000 : i32
        %dma_start3A_470 = arith.constant 0 : i32
        %dma_start3A_471 = tpu.memref_slice %arg16[%dma_start3A_469, %dma_start3A_470] : memref<1600x32xf32, #tpu.memory_space<vmem>> -> memref<100x32xf32, #tpu.memory_space<vmem>>
        %dma_start3A_472 = arith.constant 0 : i32
        %dma_start3A_473 = tpu.memref_slice %arg12[%dma_start3A_467, %dma_start3A_468, %dma_start3A_472] : memref<8x2x100xi32, #tpu.memory_space<vmem>> -> memref<1x1x100xi32, #tpu.memory_space<vmem>>
        %dma_start3A_474 = tpu.memref_squeeze %dma_start3A_473 : memref<1x1x100xi32, #tpu.memory_space<vmem>> -> memref<100xi32, #tpu.memory_space<vmem>>
        %dma_start3A_475 = arith.constant 0 : i32
        %dma_start3A_476 = arith.constant 0 : i32
        %dma_start3A_477 = tpu.memref_slice %arg4[%dma_start3A_475, %dma_start3A_476] : memref<1000000x32xf32, #tpu.memory_space<hbm>> -> memref<1000000x32xf32, #tpu.memory_space<hbm>>
        tpu.enqueue_indirect_dma source(%dma_start3A_477 : memref<1000000x32xf32, #tpu.memory_space<hbm>>) target(%dma_start3A_471 : memref<100x32xf32, #tpu.memory_space<vmem>>) offsets(%dma_start3A_474 : memref<100xi32, #tpu.memory_space<vmem>>) semaphore(%arg22 : memref<!tpu.dma_semaphore, #tpu.memory_space<semaphore_mem>>)
        %dma_start3A_478 = arith.constant 5 : i32
        %dma_start3A_479 = arith.constant 1 : i32
        %dma_start3A_480 = arith.constant 1100 : i32
        %dma_start3A_481 = arith.constant 0 : i32
        %dma_start3A_482 = tpu.memref_slice %arg16[%dma_start3A_480, %dma_start3A_481] : memref<1600x32xf32, #tpu.memory_space<vmem>> -> memref<100x32xf32, #tpu.memory_space<vmem>>
        %dma_start3A_483 = arith.constant 0 : i32
        %dma_start3A_484 = tpu.memref_slice %arg12[%dma_start3A_478, %dma_start3A_479, %dma_start3A_483] : memref<8x2x100xi32, #tpu.memory_space<vmem>> -> memref<1x1x100xi32, #tpu.memory_space<vmem>>
        %dma_start3A_485 = tpu.memref_squeeze %dma_start3A_484 : memref<1x1x100xi32, #tpu.memory_space<vmem>> -> memref<100xi32, #tpu.memory_space<vmem>>
        %dma_start3A_486 = arith.constant 0 : i32
        %dma_start3A_487 = arith.constant 0 : i32
        %dma_start3A_488 = tpu.memref_slice %arg4[%dma_start3A_486, %dma_start3A_487] : memref<1000000x32xf32, #tpu.memory_space<hbm>> -> memref<1000000x32xf32, #tpu.memory_space<hbm>>
        tpu.enqueue_indirect_dma source(%dma_start3A_488 : memref<1000000x32xf32, #tpu.memory_space<hbm>>) target(%dma_start3A_482 : memref<100x32xf32, #tpu.memory_space<vmem>>) offsets(%dma_start3A_485 : memref<100xi32, #tpu.memory_space<vmem>>) semaphore(%arg22 : memref<!tpu.dma_semaphore, #tpu.memory_space<semaphore_mem>>)
        %dma_start3A_489 = arith.constant 6 : i32
        %dma_start3A_490 = arith.constant 0 : i32
        %dma_start3A_491 = arith.constant 1200 : i32
        %dma_start3A_492 = arith.constant 0 : i32
        %dma_start3A_493 = tpu.memref_slice %arg16[%dma_start3A_491, %dma_start3A_492] : memref<1600x32xf32, #tpu.memory_space<vmem>> -> memref<100x32xf32, #tpu.memory_space<vmem>>
        %dma_start3A_494 = arith.constant 0 : i32
        %dma_start3A_495 = tpu.memref_slice %arg12[%dma_start3A_489, %dma_start3A_490, %dma_start3A_494] : memref<8x2x100xi32, #tpu.memory_space<vmem>> -> memref<1x1x100xi32, #tpu.memory_space<vmem>>
        %dma_start3A_496 = tpu.memref_squeeze %dma_start3A_495 : memref<1x1x100xi32, #tpu.memory_space<vmem>> -> memref<100xi32, #tpu.memory_space<vmem>>
        %dma_start3A_497 = arith.constant 0 : i32
        %dma_start3A_498 = arith.constant 0 : i32
        %dma_start3A_499 = tpu.memref_slice %arg4[%dma_start3A_497, %dma_start3A_498] : memref<1000000x32xf32, #tpu.memory_space<hbm>> -> memref<1000000x32xf32, #tpu.memory_space<hbm>>
        tpu.enqueue_indirect_dma source(%dma_start3A_499 : memref<1000000x32xf32, #tpu.memory_space<hbm>>) target(%dma_start3A_493 : memref<100x32xf32, #tpu.memory_space<vmem>>) offsets(%dma_start3A_496 : memref<100xi32, #tpu.memory_space<vmem>>) semaphore(%arg22 : memref<!tpu.dma_semaphore, #tpu.memory_space<semaphore_mem>>)
        %dma_start3A_500 = arith.constant 6 : i32
        %dma_start3A_501 = arith.constant 1 : i32
        %dma_start3A_502 = arith.constant 1300 : i32
        %dma_start3A_503 = arith.constant 0 : i32
        %dma_start3A_504 = tpu.memref_slice %arg16[%dma_start3A_502, %dma_start3A_503] : memref<1600x32xf32, #tpu.memory_space<vmem>> -> memref<100x32xf32, #tpu.memory_space<vmem>>
        %dma_start3A_505 = arith.constant 0 : i32
        %dma_start3A_506 = tpu.memref_slice %arg12[%dma_start3A_500, %dma_start3A_501, %dma_start3A_505] : memref<8x2x100xi32, #tpu.memory_space<vmem>> -> memref<1x1x100xi32, #tpu.memory_space<vmem>>
        %dma_start3A_507 = tpu.memref_squeeze %dma_start3A_506 : memref<1x1x100xi32, #tpu.memory_space<vmem>> -> memref<100xi32, #tpu.memory_space<vmem>>
        %dma_start3A_508 = arith.constant 0 : i32
        %dma_start3A_509 = arith.constant 0 : i32
        %dma_start3A_510 = tpu.memref_slice %arg4[%dma_start3A_508, %dma_start3A_509] : memref<1000000x32xf32, #tpu.memory_space<hbm>> -> memref<1000000x32xf32, #tpu.memory_space<hbm>>
        tpu.enqueue_indirect_dma source(%dma_start3A_510 : memref<1000000x32xf32, #tpu.memory_space<hbm>>) target(%dma_start3A_504 : memref<100x32xf32, #tpu.memory_space<vmem>>) offsets(%dma_start3A_507 : memref<100xi32, #tpu.memory_space<vmem>>) semaphore(%arg22 : memref<!tpu.dma_semaphore, #tpu.memory_space<semaphore_mem>>)
        %dma_start3A_511 = arith.constant 7 : i32
        %dma_start3A_512 = arith.constant 0 : i32
        %dma_start3A_513 = arith.constant 1400 : i32
        %dma_start3A_514 = arith.constant 0 : i32
        %dma_start3A_515 = tpu.memref_slice %arg16[%dma_start3A_513, %dma_start3A_514] : memref<1600x32xf32, #tpu.memory_space<vmem>> -> memref<100x32xf32, #tpu.memory_space<vmem>>
        %dma_start3A_516 = arith.constant 0 : i32
        %dma_start3A_517 = tpu.memref_slice %arg12[%dma_start3A_511, %dma_start3A_512, %dma_start3A_516] : memref<8x2x100xi32, #tpu.memory_space<vmem>> -> memref<1x1x100xi32, #tpu.memory_space<vmem>>
        %dma_start3A_518 = tpu.memref_squeeze %dma_start3A_517 : memref<1x1x100xi32, #tpu.memory_space<vmem>> -> memref<100xi32, #tpu.memory_space<vmem>>
        %dma_start3A_519 = arith.constant 0 : i32
        %dma_start3A_520 = arith.constant 0 : i32
        %dma_start3A_521 = tpu.memref_slice %arg4[%dma_start3A_519, %dma_start3A_520] : memref<1000000x32xf32, #tpu.memory_space<hbm>> -> memref<1000000x32xf32, #tpu.memory_space<hbm>>
        tpu.enqueue_indirect_dma source(%dma_start3A_521 : memref<1000000x32xf32, #tpu.memory_space<hbm>>) target(%dma_start3A_515 : memref<100x32xf32, #tpu.memory_space<vmem>>) offsets(%dma_start3A_518 : memref<100xi32, #tpu.memory_space<vmem>>) semaphore(%arg22 : memref<!tpu.dma_semaphore, #tpu.memory_space<semaphore_mem>>)
        %dma_start3A_522 = arith.constant 7 : i32
        %dma_start3A_523 = arith.constant 1 : i32
        %dma_start3A_524 = arith.constant 1500 : i32
        %dma_start3A_525 = arith.constant 0 : i32
        %dma_start3A_526 = tpu.memref_slice %arg16[%dma_start3A_524, %dma_start3A_525] : memref<1600x32xf32, #tpu.memory_space<vmem>> -> memref<100x32xf32, #tpu.memory_space<vmem>>
        %dma_start3A_527 = arith.constant 0 : i32
        %dma_start3A_528 = tpu.memref_slice %arg12[%dma_start3A_522, %dma_start3A_523, %dma_start3A_527] : memref<8x2x100xi32, #tpu.memory_space<vmem>> -> memref<1x1x100xi32, #tpu.memory_space<vmem>>
        %dma_start3A_529 = tpu.memref_squeeze %dma_start3A_528 : memref<1x1x100xi32, #tpu.memory_space<vmem>> -> memref<100xi32, #tpu.memory_space<vmem>>
        %dma_start3A_530 = arith.constant 0 : i32
        %dma_start3A_531 = arith.constant 0 : i32
        %dma_start3A_532 = tpu.memref_slice %arg4[%dma_start3A_530, %dma_start3A_531] : memref<1000000x32xf32, #tpu.memory_space<hbm>> -> memref<1000000x32xf32, #tpu.memory_space<hbm>>
        tpu.enqueue_indirect_dma source(%dma_start3A_532 : memref<1000000x32xf32, #tpu.memory_space<hbm>>) target(%dma_start3A_526 : memref<100x32xf32, #tpu.memory_space<vmem>>) offsets(%dma_start3A_529 : memref<100xi32, #tpu.memory_space<vmem>>) semaphore(%arg22 : memref<!tpu.dma_semaphore, #tpu.memory_space<semaphore_mem>>)
      } else {
      }
      %add3A_259 = arith.constant 2 : i32
      %add3A_260 = arith.addi %add3A_241, %add3A_259 : i32
      %lt3A_261 = arith.constant 64 : i32
      %lt3A_262 = arith.cmpi slt, %add3A_260, %lt3A_261 : i32
      %convert_element_type3A_263 = arith.extui %lt3A_262 : i1 to i32
      %cond3A_264 = arith.constant 0 : i32
      %cond3A_265 = arith.cmpi ne, %convert_element_type3A_263, %cond3A_264 : i32
      scf.if %cond3A_265 {
        %add3A_338 = arith.constant 2 : i32
        %add3A_339 = arith.addi %add3A_241, %add3A_338 : i32
        %mul3A_340 = arith.constant 8 : i32
        %mul3A_341 = arith.muli %add3A_339, %mul3A_340 : i32
        %add3A_342 = arith.addi %mul3A_2, %mul3A_341 : i32
        %dma_start3A_343 = tpu.memref_slice %arg2[%add3A_342] : memref<16384xi32, #tpu.memory_space<hbm>> -> memref<8xi32, #tpu.memory_space<hbm>>
        %dma_start3A_344 = tpu.memref_slice %arg2[%add3A_342] : memref<16384xi32, #tpu.memory_space<hbm>> -> memref<8xi32, #tpu.memory_space<hbm>>
        tpu.enqueue_dma source(%dma_start3A_344 : memref<8xi32, #tpu.memory_space<hbm>>) target(%arg7 : memref<8xi32, #tpu.memory_space<vmem>>) target_semaphore(%arg19 : memref<!tpu.dma_semaphore, #tpu.memory_space<semaphore_mem>>)
        %dma_start3A_345 = arith.constant 0 : i32
        %dma_start3A_346 = arith.constant 0 : i32
        %dma_start3A_347 = tpu.memref_slice %arg3[%add3A_342, %dma_start3A_345, %dma_start3A_346] : memref<16384x2x100xi32, #tpu.memory_space<hbm>> -> memref<8x2x100xi32, #tpu.memory_space<hbm>>
        %dma_start3A_348 = arith.constant 0 : i32
        %dma_start3A_349 = arith.constant 0 : i32
        %dma_start3A_350 = tpu.memref_slice %arg3[%add3A_342, %dma_start3A_348, %dma_start3A_349] : memref<16384x2x100xi32, #tpu.memory_space<hbm>> -> memref<8x2x100xi32, #tpu.memory_space<hbm>>
        tpu.enqueue_dma source(%dma_start3A_350 : memref<8x2x100xi32, #tpu.memory_space<hbm>>) target(%arg11 : memref<8x2x100xi32, #tpu.memory_space<vmem>>) target_semaphore(%arg19 : memref<!tpu.dma_semaphore, #tpu.memory_space<semaphore_mem>>)
      } else {
      }
      %ge3A = arith.constant 2 : i32
      %ge3A_266 = arith.cmpi sge, %add3A_241, %ge3A : i32
      %convert_element_type3A_267 = arith.extui %ge3A_266 : i1 to i32
      %cond3A_268 = arith.constant 0 : i32
      %cond3A_269 = arith.cmpi ne, %convert_element_type3A_267, %cond3A_268 : i32
      scf.if %cond3A_269 {
        %dma_wait3A_338 = arith.constant 0 : i32
        %dma_wait3A_339 = arith.constant 0 : i32
        %dma_wait3A_340 = tpu.memref_slice %arg6[%dma_wait3A_338, %dma_wait3A_339] : memref<16384x200xf32, #tpu.memory_space<hbm>> -> memref<8x200xf32, #tpu.memory_space<hbm>>
        %dma_wait3A_341 = arith.constant 0 : i32
        %dma_wait3A_342 = arith.constant 0 : i32
        %dma_wait3A_343 = tpu.memref_slice %arg6[%dma_wait3A_341, %dma_wait3A_342] : memref<16384x200xf32, #tpu.memory_space<hbm>> -> memref<8x200xf32, #tpu.memory_space<hbm>>
        tpu.wait_dma2 semaphore(%arg23 : memref<!tpu.dma_semaphore, #tpu.memory_space<semaphore_mem>>) src(%arg17 : memref<8x200xf32, #tpu.memory_space<vmem>>) dst(%dma_wait3A_343 : memref<8x200xf32, #tpu.memory_space<hbm>>)
      } else {
      }
      %gather3A_270 = tpu.vector_load_idx %arg7[%and3A_4] : memref<8xi32, #tpu.memory_space<vmem>>[vector<16xi32>], vector<16xi32>,
      %and3A_271 = arith.constant 3 : i32
      %and3A_272 = vector.broadcast %and3A_271 : i32 to vector<16xi32>
      %and3A_273 = arith.andi %gather3A_270, %and3A_272 : vector<16xi32>
      %mul3A_274 = arith.constant 32 : i32
      %mul3A_275 = vector.broadcast %mul3A_274 : i32 to vector<16xi32>
      %mul3A_276 = arith.muli %and3A_273, %mul3A_275 : vector<16xi32>
      %parallel_loop3A = arith.constant 0 : i32
      %parallel_loop3A_277 = arith.constant 200 : i32
      %parallel_loop3A_278 = arith.constant 2 : i32
      scf.for %parallel_loop3A_338 = %parallel_loop3A to %parallel_loop3A_277 step %parallel_loop3A_278  : i32 {
        %parallel_loop3A_339 = arith.constant 200 : i32
        %parallel_loop3A_340 = vector.broadcast %parallel_loop3A_339 : i32 to vector<16xi32>
        %parallel_loop3A_341 = arith.muli %and3A_4, %parallel_loop3A_340 : vector<16xi32>
        %parallel_loop3A_342 = vector.broadcast %parallel_loop3A_338 : i32 to vector<16xi32>
        %parallel_loop3A_343 = arith.addi %parallel_loop3A_342, %shift_right_arithmetic3A_6 : vector<16xi32>
        %parallel_loop3A_344 = arith.addi %parallel_loop3A_341, %parallel_loop3A_343 : vector<16xi32>
        %parallel_loop3A_345 = arith.constant 0.000000e+00 : f32
        %parallel_loop3A_346 = vector.broadcast %parallel_loop3A_345 : f32 to vector<16xf32>
        %parallel_loop3A_347 = arith.constant 0 : i32
        %parallel_loop3A_348 = vector.broadcast %parallel_loop3A_347 : i32 to vector<16xi32>
        %parallel_loop3A_349 = arith.addi %iota3A, %parallel_loop3A_348 : vector<16xi32>
        %parallel_loop3A_350 = arith.constant 31 : i32
        %parallel_loop3A_351 = vector.broadcast %parallel_loop3A_350 : i32 to vector<16xi32>
        %parallel_loop3A_352 = arith.andi %parallel_loop3A_349, %parallel_loop3A_351 : vector<16xi32>
        %parallel_loop3A_353 = tpu.vector_load_idx %arg15[%parallel_loop3A_344, %parallel_loop3A_352] : memref<1600x32xf32, #tpu.memory_space<vmem>>[vector<16xi32>, vector<16xi32>], vector<16xf32>,
        %parallel_loop3A_354 = arith.addi %mul3A_276, %parallel_loop3A_352 : vector<16xi32>
        %parallel_loop3A_355 = tpu.vector_load_idx %arg13[%and3A_4, %parallel_loop3A_354] : memref<8x128xf32, #tpu.memory_space<vmem>>[vector<16xi32>, vector<16xi32>], vector<16xf32>,
        %parallel_loop3A_356 = arith.subf %parallel_loop3A_355, %parallel_loop3A_353 : vector<16xf32>
        %parallel_loop3A_357 = arith.mulf %parallel_loop3A_356, %parallel_loop3A_356 : vector<16xf32>
        %parallel_loop3A_358 = arith.addf %parallel_loop3A_346, %parallel_loop3A_357 : vector<16xf32>
        %parallel_loop3A_359 = arith.constant 1 : i32
        %parallel_loop3A_360 = vector.broadcast %parallel_loop3A_359 : i32 to vector<16xi32>
        %parallel_loop3A_361 = arith.addi %iota3A, %parallel_loop3A_360 : vector<16xi32>
        %parallel_loop3A_362 = arith.constant 31 : i32
        %parallel_loop3A_363 = vector.broadcast %parallel_loop3A_362 : i32 to vector<16xi32>
        %parallel_loop3A_364 = arith.andi %parallel_loop3A_361, %parallel_loop3A_363 : vector<16xi32>
        %parallel_loop3A_365 = tpu.vector_load_idx %arg15[%parallel_loop3A_344, %parallel_loop3A_364] : memref<1600x32xf32, #tpu.memory_space<vmem>>[vector<16xi32>, vector<16xi32>], vector<16xf32>,
        %parallel_loop3A_366 = arith.addi %mul3A_276, %parallel_loop3A_364 : vector<16xi32>
        %parallel_loop3A_367 = tpu.vector_load_idx %arg13[%and3A_4, %parallel_loop3A_366] : memref<8x128xf32, #tpu.memory_space<vmem>>[vector<16xi32>, vector<16xi32>], vector<16xf32>,
        %parallel_loop3A_368 = arith.subf %parallel_loop3A_367, %parallel_loop3A_365 : vector<16xf32>
        %parallel_loop3A_369 = arith.mulf %parallel_loop3A_368, %parallel_loop3A_368 : vector<16xf32>
        %parallel_loop3A_370 = arith.addf %parallel_loop3A_358, %parallel_loop3A_369 : vector<16xf32>
        %parallel_loop3A_371 = arith.constant 2 : i32
        %parallel_loop3A_372 = vector.broadcast %parallel_loop3A_371 : i32 to vector<16xi32>
        %parallel_loop3A_373 = arith.addi %iota3A, %parallel_loop3A_372 : vector<16xi32>
        %parallel_loop3A_374 = arith.constant 31 : i32
        %parallel_loop3A_375 = vector.broadcast %parallel_loop3A_374 : i32 to vector<16xi32>
        %parallel_loop3A_376 = arith.andi %parallel_loop3A_373, %parallel_loop3A_375 : vector<16xi32>
        %parallel_loop3A_377 = tpu.vector_load_idx %arg15[%parallel_loop3A_344, %parallel_loop3A_376] : memref<1600x32xf32, #tpu.memory_space<vmem>>[vector<16xi32>, vector<16xi32>], vector<16xf32>,
        %parallel_loop3A_378 = arith.addi %mul3A_276, %parallel_loop3A_376 : vector<16xi32>
        %parallel_loop3A_379 = tpu.vector_load_idx %arg13[%and3A_4, %parallel_loop3A_378] : memref<8x128xf32, #tpu.memory_space<vmem>>[vector<16xi32>, vector<16xi32>], vector<16xf32>,
        %parallel_loop3A_380 = arith.subf %parallel_loop3A_379, %parallel_loop3A_377 : vector<16xf32>
        %parallel_loop3A_381 = arith.mulf %parallel_loop3A_380, %parallel_loop3A_380 : vector<16xf32>
        %parallel_loop3A_382 = arith.addf %parallel_loop3A_370, %parallel_loop3A_381 : vector<16xf32>
        %parallel_loop3A_383 = arith.constant 3 : i32
        %parallel_loop3A_384 = vector.broadcast %parallel_loop3A_383 : i32 to vector<16xi32>
        %parallel_loop3A_385 = arith.addi %iota3A, %parallel_loop3A_384 : vector<16xi32>
        %parallel_loop3A_386 = arith.constant 31 : i32
        %parallel_loop3A_387 = vector.broadcast %parallel_loop3A_386 : i32 to vector<16xi32>
        %parallel_loop3A_388 = arith.andi %parallel_loop3A_385, %parallel_loop3A_387 : vector<16xi32>
        %parallel_loop3A_389 = tpu.vector_load_idx %arg15[%parallel_loop3A_344, %parallel_loop3A_388] : memref<1600x32xf32, #tpu.memory_space<vmem>>[vector<16xi32>, vector<16xi32>], vector<16xf32>,
        %parallel_loop3A_390 = arith.addi %mul3A_276, %parallel_loop3A_388 : vector<16xi32>
        %parallel_loop3A_391 = tpu.vector_load_idx %arg13[%and3A_4, %parallel_loop3A_390] : memref<8x128xf32, #tpu.memory_space<vmem>>[vector<16xi32>, vector<16xi32>], vector<16xf32>,
        %parallel_loop3A_392 = arith.subf %parallel_loop3A_391, %parallel_loop3A_389 : vector<16xf32>
        %parallel_loop3A_393 = arith.mulf %parallel_loop3A_392, %parallel_loop3A_392 : vector<16xf32>
        %parallel_loop3A_394 = arith.addf %parallel_loop3A_382, %parallel_loop3A_393 : vector<16xf32>
        %parallel_loop3A_395 = arith.constant 4 : i32
        %parallel_loop3A_396 = vector.broadcast %parallel_loop3A_395 : i32 to vector<16xi32>
        %parallel_loop3A_397 = arith.addi %iota3A, %parallel_loop3A_396 : vector<16xi32>
        %parallel_loop3A_398 = arith.constant 31 : i32
        %parallel_loop3A_399 = vector.broadcast %parallel_loop3A_398 : i32 to vector<16xi32>
        %parallel_loop3A_400 = arith.andi %parallel_loop3A_397, %parallel_loop3A_399 : vector<16xi32>
        %parallel_loop3A_401 = tpu.vector_load_idx %arg15[%parallel_loop3A_344, %parallel_loop3A_400] : memref<1600x32xf32, #tpu.memory_space<vmem>>[vector<16xi32>, vector<16xi32>], vector<16xf32>,
        %parallel_loop3A_402 = arith.addi %mul3A_276, %parallel_loop3A_400 : vector<16xi32>
        %parallel_loop3A_403 = tpu.vector_load_idx %arg13[%and3A_4, %parallel_loop3A_402] : memref<8x128xf32, #tpu.memory_space<vmem>>[vector<16xi32>, vector<16xi32>], vector<16xf32>,
        %parallel_loop3A_404 = arith.subf %parallel_loop3A_403, %parallel_loop3A_401 : vector<16xf32>
        %parallel_loop3A_405 = arith.mulf %parallel_loop3A_404, %parallel_loop3A_404 : vector<16xf32>
        %parallel_loop3A_406 = arith.addf %parallel_loop3A_394, %parallel_loop3A_405 : vector<16xf32>
        %parallel_loop3A_407 = arith.constant 5 : i32
        %parallel_loop3A_408 = vector.broadcast %parallel_loop3A_407 : i32 to vector<16xi32>
        %parallel_loop3A_409 = arith.addi %iota3A, %parallel_loop3A_408 : vector<16xi32>
        %parallel_loop3A_410 = arith.constant 31 : i32
        %parallel_loop3A_411 = vector.broadcast %parallel_loop3A_410 : i32 to vector<16xi32>
        %parallel_loop3A_412 = arith.andi %parallel_loop3A_409, %parallel_loop3A_411 : vector<16xi32>
        %parallel_loop3A_413 = tpu.vector_load_idx %arg15[%parallel_loop3A_344, %parallel_loop3A_412] : memref<1600x32xf32, #tpu.memory_space<vmem>>[vector<16xi32>, vector<16xi32>], vector<16xf32>,
        %parallel_loop3A_414 = arith.addi %mul3A_276, %parallel_loop3A_412 : vector<16xi32>
        %parallel_loop3A_415 = tpu.vector_load_idx %arg13[%and3A_4, %parallel_loop3A_414] : memref<8x128xf32, #tpu.memory_space<vmem>>[vector<16xi32>, vector<16xi32>], vector<16xf32>,
        %parallel_loop3A_416 = arith.subf %parallel_loop3A_415, %parallel_loop3A_413 : vector<16xf32>
        %parallel_loop3A_417 = arith.mulf %parallel_loop3A_416, %parallel_loop3A_416 : vector<16xf32>
        %parallel_loop3A_418 = arith.addf %parallel_loop3A_406, %parallel_loop3A_417 : vector<16xf32>
        %parallel_loop3A_419 = arith.constant 6 : i32
        %parallel_loop3A_420 = vector.broadcast %parallel_loop3A_419 : i32 to vector<16xi32>
        %parallel_loop3A_421 = arith.addi %iota3A, %parallel_loop3A_420 : vector<16xi32>
        %parallel_loop3A_422 = arith.constant 31 : i32
        %parallel_loop3A_423 = vector.broadcast %parallel_loop3A_422 : i32 to vector<16xi32>
        %parallel_loop3A_424 = arith.andi %parallel_loop3A_421, %parallel_loop3A_423 : vector<16xi32>
        %parallel_loop3A_425 = tpu.vector_load_idx %arg15[%parallel_loop3A_344, %parallel_loop3A_424] : memref<1600x32xf32, #tpu.memory_space<vmem>>[vector<16xi32>, vector<16xi32>], vector<16xf32>,
        %parallel_loop3A_426 = arith.addi %mul3A_276, %parallel_loop3A_424 : vector<16xi32>
        %parallel_loop3A_427 = tpu.vector_load_idx %arg13[%and3A_4, %parallel_loop3A_426] : memref<8x128xf32, #tpu.memory_space<vmem>>[vector<16xi32>, vector<16xi32>], vector<16xf32>,
        %parallel_loop3A_428 = arith.subf %parallel_loop3A_427, %parallel_loop3A_425 : vector<16xf32>
        %parallel_loop3A_429 = arith.mulf %parallel_loop3A_428, %parallel_loop3A_428 : vector<16xf32>
        %parallel_loop3A_430 = arith.addf %parallel_loop3A_418, %parallel_loop3A_429 : vector<16xf32>
        %parallel_loop3A_431 = arith.constant 7 : i32
        %parallel_loop3A_432 = vector.broadcast %parallel_loop3A_431 : i32 to vector<16xi32>
        %parallel_loop3A_433 = arith.addi %iota3A, %parallel_loop3A_432 : vector<16xi32>
        %parallel_loop3A_434 = arith.constant 31 : i32
        %parallel_loop3A_435 = vector.broadcast %parallel_loop3A_434 : i32 to vector<16xi32>
        %parallel_loop3A_436 = arith.andi %parallel_loop3A_433, %parallel_loop3A_435 : vector<16xi32>
        %parallel_loop3A_437 = tpu.vector_load_idx %arg15[%parallel_loop3A_344, %parallel_loop3A_436] : memref<1600x32xf32, #tpu.memory_space<vmem>>[vector<16xi32>, vector<16xi32>], vector<16xf32>,
        %parallel_loop3A_438 = arith.addi %mul3A_276, %parallel_loop3A_436 : vector<16xi32>
        %parallel_loop3A_439 = tpu.vector_load_idx %arg13[%and3A_4, %parallel_loop3A_438] : memref<8x128xf32, #tpu.memory_space<vmem>>[vector<16xi32>, vector<16xi32>], vector<16xf32>,
        %parallel_loop3A_440 = arith.subf %parallel_loop3A_439, %parallel_loop3A_437 : vector<16xf32>
        %parallel_loop3A_441 = arith.mulf %parallel_loop3A_440, %parallel_loop3A_440 : vector<16xf32>
        %parallel_loop3A_442 = arith.addf %parallel_loop3A_430, %parallel_loop3A_441 : vector<16xf32>
        %parallel_loop3A_443 = arith.constant 8 : i32
        %parallel_loop3A_444 = vector.broadcast %parallel_loop3A_443 : i32 to vector<16xi32>
        %parallel_loop3A_445 = arith.addi %iota3A, %parallel_loop3A_444 : vector<16xi32>
        %parallel_loop3A_446 = arith.constant 31 : i32
        %parallel_loop3A_447 = vector.broadcast %parallel_loop3A_446 : i32 to vector<16xi32>
        %parallel_loop3A_448 = arith.andi %parallel_loop3A_445, %parallel_loop3A_447 : vector<16xi32>
        %parallel_loop3A_449 = tpu.vector_load_idx %arg15[%parallel_loop3A_344, %parallel_loop3A_448] : memref<1600x32xf32, #tpu.memory_space<vmem>>[vector<16xi32>, vector<16xi32>], vector<16xf32>,
        %parallel_loop3A_450 = arith.addi %mul3A_276, %parallel_loop3A_448 : vector<16xi32>
        %parallel_loop3A_451 = tpu.vector_load_idx %arg13[%and3A_4, %parallel_loop3A_450] : memref<8x128xf32, #tpu.memory_space<vmem>>[vector<16xi32>, vector<16xi32>], vector<16xf32>,
        %parallel_loop3A_452 = arith.subf %parallel_loop3A_451, %parallel_loop3A_449 : vector<16xf32>
        %parallel_loop3A_453 = arith.mulf %parallel_loop3A_452, %parallel_loop3A_452 : vector<16xf32>
        %parallel_loop3A_454 = arith.addf %parallel_loop3A_442, %parallel_loop3A_453 : vector<16xf32>
        %parallel_loop3A_455 = arith.constant 9 : i32
        %parallel_loop3A_456 = vector.broadcast %parallel_loop3A_455 : i32 to vector<16xi32>
        %parallel_loop3A_457 = arith.addi %iota3A, %parallel_loop3A_456 : vector<16xi32>
        %parallel_loop3A_458 = arith.constant 31 : i32
        %parallel_loop3A_459 = vector.broadcast %parallel_loop3A_458 : i32 to vector<16xi32>
        %parallel_loop3A_460 = arith.andi %parallel_loop3A_457, %parallel_loop3A_459 : vector<16xi32>
        %parallel_loop3A_461 = tpu.vector_load_idx %arg15[%parallel_loop3A_344, %parallel_loop3A_460] : memref<1600x32xf32, #tpu.memory_space<vmem>>[vector<16xi32>, vector<16xi32>], vector<16xf32>,
        %parallel_loop3A_462 = arith.addi %mul3A_276, %parallel_loop3A_460 : vector<16xi32>
        %parallel_loop3A_463 = tpu.vector_load_idx %arg13[%and3A_4, %parallel_loop3A_462] : memref<8x128xf32, #tpu.memory_space<vmem>>[vector<16xi32>, vector<16xi32>], vector<16xf32>,
        %parallel_loop3A_464 = arith.subf %parallel_loop3A_463, %parallel_loop3A_461 : vector<16xf32>
        %parallel_loop3A_465 = arith.mulf %parallel_loop3A_464, %parallel_loop3A_464 : vector<16xf32>
        %parallel_loop3A_466 = arith.addf %parallel_loop3A_454, %parallel_loop3A_465 : vector<16xf32>
        %parallel_loop3A_467 = arith.constant 10 : i32
        %parallel_loop3A_468 = vector.broadcast %parallel_loop3A_467 : i32 to vector<16xi32>
        %parallel_loop3A_469 = arith.addi %iota3A, %parallel_loop3A_468 : vector<16xi32>
        %parallel_loop3A_470 = arith.constant 31 : i32
        %parallel_loop3A_471 = vector.broadcast %parallel_loop3A_470 : i32 to vector<16xi32>
        %parallel_loop3A_472 = arith.andi %parallel_loop3A_469, %parallel_loop3A_471 : vector<16xi32>
        %parallel_loop3A_473 = tpu.vector_load_idx %arg15[%parallel_loop3A_344, %parallel_loop3A_472] : memref<1600x32xf32, #tpu.memory_space<vmem>>[vector<16xi32>, vector<16xi32>], vector<16xf32>,
        %parallel_loop3A_474 = arith.addi %mul3A_276, %parallel_loop3A_472 : vector<16xi32>
        %parallel_loop3A_475 = tpu.vector_load_idx %arg13[%and3A_4, %parallel_loop3A_474] : memref<8x128xf32, #tpu.memory_space<vmem>>[vector<16xi32>, vector<16xi32>], vector<16xf32>,
        %parallel_loop3A_476 = arith.subf %parallel_loop3A_475, %parallel_loop3A_473 : vector<16xf32>
        %parallel_loop3A_477 = arith.mulf %parallel_loop3A_476, %parallel_loop3A_476 : vector<16xf32>
        %parallel_loop3A_478 = arith.addf %parallel_loop3A_466, %parallel_loop3A_477 : vector<16xf32>
        %parallel_loop3A_479 = arith.constant 11 : i32
        %parallel_loop3A_480 = vector.broadcast %parallel_loop3A_479 : i32 to vector<16xi32>
        %parallel_loop3A_481 = arith.addi %iota3A, %parallel_loop3A_480 : vector<16xi32>
        %parallel_loop3A_482 = arith.constant 31 : i32
        %parallel_loop3A_483 = vector.broadcast %parallel_loop3A_482 : i32 to vector<16xi32>
        %parallel_loop3A_484 = arith.andi %parallel_loop3A_481, %parallel_loop3A_483 : vector<16xi32>
        %parallel_loop3A_485 = tpu.vector_load_idx %arg15[%parallel_loop3A_344, %parallel_loop3A_484] : memref<1600x32xf32, #tpu.memory_space<vmem>>[vector<16xi32>, vector<16xi32>], vector<16xf32>,
        %parallel_loop3A_486 = arith.addi %mul3A_276, %parallel_loop3A_484 : vector<16xi32>
        %parallel_loop3A_487 = tpu.vector_load_idx %arg13[%and3A_4, %parallel_loop3A_486] : memref<8x128xf32, #tpu.memory_space<vmem>>[vector<16xi32>, vector<16xi32>], vector<16xf32>,
        %parallel_loop3A_488 = arith.subf %parallel_loop3A_487, %parallel_loop3A_485 : vector<16xf32>
        %parallel_loop3A_489 = arith.mulf %parallel_loop3A_488, %parallel_loop3A_488 : vector<16xf32>
        %parallel_loop3A_490 = arith.addf %parallel_loop3A_478, %parallel_loop3A_489 : vector<16xf32>
        %parallel_loop3A_491 = arith.constant 12 : i32
        %parallel_loop3A_492 = vector.broadcast %parallel_loop3A_491 : i32 to vector<16xi32>
        %parallel_loop3A_493 = arith.addi %iota3A, %parallel_loop3A_492 : vector<16xi32>
        %parallel_loop3A_494 = arith.constant 31 : i32
        %parallel_loop3A_495 = vector.broadcast %parallel_loop3A_494 : i32 to vector<16xi32>
        %parallel_loop3A_496 = arith.andi %parallel_loop3A_493, %parallel_loop3A_495 : vector<16xi32>
        %parallel_loop3A_497 = tpu.vector_load_idx %arg15[%parallel_loop3A_344, %parallel_loop3A_496] : memref<1600x32xf32, #tpu.memory_space<vmem>>[vector<16xi32>, vector<16xi32>], vector<16xf32>,
        %parallel_loop3A_498 = arith.addi %mul3A_276, %parallel_loop3A_496 : vector<16xi32>
        %parallel_loop3A_499 = tpu.vector_load_idx %arg13[%and3A_4, %parallel_loop3A_498] : memref<8x128xf32, #tpu.memory_space<vmem>>[vector<16xi32>, vector<16xi32>], vector<16xf32>,
        %parallel_loop3A_500 = arith.subf %parallel_loop3A_499, %parallel_loop3A_497 : vector<16xf32>
        %parallel_loop3A_501 = arith.mulf %parallel_loop3A_500, %parallel_loop3A_500 : vector<16xf32>
        %parallel_loop3A_502 = arith.addf %parallel_loop3A_490, %parallel_loop3A_501 : vector<16xf32>
        %parallel_loop3A_503 = arith.constant 13 : i32
        %parallel_loop3A_504 = vector.broadcast %parallel_loop3A_503 : i32 to vector<16xi32>
        %parallel_loop3A_505 = arith.addi %iota3A, %parallel_loop3A_504 : vector<16xi32>
        %parallel_loop3A_506 = arith.constant 31 : i32
        %parallel_loop3A_507 = vector.broadcast %parallel_loop3A_506 : i32 to vector<16xi32>
        %parallel_loop3A_508 = arith.andi %parallel_loop3A_505, %parallel_loop3A_507 : vector<16xi32>
        %parallel_loop3A_509 = tpu.vector_load_idx %arg15[%parallel_loop3A_344, %parallel_loop3A_508] : memref<1600x32xf32, #tpu.memory_space<vmem>>[vector<16xi32>, vector<16xi32>], vector<16xf32>,
        %parallel_loop3A_510 = arith.addi %mul3A_276, %parallel_loop3A_508 : vector<16xi32>
        %parallel_loop3A_511 = tpu.vector_load_idx %arg13[%and3A_4, %parallel_loop3A_510] : memref<8x128xf32, #tpu.memory_space<vmem>>[vector<16xi32>, vector<16xi32>], vector<16xf32>,
        %parallel_loop3A_512 = arith.subf %parallel_loop3A_511, %parallel_loop3A_509 : vector<16xf32>
        %parallel_loop3A_513 = arith.mulf %parallel_loop3A_512, %parallel_loop3A_512 : vector<16xf32>
        %parallel_loop3A_514 = arith.addf %parallel_loop3A_502, %parallel_loop3A_513 : vector<16xf32>
        %parallel_loop3A_515 = arith.constant 14 : i32
        %parallel_loop3A_516 = vector.broadcast %parallel_loop3A_515 : i32 to vector<16xi32>
        %parallel_loop3A_517 = arith.addi %iota3A, %parallel_loop3A_516 : vector<16xi32>
        %parallel_loop3A_518 = arith.constant 31 : i32
        %parallel_loop3A_519 = vector.broadcast %parallel_loop3A_518 : i32 to vector<16xi32>
        %parallel_loop3A_520 = arith.andi %parallel_loop3A_517, %parallel_loop3A_519 : vector<16xi32>
        %parallel_loop3A_521 = tpu.vector_load_idx %arg15[%parallel_loop3A_344, %parallel_loop3A_520] : memref<1600x32xf32, #tpu.memory_space<vmem>>[vector<16xi32>, vector<16xi32>], vector<16xf32>,
        %parallel_loop3A_522 = arith.addi %mul3A_276, %parallel_loop3A_520 : vector<16xi32>
        %parallel_loop3A_523 = tpu.vector_load_idx %arg13[%and3A_4, %parallel_loop3A_522] : memref<8x128xf32, #tpu.memory_space<vmem>>[vector<16xi32>, vector<16xi32>], vector<16xf32>,
        %parallel_loop3A_524 = arith.subf %parallel_loop3A_523, %parallel_loop3A_521 : vector<16xf32>
        %parallel_loop3A_525 = arith.mulf %parallel_loop3A_524, %parallel_loop3A_524 : vector<16xf32>
        %parallel_loop3A_526 = arith.addf %parallel_loop3A_514, %parallel_loop3A_525 : vector<16xf32>
        %parallel_loop3A_527 = arith.constant 15 : i32
        %parallel_loop3A_528 = vector.broadcast %parallel_loop3A_527 : i32 to vector<16xi32>
        %parallel_loop3A_529 = arith.addi %iota3A, %parallel_loop3A_528 : vector<16xi32>
        %parallel_loop3A_530 = arith.constant 31 : i32
        %parallel_loop3A_531 = vector.broadcast %parallel_loop3A_530 : i32 to vector<16xi32>
        %parallel_loop3A_532 = arith.andi %parallel_loop3A_529, %parallel_loop3A_531 : vector<16xi32>
        %parallel_loop3A_533 = tpu.vector_load_idx %arg15[%parallel_loop3A_344, %parallel_loop3A_532] : memref<1600x32xf32, #tpu.memory_space<vmem>>[vector<16xi32>, vector<16xi32>], vector<16xf32>,
        %parallel_loop3A_534 = arith.addi %mul3A_276, %parallel_loop3A_532 : vector<16xi32>
        %parallel_loop3A_535 = tpu.vector_load_idx %arg13[%and3A_4, %parallel_loop3A_534] : memref<8x128xf32, #tpu.memory_space<vmem>>[vector<16xi32>, vector<16xi32>], vector<16xf32>,
        %parallel_loop3A_536 = arith.subf %parallel_loop3A_535, %parallel_loop3A_533 : vector<16xf32>
        %parallel_loop3A_537 = arith.mulf %parallel_loop3A_536, %parallel_loop3A_536 : vector<16xf32>
        %parallel_loop3A_538 = arith.addf %parallel_loop3A_526, %parallel_loop3A_537 : vector<16xf32>
        %parallel_loop3A_539 = arith.constant 16 : i32
        %parallel_loop3A_540 = vector.broadcast %parallel_loop3A_539 : i32 to vector<16xi32>
        %parallel_loop3A_541 = arith.addi %iota3A, %parallel_loop3A_540 : vector<16xi32>
        %parallel_loop3A_542 = arith.constant 31 : i32
        %parallel_loop3A_543 = vector.broadcast %parallel_loop3A_542 : i32 to vector<16xi32>
        %parallel_loop3A_544 = arith.andi %parallel_loop3A_541, %parallel_loop3A_543 : vector<16xi32>
        %parallel_loop3A_545 = tpu.vector_load_idx %arg15[%parallel_loop3A_344, %parallel_loop3A_544] : memref<1600x32xf32, #tpu.memory_space<vmem>>[vector<16xi32>, vector<16xi32>], vector<16xf32>,
        %parallel_loop3A_546 = arith.addi %mul3A_276, %parallel_loop3A_544 : vector<16xi32>
        %parallel_loop3A_547 = tpu.vector_load_idx %arg13[%and3A_4, %parallel_loop3A_546] : memref<8x128xf32, #tpu.memory_space<vmem>>[vector<16xi32>, vector<16xi32>], vector<16xf32>,
        %parallel_loop3A_548 = arith.subf %parallel_loop3A_547, %parallel_loop3A_545 : vector<16xf32>
        %parallel_loop3A_549 = arith.mulf %parallel_loop3A_548, %parallel_loop3A_548 : vector<16xf32>
        %parallel_loop3A_550 = arith.addf %parallel_loop3A_538, %parallel_loop3A_549 : vector<16xf32>
        %parallel_loop3A_551 = arith.constant 17 : i32
        %parallel_loop3A_552 = vector.broadcast %parallel_loop3A_551 : i32 to vector<16xi32>
        %parallel_loop3A_553 = arith.addi %iota3A, %parallel_loop3A_552 : vector<16xi32>
        %parallel_loop3A_554 = arith.constant 31 : i32
        %parallel_loop3A_555 = vector.broadcast %parallel_loop3A_554 : i32 to vector<16xi32>
        %parallel_loop3A_556 = arith.andi %parallel_loop3A_553, %parallel_loop3A_555 : vector<16xi32>
        %parallel_loop3A_557 = tpu.vector_load_idx %arg15[%parallel_loop3A_344, %parallel_loop3A_556] : memref<1600x32xf32, #tpu.memory_space<vmem>>[vector<16xi32>, vector<16xi32>], vector<16xf32>,
        %parallel_loop3A_558 = arith.addi %mul3A_276, %parallel_loop3A_556 : vector<16xi32>
        %parallel_loop3A_559 = tpu.vector_load_idx %arg13[%and3A_4, %parallel_loop3A_558] : memref<8x128xf32, #tpu.memory_space<vmem>>[vector<16xi32>, vector<16xi32>], vector<16xf32>,
        %parallel_loop3A_560 = arith.subf %parallel_loop3A_559, %parallel_loop3A_557 : vector<16xf32>
        %parallel_loop3A_561 = arith.mulf %parallel_loop3A_560, %parallel_loop3A_560 : vector<16xf32>
        %parallel_loop3A_562 = arith.addf %parallel_loop3A_550, %parallel_loop3A_561 : vector<16xf32>
        %parallel_loop3A_563 = arith.constant 18 : i32
        %parallel_loop3A_564 = vector.broadcast %parallel_loop3A_563 : i32 to vector<16xi32>
        %parallel_loop3A_565 = arith.addi %iota3A, %parallel_loop3A_564 : vector<16xi32>
        %parallel_loop3A_566 = arith.constant 31 : i32
        %parallel_loop3A_567 = vector.broadcast %parallel_loop3A_566 : i32 to vector<16xi32>
        %parallel_loop3A_568 = arith.andi %parallel_loop3A_565, %parallel_loop3A_567 : vector<16xi32>
        %parallel_loop3A_569 = tpu.vector_load_idx %arg15[%parallel_loop3A_344, %parallel_loop3A_568] : memref<1600x32xf32, #tpu.memory_space<vmem>>[vector<16xi32>, vector<16xi32>], vector<16xf32>,
        %parallel_loop3A_570 = arith.addi %mul3A_276, %parallel_loop3A_568 : vector<16xi32>
        %parallel_loop3A_571 = tpu.vector_load_idx %arg13[%and3A_4, %parallel_loop3A_570] : memref<8x128xf32, #tpu.memory_space<vmem>>[vector<16xi32>, vector<16xi32>], vector<16xf32>,
        %parallel_loop3A_572 = arith.subf %parallel_loop3A_571, %parallel_loop3A_569 : vector<16xf32>
        %parallel_loop3A_573 = arith.mulf %parallel_loop3A_572, %parallel_loop3A_572 : vector<16xf32>
        %parallel_loop3A_574 = arith.addf %parallel_loop3A_562, %parallel_loop3A_573 : vector<16xf32>
        %parallel_loop3A_575 = arith.constant 19 : i32
        %parallel_loop3A_576 = vector.broadcast %parallel_loop3A_575 : i32 to vector<16xi32>
        %parallel_loop3A_577 = arith.addi %iota3A, %parallel_loop3A_576 : vector<16xi32>
        %parallel_loop3A_578 = arith.constant 31 : i32
        %parallel_loop3A_579 = vector.broadcast %parallel_loop3A_578 : i32 to vector<16xi32>
        %parallel_loop3A_580 = arith.andi %parallel_loop3A_577, %parallel_loop3A_579 : vector<16xi32>
        %parallel_loop3A_581 = tpu.vector_load_idx %arg15[%parallel_loop3A_344, %parallel_loop3A_580] : memref<1600x32xf32, #tpu.memory_space<vmem>>[vector<16xi32>, vector<16xi32>], vector<16xf32>,
        %parallel_loop3A_582 = arith.addi %mul3A_276, %parallel_loop3A_580 : vector<16xi32>
        %parallel_loop3A_583 = tpu.vector_load_idx %arg13[%and3A_4, %parallel_loop3A_582] : memref<8x128xf32, #tpu.memory_space<vmem>>[vector<16xi32>, vector<16xi32>], vector<16xf32>,
        %parallel_loop3A_584 = arith.subf %parallel_loop3A_583, %parallel_loop3A_581 : vector<16xf32>
        %parallel_loop3A_585 = arith.mulf %parallel_loop3A_584, %parallel_loop3A_584 : vector<16xf32>
        %parallel_loop3A_586 = arith.addf %parallel_loop3A_574, %parallel_loop3A_585 : vector<16xf32>
        %parallel_loop3A_587 = arith.constant 20 : i32
        %parallel_loop3A_588 = vector.broadcast %parallel_loop3A_587 : i32 to vector<16xi32>
        %parallel_loop3A_589 = arith.addi %iota3A, %parallel_loop3A_588 : vector<16xi32>
        %parallel_loop3A_590 = arith.constant 31 : i32
        %parallel_loop3A_591 = vector.broadcast %parallel_loop3A_590 : i32 to vector<16xi32>
        %parallel_loop3A_592 = arith.andi %parallel_loop3A_589, %parallel_loop3A_591 : vector<16xi32>
        %parallel_loop3A_593 = tpu.vector_load_idx %arg15[%parallel_loop3A_344, %parallel_loop3A_592] : memref<1600x32xf32, #tpu.memory_space<vmem>>[vector<16xi32>, vector<16xi32>], vector<16xf32>,
        %parallel_loop3A_594 = arith.addi %mul3A_276, %parallel_loop3A_592 : vector<16xi32>
        %parallel_loop3A_595 = tpu.vector_load_idx %arg13[%and3A_4, %parallel_loop3A_594] : memref<8x128xf32, #tpu.memory_space<vmem>>[vector<16xi32>, vector<16xi32>], vector<16xf32>,
        %parallel_loop3A_596 = arith.subf %parallel_loop3A_595, %parallel_loop3A_593 : vector<16xf32>
        %parallel_loop3A_597 = arith.mulf %parallel_loop3A_596, %parallel_loop3A_596 : vector<16xf32>
        %parallel_loop3A_598 = arith.addf %parallel_loop3A_586, %parallel_loop3A_597 : vector<16xf32>
        %parallel_loop3A_599 = arith.constant 21 : i32
        %parallel_loop3A_600 = vector.broadcast %parallel_loop3A_599 : i32 to vector<16xi32>
        %parallel_loop3A_601 = arith.addi %iota3A, %parallel_loop3A_600 : vector<16xi32>
        %parallel_loop3A_602 = arith.constant 31 : i32
        %parallel_loop3A_603 = vector.broadcast %parallel_loop3A_602 : i32 to vector<16xi32>
        %parallel_loop3A_604 = arith.andi %parallel_loop3A_601, %parallel_loop3A_603 : vector<16xi32>
        %parallel_loop3A_605 = tpu.vector_load_idx %arg15[%parallel_loop3A_344, %parallel_loop3A_604] : memref<1600x32xf32, #tpu.memory_space<vmem>>[vector<16xi32>, vector<16xi32>], vector<16xf32>,
        %parallel_loop3A_606 = arith.addi %mul3A_276, %parallel_loop3A_604 : vector<16xi32>
        %parallel_loop3A_607 = tpu.vector_load_idx %arg13[%and3A_4, %parallel_loop3A_606] : memref<8x128xf32, #tpu.memory_space<vmem>>[vector<16xi32>, vector<16xi32>], vector<16xf32>,
        %parallel_loop3A_608 = arith.subf %parallel_loop3A_607, %parallel_loop3A_605 : vector<16xf32>
        %parallel_loop3A_609 = arith.mulf %parallel_loop3A_608, %parallel_loop3A_608 : vector<16xf32>
        %parallel_loop3A_610 = arith.addf %parallel_loop3A_598, %parallel_loop3A_609 : vector<16xf32>
        %parallel_loop3A_611 = arith.constant 22 : i32
        %parallel_loop3A_612 = vector.broadcast %parallel_loop3A_611 : i32 to vector<16xi32>
        %parallel_loop3A_613 = arith.addi %iota3A, %parallel_loop3A_612 : vector<16xi32>
        %parallel_loop3A_614 = arith.constant 31 : i32
        %parallel_loop3A_615 = vector.broadcast %parallel_loop3A_614 : i32 to vector<16xi32>
        %parallel_loop3A_616 = arith.andi %parallel_loop3A_613, %parallel_loop3A_615 : vector<16xi32>
        %parallel_loop3A_617 = tpu.vector_load_idx %arg15[%parallel_loop3A_344, %parallel_loop3A_616] : memref<1600x32xf32, #tpu.memory_space<vmem>>[vector<16xi32>, vector<16xi32>], vector<16xf32>,
        %parallel_loop3A_618 = arith.addi %mul3A_276, %parallel_loop3A_616 : vector<16xi32>
        %parallel_loop3A_619 = tpu.vector_load_idx %arg13[%and3A_4, %parallel_loop3A_618] : memref<8x128xf32, #tpu.memory_space<vmem>>[vector<16xi32>, vector<16xi32>], vector<16xf32>,
        %parallel_loop3A_620 = arith.subf %parallel_loop3A_619, %parallel_loop3A_617 : vector<16xf32>
        %parallel_loop3A_621 = arith.mulf %parallel_loop3A_620, %parallel_loop3A_620 : vector<16xf32>
        %parallel_loop3A_622 = arith.addf %parallel_loop3A_610, %parallel_loop3A_621 : vector<16xf32>
        %parallel_loop3A_623 = arith.constant 23 : i32
        %parallel_loop3A_624 = vector.broadcast %parallel_loop3A_623 : i32 to vector<16xi32>
        %parallel_loop3A_625 = arith.addi %iota3A, %parallel_loop3A_624 : vector<16xi32>
        %parallel_loop3A_626 = arith.constant 31 : i32
        %parallel_loop3A_627 = vector.broadcast %parallel_loop3A_626 : i32 to vector<16xi32>
        %parallel_loop3A_628 = arith.andi %parallel_loop3A_625, %parallel_loop3A_627 : vector<16xi32>
        %parallel_loop3A_629 = tpu.vector_load_idx %arg15[%parallel_loop3A_344, %parallel_loop3A_628] : memref<1600x32xf32, #tpu.memory_space<vmem>>[vector<16xi32>, vector<16xi32>], vector<16xf32>,
        %parallel_loop3A_630 = arith.addi %mul3A_276, %parallel_loop3A_628 : vector<16xi32>
        %parallel_loop3A_631 = tpu.vector_load_idx %arg13[%and3A_4, %parallel_loop3A_630] : memref<8x128xf32, #tpu.memory_space<vmem>>[vector<16xi32>, vector<16xi32>], vector<16xf32>,
        %parallel_loop3A_632 = arith.subf %parallel_loop3A_631, %parallel_loop3A_629 : vector<16xf32>
        %parallel_loop3A_633 = arith.mulf %parallel_loop3A_632, %parallel_loop3A_632 : vector<16xf32>
        %parallel_loop3A_634 = arith.addf %parallel_loop3A_622, %parallel_loop3A_633 : vector<16xf32>
        %parallel_loop3A_635 = arith.constant 24 : i32
        %parallel_loop3A_636 = vector.broadcast %parallel_loop3A_635 : i32 to vector<16xi32>
        %parallel_loop3A_637 = arith.addi %iota3A, %parallel_loop3A_636 : vector<16xi32>
        %parallel_loop3A_638 = arith.constant 31 : i32
        %parallel_loop3A_639 = vector.broadcast %parallel_loop3A_638 : i32 to vector<16xi32>
        %parallel_loop3A_640 = arith.andi %parallel_loop3A_637, %parallel_loop3A_639 : vector<16xi32>
        %parallel_loop3A_641 = tpu.vector_load_idx %arg15[%parallel_loop3A_344, %parallel_loop3A_640] : memref<1600x32xf32, #tpu.memory_space<vmem>>[vector<16xi32>, vector<16xi32>], vector<16xf32>,
        %parallel_loop3A_642 = arith.addi %mul3A_276, %parallel_loop3A_640 : vector<16xi32>
        %parallel_loop3A_643 = tpu.vector_load_idx %arg13[%and3A_4, %parallel_loop3A_642] : memref<8x128xf32, #tpu.memory_space<vmem>>[vector<16xi32>, vector<16xi32>], vector<16xf32>,
        %parallel_loop3A_644 = arith.subf %parallel_loop3A_643, %parallel_loop3A_641 : vector<16xf32>
        %parallel_loop3A_645 = arith.mulf %parallel_loop3A_644, %parallel_loop3A_644 : vector<16xf32>
        %parallel_loop3A_646 = arith.addf %parallel_loop3A_634, %parallel_loop3A_645 : vector<16xf32>
        %parallel_loop3A_647 = arith.constant 25 : i32
        %parallel_loop3A_648 = vector.broadcast %parallel_loop3A_647 : i32 to vector<16xi32>
        %parallel_loop3A_649 = arith.addi %iota3A, %parallel_loop3A_648 : vector<16xi32>
        %parallel_loop3A_650 = arith.constant 31 : i32
        %parallel_loop3A_651 = vector.broadcast %parallel_loop3A_650 : i32 to vector<16xi32>
        %parallel_loop3A_652 = arith.andi %parallel_loop3A_649, %parallel_loop3A_651 : vector<16xi32>
        %parallel_loop3A_653 = tpu.vector_load_idx %arg15[%parallel_loop3A_344, %parallel_loop3A_652] : memref<1600x32xf32, #tpu.memory_space<vmem>>[vector<16xi32>, vector<16xi32>], vector<16xf32>,
        %parallel_loop3A_654 = arith.addi %mul3A_276, %parallel_loop3A_652 : vector<16xi32>
        %parallel_loop3A_655 = tpu.vector_load_idx %arg13[%and3A_4, %parallel_loop3A_654] : memref<8x128xf32, #tpu.memory_space<vmem>>[vector<16xi32>, vector<16xi32>], vector<16xf32>,
        %parallel_loop3A_656 = arith.subf %parallel_loop3A_655, %parallel_loop3A_653 : vector<16xf32>
        %parallel_loop3A_657 = arith.mulf %parallel_loop3A_656, %parallel_loop3A_656 : vector<16xf32>
        %parallel_loop3A_658 = arith.addf %parallel_loop3A_646, %parallel_loop3A_657 : vector<16xf32>
        %parallel_loop3A_659 = arith.constant 26 : i32
        %parallel_loop3A_660 = vector.broadcast %parallel_loop3A_659 : i32 to vector<16xi32>
        %parallel_loop3A_661 = arith.addi %iota3A, %parallel_loop3A_660 : vector<16xi32>
        %parallel_loop3A_662 = arith.constant 31 : i32
        %parallel_loop3A_663 = vector.broadcast %parallel_loop3A_662 : i32 to vector<16xi32>
        %parallel_loop3A_664 = arith.andi %parallel_loop3A_661, %parallel_loop3A_663 : vector<16xi32>
        %parallel_loop3A_665 = tpu.vector_load_idx %arg15[%parallel_loop3A_344, %parallel_loop3A_664] : memref<1600x32xf32, #tpu.memory_space<vmem>>[vector<16xi32>, vector<16xi32>], vector<16xf32>,
        %parallel_loop3A_666 = arith.addi %mul3A_276, %parallel_loop3A_664 : vector<16xi32>
        %parallel_loop3A_667 = tpu.vector_load_idx %arg13[%and3A_4, %parallel_loop3A_666] : memref<8x128xf32, #tpu.memory_space<vmem>>[vector<16xi32>, vector<16xi32>], vector<16xf32>,
        %parallel_loop3A_668 = arith.subf %parallel_loop3A_667, %parallel_loop3A_665 : vector<16xf32>
        %parallel_loop3A_669 = arith.mulf %parallel_loop3A_668, %parallel_loop3A_668 : vector<16xf32>
        %parallel_loop3A_670 = arith.addf %parallel_loop3A_658, %parallel_loop3A_669 : vector<16xf32>
        %parallel_loop3A_671 = arith.constant 27 : i32
        %parallel_loop3A_672 = vector.broadcast %parallel_loop3A_671 : i32 to vector<16xi32>
        %parallel_loop3A_673 = arith.addi %iota3A, %parallel_loop3A_672 : vector<16xi32>
        %parallel_loop3A_674 = arith.constant 31 : i32
        %parallel_loop3A_675 = vector.broadcast %parallel_loop3A_674 : i32 to vector<16xi32>
        %parallel_loop3A_676 = arith.andi %parallel_loop3A_673, %parallel_loop3A_675 : vector<16xi32>
        %parallel_loop3A_677 = tpu.vector_load_idx %arg15[%parallel_loop3A_344, %parallel_loop3A_676] : memref<1600x32xf32, #tpu.memory_space<vmem>>[vector<16xi32>, vector<16xi32>], vector<16xf32>,
        %parallel_loop3A_678 = arith.addi %mul3A_276, %parallel_loop3A_676 : vector<16xi32>
        %parallel_loop3A_679 = tpu.vector_load_idx %arg13[%and3A_4, %parallel_loop3A_678] : memref<8x128xf32, #tpu.memory_space<vmem>>[vector<16xi32>, vector<16xi32>], vector<16xf32>,
        %parallel_loop3A_680 = arith.subf %parallel_loop3A_679, %parallel_loop3A_677 : vector<16xf32>
        %parallel_loop3A_681 = arith.mulf %parallel_loop3A_680, %parallel_loop3A_680 : vector<16xf32>
        %parallel_loop3A_682 = arith.addf %parallel_loop3A_670, %parallel_loop3A_681 : vector<16xf32>
        %parallel_loop3A_683 = arith.constant 28 : i32
        %parallel_loop3A_684 = vector.broadcast %parallel_loop3A_683 : i32 to vector<16xi32>
        %parallel_loop3A_685 = arith.addi %iota3A, %parallel_loop3A_684 : vector<16xi32>
        %parallel_loop3A_686 = arith.constant 31 : i32
        %parallel_loop3A_687 = vector.broadcast %parallel_loop3A_686 : i32 to vector<16xi32>
        %parallel_loop3A_688 = arith.andi %parallel_loop3A_685, %parallel_loop3A_687 : vector<16xi32>
        %parallel_loop3A_689 = tpu.vector_load_idx %arg15[%parallel_loop3A_344, %parallel_loop3A_688] : memref<1600x32xf32, #tpu.memory_space<vmem>>[vector<16xi32>, vector<16xi32>], vector<16xf32>,
        %parallel_loop3A_690 = arith.addi %mul3A_276, %parallel_loop3A_688 : vector<16xi32>
        %parallel_loop3A_691 = tpu.vector_load_idx %arg13[%and3A_4, %parallel_loop3A_690] : memref<8x128xf32, #tpu.memory_space<vmem>>[vector<16xi32>, vector<16xi32>], vector<16xf32>,
        %parallel_loop3A_692 = arith.subf %parallel_loop3A_691, %parallel_loop3A_689 : vector<16xf32>
        %parallel_loop3A_693 = arith.mulf %parallel_loop3A_692, %parallel_loop3A_692 : vector<16xf32>
        %parallel_loop3A_694 = arith.addf %parallel_loop3A_682, %parallel_loop3A_693 : vector<16xf32>
        %parallel_loop3A_695 = arith.constant 29 : i32
        %parallel_loop3A_696 = vector.broadcast %parallel_loop3A_695 : i32 to vector<16xi32>
        %parallel_loop3A_697 = arith.addi %iota3A, %parallel_loop3A_696 : vector<16xi32>
        %parallel_loop3A_698 = arith.constant 31 : i32
        %parallel_loop3A_699 = vector.broadcast %parallel_loop3A_698 : i32 to vector<16xi32>
        %parallel_loop3A_700 = arith.andi %parallel_loop3A_697, %parallel_loop3A_699 : vector<16xi32>
        %parallel_loop3A_701 = tpu.vector_load_idx %arg15[%parallel_loop3A_344, %parallel_loop3A_700] : memref<1600x32xf32, #tpu.memory_space<vmem>>[vector<16xi32>, vector<16xi32>], vector<16xf32>,
        %parallel_loop3A_702 = arith.addi %mul3A_276, %parallel_loop3A_700 : vector<16xi32>
        %parallel_loop3A_703 = tpu.vector_load_idx %arg13[%and3A_4, %parallel_loop3A_702] : memref<8x128xf32, #tpu.memory_space<vmem>>[vector<16xi32>, vector<16xi32>], vector<16xf32>,
        %parallel_loop3A_704 = arith.subf %parallel_loop3A_703, %parallel_loop3A_701 : vector<16xf32>
        %parallel_loop3A_705 = arith.mulf %parallel_loop3A_704, %parallel_loop3A_704 : vector<16xf32>
        %parallel_loop3A_706 = arith.addf %parallel_loop3A_694, %parallel_loop3A_705 : vector<16xf32>
        %parallel_loop3A_707 = arith.constant 30 : i32
        %parallel_loop3A_708 = vector.broadcast %parallel_loop3A_707 : i32 to vector<16xi32>
        %parallel_loop3A_709 = arith.addi %iota3A, %parallel_loop3A_708 : vector<16xi32>
        %parallel_loop3A_710 = arith.constant 31 : i32
        %parallel_loop3A_711 = vector.broadcast %parallel_loop3A_710 : i32 to vector<16xi32>
        %parallel_loop3A_712 = arith.andi %parallel_loop3A_709, %parallel_loop3A_711 : vector<16xi32>
        %parallel_loop3A_713 = tpu.vector_load_idx %arg15[%parallel_loop3A_344, %parallel_loop3A_712] : memref<1600x32xf32, #tpu.memory_space<vmem>>[vector<16xi32>, vector<16xi32>], vector<16xf32>,
        %parallel_loop3A_714 = arith.addi %mul3A_276, %parallel_loop3A_712 : vector<16xi32>
        %parallel_loop3A_715 = tpu.vector_load_idx %arg13[%and3A_4, %parallel_loop3A_714] : memref<8x128xf32, #tpu.memory_space<vmem>>[vector<16xi32>, vector<16xi32>], vector<16xf32>,
        %parallel_loop3A_716 = arith.subf %parallel_loop3A_715, %parallel_loop3A_713 : vector<16xf32>
        %parallel_loop3A_717 = arith.mulf %parallel_loop3A_716, %parallel_loop3A_716 : vector<16xf32>
        %parallel_loop3A_718 = arith.addf %parallel_loop3A_706, %parallel_loop3A_717 : vector<16xf32>
        %parallel_loop3A_719 = arith.constant 31 : i32
        %parallel_loop3A_720 = vector.broadcast %parallel_loop3A_719 : i32 to vector<16xi32>
        %parallel_loop3A_721 = arith.addi %iota3A, %parallel_loop3A_720 : vector<16xi32>
        %parallel_loop3A_722 = arith.constant 31 : i32
        %parallel_loop3A_723 = vector.broadcast %parallel_loop3A_722 : i32 to vector<16xi32>
        %parallel_loop3A_724 = arith.andi %parallel_loop3A_721, %parallel_loop3A_723 : vector<16xi32>
        %parallel_loop3A_725 = tpu.vector_load_idx %arg15[%parallel_loop3A_344, %parallel_loop3A_724] : memref<1600x32xf32, #tpu.memory_space<vmem>>[vector<16xi32>, vector<16xi32>], vector<16xf32>,
        %parallel_loop3A_726 = arith.addi %mul3A_276, %parallel_loop3A_724 : vector<16xi32>
        %parallel_loop3A_727 = tpu.vector_load_idx %arg13[%and3A_4, %parallel_loop3A_726] : memref<8x128xf32, #tpu.memory_space<vmem>>[vector<16xi32>, vector<16xi32>], vector<16xf32>,
        %parallel_loop3A_728 = arith.subf %parallel_loop3A_727, %parallel_loop3A_725 : vector<16xf32>
        %parallel_loop3A_729 = arith.mulf %parallel_loop3A_728, %parallel_loop3A_728 : vector<16xf32>
        %parallel_loop3A_730 = arith.addf %parallel_loop3A_718, %parallel_loop3A_729 : vector<16xf32>
        %parallel_loop3A_731 = vector.broadcast %parallel_loop3A_338 : i32 to vector<16xi32>
        %parallel_loop3A_732 = arith.addi %parallel_loop3A_731, %shift_right_arithmetic3A_6 : vector<16xi32>
        %parallel_loop3A_733 = arith.constant 0.000000e+00 : f32
        %parallel_loop3A_734 = vector.broadcast %parallel_loop3A_733 : f32 to vector<16xf32>
        %parallel_loop3A_735 = arith.subf %parallel_loop3A_734, %parallel_loop3A_730 : vector<16xf32>
        tpu.vector_store_idx %arg17[%and3A_4, %parallel_loop3A_732], %parallel_loop3A_735 : memref<8x200xf32, #tpu.memory_space<vmem>>[vector<16xi32>, vector<16xi32>], vector<16xf32>,
      } {sc.loop_unroll_factor = 8 : i64, sc.parallel_access}
      %mul3A_279 = arith.constant 8 : i32
      %mul3A_280 = arith.muli %add3A_241, %mul3A_279 : i32
      %add3A_281 = arith.addi %mul3A_2, %mul3A_280 : i32
      %dma_start3A_282 = arith.constant 0 : i32
      %dma_start3A_283 = tpu.memref_slice %arg6[%add3A_281, %dma_start3A_282] : memref<16384x200xf32, #tpu.memory_space<hbm>> -> memref<8x200xf32, #tpu.memory_space<hbm>>
      %dma_start3A_284 = arith.constant 0 : i32
      %dma_start3A_285 = tpu.memref_slice %arg6[%add3A_281, %dma_start3A_284] : memref<16384x200xf32, #tpu.memory_space<hbm>> -> memref<8x200xf32, #tpu.memory_space<hbm>>
      tpu.enqueue_dma source(%arg17 : memref<8x200xf32, #tpu.memory_space<vmem>>) target(%dma_start3A_285 : memref<8x200xf32, #tpu.memory_space<hbm>>) target_semaphore(%arg23 : memref<!tpu.dma_semaphore, #tpu.memory_space<semaphore_mem>>)
      %mul3A_286 = arith.constant 2 : i32
      %mul3A_287 = arith.muli %mul3A_286, %scan3A_237 : i32
      %add3A_288 = arith.constant 1 : i32
      %add3A_289 = arith.addi %mul3A_287, %add3A_288 : i32
      %dma_wait3A_290 = arith.constant 0 : i32
      %dma_wait3A_291 = arith.constant 0 : i32
      %dma_wait3A_292 = tpu.memref_slice %arg5[%dma_wait3A_290, %dma_wait3A_291] : memref<250000x128xf32, #tpu.memory_space<hbm>> -> memref<8x128xf32, #tpu.memory_space<hbm>>
      %dma_wait3A_293 = arith.constant 0 : i32
      %dma_wait3A_294 = arith.constant 0 : i32
      %dma_wait3A_295 = tpu.memref_slice %arg5[%dma_wait3A_293, %dma_wait3A_294] : memref<250000x128xf32, #tpu.memory_space<hbm>> -> memref<8x128xf32, #tpu.memory_space<hbm>>
      tpu.wait_dma2 semaphore(%arg22 : memref<!tpu.dma_semaphore, #tpu.memory_space<semaphore_mem>>) src(%dma_wait3A_295 : memref<8x128xf32, #tpu.memory_space<hbm>>) dst(%arg14 : memref<8x128xf32, #tpu.memory_space<vmem>>)
      %dma_wait3A_296 = arith.constant 0 : i32
      %dma_wait3A_297 = arith.constant 0 : i32
      %dma_wait3A_298 = tpu.memref_slice %arg4[%dma_wait3A_296, %dma_wait3A_297] : memref<1000000x32xf32, #tpu.memory_space<hbm>> -> memref<1600x32xf32, #tpu.memory_space<hbm>>
      %dma_wait3A_299 = arith.constant 0 : i32
      %dma_wait3A_300 = arith.constant 0 : i32
      %dma_wait3A_301 = tpu.memref_slice %arg4[%dma_wait3A_299, %dma_wait3A_300] : memref<1000000x32xf32, #tpu.memory_space<hbm>> -> memref<1600x32xf32, #tpu.memory_space<hbm>>
      tpu.wait_dma2 semaphore(%arg22 : memref<!tpu.dma_semaphore, #tpu.memory_space<semaphore_mem>>) src(%dma_wait3A_301 : memref<1600x32xf32, #tpu.memory_space<hbm>>) dst(%arg16 : memref<1600x32xf32, #tpu.memory_space<vmem>>)
      %add3A_302 = arith.constant 1 : i32
      %add3A_303 = arith.addi %add3A_289, %add3A_302 : i32
      %lt3A_304 = arith.constant 64 : i32
      %lt3A_305 = arith.cmpi slt, %add3A_303, %lt3A_304 : i32
      %convert_element_type3A_306 = arith.extui %lt3A_305 : i1 to i32
      %cond3A_307 = arith.constant 0 : i32
      %cond3A_308 = arith.cmpi ne, %convert_element_type3A_306, %cond3A_307 : i32
      scf.if %cond3A_308 {
        %dma_wait3A_338 = arith.constant 0 : i32
        %dma_wait3A_339 = tpu.memref_slice %arg2[%dma_wait3A_338] : memref<16384xi32, #tpu.memory_space<hbm>> -> memref<8xi32, #tpu.memory_space<hbm>>
        %dma_wait3A_340 = arith.constant 0 : i32
        %dma_wait3A_341 = tpu.memref_slice %arg2[%dma_wait3A_340] : memref<16384xi32, #tpu.memory_space<hbm>> -> memref<8xi32, #tpu.memory_space<hbm>>
        tpu.wait_dma2 semaphore(%arg19 : memref<!tpu.dma_semaphore, #tpu.memory_space<semaphore_mem>>) src(%dma_wait3A_341 : memref<8xi32, #tpu.memory_space<hbm>>) dst(%arg7 : memref<8xi32, #tpu.memory_space<vmem>>)
        %dma_wait3A_342 = arith.constant 0 : i32
        %dma_wait3A_343 = arith.constant 0 : i32
        %dma_wait3A_344 = arith.constant 0 : i32
        %dma_wait3A_345 = tpu.memref_slice %arg3[%dma_wait3A_342, %dma_wait3A_343, %dma_wait3A_344] : memref<16384x2x100xi32, #tpu.memory_space<hbm>> -> memref<8x2x100xi32, #tpu.memory_space<hbm>>
        %dma_wait3A_346 = arith.constant 0 : i32
        %dma_wait3A_347 = arith.constant 0 : i32
        %dma_wait3A_348 = arith.constant 0 : i32
        %dma_wait3A_349 = tpu.memref_slice %arg3[%dma_wait3A_346, %dma_wait3A_347, %dma_wait3A_348] : memref<16384x2x100xi32, #tpu.memory_space<hbm>> -> memref<8x2x100xi32, #tpu.memory_space<hbm>>
        tpu.wait_dma2 semaphore(%arg19 : memref<!tpu.dma_semaphore, #tpu.memory_space<semaphore_mem>>) src(%dma_wait3A_349 : memref<8x2x100xi32, #tpu.memory_space<hbm>>) dst(%arg11 : memref<8x2x100xi32, #tpu.memory_space<vmem>>)
        %gather3A_350 = tpu.vector_load_idx %arg7[%and3A_4] : memref<8xi32, #tpu.memory_space<vmem>>[vector<16xi32>], vector<16xi32>,
        %shift_right_arithmetic3A_351 = arith.constant 2 : i32
        %shift_right_arithmetic3A_352 = vector.broadcast %shift_right_arithmetic3A_351 : i32 to vector<16xi32>
        %shift_right_arithmetic3A_353 = arith.shrsi %gather3A_350, %shift_right_arithmetic3A_352 : vector<16xi32>
        tpu.vector_store_idx %arg9[%and3A_4], %shift_right_arithmetic3A_353 masked %lt3A_8 : memref<8xi32, #tpu.memory_space<vmem>>[vector<16xi32>], vector<16xi32>, vector<16xi1>
        %dma_start3A_354 = arith.constant 0 : i32
        %dma_start3A_355 = arith.constant 0 : i32
        %dma_start3A_356 = tpu.memref_slice %arg5[%dma_start3A_354, %dma_start3A_355] : memref<250000x128xf32, #tpu.memory_space<hbm>> -> memref<250000x128xf32, #tpu.memory_space<hbm>>
        tpu.enqueue_indirect_dma source(%dma_start3A_356 : memref<250000x128xf32, #tpu.memory_space<hbm>>) target(%arg13 : memref<8x128xf32, #tpu.memory_space<vmem>>) offsets(%arg9 : memref<8xi32, #tpu.memory_space<vmem>>) semaphore(%arg21 : memref<!tpu.dma_semaphore, #tpu.memory_space<semaphore_mem>>)
        %dma_start3A_357 = arith.constant 0 : i32
        %dma_start3A_358 = arith.constant 0 : i32
        %dma_start3A_359 = arith.constant 0 : i32
        %dma_start3A_360 = arith.constant 0 : i32
        %dma_start3A_361 = tpu.memref_slice %arg15[%dma_start3A_359, %dma_start3A_360] : memref<1600x32xf32, #tpu.memory_space<vmem>> -> memref<100x32xf32, #tpu.memory_space<vmem>>
        %dma_start3A_362 = arith.constant 0 : i32
        %dma_start3A_363 = tpu.memref_slice %arg11[%dma_start3A_357, %dma_start3A_358, %dma_start3A_362] : memref<8x2x100xi32, #tpu.memory_space<vmem>> -> memref<1x1x100xi32, #tpu.memory_space<vmem>>
        %dma_start3A_364 = tpu.memref_squeeze %dma_start3A_363 : memref<1x1x100xi32, #tpu.memory_space<vmem>> -> memref<100xi32, #tpu.memory_space<vmem>>
        %dma_start3A_365 = arith.constant 0 : i32
        %dma_start3A_366 = arith.constant 0 : i32
        %dma_start3A_367 = tpu.memref_slice %arg4[%dma_start3A_365, %dma_start3A_366] : memref<1000000x32xf32, #tpu.memory_space<hbm>> -> memref<1000000x32xf32, #tpu.memory_space<hbm>>
        tpu.enqueue_indirect_dma source(%dma_start3A_367 : memref<1000000x32xf32, #tpu.memory_space<hbm>>) target(%dma_start3A_361 : memref<100x32xf32, #tpu.memory_space<vmem>>) offsets(%dma_start3A_364 : memref<100xi32, #tpu.memory_space<vmem>>) semaphore(%arg21 : memref<!tpu.dma_semaphore, #tpu.memory_space<semaphore_mem>>)
        %dma_start3A_368 = arith.constant 0 : i32
        %dma_start3A_369 = arith.constant 1 : i32
        %dma_start3A_370 = arith.constant 100 : i32
        %dma_start3A_371 = arith.constant 0 : i32
        %dma_start3A_372 = tpu.memref_slice %arg15[%dma_start3A_370, %dma_start3A_371] : memref<1600x32xf32, #tpu.memory_space<vmem>> -> memref<100x32xf32, #tpu.memory_space<vmem>>
        %dma_start3A_373 = arith.constant 0 : i32
        %dma_start3A_374 = tpu.memref_slice %arg11[%dma_start3A_368, %dma_start3A_369, %dma_start3A_373] : memref<8x2x100xi32, #tpu.memory_space<vmem>> -> memref<1x1x100xi32, #tpu.memory_space<vmem>>
        %dma_start3A_375 = tpu.memref_squeeze %dma_start3A_374 : memref<1x1x100xi32, #tpu.memory_space<vmem>> -> memref<100xi32, #tpu.memory_space<vmem>>
        %dma_start3A_376 = arith.constant 0 : i32
        %dma_start3A_377 = arith.constant 0 : i32
        %dma_start3A_378 = tpu.memref_slice %arg4[%dma_start3A_376, %dma_start3A_377] : memref<1000000x32xf32, #tpu.memory_space<hbm>> -> memref<1000000x32xf32, #tpu.memory_space<hbm>>
        tpu.enqueue_indirect_dma source(%dma_start3A_378 : memref<1000000x32xf32, #tpu.memory_space<hbm>>) target(%dma_start3A_372 : memref<100x32xf32, #tpu.memory_space<vmem>>) offsets(%dma_start3A_375 : memref<100xi32, #tpu.memory_space<vmem>>) semaphore(%arg21 : memref<!tpu.dma_semaphore, #tpu.memory_space<semaphore_mem>>)
        %dma_start3A_379 = arith.constant 1 : i32
        %dma_start3A_380 = arith.constant 0 : i32
        %dma_start3A_381 = arith.constant 200 : i32
        %dma_start3A_382 = arith.constant 0 : i32
        %dma_start3A_383 = tpu.memref_slice %arg15[%dma_start3A_381, %dma_start3A_382] : memref<1600x32xf32, #tpu.memory_space<vmem>> -> memref<100x32xf32, #tpu.memory_space<vmem>>
        %dma_start3A_384 = arith.constant 0 : i32
        %dma_start3A_385 = tpu.memref_slice %arg11[%dma_start3A_379, %dma_start3A_380, %dma_start3A_384] : memref<8x2x100xi32, #tpu.memory_space<vmem>> -> memref<1x1x100xi32, #tpu.memory_space<vmem>>
        %dma_start3A_386 = tpu.memref_squeeze %dma_start3A_385 : memref<1x1x100xi32, #tpu.memory_space<vmem>> -> memref<100xi32, #tpu.memory_space<vmem>>
        %dma_start3A_387 = arith.constant 0 : i32
        %dma_start3A_388 = arith.constant 0 : i32
        %dma_start3A_389 = tpu.memref_slice %arg4[%dma_start3A_387, %dma_start3A_388] : memref<1000000x32xf32, #tpu.memory_space<hbm>> -> memref<1000000x32xf32, #tpu.memory_space<hbm>>
        tpu.enqueue_indirect_dma source(%dma_start3A_389 : memref<1000000x32xf32, #tpu.memory_space<hbm>>) target(%dma_start3A_383 : memref<100x32xf32, #tpu.memory_space<vmem>>) offsets(%dma_start3A_386 : memref<100xi32, #tpu.memory_space<vmem>>) semaphore(%arg21 : memref<!tpu.dma_semaphore, #tpu.memory_space<semaphore_mem>>)
        %dma_start3A_390 = arith.constant 1 : i32
        %dma_start3A_391 = arith.constant 1 : i32
        %dma_start3A_392 = arith.constant 300 : i32
        %dma_start3A_393 = arith.constant 0 : i32
        %dma_start3A_394 = tpu.memref_slice %arg15[%dma_start3A_392, %dma_start3A_393] : memref<1600x32xf32, #tpu.memory_space<vmem>> -> memref<100x32xf32, #tpu.memory_space<vmem>>
        %dma_start3A_395 = arith.constant 0 : i32
        %dma_start3A_396 = tpu.memref_slice %arg11[%dma_start3A_390, %dma_start3A_391, %dma_start3A_395] : memref<8x2x100xi32, #tpu.memory_space<vmem>> -> memref<1x1x100xi32, #tpu.memory_space<vmem>>
        %dma_start3A_397 = tpu.memref_squeeze %dma_start3A_396 : memref<1x1x100xi32, #tpu.memory_space<vmem>> -> memref<100xi32, #tpu.memory_space<vmem>>
        %dma_start3A_398 = arith.constant 0 : i32
        %dma_start3A_399 = arith.constant 0 : i32
        %dma_start3A_400 = tpu.memref_slice %arg4[%dma_start3A_398, %dma_start3A_399] : memref<1000000x32xf32, #tpu.memory_space<hbm>> -> memref<1000000x32xf32, #tpu.memory_space<hbm>>
        tpu.enqueue_indirect_dma source(%dma_start3A_400 : memref<1000000x32xf32, #tpu.memory_space<hbm>>) target(%dma_start3A_394 : memref<100x32xf32, #tpu.memory_space<vmem>>) offsets(%dma_start3A_397 : memref<100xi32, #tpu.memory_space<vmem>>) semaphore(%arg21 : memref<!tpu.dma_semaphore, #tpu.memory_space<semaphore_mem>>)
        %dma_start3A_401 = arith.constant 2 : i32
        %dma_start3A_402 = arith.constant 0 : i32
        %dma_start3A_403 = arith.constant 400 : i32
        %dma_start3A_404 = arith.constant 0 : i32
        %dma_start3A_405 = tpu.memref_slice %arg15[%dma_start3A_403, %dma_start3A_404] : memref<1600x32xf32, #tpu.memory_space<vmem>> -> memref<100x32xf32, #tpu.memory_space<vmem>>
        %dma_start3A_406 = arith.constant 0 : i32
        %dma_start3A_407 = tpu.memref_slice %arg11[%dma_start3A_401, %dma_start3A_402, %dma_start3A_406] : memref<8x2x100xi32, #tpu.memory_space<vmem>> -> memref<1x1x100xi32, #tpu.memory_space<vmem>>
        %dma_start3A_408 = tpu.memref_squeeze %dma_start3A_407 : memref<1x1x100xi32, #tpu.memory_space<vmem>> -> memref<100xi32, #tpu.memory_space<vmem>>
        %dma_start3A_409 = arith.constant 0 : i32
        %dma_start3A_410 = arith.constant 0 : i32
        %dma_start3A_411 = tpu.memref_slice %arg4[%dma_start3A_409, %dma_start3A_410] : memref<1000000x32xf32, #tpu.memory_space<hbm>> -> memref<1000000x32xf32, #tpu.memory_space<hbm>>
        tpu.enqueue_indirect_dma source(%dma_start3A_411 : memref<1000000x32xf32, #tpu.memory_space<hbm>>) target(%dma_start3A_405 : memref<100x32xf32, #tpu.memory_space<vmem>>) offsets(%dma_start3A_408 : memref<100xi32, #tpu.memory_space<vmem>>) semaphore(%arg21 : memref<!tpu.dma_semaphore, #tpu.memory_space<semaphore_mem>>)
        %dma_start3A_412 = arith.constant 2 : i32
        %dma_start3A_413 = arith.constant 1 : i32
        %dma_start3A_414 = arith.constant 500 : i32
        %dma_start3A_415 = arith.constant 0 : i32
        %dma_start3A_416 = tpu.memref_slice %arg15[%dma_start3A_414, %dma_start3A_415] : memref<1600x32xf32, #tpu.memory_space<vmem>> -> memref<100x32xf32, #tpu.memory_space<vmem>>
        %dma_start3A_417 = arith.constant 0 : i32
        %dma_start3A_418 = tpu.memref_slice %arg11[%dma_start3A_412, %dma_start3A_413, %dma_start3A_417] : memref<8x2x100xi32, #tpu.memory_space<vmem>> -> memref<1x1x100xi32, #tpu.memory_space<vmem>>
        %dma_start3A_419 = tpu.memref_squeeze %dma_start3A_418 : memref<1x1x100xi32, #tpu.memory_space<vmem>> -> memref<100xi32, #tpu.memory_space<vmem>>
        %dma_start3A_420 = arith.constant 0 : i32
        %dma_start3A_421 = arith.constant 0 : i32
        %dma_start3A_422 = tpu.memref_slice %arg4[%dma_start3A_420, %dma_start3A_421] : memref<1000000x32xf32, #tpu.memory_space<hbm>> -> memref<1000000x32xf32, #tpu.memory_space<hbm>>
        tpu.enqueue_indirect_dma source(%dma_start3A_422 : memref<1000000x32xf32, #tpu.memory_space<hbm>>) target(%dma_start3A_416 : memref<100x32xf32, #tpu.memory_space<vmem>>) offsets(%dma_start3A_419 : memref<100xi32, #tpu.memory_space<vmem>>) semaphore(%arg21 : memref<!tpu.dma_semaphore, #tpu.memory_space<semaphore_mem>>)
        %dma_start3A_423 = arith.constant 3 : i32
        %dma_start3A_424 = arith.constant 0 : i32
        %dma_start3A_425 = arith.constant 600 : i32
        %dma_start3A_426 = arith.constant 0 : i32
        %dma_start3A_427 = tpu.memref_slice %arg15[%dma_start3A_425, %dma_start3A_426] : memref<1600x32xf32, #tpu.memory_space<vmem>> -> memref<100x32xf32, #tpu.memory_space<vmem>>
        %dma_start3A_428 = arith.constant 0 : i32
        %dma_start3A_429 = tpu.memref_slice %arg11[%dma_start3A_423, %dma_start3A_424, %dma_start3A_428] : memref<8x2x100xi32, #tpu.memory_space<vmem>> -> memref<1x1x100xi32, #tpu.memory_space<vmem>>
        %dma_start3A_430 = tpu.memref_squeeze %dma_start3A_429 : memref<1x1x100xi32, #tpu.memory_space<vmem>> -> memref<100xi32, #tpu.memory_space<vmem>>
        %dma_start3A_431 = arith.constant 0 : i32
        %dma_start3A_432 = arith.constant 0 : i32
        %dma_start3A_433 = tpu.memref_slice %arg4[%dma_start3A_431, %dma_start3A_432] : memref<1000000x32xf32, #tpu.memory_space<hbm>> -> memref<1000000x32xf32, #tpu.memory_space<hbm>>
        tpu.enqueue_indirect_dma source(%dma_start3A_433 : memref<1000000x32xf32, #tpu.memory_space<hbm>>) target(%dma_start3A_427 : memref<100x32xf32, #tpu.memory_space<vmem>>) offsets(%dma_start3A_430 : memref<100xi32, #tpu.memory_space<vmem>>) semaphore(%arg21 : memref<!tpu.dma_semaphore, #tpu.memory_space<semaphore_mem>>)
        %dma_start3A_434 = arith.constant 3 : i32
        %dma_start3A_435 = arith.constant 1 : i32
        %dma_start3A_436 = arith.constant 700 : i32
        %dma_start3A_437 = arith.constant 0 : i32
        %dma_start3A_438 = tpu.memref_slice %arg15[%dma_start3A_436, %dma_start3A_437] : memref<1600x32xf32, #tpu.memory_space<vmem>> -> memref<100x32xf32, #tpu.memory_space<vmem>>
        %dma_start3A_439 = arith.constant 0 : i32
        %dma_start3A_440 = tpu.memref_slice %arg11[%dma_start3A_434, %dma_start3A_435, %dma_start3A_439] : memref<8x2x100xi32, #tpu.memory_space<vmem>> -> memref<1x1x100xi32, #tpu.memory_space<vmem>>
        %dma_start3A_441 = tpu.memref_squeeze %dma_start3A_440 : memref<1x1x100xi32, #tpu.memory_space<vmem>> -> memref<100xi32, #tpu.memory_space<vmem>>
        %dma_start3A_442 = arith.constant 0 : i32
        %dma_start3A_443 = arith.constant 0 : i32
        %dma_start3A_444 = tpu.memref_slice %arg4[%dma_start3A_442, %dma_start3A_443] : memref<1000000x32xf32, #tpu.memory_space<hbm>> -> memref<1000000x32xf32, #tpu.memory_space<hbm>>
        tpu.enqueue_indirect_dma source(%dma_start3A_444 : memref<1000000x32xf32, #tpu.memory_space<hbm>>) target(%dma_start3A_438 : memref<100x32xf32, #tpu.memory_space<vmem>>) offsets(%dma_start3A_441 : memref<100xi32, #tpu.memory_space<vmem>>) semaphore(%arg21 : memref<!tpu.dma_semaphore, #tpu.memory_space<semaphore_mem>>)
        %dma_start3A_445 = arith.constant 4 : i32
        %dma_start3A_446 = arith.constant 0 : i32
        %dma_start3A_447 = arith.constant 800 : i32
        %dma_start3A_448 = arith.constant 0 : i32
        %dma_start3A_449 = tpu.memref_slice %arg15[%dma_start3A_447, %dma_start3A_448] : memref<1600x32xf32, #tpu.memory_space<vmem>> -> memref<100x32xf32, #tpu.memory_space<vmem>>
        %dma_start3A_450 = arith.constant 0 : i32
        %dma_start3A_451 = tpu.memref_slice %arg11[%dma_start3A_445, %dma_start3A_446, %dma_start3A_450] : memref<8x2x100xi32, #tpu.memory_space<vmem>> -> memref<1x1x100xi32, #tpu.memory_space<vmem>>
        %dma_start3A_452 = tpu.memref_squeeze %dma_start3A_451 : memref<1x1x100xi32, #tpu.memory_space<vmem>> -> memref<100xi32, #tpu.memory_space<vmem>>
        %dma_start3A_453 = arith.constant 0 : i32
        %dma_start3A_454 = arith.constant 0 : i32
        %dma_start3A_455 = tpu.memref_slice %arg4[%dma_start3A_453, %dma_start3A_454] : memref<1000000x32xf32, #tpu.memory_space<hbm>> -> memref<1000000x32xf32, #tpu.memory_space<hbm>>
        tpu.enqueue_indirect_dma source(%dma_start3A_455 : memref<1000000x32xf32, #tpu.memory_space<hbm>>) target(%dma_start3A_449 : memref<100x32xf32, #tpu.memory_space<vmem>>) offsets(%dma_start3A_452 : memref<100xi32, #tpu.memory_space<vmem>>) semaphore(%arg21 : memref<!tpu.dma_semaphore, #tpu.memory_space<semaphore_mem>>)
        %dma_start3A_456 = arith.constant 4 : i32
        %dma_start3A_457 = arith.constant 1 : i32
        %dma_start3A_458 = arith.constant 900 : i32
        %dma_start3A_459 = arith.constant 0 : i32
        %dma_start3A_460 = tpu.memref_slice %arg15[%dma_start3A_458, %dma_start3A_459] : memref<1600x32xf32, #tpu.memory_space<vmem>> -> memref<100x32xf32, #tpu.memory_space<vmem>>
        %dma_start3A_461 = arith.constant 0 : i32
        %dma_start3A_462 = tpu.memref_slice %arg11[%dma_start3A_456, %dma_start3A_457, %dma_start3A_461] : memref<8x2x100xi32, #tpu.memory_space<vmem>> -> memref<1x1x100xi32, #tpu.memory_space<vmem>>
        %dma_start3A_463 = tpu.memref_squeeze %dma_start3A_462 : memref<1x1x100xi32, #tpu.memory_space<vmem>> -> memref<100xi32, #tpu.memory_space<vmem>>
        %dma_start3A_464 = arith.constant 0 : i32
        %dma_start3A_465 = arith.constant 0 : i32
        %dma_start3A_466 = tpu.memref_slice %arg4[%dma_start3A_464, %dma_start3A_465] : memref<1000000x32xf32, #tpu.memory_space<hbm>> -> memref<1000000x32xf32, #tpu.memory_space<hbm>>
        tpu.enqueue_indirect_dma source(%dma_start3A_466 : memref<1000000x32xf32, #tpu.memory_space<hbm>>) target(%dma_start3A_460 : memref<100x32xf32, #tpu.memory_space<vmem>>) offsets(%dma_start3A_463 : memref<100xi32, #tpu.memory_space<vmem>>) semaphore(%arg21 : memref<!tpu.dma_semaphore, #tpu.memory_space<semaphore_mem>>)
        %dma_start3A_467 = arith.constant 5 : i32
        %dma_start3A_468 = arith.constant 0 : i32
        %dma_start3A_469 = arith.constant 1000 : i32
        %dma_start3A_470 = arith.constant 0 : i32
        %dma_start3A_471 = tpu.memref_slice %arg15[%dma_start3A_469, %dma_start3A_470] : memref<1600x32xf32, #tpu.memory_space<vmem>> -> memref<100x32xf32, #tpu.memory_space<vmem>>
        %dma_start3A_472 = arith.constant 0 : i32
        %dma_start3A_473 = tpu.memref_slice %arg11[%dma_start3A_467, %dma_start3A_468, %dma_start3A_472] : memref<8x2x100xi32, #tpu.memory_space<vmem>> -> memref<1x1x100xi32, #tpu.memory_space<vmem>>
        %dma_start3A_474 = tpu.memref_squeeze %dma_start3A_473 : memref<1x1x100xi32, #tpu.memory_space<vmem>> -> memref<100xi32, #tpu.memory_space<vmem>>
        %dma_start3A_475 = arith.constant 0 : i32
        %dma_start3A_476 = arith.constant 0 : i32
        %dma_start3A_477 = tpu.memref_slice %arg4[%dma_start3A_475, %dma_start3A_476] : memref<1000000x32xf32, #tpu.memory_space<hbm>> -> memref<1000000x32xf32, #tpu.memory_space<hbm>>
        tpu.enqueue_indirect_dma source(%dma_start3A_477 : memref<1000000x32xf32, #tpu.memory_space<hbm>>) target(%dma_start3A_471 : memref<100x32xf32, #tpu.memory_space<vmem>>) offsets(%dma_start3A_474 : memref<100xi32, #tpu.memory_space<vmem>>) semaphore(%arg21 : memref<!tpu.dma_semaphore, #tpu.memory_space<semaphore_mem>>)
        %dma_start3A_478 = arith.constant 5 : i32
        %dma_start3A_479 = arith.constant 1 : i32
        %dma_start3A_480 = arith.constant 1100 : i32
        %dma_start3A_481 = arith.constant 0 : i32
        %dma_start3A_482 = tpu.memref_slice %arg15[%dma_start3A_480, %dma_start3A_481] : memref<1600x32xf32, #tpu.memory_space<vmem>> -> memref<100x32xf32, #tpu.memory_space<vmem>>
        %dma_start3A_483 = arith.constant 0 : i32
        %dma_start3A_484 = tpu.memref_slice %arg11[%dma_start3A_478, %dma_start3A_479, %dma_start3A_483] : memref<8x2x100xi32, #tpu.memory_space<vmem>> -> memref<1x1x100xi32, #tpu.memory_space<vmem>>
        %dma_start3A_485 = tpu.memref_squeeze %dma_start3A_484 : memref<1x1x100xi32, #tpu.memory_space<vmem>> -> memref<100xi32, #tpu.memory_space<vmem>>
        %dma_start3A_486 = arith.constant 0 : i32
        %dma_start3A_487 = arith.constant 0 : i32
        %dma_start3A_488 = tpu.memref_slice %arg4[%dma_start3A_486, %dma_start3A_487] : memref<1000000x32xf32, #tpu.memory_space<hbm>> -> memref<1000000x32xf32, #tpu.memory_space<hbm>>
        tpu.enqueue_indirect_dma source(%dma_start3A_488 : memref<1000000x32xf32, #tpu.memory_space<hbm>>) target(%dma_start3A_482 : memref<100x32xf32, #tpu.memory_space<vmem>>) offsets(%dma_start3A_485 : memref<100xi32, #tpu.memory_space<vmem>>) semaphore(%arg21 : memref<!tpu.dma_semaphore, #tpu.memory_space<semaphore_mem>>)
        %dma_start3A_489 = arith.constant 6 : i32
        %dma_start3A_490 = arith.constant 0 : i32
        %dma_start3A_491 = arith.constant 1200 : i32
        %dma_start3A_492 = arith.constant 0 : i32
        %dma_start3A_493 = tpu.memref_slice %arg15[%dma_start3A_491, %dma_start3A_492] : memref<1600x32xf32, #tpu.memory_space<vmem>> -> memref<100x32xf32, #tpu.memory_space<vmem>>
        %dma_start3A_494 = arith.constant 0 : i32
        %dma_start3A_495 = tpu.memref_slice %arg11[%dma_start3A_489, %dma_start3A_490, %dma_start3A_494] : memref<8x2x100xi32, #tpu.memory_space<vmem>> -> memref<1x1x100xi32, #tpu.memory_space<vmem>>
        %dma_start3A_496 = tpu.memref_squeeze %dma_start3A_495 : memref<1x1x100xi32, #tpu.memory_space<vmem>> -> memref<100xi32, #tpu.memory_space<vmem>>
        %dma_start3A_497 = arith.constant 0 : i32
        %dma_start3A_498 = arith.constant 0 : i32
        %dma_start3A_499 = tpu.memref_slice %arg4[%dma_start3A_497, %dma_start3A_498] : memref<1000000x32xf32, #tpu.memory_space<hbm>> -> memref<1000000x32xf32, #tpu.memory_space<hbm>>
        tpu.enqueue_indirect_dma source(%dma_start3A_499 : memref<1000000x32xf32, #tpu.memory_space<hbm>>) target(%dma_start3A_493 : memref<100x32xf32, #tpu.memory_space<vmem>>) offsets(%dma_start3A_496 : memref<100xi32, #tpu.memory_space<vmem>>) semaphore(%arg21 : memref<!tpu.dma_semaphore, #tpu.memory_space<semaphore_mem>>)
        %dma_start3A_500 = arith.constant 6 : i32
        %dma_start3A_501 = arith.constant 1 : i32
        %dma_start3A_502 = arith.constant 1300 : i32
        %dma_start3A_503 = arith.constant 0 : i32
        %dma_start3A_504 = tpu.memref_slice %arg15[%dma_start3A_502, %dma_start3A_503] : memref<1600x32xf32, #tpu.memory_space<vmem>> -> memref<100x32xf32, #tpu.memory_space<vmem>>
        %dma_start3A_505 = arith.constant 0 : i32
        %dma_start3A_506 = tpu.memref_slice %arg11[%dma_start3A_500, %dma_start3A_501, %dma_start3A_505] : memref<8x2x100xi32, #tpu.memory_space<vmem>> -> memref<1x1x100xi32, #tpu.memory_space<vmem>>
        %dma_start3A_507 = tpu.memref_squeeze %dma_start3A_506 : memref<1x1x100xi32, #tpu.memory_space<vmem>> -> memref<100xi32, #tpu.memory_space<vmem>>
        %dma_start3A_508 = arith.constant 0 : i32
        %dma_start3A_509 = arith.constant 0 : i32
        %dma_start3A_510 = tpu.memref_slice %arg4[%dma_start3A_508, %dma_start3A_509] : memref<1000000x32xf32, #tpu.memory_space<hbm>> -> memref<1000000x32xf32, #tpu.memory_space<hbm>>
        tpu.enqueue_indirect_dma source(%dma_start3A_510 : memref<1000000x32xf32, #tpu.memory_space<hbm>>) target(%dma_start3A_504 : memref<100x32xf32, #tpu.memory_space<vmem>>) offsets(%dma_start3A_507 : memref<100xi32, #tpu.memory_space<vmem>>) semaphore(%arg21 : memref<!tpu.dma_semaphore, #tpu.memory_space<semaphore_mem>>)
        %dma_start3A_511 = arith.constant 7 : i32
        %dma_start3A_512 = arith.constant 0 : i32
        %dma_start3A_513 = arith.constant 1400 : i32
        %dma_start3A_514 = arith.constant 0 : i32
        %dma_start3A_515 = tpu.memref_slice %arg15[%dma_start3A_513, %dma_start3A_514] : memref<1600x32xf32, #tpu.memory_space<vmem>> -> memref<100x32xf32, #tpu.memory_space<vmem>>
        %dma_start3A_516 = arith.constant 0 : i32
        %dma_start3A_517 = tpu.memref_slice %arg11[%dma_start3A_511, %dma_start3A_512, %dma_start3A_516] : memref<8x2x100xi32, #tpu.memory_space<vmem>> -> memref<1x1x100xi32, #tpu.memory_space<vmem>>
        %dma_start3A_518 = tpu.memref_squeeze %dma_start3A_517 : memref<1x1x100xi32, #tpu.memory_space<vmem>> -> memref<100xi32, #tpu.memory_space<vmem>>
        %dma_start3A_519 = arith.constant 0 : i32
        %dma_start3A_520 = arith.constant 0 : i32
        %dma_start3A_521 = tpu.memref_slice %arg4[%dma_start3A_519, %dma_start3A_520] : memref<1000000x32xf32, #tpu.memory_space<hbm>> -> memref<1000000x32xf32, #tpu.memory_space<hbm>>
        tpu.enqueue_indirect_dma source(%dma_start3A_521 : memref<1000000x32xf32, #tpu.memory_space<hbm>>) target(%dma_start3A_515 : memref<100x32xf32, #tpu.memory_space<vmem>>) offsets(%dma_start3A_518 : memref<100xi32, #tpu.memory_space<vmem>>) semaphore(%arg21 : memref<!tpu.dma_semaphore, #tpu.memory_space<semaphore_mem>>)
        %dma_start3A_522 = arith.constant 7 : i32
        %dma_start3A_523 = arith.constant 1 : i32
        %dma_start3A_524 = arith.constant 1500 : i32
        %dma_start3A_525 = arith.constant 0 : i32
        %dma_start3A_526 = tpu.memref_slice %arg15[%dma_start3A_524, %dma_start3A_525] : memref<1600x32xf32, #tpu.memory_space<vmem>> -> memref<100x32xf32, #tpu.memory_space<vmem>>
        %dma_start3A_527 = arith.constant 0 : i32
        %dma_start3A_528 = tpu.memref_slice %arg11[%dma_start3A_522, %dma_start3A_523, %dma_start3A_527] : memref<8x2x100xi32, #tpu.memory_space<vmem>> -> memref<1x1x100xi32, #tpu.memory_space<vmem>>
        %dma_start3A_529 = tpu.memref_squeeze %dma_start3A_528 : memref<1x1x100xi32, #tpu.memory_space<vmem>> -> memref<100xi32, #tpu.memory_space<vmem>>
        %dma_start3A_530 = arith.constant 0 : i32
        %dma_start3A_531 = arith.constant 0 : i32
        %dma_start3A_532 = tpu.memref_slice %arg4[%dma_start3A_530, %dma_start3A_531] : memref<1000000x32xf32, #tpu.memory_space<hbm>> -> memref<1000000x32xf32, #tpu.memory_space<hbm>>
        tpu.enqueue_indirect_dma source(%dma_start3A_532 : memref<1000000x32xf32, #tpu.memory_space<hbm>>) target(%dma_start3A_526 : memref<100x32xf32, #tpu.memory_space<vmem>>) offsets(%dma_start3A_529 : memref<100xi32, #tpu.memory_space<vmem>>) semaphore(%arg21 : memref<!tpu.dma_semaphore, #tpu.memory_space<semaphore_mem>>)
      } else {
      }
      %add3A_309 = arith.constant 2 : i32
      %add3A_310 = arith.addi %add3A_289, %add3A_309 : i32
      %lt3A_311 = arith.constant 64 : i32
      %lt3A_312 = arith.cmpi slt, %add3A_310, %lt3A_311 : i32
      %convert_element_type3A_313 = arith.extui %lt3A_312 : i1 to i32
      %cond3A_314 = arith.constant 0 : i32
      %cond3A_315 = arith.cmpi ne, %convert_element_type3A_313, %cond3A_314 : i32
      scf.if %cond3A_315 {
        %add3A_338 = arith.constant 2 : i32
        %add3A_339 = arith.addi %add3A_289, %add3A_338 : i32
        %mul3A_340 = arith.constant 8 : i32
        %mul3A_341 = arith.muli %add3A_339, %mul3A_340 : i32
        %add3A_342 = arith.addi %mul3A_2, %mul3A_341 : i32
        %dma_start3A_343 = tpu.memref_slice %arg2[%add3A_342] : memref<16384xi32, #tpu.memory_space<hbm>> -> memref<8xi32, #tpu.memory_space<hbm>>
        %dma_start3A_344 = tpu.memref_slice %arg2[%add3A_342] : memref<16384xi32, #tpu.memory_space<hbm>> -> memref<8xi32, #tpu.memory_space<hbm>>
        tpu.enqueue_dma source(%dma_start3A_344 : memref<8xi32, #tpu.memory_space<hbm>>) target(%arg8 : memref<8xi32, #tpu.memory_space<vmem>>) target_semaphore(%arg20 : memref<!tpu.dma_semaphore, #tpu.memory_space<semaphore_mem>>)
        %dma_start3A_345 = arith.constant 0 : i32
        %dma_start3A_346 = arith.constant 0 : i32
        %dma_start3A_347 = tpu.memref_slice %arg3[%add3A_342, %dma_start3A_345, %dma_start3A_346] : memref<16384x2x100xi32, #tpu.memory_space<hbm>> -> memref<8x2x100xi32, #tpu.memory_space<hbm>>
        %dma_start3A_348 = arith.constant 0 : i32
        %dma_start3A_349 = arith.constant 0 : i32
        %dma_start3A_350 = tpu.memref_slice %arg3[%add3A_342, %dma_start3A_348, %dma_start3A_349] : memref<16384x2x100xi32, #tpu.memory_space<hbm>> -> memref<8x2x100xi32, #tpu.memory_space<hbm>>
        tpu.enqueue_dma source(%dma_start3A_350 : memref<8x2x100xi32, #tpu.memory_space<hbm>>) target(%arg12 : memref<8x2x100xi32, #tpu.memory_space<vmem>>) target_semaphore(%arg20 : memref<!tpu.dma_semaphore, #tpu.memory_space<semaphore_mem>>)
      } else {
      }
      %ge3A_316 = arith.constant 2 : i32
      %ge3A_317 = arith.cmpi sge, %add3A_289, %ge3A_316 : i32
      %convert_element_type3A_318 = arith.extui %ge3A_317 : i1 to i32
      %cond3A_319 = arith.constant 0 : i32
      %cond3A_320 = arith.cmpi ne, %convert_element_type3A_318, %cond3A_319 : i32
      scf.if %cond3A_320 {
        %dma_wait3A_338 = arith.constant 0 : i32
        %dma_wait3A_339 = arith.constant 0 : i32
        %dma_wait3A_340 = tpu.memref_slice %arg6[%dma_wait3A_338, %dma_wait3A_339] : memref<16384x200xf32, #tpu.memory_space<hbm>> -> memref<8x200xf32, #tpu.memory_space<hbm>>
        %dma_wait3A_341 = arith.constant 0 : i32
        %dma_wait3A_342 = arith.constant 0 : i32
        %dma_wait3A_343 = tpu.memref_slice %arg6[%dma_wait3A_341, %dma_wait3A_342] : memref<16384x200xf32, #tpu.memory_space<hbm>> -> memref<8x200xf32, #tpu.memory_space<hbm>>
        tpu.wait_dma2 semaphore(%arg24 : memref<!tpu.dma_semaphore, #tpu.memory_space<semaphore_mem>>) src(%arg18 : memref<8x200xf32, #tpu.memory_space<vmem>>) dst(%dma_wait3A_343 : memref<8x200xf32, #tpu.memory_space<hbm>>)
      } else {
      }
      %gather3A_321 = tpu.vector_load_idx %arg8[%and3A_4] : memref<8xi32, #tpu.memory_space<vmem>>[vector<16xi32>], vector<16xi32>,
      %and3A_322 = arith.constant 3 : i32
      %and3A_323 = vector.broadcast %and3A_322 : i32 to vector<16xi32>
      %and3A_324 = arith.andi %gather3A_321, %and3A_323 : vector<16xi32>
      %mul3A_325 = arith.constant 32 : i32
      %mul3A_326 = vector.broadcast %mul3A_325 : i32 to vector<16xi32>
      %mul3A_327 = arith.muli %and3A_324, %mul3A_326 : vector<16xi32>
      %parallel_loop3A_328 = arith.constant 0 : i32
      %parallel_loop3A_329 = arith.constant 200 : i32
      %parallel_loop3A_330 = arith.constant 2 : i32
      scf.for %parallel_loop3A_338 = %parallel_loop3A_328 to %parallel_loop3A_329 step %parallel_loop3A_330  : i32 {
        %parallel_loop3A_339 = arith.constant 200 : i32
        %parallel_loop3A_340 = vector.broadcast %parallel_loop3A_339 : i32 to vector<16xi32>
        %parallel_loop3A_341 = arith.muli %and3A_4, %parallel_loop3A_340 : vector<16xi32>
        %parallel_loop3A_342 = vector.broadcast %parallel_loop3A_338 : i32 to vector<16xi32>
        %parallel_loop3A_343 = arith.addi %parallel_loop3A_342, %shift_right_arithmetic3A_6 : vector<16xi32>
        %parallel_loop3A_344 = arith.addi %parallel_loop3A_341, %parallel_loop3A_343 : vector<16xi32>
        %parallel_loop3A_345 = arith.constant 0.000000e+00 : f32
        %parallel_loop3A_346 = vector.broadcast %parallel_loop3A_345 : f32 to vector<16xf32>
        %parallel_loop3A_347 = arith.constant 0 : i32
        %parallel_loop3A_348 = vector.broadcast %parallel_loop3A_347 : i32 to vector<16xi32>
        %parallel_loop3A_349 = arith.addi %iota3A, %parallel_loop3A_348 : vector<16xi32>
        %parallel_loop3A_350 = arith.constant 31 : i32
        %parallel_loop3A_351 = vector.broadcast %parallel_loop3A_350 : i32 to vector<16xi32>
        %parallel_loop3A_352 = arith.andi %parallel_loop3A_349, %parallel_loop3A_351 : vector<16xi32>
        %parallel_loop3A_353 = tpu.vector_load_idx %arg16[%parallel_loop3A_344, %parallel_loop3A_352] : memref<1600x32xf32, #tpu.memory_space<vmem>>[vector<16xi32>, vector<16xi32>], vector<16xf32>,
        %parallel_loop3A_354 = arith.addi %mul3A_327, %parallel_loop3A_352 : vector<16xi32>
        %parallel_loop3A_355 = tpu.vector_load_idx %arg14[%and3A_4, %parallel_loop3A_354] : memref<8x128xf32, #tpu.memory_space<vmem>>[vector<16xi32>, vector<16xi32>], vector<16xf32>,
        %parallel_loop3A_356 = arith.subf %parallel_loop3A_355, %parallel_loop3A_353 : vector<16xf32>
        %parallel_loop3A_357 = arith.mulf %parallel_loop3A_356, %parallel_loop3A_356 : vector<16xf32>
        %parallel_loop3A_358 = arith.addf %parallel_loop3A_346, %parallel_loop3A_357 : vector<16xf32>
        %parallel_loop3A_359 = arith.constant 1 : i32
        %parallel_loop3A_360 = vector.broadcast %parallel_loop3A_359 : i32 to vector<16xi32>
        %parallel_loop3A_361 = arith.addi %iota3A, %parallel_loop3A_360 : vector<16xi32>
        %parallel_loop3A_362 = arith.constant 31 : i32
        %parallel_loop3A_363 = vector.broadcast %parallel_loop3A_362 : i32 to vector<16xi32>
        %parallel_loop3A_364 = arith.andi %parallel_loop3A_361, %parallel_loop3A_363 : vector<16xi32>
        %parallel_loop3A_365 = tpu.vector_load_idx %arg16[%parallel_loop3A_344, %parallel_loop3A_364] : memref<1600x32xf32, #tpu.memory_space<vmem>>[vector<16xi32>, vector<16xi32>], vector<16xf32>,
        %parallel_loop3A_366 = arith.addi %mul3A_327, %parallel_loop3A_364 : vector<16xi32>
        %parallel_loop3A_367 = tpu.vector_load_idx %arg14[%and3A_4, %parallel_loop3A_366] : memref<8x128xf32, #tpu.memory_space<vmem>>[vector<16xi32>, vector<16xi32>], vector<16xf32>,
        %parallel_loop3A_368 = arith.subf %parallel_loop3A_367, %parallel_loop3A_365 : vector<16xf32>
        %parallel_loop3A_369 = arith.mulf %parallel_loop3A_368, %parallel_loop3A_368 : vector<16xf32>
        %parallel_loop3A_370 = arith.addf %parallel_loop3A_358, %parallel_loop3A_369 : vector<16xf32>
        %parallel_loop3A_371 = arith.constant 2 : i32
        %parallel_loop3A_372 = vector.broadcast %parallel_loop3A_371 : i32 to vector<16xi32>
        %parallel_loop3A_373 = arith.addi %iota3A, %parallel_loop3A_372 : vector<16xi32>
        %parallel_loop3A_374 = arith.constant 31 : i32
        %parallel_loop3A_375 = vector.broadcast %parallel_loop3A_374 : i32 to vector<16xi32>
        %parallel_loop3A_376 = arith.andi %parallel_loop3A_373, %parallel_loop3A_375 : vector<16xi32>
        %parallel_loop3A_377 = tpu.vector_load_idx %arg16[%parallel_loop3A_344, %parallel_loop3A_376] : memref<1600x32xf32, #tpu.memory_space<vmem>>[vector<16xi32>, vector<16xi32>], vector<16xf32>,
        %parallel_loop3A_378 = arith.addi %mul3A_327, %parallel_loop3A_376 : vector<16xi32>
        %parallel_loop3A_379 = tpu.vector_load_idx %arg14[%and3A_4, %parallel_loop3A_378] : memref<8x128xf32, #tpu.memory_space<vmem>>[vector<16xi32>, vector<16xi32>], vector<16xf32>,
        %parallel_loop3A_380 = arith.subf %parallel_loop3A_379, %parallel_loop3A_377 : vector<16xf32>
        %parallel_loop3A_381 = arith.mulf %parallel_loop3A_380, %parallel_loop3A_380 : vector<16xf32>
        %parallel_loop3A_382 = arith.addf %parallel_loop3A_370, %parallel_loop3A_381 : vector<16xf32>
        %parallel_loop3A_383 = arith.constant 3 : i32
        %parallel_loop3A_384 = vector.broadcast %parallel_loop3A_383 : i32 to vector<16xi32>
        %parallel_loop3A_385 = arith.addi %iota3A, %parallel_loop3A_384 : vector<16xi32>
        %parallel_loop3A_386 = arith.constant 31 : i32
        %parallel_loop3A_387 = vector.broadcast %parallel_loop3A_386 : i32 to vector<16xi32>
        %parallel_loop3A_388 = arith.andi %parallel_loop3A_385, %parallel_loop3A_387 : vector<16xi32>
        %parallel_loop3A_389 = tpu.vector_load_idx %arg16[%parallel_loop3A_344, %parallel_loop3A_388] : memref<1600x32xf32, #tpu.memory_space<vmem>>[vector<16xi32>, vector<16xi32>], vector<16xf32>,
        %parallel_loop3A_390 = arith.addi %mul3A_327, %parallel_loop3A_388 : vector<16xi32>
        %parallel_loop3A_391 = tpu.vector_load_idx %arg14[%and3A_4, %parallel_loop3A_390] : memref<8x128xf32, #tpu.memory_space<vmem>>[vector<16xi32>, vector<16xi32>], vector<16xf32>,
        %parallel_loop3A_392 = arith.subf %parallel_loop3A_391, %parallel_loop3A_389 : vector<16xf32>
        %parallel_loop3A_393 = arith.mulf %parallel_loop3A_392, %parallel_loop3A_392 : vector<16xf32>
        %parallel_loop3A_394 = arith.addf %parallel_loop3A_382, %parallel_loop3A_393 : vector<16xf32>
        %parallel_loop3A_395 = arith.constant 4 : i32
        %parallel_loop3A_396 = vector.broadcast %parallel_loop3A_395 : i32 to vector<16xi32>
        %parallel_loop3A_397 = arith.addi %iota3A, %parallel_loop3A_396 : vector<16xi32>
        %parallel_loop3A_398 = arith.constant 31 : i32
        %parallel_loop3A_399 = vector.broadcast %parallel_loop3A_398 : i32 to vector<16xi32>
        %parallel_loop3A_400 = arith.andi %parallel_loop3A_397, %parallel_loop3A_399 : vector<16xi32>
        %parallel_loop3A_401 = tpu.vector_load_idx %arg16[%parallel_loop3A_344, %parallel_loop3A_400] : memref<1600x32xf32, #tpu.memory_space<vmem>>[vector<16xi32>, vector<16xi32>], vector<16xf32>,
        %parallel_loop3A_402 = arith.addi %mul3A_327, %parallel_loop3A_400 : vector<16xi32>
        %parallel_loop3A_403 = tpu.vector_load_idx %arg14[%and3A_4, %parallel_loop3A_402] : memref<8x128xf32, #tpu.memory_space<vmem>>[vector<16xi32>, vector<16xi32>], vector<16xf32>,
        %parallel_loop3A_404 = arith.subf %parallel_loop3A_403, %parallel_loop3A_401 : vector<16xf32>
        %parallel_loop3A_405 = arith.mulf %parallel_loop3A_404, %parallel_loop3A_404 : vector<16xf32>
        %parallel_loop3A_406 = arith.addf %parallel_loop3A_394, %parallel_loop3A_405 : vector<16xf32>
        %parallel_loop3A_407 = arith.constant 5 : i32
        %parallel_loop3A_408 = vector.broadcast %parallel_loop3A_407 : i32 to vector<16xi32>
        %parallel_loop3A_409 = arith.addi %iota3A, %parallel_loop3A_408 : vector<16xi32>
        %parallel_loop3A_410 = arith.constant 31 : i32
        %parallel_loop3A_411 = vector.broadcast %parallel_loop3A_410 : i32 to vector<16xi32>
        %parallel_loop3A_412 = arith.andi %parallel_loop3A_409, %parallel_loop3A_411 : vector<16xi32>
        %parallel_loop3A_413 = tpu.vector_load_idx %arg16[%parallel_loop3A_344, %parallel_loop3A_412] : memref<1600x32xf32, #tpu.memory_space<vmem>>[vector<16xi32>, vector<16xi32>], vector<16xf32>,
        %parallel_loop3A_414 = arith.addi %mul3A_327, %parallel_loop3A_412 : vector<16xi32>
        %parallel_loop3A_415 = tpu.vector_load_idx %arg14[%and3A_4, %parallel_loop3A_414] : memref<8x128xf32, #tpu.memory_space<vmem>>[vector<16xi32>, vector<16xi32>], vector<16xf32>,
        %parallel_loop3A_416 = arith.subf %parallel_loop3A_415, %parallel_loop3A_413 : vector<16xf32>
        %parallel_loop3A_417 = arith.mulf %parallel_loop3A_416, %parallel_loop3A_416 : vector<16xf32>
        %parallel_loop3A_418 = arith.addf %parallel_loop3A_406, %parallel_loop3A_417 : vector<16xf32>
        %parallel_loop3A_419 = arith.constant 6 : i32
        %parallel_loop3A_420 = vector.broadcast %parallel_loop3A_419 : i32 to vector<16xi32>
        %parallel_loop3A_421 = arith.addi %iota3A, %parallel_loop3A_420 : vector<16xi32>
        %parallel_loop3A_422 = arith.constant 31 : i32
        %parallel_loop3A_423 = vector.broadcast %parallel_loop3A_422 : i32 to vector<16xi32>
        %parallel_loop3A_424 = arith.andi %parallel_loop3A_421, %parallel_loop3A_423 : vector<16xi32>
        %parallel_loop3A_425 = tpu.vector_load_idx %arg16[%parallel_loop3A_344, %parallel_loop3A_424] : memref<1600x32xf32, #tpu.memory_space<vmem>>[vector<16xi32>, vector<16xi32>], vector<16xf32>,
        %parallel_loop3A_426 = arith.addi %mul3A_327, %parallel_loop3A_424 : vector<16xi32>
        %parallel_loop3A_427 = tpu.vector_load_idx %arg14[%and3A_4, %parallel_loop3A_426] : memref<8x128xf32, #tpu.memory_space<vmem>>[vector<16xi32>, vector<16xi32>], vector<16xf32>,
        %parallel_loop3A_428 = arith.subf %parallel_loop3A_427, %parallel_loop3A_425 : vector<16xf32>
        %parallel_loop3A_429 = arith.mulf %parallel_loop3A_428, %parallel_loop3A_428 : vector<16xf32>
        %parallel_loop3A_430 = arith.addf %parallel_loop3A_418, %parallel_loop3A_429 : vector<16xf32>
        %parallel_loop3A_431 = arith.constant 7 : i32
        %parallel_loop3A_432 = vector.broadcast %parallel_loop3A_431 : i32 to vector<16xi32>
        %parallel_loop3A_433 = arith.addi %iota3A, %parallel_loop3A_432 : vector<16xi32>
        %parallel_loop3A_434 = arith.constant 31 : i32
        %parallel_loop3A_435 = vector.broadcast %parallel_loop3A_434 : i32 to vector<16xi32>
        %parallel_loop3A_436 = arith.andi %parallel_loop3A_433, %parallel_loop3A_435 : vector<16xi32>
        %parallel_loop3A_437 = tpu.vector_load_idx %arg16[%parallel_loop3A_344, %parallel_loop3A_436] : memref<1600x32xf32, #tpu.memory_space<vmem>>[vector<16xi32>, vector<16xi32>], vector<16xf32>,
        %parallel_loop3A_438 = arith.addi %mul3A_327, %parallel_loop3A_436 : vector<16xi32>
        %parallel_loop3A_439 = tpu.vector_load_idx %arg14[%and3A_4, %parallel_loop3A_438] : memref<8x128xf32, #tpu.memory_space<vmem>>[vector<16xi32>, vector<16xi32>], vector<16xf32>,
        %parallel_loop3A_440 = arith.subf %parallel_loop3A_439, %parallel_loop3A_437 : vector<16xf32>
        %parallel_loop3A_441 = arith.mulf %parallel_loop3A_440, %parallel_loop3A_440 : vector<16xf32>
        %parallel_loop3A_442 = arith.addf %parallel_loop3A_430, %parallel_loop3A_441 : vector<16xf32>
        %parallel_loop3A_443 = arith.constant 8 : i32
        %parallel_loop3A_444 = vector.broadcast %parallel_loop3A_443 : i32 to vector<16xi32>
        %parallel_loop3A_445 = arith.addi %iota3A, %parallel_loop3A_444 : vector<16xi32>
        %parallel_loop3A_446 = arith.constant 31 : i32
        %parallel_loop3A_447 = vector.broadcast %parallel_loop3A_446 : i32 to vector<16xi32>
        %parallel_loop3A_448 = arith.andi %parallel_loop3A_445, %parallel_loop3A_447 : vector<16xi32>
        %parallel_loop3A_449 = tpu.vector_load_idx %arg16[%parallel_loop3A_344, %parallel_loop3A_448] : memref<1600x32xf32, #tpu.memory_space<vmem>>[vector<16xi32>, vector<16xi32>], vector<16xf32>,
        %parallel_loop3A_450 = arith.addi %mul3A_327, %parallel_loop3A_448 : vector<16xi32>
        %parallel_loop3A_451 = tpu.vector_load_idx %arg14[%and3A_4, %parallel_loop3A_450] : memref<8x128xf32, #tpu.memory_space<vmem>>[vector<16xi32>, vector<16xi32>], vector<16xf32>,
        %parallel_loop3A_452 = arith.subf %parallel_loop3A_451, %parallel_loop3A_449 : vector<16xf32>
        %parallel_loop3A_453 = arith.mulf %parallel_loop3A_452, %parallel_loop3A_452 : vector<16xf32>
        %parallel_loop3A_454 = arith.addf %parallel_loop3A_442, %parallel_loop3A_453 : vector<16xf32>
        %parallel_loop3A_455 = arith.constant 9 : i32
        %parallel_loop3A_456 = vector.broadcast %parallel_loop3A_455 : i32 to vector<16xi32>
        %parallel_loop3A_457 = arith.addi %iota3A, %parallel_loop3A_456 : vector<16xi32>
        %parallel_loop3A_458 = arith.constant 31 : i32
        %parallel_loop3A_459 = vector.broadcast %parallel_loop3A_458 : i32 to vector<16xi32>
        %parallel_loop3A_460 = arith.andi %parallel_loop3A_457, %parallel_loop3A_459 : vector<16xi32>
        %parallel_loop3A_461 = tpu.vector_load_idx %arg16[%parallel_loop3A_344, %parallel_loop3A_460] : memref<1600x32xf32, #tpu.memory_space<vmem>>[vector<16xi32>, vector<16xi32>], vector<16xf32>,
        %parallel_loop3A_462 = arith.addi %mul3A_327, %parallel_loop3A_460 : vector<16xi32>
        %parallel_loop3A_463 = tpu.vector_load_idx %arg14[%and3A_4, %parallel_loop3A_462] : memref<8x128xf32, #tpu.memory_space<vmem>>[vector<16xi32>, vector<16xi32>], vector<16xf32>,
        %parallel_loop3A_464 = arith.subf %parallel_loop3A_463, %parallel_loop3A_461 : vector<16xf32>
        %parallel_loop3A_465 = arith.mulf %parallel_loop3A_464, %parallel_loop3A_464 : vector<16xf32>
        %parallel_loop3A_466 = arith.addf %parallel_loop3A_454, %parallel_loop3A_465 : vector<16xf32>
        %parallel_loop3A_467 = arith.constant 10 : i32
        %parallel_loop3A_468 = vector.broadcast %parallel_loop3A_467 : i32 to vector<16xi32>
        %parallel_loop3A_469 = arith.addi %iota3A, %parallel_loop3A_468 : vector<16xi32>
        %parallel_loop3A_470 = arith.constant 31 : i32
        %parallel_loop3A_471 = vector.broadcast %parallel_loop3A_470 : i32 to vector<16xi32>
        %parallel_loop3A_472 = arith.andi %parallel_loop3A_469, %parallel_loop3A_471 : vector<16xi32>
        %parallel_loop3A_473 = tpu.vector_load_idx %arg16[%parallel_loop3A_344, %parallel_loop3A_472] : memref<1600x32xf32, #tpu.memory_space<vmem>>[vector<16xi32>, vector<16xi32>], vector<16xf32>,
        %parallel_loop3A_474 = arith.addi %mul3A_327, %parallel_loop3A_472 : vector<16xi32>
        %parallel_loop3A_475 = tpu.vector_load_idx %arg14[%and3A_4, %parallel_loop3A_474] : memref<8x128xf32, #tpu.memory_space<vmem>>[vector<16xi32>, vector<16xi32>], vector<16xf32>,
        %parallel_loop3A_476 = arith.subf %parallel_loop3A_475, %parallel_loop3A_473 : vector<16xf32>
        %parallel_loop3A_477 = arith.mulf %parallel_loop3A_476, %parallel_loop3A_476 : vector<16xf32>
        %parallel_loop3A_478 = arith.addf %parallel_loop3A_466, %parallel_loop3A_477 : vector<16xf32>
        %parallel_loop3A_479 = arith.constant 11 : i32
        %parallel_loop3A_480 = vector.broadcast %parallel_loop3A_479 : i32 to vector<16xi32>
        %parallel_loop3A_481 = arith.addi %iota3A, %parallel_loop3A_480 : vector<16xi32>
        %parallel_loop3A_482 = arith.constant 31 : i32
        %parallel_loop3A_483 = vector.broadcast %parallel_loop3A_482 : i32 to vector<16xi32>
        %parallel_loop3A_484 = arith.andi %parallel_loop3A_481, %parallel_loop3A_483 : vector<16xi32>
        %parallel_loop3A_485 = tpu.vector_load_idx %arg16[%parallel_loop3A_344, %parallel_loop3A_484] : memref<1600x32xf32, #tpu.memory_space<vmem>>[vector<16xi32>, vector<16xi32>], vector<16xf32>,
        %parallel_loop3A_486 = arith.addi %mul3A_327, %parallel_loop3A_484 : vector<16xi32>
        %parallel_loop3A_487 = tpu.vector_load_idx %arg14[%and3A_4, %parallel_loop3A_486] : memref<8x128xf32, #tpu.memory_space<vmem>>[vector<16xi32>, vector<16xi32>], vector<16xf32>,
        %parallel_loop3A_488 = arith.subf %parallel_loop3A_487, %parallel_loop3A_485 : vector<16xf32>
        %parallel_loop3A_489 = arith.mulf %parallel_loop3A_488, %parallel_loop3A_488 : vector<16xf32>
        %parallel_loop3A_490 = arith.addf %parallel_loop3A_478, %parallel_loop3A_489 : vector<16xf32>
        %parallel_loop3A_491 = arith.constant 12 : i32
        %parallel_loop3A_492 = vector.broadcast %parallel_loop3A_491 : i32 to vector<16xi32>
        %parallel_loop3A_493 = arith.addi %iota3A, %parallel_loop3A_492 : vector<16xi32>
        %parallel_loop3A_494 = arith.constant 31 : i32
        %parallel_loop3A_495 = vector.broadcast %parallel_loop3A_494 : i32 to vector<16xi32>
        %parallel_loop3A_496 = arith.andi %parallel_loop3A_493, %parallel_loop3A_495 : vector<16xi32>
        %parallel_loop3A_497 = tpu.vector_load_idx %arg16[%parallel_loop3A_344, %parallel_loop3A_496] : memref<1600x32xf32, #tpu.memory_space<vmem>>[vector<16xi32>, vector<16xi32>], vector<16xf32>,
        %parallel_loop3A_498 = arith.addi %mul3A_327, %parallel_loop3A_496 : vector<16xi32>
        %parallel_loop3A_499 = tpu.vector_load_idx %arg14[%and3A_4, %parallel_loop3A_498] : memref<8x128xf32, #tpu.memory_space<vmem>>[vector<16xi32>, vector<16xi32>], vector<16xf32>,
        %parallel_loop3A_500 = arith.subf %parallel_loop3A_499, %parallel_loop3A_497 : vector<16xf32>
        %parallel_loop3A_501 = arith.mulf %parallel_loop3A_500, %parallel_loop3A_500 : vector<16xf32>
        %parallel_loop3A_502 = arith.addf %parallel_loop3A_490, %parallel_loop3A_501 : vector<16xf32>
        %parallel_loop3A_503 = arith.constant 13 : i32
        %parallel_loop3A_504 = vector.broadcast %parallel_loop3A_503 : i32 to vector<16xi32>
        %parallel_loop3A_505 = arith.addi %iota3A, %parallel_loop3A_504 : vector<16xi32>
        %parallel_loop3A_506 = arith.constant 31 : i32
        %parallel_loop3A_507 = vector.broadcast %parallel_loop3A_506 : i32 to vector<16xi32>
        %parallel_loop3A_508 = arith.andi %parallel_loop3A_505, %parallel_loop3A_507 : vector<16xi32>
        %parallel_loop3A_509 = tpu.vector_load_idx %arg16[%parallel_loop3A_344, %parallel_loop3A_508] : memref<1600x32xf32, #tpu.memory_space<vmem>>[vector<16xi32>, vector<16xi32>], vector<16xf32>,
        %parallel_loop3A_510 = arith.addi %mul3A_327, %parallel_loop3A_508 : vector<16xi32>
        %parallel_loop3A_511 = tpu.vector_load_idx %arg14[%and3A_4, %parallel_loop3A_510] : memref<8x128xf32, #tpu.memory_space<vmem>>[vector<16xi32>, vector<16xi32>], vector<16xf32>,
        %parallel_loop3A_512 = arith.subf %parallel_loop3A_511, %parallel_loop3A_509 : vector<16xf32>
        %parallel_loop3A_513 = arith.mulf %parallel_loop3A_512, %parallel_loop3A_512 : vector<16xf32>
        %parallel_loop3A_514 = arith.addf %parallel_loop3A_502, %parallel_loop3A_513 : vector<16xf32>
        %parallel_loop3A_515 = arith.constant 14 : i32
        %parallel_loop3A_516 = vector.broadcast %parallel_loop3A_515 : i32 to vector<16xi32>
        %parallel_loop3A_517 = arith.addi %iota3A, %parallel_loop3A_516 : vector<16xi32>
        %parallel_loop3A_518 = arith.constant 31 : i32
        %parallel_loop3A_519 = vector.broadcast %parallel_loop3A_518 : i32 to vector<16xi32>
        %parallel_loop3A_520 = arith.andi %parallel_loop3A_517, %parallel_loop3A_519 : vector<16xi32>
        %parallel_loop3A_521 = tpu.vector_load_idx %arg16[%parallel_loop3A_344, %parallel_loop3A_520] : memref<1600x32xf32, #tpu.memory_space<vmem>>[vector<16xi32>, vector<16xi32>], vector<16xf32>,
        %parallel_loop3A_522 = arith.addi %mul3A_327, %parallel_loop3A_520 : vector<16xi32>
        %parallel_loop3A_523 = tpu.vector_load_idx %arg14[%and3A_4, %parallel_loop3A_522] : memref<8x128xf32, #tpu.memory_space<vmem>>[vector<16xi32>, vector<16xi32>], vector<16xf32>,
        %parallel_loop3A_524 = arith.subf %parallel_loop3A_523, %parallel_loop3A_521 : vector<16xf32>
        %parallel_loop3A_525 = arith.mulf %parallel_loop3A_524, %parallel_loop3A_524 : vector<16xf32>
        %parallel_loop3A_526 = arith.addf %parallel_loop3A_514, %parallel_loop3A_525 : vector<16xf32>
        %parallel_loop3A_527 = arith.constant 15 : i32
        %parallel_loop3A_528 = vector.broadcast %parallel_loop3A_527 : i32 to vector<16xi32>
        %parallel_loop3A_529 = arith.addi %iota3A, %parallel_loop3A_528 : vector<16xi32>
        %parallel_loop3A_530 = arith.constant 31 : i32
        %parallel_loop3A_531 = vector.broadcast %parallel_loop3A_530 : i32 to vector<16xi32>
        %parallel_loop3A_532 = arith.andi %parallel_loop3A_529, %parallel_loop3A_531 : vector<16xi32>
        %parallel_loop3A_533 = tpu.vector_load_idx %arg16[%parallel_loop3A_344, %parallel_loop3A_532] : memref<1600x32xf32, #tpu.memory_space<vmem>>[vector<16xi32>, vector<16xi32>], vector<16xf32>,
        %parallel_loop3A_534 = arith.addi %mul3A_327, %parallel_loop3A_532 : vector<16xi32>
        %parallel_loop3A_535 = tpu.vector_load_idx %arg14[%and3A_4, %parallel_loop3A_534] : memref<8x128xf32, #tpu.memory_space<vmem>>[vector<16xi32>, vector<16xi32>], vector<16xf32>,
        %parallel_loop3A_536 = arith.subf %parallel_loop3A_535, %parallel_loop3A_533 : vector<16xf32>
        %parallel_loop3A_537 = arith.mulf %parallel_loop3A_536, %parallel_loop3A_536 : vector<16xf32>
        %parallel_loop3A_538 = arith.addf %parallel_loop3A_526, %parallel_loop3A_537 : vector<16xf32>
        %parallel_loop3A_539 = arith.constant 16 : i32
        %parallel_loop3A_540 = vector.broadcast %parallel_loop3A_539 : i32 to vector<16xi32>
        %parallel_loop3A_541 = arith.addi %iota3A, %parallel_loop3A_540 : vector<16xi32>
        %parallel_loop3A_542 = arith.constant 31 : i32
        %parallel_loop3A_543 = vector.broadcast %parallel_loop3A_542 : i32 to vector<16xi32>
        %parallel_loop3A_544 = arith.andi %parallel_loop3A_541, %parallel_loop3A_543 : vector<16xi32>
        %parallel_loop3A_545 = tpu.vector_load_idx %arg16[%parallel_loop3A_344, %parallel_loop3A_544] : memref<1600x32xf32, #tpu.memory_space<vmem>>[vector<16xi32>, vector<16xi32>], vector<16xf32>,
        %parallel_loop3A_546 = arith.addi %mul3A_327, %parallel_loop3A_544 : vector<16xi32>
        %parallel_loop3A_547 = tpu.vector_load_idx %arg14[%and3A_4, %parallel_loop3A_546] : memref<8x128xf32, #tpu.memory_space<vmem>>[vector<16xi32>, vector<16xi32>], vector<16xf32>,
        %parallel_loop3A_548 = arith.subf %parallel_loop3A_547, %parallel_loop3A_545 : vector<16xf32>
        %parallel_loop3A_549 = arith.mulf %parallel_loop3A_548, %parallel_loop3A_548 : vector<16xf32>
        %parallel_loop3A_550 = arith.addf %parallel_loop3A_538, %parallel_loop3A_549 : vector<16xf32>
        %parallel_loop3A_551 = arith.constant 17 : i32
        %parallel_loop3A_552 = vector.broadcast %parallel_loop3A_551 : i32 to vector<16xi32>
        %parallel_loop3A_553 = arith.addi %iota3A, %parallel_loop3A_552 : vector<16xi32>
        %parallel_loop3A_554 = arith.constant 31 : i32
        %parallel_loop3A_555 = vector.broadcast %parallel_loop3A_554 : i32 to vector<16xi32>
        %parallel_loop3A_556 = arith.andi %parallel_loop3A_553, %parallel_loop3A_555 : vector<16xi32>
        %parallel_loop3A_557 = tpu.vector_load_idx %arg16[%parallel_loop3A_344, %parallel_loop3A_556] : memref<1600x32xf32, #tpu.memory_space<vmem>>[vector<16xi32>, vector<16xi32>], vector<16xf32>,
        %parallel_loop3A_558 = arith.addi %mul3A_327, %parallel_loop3A_556 : vector<16xi32>
        %parallel_loop3A_559 = tpu.vector_load_idx %arg14[%and3A_4, %parallel_loop3A_558] : memref<8x128xf32, #tpu.memory_space<vmem>>[vector<16xi32>, vector<16xi32>], vector<16xf32>,
        %parallel_loop3A_560 = arith.subf %parallel_loop3A_559, %parallel_loop3A_557 : vector<16xf32>
        %parallel_loop3A_561 = arith.mulf %parallel_loop3A_560, %parallel_loop3A_560 : vector<16xf32>
        %parallel_loop3A_562 = arith.addf %parallel_loop3A_550, %parallel_loop3A_561 : vector<16xf32>
        %parallel_loop3A_563 = arith.constant 18 : i32
        %parallel_loop3A_564 = vector.broadcast %parallel_loop3A_563 : i32 to vector<16xi32>
        %parallel_loop3A_565 = arith.addi %iota3A, %parallel_loop3A_564 : vector<16xi32>
        %parallel_loop3A_566 = arith.constant 31 : i32
        %parallel_loop3A_567 = vector.broadcast %parallel_loop3A_566 : i32 to vector<16xi32>
        %parallel_loop3A_568 = arith.andi %parallel_loop3A_565, %parallel_loop3A_567 : vector<16xi32>
        %parallel_loop3A_569 = tpu.vector_load_idx %arg16[%parallel_loop3A_344, %parallel_loop3A_568] : memref<1600x32xf32, #tpu.memory_space<vmem>>[vector<16xi32>, vector<16xi32>], vector<16xf32>,
        %parallel_loop3A_570 = arith.addi %mul3A_327, %parallel_loop3A_568 : vector<16xi32>
        %parallel_loop3A_571 = tpu.vector_load_idx %arg14[%and3A_4, %parallel_loop3A_570] : memref<8x128xf32, #tpu.memory_space<vmem>>[vector<16xi32>, vector<16xi32>], vector<16xf32>,
        %parallel_loop3A_572 = arith.subf %parallel_loop3A_571, %parallel_loop3A_569 : vector<16xf32>
        %parallel_loop3A_573 = arith.mulf %parallel_loop3A_572, %parallel_loop3A_572 : vector<16xf32>
        %parallel_loop3A_574 = arith.addf %parallel_loop3A_562, %parallel_loop3A_573 : vector<16xf32>
        %parallel_loop3A_575 = arith.constant 19 : i32
        %parallel_loop3A_576 = vector.broadcast %parallel_loop3A_575 : i32 to vector<16xi32>
        %parallel_loop3A_577 = arith.addi %iota3A, %parallel_loop3A_576 : vector<16xi32>
        %parallel_loop3A_578 = arith.constant 31 : i32
        %parallel_loop3A_579 = vector.broadcast %parallel_loop3A_578 : i32 to vector<16xi32>
        %parallel_loop3A_580 = arith.andi %parallel_loop3A_577, %parallel_loop3A_579 : vector<16xi32>
        %parallel_loop3A_581 = tpu.vector_load_idx %arg16[%parallel_loop3A_344, %parallel_loop3A_580] : memref<1600x32xf32, #tpu.memory_space<vmem>>[vector<16xi32>, vector<16xi32>], vector<16xf32>,
        %parallel_loop3A_582 = arith.addi %mul3A_327, %parallel_loop3A_580 : vector<16xi32>
        %parallel_loop3A_583 = tpu.vector_load_idx %arg14[%and3A_4, %parallel_loop3A_582] : memref<8x128xf32, #tpu.memory_space<vmem>>[vector<16xi32>, vector<16xi32>], vector<16xf32>,
        %parallel_loop3A_584 = arith.subf %parallel_loop3A_583, %parallel_loop3A_581 : vector<16xf32>
        %parallel_loop3A_585 = arith.mulf %parallel_loop3A_584, %parallel_loop3A_584 : vector<16xf32>
        %parallel_loop3A_586 = arith.addf %parallel_loop3A_574, %parallel_loop3A_585 : vector<16xf32>
        %parallel_loop3A_587 = arith.constant 20 : i32
        %parallel_loop3A_588 = vector.broadcast %parallel_loop3A_587 : i32 to vector<16xi32>
        %parallel_loop3A_589 = arith.addi %iota3A, %parallel_loop3A_588 : vector<16xi32>
        %parallel_loop3A_590 = arith.constant 31 : i32
        %parallel_loop3A_591 = vector.broadcast %parallel_loop3A_590 : i32 to vector<16xi32>
        %parallel_loop3A_592 = arith.andi %parallel_loop3A_589, %parallel_loop3A_591 : vector<16xi32>
        %parallel_loop3A_593 = tpu.vector_load_idx %arg16[%parallel_loop3A_344, %parallel_loop3A_592] : memref<1600x32xf32, #tpu.memory_space<vmem>>[vector<16xi32>, vector<16xi32>], vector<16xf32>,
        %parallel_loop3A_594 = arith.addi %mul3A_327, %parallel_loop3A_592 : vector<16xi32>
        %parallel_loop3A_595 = tpu.vector_load_idx %arg14[%and3A_4, %parallel_loop3A_594] : memref<8x128xf32, #tpu.memory_space<vmem>>[vector<16xi32>, vector<16xi32>], vector<16xf32>,
        %parallel_loop3A_596 = arith.subf %parallel_loop3A_595, %parallel_loop3A_593 : vector<16xf32>
        %parallel_loop3A_597 = arith.mulf %parallel_loop3A_596, %parallel_loop3A_596 : vector<16xf32>
        %parallel_loop3A_598 = arith.addf %parallel_loop3A_586, %parallel_loop3A_597 : vector<16xf32>
        %parallel_loop3A_599 = arith.constant 21 : i32
        %parallel_loop3A_600 = vector.broadcast %parallel_loop3A_599 : i32 to vector<16xi32>
        %parallel_loop3A_601 = arith.addi %iota3A, %parallel_loop3A_600 : vector<16xi32>
        %parallel_loop3A_602 = arith.constant 31 : i32
        %parallel_loop3A_603 = vector.broadcast %parallel_loop3A_602 : i32 to vector<16xi32>
        %parallel_loop3A_604 = arith.andi %parallel_loop3A_601, %parallel_loop3A_603 : vector<16xi32>
        %parallel_loop3A_605 = tpu.vector_load_idx %arg16[%parallel_loop3A_344, %parallel_loop3A_604] : memref<1600x32xf32, #tpu.memory_space<vmem>>[vector<16xi32>, vector<16xi32>], vector<16xf32>,
        %parallel_loop3A_606 = arith.addi %mul3A_327, %parallel_loop3A_604 : vector<16xi32>
        %parallel_loop3A_607 = tpu.vector_load_idx %arg14[%and3A_4, %parallel_loop3A_606] : memref<8x128xf32, #tpu.memory_space<vmem>>[vector<16xi32>, vector<16xi32>], vector<16xf32>,
        %parallel_loop3A_608 = arith.subf %parallel_loop3A_607, %parallel_loop3A_605 : vector<16xf32>
        %parallel_loop3A_609 = arith.mulf %parallel_loop3A_608, %parallel_loop3A_608 : vector<16xf32>
        %parallel_loop3A_610 = arith.addf %parallel_loop3A_598, %parallel_loop3A_609 : vector<16xf32>
        %parallel_loop3A_611 = arith.constant 22 : i32
        %parallel_loop3A_612 = vector.broadcast %parallel_loop3A_611 : i32 to vector<16xi32>
        %parallel_loop3A_613 = arith.addi %iota3A, %parallel_loop3A_612 : vector<16xi32>
        %parallel_loop3A_614 = arith.constant 31 : i32
        %parallel_loop3A_615 = vector.broadcast %parallel_loop3A_614 : i32 to vector<16xi32>
        %parallel_loop3A_616 = arith.andi %parallel_loop3A_613, %parallel_loop3A_615 : vector<16xi32>
        %parallel_loop3A_617 = tpu.vector_load_idx %arg16[%parallel_loop3A_344, %parallel_loop3A_616] : memref<1600x32xf32, #tpu.memory_space<vmem>>[vector<16xi32>, vector<16xi32>], vector<16xf32>,
        %parallel_loop3A_618 = arith.addi %mul3A_327, %parallel_loop3A_616 : vector<16xi32>
        %parallel_loop3A_619 = tpu.vector_load_idx %arg14[%and3A_4, %parallel_loop3A_618] : memref<8x128xf32, #tpu.memory_space<vmem>>[vector<16xi32>, vector<16xi32>], vector<16xf32>,
        %parallel_loop3A_620 = arith.subf %parallel_loop3A_619, %parallel_loop3A_617 : vector<16xf32>
        %parallel_loop3A_621 = arith.mulf %parallel_loop3A_620, %parallel_loop3A_620 : vector<16xf32>
        %parallel_loop3A_622 = arith.addf %parallel_loop3A_610, %parallel_loop3A_621 : vector<16xf32>
        %parallel_loop3A_623 = arith.constant 23 : i32
        %parallel_loop3A_624 = vector.broadcast %parallel_loop3A_623 : i32 to vector<16xi32>
        %parallel_loop3A_625 = arith.addi %iota3A, %parallel_loop3A_624 : vector<16xi32>
        %parallel_loop3A_626 = arith.constant 31 : i32
        %parallel_loop3A_627 = vector.broadcast %parallel_loop3A_626 : i32 to vector<16xi32>
        %parallel_loop3A_628 = arith.andi %parallel_loop3A_625, %parallel_loop3A_627 : vector<16xi32>
        %parallel_loop3A_629 = tpu.vector_load_idx %arg16[%parallel_loop3A_344, %parallel_loop3A_628] : memref<1600x32xf32, #tpu.memory_space<vmem>>[vector<16xi32>, vector<16xi32>], vector<16xf32>,
        %parallel_loop3A_630 = arith.addi %mul3A_327, %parallel_loop3A_628 : vector<16xi32>
        %parallel_loop3A_631 = tpu.vector_load_idx %arg14[%and3A_4, %parallel_loop3A_630] : memref<8x128xf32, #tpu.memory_space<vmem>>[vector<16xi32>, vector<16xi32>], vector<16xf32>,
        %parallel_loop3A_632 = arith.subf %parallel_loop3A_631, %parallel_loop3A_629 : vector<16xf32>
        %parallel_loop3A_633 = arith.mulf %parallel_loop3A_632, %parallel_loop3A_632 : vector<16xf32>
        %parallel_loop3A_634 = arith.addf %parallel_loop3A_622, %parallel_loop3A_633 : vector<16xf32>
        %parallel_loop3A_635 = arith.constant 24 : i32
        %parallel_loop3A_636 = vector.broadcast %parallel_loop3A_635 : i32 to vector<16xi32>
        %parallel_loop3A_637 = arith.addi %iota3A, %parallel_loop3A_636 : vector<16xi32>
        %parallel_loop3A_638 = arith.constant 31 : i32
        %parallel_loop3A_639 = vector.broadcast %parallel_loop3A_638 : i32 to vector<16xi32>
        %parallel_loop3A_640 = arith.andi %parallel_loop3A_637, %parallel_loop3A_639 : vector<16xi32>
        %parallel_loop3A_641 = tpu.vector_load_idx %arg16[%parallel_loop3A_344, %parallel_loop3A_640] : memref<1600x32xf32, #tpu.memory_space<vmem>>[vector<16xi32>, vector<16xi32>], vector<16xf32>,
        %parallel_loop3A_642 = arith.addi %mul3A_327, %parallel_loop3A_640 : vector<16xi32>
        %parallel_loop3A_643 = tpu.vector_load_idx %arg14[%and3A_4, %parallel_loop3A_642] : memref<8x128xf32, #tpu.memory_space<vmem>>[vector<16xi32>, vector<16xi32>], vector<16xf32>,
        %parallel_loop3A_644 = arith.subf %parallel_loop3A_643, %parallel_loop3A_641 : vector<16xf32>
        %parallel_loop3A_645 = arith.mulf %parallel_loop3A_644, %parallel_loop3A_644 : vector<16xf32>
        %parallel_loop3A_646 = arith.addf %parallel_loop3A_634, %parallel_loop3A_645 : vector<16xf32>
        %parallel_loop3A_647 = arith.constant 25 : i32
        %parallel_loop3A_648 = vector.broadcast %parallel_loop3A_647 : i32 to vector<16xi32>
        %parallel_loop3A_649 = arith.addi %iota3A, %parallel_loop3A_648 : vector<16xi32>
        %parallel_loop3A_650 = arith.constant 31 : i32
        %parallel_loop3A_651 = vector.broadcast %parallel_loop3A_650 : i32 to vector<16xi32>
        %parallel_loop3A_652 = arith.andi %parallel_loop3A_649, %parallel_loop3A_651 : vector<16xi32>
        %parallel_loop3A_653 = tpu.vector_load_idx %arg16[%parallel_loop3A_344, %parallel_loop3A_652] : memref<1600x32xf32, #tpu.memory_space<vmem>>[vector<16xi32>, vector<16xi32>], vector<16xf32>,
        %parallel_loop3A_654 = arith.addi %mul3A_327, %parallel_loop3A_652 : vector<16xi32>
        %parallel_loop3A_655 = tpu.vector_load_idx %arg14[%and3A_4, %parallel_loop3A_654] : memref<8x128xf32, #tpu.memory_space<vmem>>[vector<16xi32>, vector<16xi32>], vector<16xf32>,
        %parallel_loop3A_656 = arith.subf %parallel_loop3A_655, %parallel_loop3A_653 : vector<16xf32>
        %parallel_loop3A_657 = arith.mulf %parallel_loop3A_656, %parallel_loop3A_656 : vector<16xf32>
        %parallel_loop3A_658 = arith.addf %parallel_loop3A_646, %parallel_loop3A_657 : vector<16xf32>
        %parallel_loop3A_659 = arith.constant 26 : i32
        %parallel_loop3A_660 = vector.broadcast %parallel_loop3A_659 : i32 to vector<16xi32>
        %parallel_loop3A_661 = arith.addi %iota3A, %parallel_loop3A_660 : vector<16xi32>
        %parallel_loop3A_662 = arith.constant 31 : i32
        %parallel_loop3A_663 = vector.broadcast %parallel_loop3A_662 : i32 to vector<16xi32>
        %parallel_loop3A_664 = arith.andi %parallel_loop3A_661, %parallel_loop3A_663 : vector<16xi32>
        %parallel_loop3A_665 = tpu.vector_load_idx %arg16[%parallel_loop3A_344, %parallel_loop3A_664] : memref<1600x32xf32, #tpu.memory_space<vmem>>[vector<16xi32>, vector<16xi32>], vector<16xf32>,
        %parallel_loop3A_666 = arith.addi %mul3A_327, %parallel_loop3A_664 : vector<16xi32>
        %parallel_loop3A_667 = tpu.vector_load_idx %arg14[%and3A_4, %parallel_loop3A_666] : memref<8x128xf32, #tpu.memory_space<vmem>>[vector<16xi32>, vector<16xi32>], vector<16xf32>,
        %parallel_loop3A_668 = arith.subf %parallel_loop3A_667, %parallel_loop3A_665 : vector<16xf32>
        %parallel_loop3A_669 = arith.mulf %parallel_loop3A_668, %parallel_loop3A_668 : vector<16xf32>
        %parallel_loop3A_670 = arith.addf %parallel_loop3A_658, %parallel_loop3A_669 : vector<16xf32>
        %parallel_loop3A_671 = arith.constant 27 : i32
        %parallel_loop3A_672 = vector.broadcast %parallel_loop3A_671 : i32 to vector<16xi32>
        %parallel_loop3A_673 = arith.addi %iota3A, %parallel_loop3A_672 : vector<16xi32>
        %parallel_loop3A_674 = arith.constant 31 : i32
        %parallel_loop3A_675 = vector.broadcast %parallel_loop3A_674 : i32 to vector<16xi32>
        %parallel_loop3A_676 = arith.andi %parallel_loop3A_673, %parallel_loop3A_675 : vector<16xi32>
        %parallel_loop3A_677 = tpu.vector_load_idx %arg16[%parallel_loop3A_344, %parallel_loop3A_676] : memref<1600x32xf32, #tpu.memory_space<vmem>>[vector<16xi32>, vector<16xi32>], vector<16xf32>,
        %parallel_loop3A_678 = arith.addi %mul3A_327, %parallel_loop3A_676 : vector<16xi32>
        %parallel_loop3A_679 = tpu.vector_load_idx %arg14[%and3A_4, %parallel_loop3A_678] : memref<8x128xf32, #tpu.memory_space<vmem>>[vector<16xi32>, vector<16xi32>], vector<16xf32>,
        %parallel_loop3A_680 = arith.subf %parallel_loop3A_679, %parallel_loop3A_677 : vector<16xf32>
        %parallel_loop3A_681 = arith.mulf %parallel_loop3A_680, %parallel_loop3A_680 : vector<16xf32>
        %parallel_loop3A_682 = arith.addf %parallel_loop3A_670, %parallel_loop3A_681 : vector<16xf32>
        %parallel_loop3A_683 = arith.constant 28 : i32
        %parallel_loop3A_684 = vector.broadcast %parallel_loop3A_683 : i32 to vector<16xi32>
        %parallel_loop3A_685 = arith.addi %iota3A, %parallel_loop3A_684 : vector<16xi32>
        %parallel_loop3A_686 = arith.constant 31 : i32
        %parallel_loop3A_687 = vector.broadcast %parallel_loop3A_686 : i32 to vector<16xi32>
        %parallel_loop3A_688 = arith.andi %parallel_loop3A_685, %parallel_loop3A_687 : vector<16xi32>
        %parallel_loop3A_689 = tpu.vector_load_idx %arg16[%parallel_loop3A_344, %parallel_loop3A_688] : memref<1600x32xf32, #tpu.memory_space<vmem>>[vector<16xi32>, vector<16xi32>], vector<16xf32>,
        %parallel_loop3A_690 = arith.addi %mul3A_327, %parallel_loop3A_688 : vector<16xi32>
        %parallel_loop3A_691 = tpu.vector_load_idx %arg14[%and3A_4, %parallel_loop3A_690] : memref<8x128xf32, #tpu.memory_space<vmem>>[vector<16xi32>, vector<16xi32>], vector<16xf32>,
        %parallel_loop3A_692 = arith.subf %parallel_loop3A_691, %parallel_loop3A_689 : vector<16xf32>
        %parallel_loop3A_693 = arith.mulf %parallel_loop3A_692, %parallel_loop3A_692 : vector<16xf32>
        %parallel_loop3A_694 = arith.addf %parallel_loop3A_682, %parallel_loop3A_693 : vector<16xf32>
        %parallel_loop3A_695 = arith.constant 29 : i32
        %parallel_loop3A_696 = vector.broadcast %parallel_loop3A_695 : i32 to vector<16xi32>
        %parallel_loop3A_697 = arith.addi %iota3A, %parallel_loop3A_696 : vector<16xi32>
        %parallel_loop3A_698 = arith.constant 31 : i32
        %parallel_loop3A_699 = vector.broadcast %parallel_loop3A_698 : i32 to vector<16xi32>
        %parallel_loop3A_700 = arith.andi %parallel_loop3A_697, %parallel_loop3A_699 : vector<16xi32>
        %parallel_loop3A_701 = tpu.vector_load_idx %arg16[%parallel_loop3A_344, %parallel_loop3A_700] : memref<1600x32xf32, #tpu.memory_space<vmem>>[vector<16xi32>, vector<16xi32>], vector<16xf32>,
        %parallel_loop3A_702 = arith.addi %mul3A_327, %parallel_loop3A_700 : vector<16xi32>
        %parallel_loop3A_703 = tpu.vector_load_idx %arg14[%and3A_4, %parallel_loop3A_702] : memref<8x128xf32, #tpu.memory_space<vmem>>[vector<16xi32>, vector<16xi32>], vector<16xf32>,
        %parallel_loop3A_704 = arith.subf %parallel_loop3A_703, %parallel_loop3A_701 : vector<16xf32>
        %parallel_loop3A_705 = arith.mulf %parallel_loop3A_704, %parallel_loop3A_704 : vector<16xf32>
        %parallel_loop3A_706 = arith.addf %parallel_loop3A_694, %parallel_loop3A_705 : vector<16xf32>
        %parallel_loop3A_707 = arith.constant 30 : i32
        %parallel_loop3A_708 = vector.broadcast %parallel_loop3A_707 : i32 to vector<16xi32>
        %parallel_loop3A_709 = arith.addi %iota3A, %parallel_loop3A_708 : vector<16xi32>
        %parallel_loop3A_710 = arith.constant 31 : i32
        %parallel_loop3A_711 = vector.broadcast %parallel_loop3A_710 : i32 to vector<16xi32>
        %parallel_loop3A_712 = arith.andi %parallel_loop3A_709, %parallel_loop3A_711 : vector<16xi32>
        %parallel_loop3A_713 = tpu.vector_load_idx %arg16[%parallel_loop3A_344, %parallel_loop3A_712] : memref<1600x32xf32, #tpu.memory_space<vmem>>[vector<16xi32>, vector<16xi32>], vector<16xf32>,
        %parallel_loop3A_714 = arith.addi %mul3A_327, %parallel_loop3A_712 : vector<16xi32>
        %parallel_loop3A_715 = tpu.vector_load_idx %arg14[%and3A_4, %parallel_loop3A_714] : memref<8x128xf32, #tpu.memory_space<vmem>>[vector<16xi32>, vector<16xi32>], vector<16xf32>,
        %parallel_loop3A_716 = arith.subf %parallel_loop3A_715, %parallel_loop3A_713 : vector<16xf32>
        %parallel_loop3A_717 = arith.mulf %parallel_loop3A_716, %parallel_loop3A_716 : vector<16xf32>
        %parallel_loop3A_718 = arith.addf %parallel_loop3A_706, %parallel_loop3A_717 : vector<16xf32>
        %parallel_loop3A_719 = arith.constant 31 : i32
        %parallel_loop3A_720 = vector.broadcast %parallel_loop3A_719 : i32 to vector<16xi32>
        %parallel_loop3A_721 = arith.addi %iota3A, %parallel_loop3A_720 : vector<16xi32>
        %parallel_loop3A_722 = arith.constant 31 : i32
        %parallel_loop3A_723 = vector.broadcast %parallel_loop3A_722 : i32 to vector<16xi32>
        %parallel_loop3A_724 = arith.andi %parallel_loop3A_721, %parallel_loop3A_723 : vector<16xi32>
        %parallel_loop3A_725 = tpu.vector_load_idx %arg16[%parallel_loop3A_344, %parallel_loop3A_724] : memref<1600x32xf32, #tpu.memory_space<vmem>>[vector<16xi32>, vector<16xi32>], vector<16xf32>,
        %parallel_loop3A_726 = arith.addi %mul3A_327, %parallel_loop3A_724 : vector<16xi32>
        %parallel_loop3A_727 = tpu.vector_load_idx %arg14[%and3A_4, %parallel_loop3A_726] : memref<8x128xf32, #tpu.memory_space<vmem>>[vector<16xi32>, vector<16xi32>], vector<16xf32>,
        %parallel_loop3A_728 = arith.subf %parallel_loop3A_727, %parallel_loop3A_725 : vector<16xf32>
        %parallel_loop3A_729 = arith.mulf %parallel_loop3A_728, %parallel_loop3A_728 : vector<16xf32>
        %parallel_loop3A_730 = arith.addf %parallel_loop3A_718, %parallel_loop3A_729 : vector<16xf32>
        %parallel_loop3A_731 = vector.broadcast %parallel_loop3A_338 : i32 to vector<16xi32>
        %parallel_loop3A_732 = arith.addi %parallel_loop3A_731, %shift_right_arithmetic3A_6 : vector<16xi32>
        %parallel_loop3A_733 = arith.constant 0.000000e+00 : f32
        %parallel_loop3A_734 = vector.broadcast %parallel_loop3A_733 : f32 to vector<16xf32>
        %parallel_loop3A_735 = arith.subf %parallel_loop3A_734, %parallel_loop3A_730 : vector<16xf32>
        tpu.vector_store_idx %arg18[%and3A_4, %parallel_loop3A_732], %parallel_loop3A_735 : memref<8x200xf32, #tpu.memory_space<vmem>>[vector<16xi32>, vector<16xi32>], vector<16xf32>,
      } {sc.loop_unroll_factor = 8 : i64, sc.parallel_access}
      %mul3A_331 = arith.constant 8 : i32
      %mul3A_332 = arith.muli %add3A_289, %mul3A_331 : i32
      %add3A_333 = arith.addi %mul3A_2, %mul3A_332 : i32
      %dma_start3A_334 = arith.constant 0 : i32
      %dma_start3A_335 = tpu.memref_slice %arg6[%add3A_333, %dma_start3A_334] : memref<16384x200xf32, #tpu.memory_space<hbm>> -> memref<8x200xf32, #tpu.memory_space<hbm>>
      %dma_start3A_336 = arith.constant 0 : i32
      %dma_start3A_337 = tpu.memref_slice %arg6[%add3A_333, %dma_start3A_336] : memref<16384x200xf32, #tpu.memory_space<hbm>> -> memref<8x200xf32, #tpu.memory_space<hbm>>
      tpu.enqueue_dma source(%arg18 : memref<8x200xf32, #tpu.memory_space<vmem>>) target(%dma_start3A_337 : memref<8x200xf32, #tpu.memory_space<hbm>>) target_semaphore(%arg24 : memref<!tpu.dma_semaphore, #tpu.memory_space<semaphore_mem>>)
    }
    %scan3A_224 = arith.constant 32 : i32
    %dma_wait3A_225 = arith.constant 0 : i32
    %dma_wait3A_226 = arith.constant 0 : i32
    %dma_wait3A_227 = tpu.memref_slice %arg6[%dma_wait3A_225, %dma_wait3A_226] : memref<16384x200xf32, #tpu.memory_space<hbm>> -> memref<8x200xf32, #tpu.memory_space<hbm>>
    %dma_wait3A_228 = arith.constant 0 : i32
    %dma_wait3A_229 = arith.constant 0 : i32
    %dma_wait3A_230 = tpu.memref_slice %arg6[%dma_wait3A_228, %dma_wait3A_229] : memref<16384x200xf32, #tpu.memory_space<hbm>> -> memref<8x200xf32, #tpu.memory_space<hbm>>
    tpu.wait_dma2 semaphore(%arg23 : memref<!tpu.dma_semaphore, #tpu.memory_space<semaphore_mem>>) src(%arg17 : memref<8x200xf32, #tpu.memory_space<vmem>>) dst(%dma_wait3A_230 : memref<8x200xf32, #tpu.memory_space<hbm>>)
    %dma_wait3A_231 = arith.constant 0 : i32
    %dma_wait3A_232 = arith.constant 0 : i32
    %dma_wait3A_233 = tpu.memref_slice %arg6[%dma_wait3A_231, %dma_wait3A_232] : memref<16384x200xf32, #tpu.memory_space<hbm>> -> memref<8x200xf32, #tpu.memory_space<hbm>>
    %dma_wait3A_234 = arith.constant 0 : i32
    %dma_wait3A_235 = arith.constant 0 : i32
    %dma_wait3A_236 = tpu.memref_slice %arg6[%dma_wait3A_234, %dma_wait3A_235] : memref<16384x200xf32, #tpu.memory_space<hbm>> -> memref<8x200xf32, #tpu.memory_space<hbm>>
    tpu.wait_dma2 semaphore(%arg24 : memref<!tpu.dma_semaphore, #tpu.memory_space<semaphore_mem>>) src(%arg18 : memref<8x200xf32, #tpu.memory_space<vmem>>) dst(%dma_wait3A_236 : memref<8x200xf32, #tpu.memory_space<hbm>>)
    return
  }
}

</mosaic_0001>

<sc_bundles>
// kernel: kernel.3.cloned.1.call-start
scs
__scs_entry_jumppad:
0x0: {  	(pc) =	sbr.rel $0x88, $3  }
0x1: {  	(tag) =	ssettag $0x0;
	lr =	simm.s32 $0x1  }
0x2: {  	[smem:$0x3F9D] =	sst lr;
	_ =	strace $0xD0000000  }
0x3: {  	_ = 	snop  }
0x4: {  	_ = 	snop  }
0x5: {  	_ = 	snop  }
0x6: {  	_ = 	snop  }
0x7: {  	_ = 	snop  }
__scs_overlays_trampoline_lowered:
0x8: {  	[smem:$0x3FAC] =	sst s0  }
0x9: {  	[smem:$0x3FAD] =	sst s1  }
0xa: {  	[smem:$0x3FAE] =	sst s2  }
0xb: {  	[smem:$0x3FAF] =	sst s3  }
0xc: {  	[smem:$0x3FB0] =	sst s4  }
0xd: {  	[smem:$0x3FB1] =	sst s5  }
0xe: {  	[smem:$0x3FB2] =	sst s6  }
0xf: {  	[smem:$0x3FB3] =	sst s7  }
0x10: {  	[smem:$0x3FB4] =	sst s8  }
0x11: {  	[smem:$0x3FB5] =	sst s9;
	s0 =	simm.s32 @!p0 $0x0  }
0x12: {  	s1 =	sld [smem:$0x3F9B];
	s0 =	simm.s32 @p0 $0x1  }
0x13: {  	[smem:$0x3FB6] =	sst s0;
	s0 =	simm.s32 @!p1 $0x0  }
0x14: {  	s2 =	sld [smem:$0x3F9A];
	s0 =	simm.s32 @p1 $0x1  }
0x15: {  	[smem:$0x3FB7] =	sst s0;
	s0 =	simm.s32 @!p2 $0x0  }
0x16: {  	s3 =	sld [smem:$0x3FDB];
	s0 =	simm.s32 @p2 $0x1  }
0x17: {  	s4 =	simm.s32 $0x1BF5;
	[smem:$0x3FB9] =	sst s0  }
0x18: {  	s0 =	sld [smem:$0x3F9C];
	_ =	swait.ge [sflag:s4], $0x0  }
0x19: {  	s7 =	sld [smem:$0x3F9D]  }
0x1a: {  	s8 =	sadd.s32 $0xFFFFE003, lr  }
0x1b: {  	s9 =	sadd.s32 $0xFFFFFEF7, lr;
	s5 =	simm.s32 $0xFFFFFFFF;
	p2 =	slt.u32 s8, $0xFFFFF086  }
0x1c: {  	p1 =	slt.u32 s9, $0xF7A;
	s5 =	simm.s32 @!p2 $0x0  }
0x1d: {  	s5 =	simm.s32 @p1 $0x1;
	p0 =	seq.s32 s7, s2  }
0x1e: {  	s7 =	smul.u32 @!p0 $0xF7A, s2;
	p2 =	seq.s32 @!p0 s5, $0x0  }
0x1f: {  	s9 =	smul.u32 $0xF7A, s1;
	s8 =	simm.s32 @!p0 $0x1BF5;
	p2 =	por !p2, p0  }
0x20: {  	[sflag:s8] =	ssyncset.s32 @!p0 $0xFFFFF086;
	s6 =	sadd.s32 @!p0 s3, s7;
	s7 =	simm.s32 @!p0 $0x108  }
0x21: {  	s3 =	sadd.s32 s3, s9;
	s6 =	sadd.s32 @!p0 $0x88, s6;
	s7 =	simm.s32 @p2 $0x1082  }
0x22: {  	[simem:s7], [sflag:s8] =	dma.local @!p0 [hbm:s6], $0xF7A  }
0x23: {  	s9 =	sor.u32 $0xD0000000, s2;
	s6 =	simm.s32 $0x108;
	_ =	swait.ge @!p0 [sflag:s8], $0x0  }
0x24: {  	s3 =	sadd.s32 $0x88, s3;
	s6 =	simm.s32 @!p1 $0x1082;
	[sflag:s4] =	ssyncset.s32 $0xFFFFF086  }
0x25: {  	[simem:s6], [sflag:s4] =	dma.local [hbm:s3], $0xF7A  }
0x26: {  	[smem:$0x3F9D] =	sst s1;
	(tag) =	ssettag s2;
	_ =	strace s9  }
0x27: {  	s1 =	sld [smem:$0x3FAD]  }
0x28: {  	s2 =	sld [smem:$0x3FAE]  }
0x29: {  	s4 =	sld [smem:$0x3FB0]  }
0x2a: {  	p0 =	seq.s32 s5, $0x0;
	s5 =	sld [smem:$0x3FB1]  }
0x2b: {  	s6 =	sld [smem:$0x3FB2]  }
0x2c: {  	s7 =	sld [smem:$0x3FB3]  }
0x2d: {  	s3 =	simm.s32 $0x108;
	s8 =	sld [smem:$0x3FB4]  }
0x2e: {  	s3 =	simm.s32 @!p0 $0x1082;
	s9 =	sld [smem:$0x3FB5]  }
0x2f: {  	lr =	sadd.s32 s0, s3;
	s0 =	sld [smem:$0x3FAC]  }
0x30: {  	s3 =	sld [smem:$0x3FAF]  }
0x31: {  	[smem:$0x3FB8] =	sst s10  }
0x32: {  	s10 =	sld [smem:$0x3FB6];
	_ =	sdelay $0x3  }
0x33: {  	p0 =	seq.s32 s10, $0x1;
	s10 =	sld [smem:$0x3FB8];
	_ =	sdelay $0x3  }
0x34: {  	[smem:$0x3FB8] =	sst s10  }
0x35: {  	s10 =	sld [smem:$0x3FB7];
	_ =	sdelay $0x3  }
0x36: {  	p1 =	seq.s32 s10, $0x1;
	s10 =	sld [smem:$0x3FB8];
	_ =	sdelay $0x3  }
0x37: {  	[smem:$0x3FB8] =	sst s10  }
0x38: {  	s10 =	sld [smem:$0x3FB9]  }
0x39: {  	_ = 	snop;
	(pc) =	sbr.ind lr, $3  }
0x3a: {  	_ = 	snop  }
0x3b: {  	_ = 	snop  }
0x3c: {  	p2 =	seq.s32 s10, $0x1;
	s10 =	sld [smem:$0x3FB8]  }
0x3d: {  	_ =	shalt  }
0x3e: {  	_ =	shalt  }
0x3f: {  	_ =	shalt  }
0x40: {  	_ =	shalt  }
0x41: {  	_ =	shalt  }
0x42: {  	_ =	shalt  }
0x43: {  	_ =	shalt  }
0x44: {  	_ =	shalt  }
0x45: {  	_ =	shalt  }
0x46: {  	_ =	shalt  }
0x47: {  	_ =	shalt  }
0x48: {  	_ =	shalt  }
0x49: {  	_ =	shalt  }
0x4a: {  	_ =	shalt  }
0x4b: {  	_ =	shalt  }
0x4c: {  	_ =	shalt  }
0x4d: {  	_ =	shalt  }
0x4e: {  	_ =	shalt  }
0x4f: {  	_ =	shalt  }
0x50: {  	_ =	shalt  }
0x51: {  	_ =	shalt  }
0x52: {  	_ =	shalt  }
0x53: {  	_ =	shalt  }
0x54: {  	_ =	shalt  }
0x55: {  	_ =	shalt  }
0x56: {  	_ =	shalt  }
0x57: {  	_ =	shalt  }
0x58: {  	_ =	shalt  }
0x59: {  	_ =	shalt  }
0x5a: {  	_ =	shalt  }
0x5b: {  	_ =	shalt  }
0x5c: {  	_ =	shalt  }
0x5d: {  	_ =	shalt  }
0x5e: {  	_ =	shalt  }
0x5f: {  	_ =	shalt  }
0x60: {  	_ =	shalt  }
0x61: {  	_ =	shalt  }
0x62: {  	_ =	shalt  }
0x63: {  	_ =	shalt  }
0x64: {  	_ =	shalt  }
0x65: {  	_ =	shalt  }
0x66: {  	_ =	shalt  }
0x67: {  	_ =	shalt  }
0x68: {  	_ =	shalt  }
0x69: {  	_ =	shalt  }
0x6a: {  	_ =	shalt  }
0x6b: {  	_ =	shalt  }
0x6c: {  	_ =	shalt  }
0x6d: {  	_ =	shalt  }
0x6e: {  	_ =	shalt  }
0x6f: {  	_ =	shalt  }
0x70: {  	_ =	shalt  }
0x71: {  	_ =	shalt  }
0x72: {  	_ =	shalt  }
0x73: {  	_ =	shalt  }
0x74: {  	_ =	shalt  }
0x75: {  	_ =	shalt  }
0x76: {  	_ =	shalt  }
0x77: {  	_ =	shalt  }
0x78: {  	_ =	shalt  }
0x79: {  	_ =	shalt  }
0x7a: {  	_ =	shalt  }
0x7b: {  	_ =	shalt  }
0x7c: {  	_ =	shalt  }
0x7d: {  	_ =	shalt  }
0x7e: {  	_ =	shalt  }
0x7f: {  	_ =	shalt  }
0x80: {  	_ =	shalt  }
0x81: {  	_ =	shalt  }
0x82: {  	_ =	shalt  }
0x83: {  	_ =	shalt  }
0x84: {  	_ =	shalt  }
0x85: {  	_ =	shalt  }
0x86: {  	_ =	shalt  }
0x87: {  	_ =	shalt  }
.Lfunc_end0:
.L_simem_size_0:
called_computation_lowered:
.L_overlay_start_0:
0x88: {  	s2 =	sld [smem:$0x3FD9]  }
0x89: {  	s3 =	sld [smem:$0x3FFE];
	_ =	sdelay $0x1  }
0x8a: {  	s1 =	srdreg.scid  }
0x8b: {  	s0 =	sand.u32 $0x1, s1  }
0x8c: {  	s17 =	sshll.u32 s0, $0xA;
	s2 =	sadd.s32 s3, s2  }
0x8d: {  	s2 =	sadd.s32 s2, s17  }
0x8e: {  	[smem:$0x3FC4] =	sst s2  }
0x8f: {  	_ = 	snop  }
0x90: {  	s2 =	sld [smem:$0x3FC9]  }
0x91: {  	s18 =	sld [smem:$0x3FD0];
	(tm) =	ssettm $0x1  }
0x92: {  	s4 =	sld [smem:$0x3FFB];
	_ =	sdelay $0x3  }
0x93: {  	_ =	strace s4  }
0x94: {  	s4 =	sld [smem:$0x3FFC];
	_ =	sdelay $0x3  }
0x95: {  	_ =	strace s4  }
0x96: {  	s4 =	sld [smem:$0x3FFD];
	_ =	sdelay $0x3  }
0x97: {  	_ =	strace s4  }
0x98: {  	_ =	strace $0x8FFFFFFF  }
0x99: {  	s19 =	sld [smem:$0x3FDB];
	_ =	sdelay $0x1  }
0x9a: {  	s5 =	simm.s32 $_scs_section_size  }
0x9b: {  	s6 =	simm.s32 $_size__tile_overlayer_lowered;
	s7 =	simm.s32 $_tile_overlayer_lowered  }
0x9c: {  	s22 =	simm.s32 $0x1BFF;
	s21 =	sshll.u32 s7, $0x1;
	s4 =	sadd.s32 s5, s19  }
0x9d: {  	s8 =	simm.s32 $0x0;
	s20 =	sshll.u32 s6, $0x1;
	s6 =	sadd.s32 s21, s4  }
0x9e: {  	[timem:s8], [sflag:s22] =	dma.local [hbm:s6], s20  }
0x9f: {  	_ =	swait.ge [sflag:s22], s20  }
0xa0: {  	s5 =	ssub.s32 $0x0, s20;
	[sflag:s22] =	ssyncset.done $0x0  }
0xa1: {  	[sflag:s22] =	ssyncadd.s32 s5;
	_ =	sdelay $0x1  }
0xa2: {  	s23 =	simm.s32 $0x1B8B  }
0xa3: {  	_ =	swait.ge [sflag:s23], $0x1  }
0xa4: {  	[sflag:s23] =	ssyncset.done $0x0  }
0xa5: {  	s25 =	simm.s32 $0x1B8E;
	s24 =	sld [smem:$0x3FFE];
	[sflag:s23] =	ssyncadd.s32 $0xFFFFFFFF  }
0xa6: {  	s26 =	simm.s32 $execute0_lowered;
	[smem:$0x3FD2] =	sst s25  }
0xa7: {  	s6 =	sshll.u32 s26, $0x1;
	_ =	strace $0x80000046;
	[dreg:$0x1] =	wrdreg $0xFFFFFFFF  }
0xa8: {  	s28 =	simm.s32 $_size_execute0_lowered;
	s4 =	sadd.s32 s4, s6;
	[dreg:$0x0] =	wrdreg $0x0  }
0xa9: {  	s6 =	sshll.u32 s28, $0x1;
	[dreg:$0x2] =	wrdreg s4  }
0xaa: {  	[dreg:$0x3] =	wrdreg s6  }
0xab: {  	[dreg:$0x4] =	wrdreg $0xC0  }
0xac: {  	_ =	task [dreg:s8], $0x5FFFF  }
0xad: {  	[dreg:$0x1] =	wrdreg $0xFFFFFFFF  }
0xae: {  	[dreg:$0x0] =	wrdreg $0x60  }
0xaf: {  	[dreg:$0x2] =	wrdreg s2  }
0xb0: {  	[dreg:$0x3] =	wrdreg s24  }
0xb1: {  	[dreg:$0x4] =	wrdreg s18  }
0xb2: {  	[dreg:$0x5] =	wrdreg $0x9  }
0xb3: {  	_ =	task.clear_ibuf [dreg:s8], $0x6FFFF;
	_ =	strace $0x90000046  }
0xb4: {  	s29 =	simm.s32 $0x9;
	_ =	strace $0x80000048  }
0xb5: {  	_ =	swait.ge [sflag:s29], $0x1  }
0xb6: {  	[sflag:s29] =	ssyncadd.s32 $0xFFFFFFFF  }
0xb7: {  	_ =	strace $0x90000048  }
0xb8: {  	_ =	sfence  }
0xb9: {  	s30 =	sld [smem:$0x0];
	_ =	sdelay $0x2  }
0xba: {  	s31 =	sshll.u32 s1, $0xD;
	s1 =	sshrl.u32 s1, $0x2  }
0xbb: {  	s3 =	sand.u32 $0x4000, s31;
	s1 =	sadd.s32 s1, s30  }
0xbc: {  	s0 =	sor.u32 s3, s0;
	s1 =	sshll.u32 s1, $0x11  }
0xbd: {  	s0 =	sor.u32 s1, s0  }
0xbe: {  	s0 =	sadd.s32 $0x8F2B, s0  }
0xbf: {  	[sflag:s0] =	ssyncadd.remote.s32 $0x1  }
0xc0: {  	_ =	sfence.sel $0xFFFF  }
0xc1: {  	[dreg:$0x0] =	wrdreg $0xFFFFFFFF;
	(pc) =	sbr.abs _section_cstart, $3  }
0xc2: {  	[dreg:$0x1] =	wrdreg $0xFFFFFFFF  }
0xc3: {  	_ =	task.clear_ibuf [dreg:s8], $0x2FFFF;
	_ =	strace $0x9FFFFFFF  }
0xc4: {  	(tm) =	ssettm $0x7FFFFFFF  }
0xc5: {  	_ =	shalt  }
tec
execute0_lowered:
.L_overlay_start_1:
0x0: {  	(tag) =	ssettag $0x1  }
0x1: {  	v0 =	vimm.s32 $0x380;
	vm13 =	vcmask $0x300;
	vm12 =	vcmask $0x704  }
0x2: {  	vm11 =	vcmask $0xB08;
	vm10 =	vcmask $0xF0C;
	vm9 =	vcmask $0x1310  }
0x3: {  	vm8 =	vcmask $0x1714;
	vm7 =	vcmask $0x1B18;
	vm6 =	vcmask $0x2320  }
0x4: {  	vm5 =	vcmask $0x2724;
	v30 =	vlaneseq.u32;
	vm4 =	vcmask $0x2B28  }
0x5: {  	vm3 =	vcmask $0x2F2C;
	vm2 =	vcmask $0x3330;
	vm1 =	vcmask $0x3734  }
0x6: {  	vm0 =	vcmask $0x3B38;
	v54 =	vimm.s32 $0x381;
	v56 =	vimm.s32 $0x382  }
0x7: {  	v2 =	vimm.s32 $0x383;
	v60 =	vimm.s32 $0x384;
	v62 =	vimm.s32 $0x385  }
0x8: {  	v63 =	vimm.s32 $0x386;
	v7 =	vimm.s32 $0x14131211;
	v8 =	vimm.s32 $0x18171615  }
0x9: {  	vm14 =	vcmask $0x1F10;
	v9 =	vimm.s32 $0x1C1B1A19;
	v10 =	vimm.s32 $0x1F1E1D  }
0xa: {  	v11 =	vimm.s32 $0x15141312;
	v32 =	vimm.s32 $0x19181716;
	v33 =	vimm.s32 $0x1001F1E  }
0xb: {  	v36 =	vimm.s32 $0x1E1D1C1B;
	v37 =	vimm.s32 $0x201001F;
	v12 =	vimm.s32 $0x3020100  }
0xc: {  	v13 =	vimm.s32 $0x1F1E1D1C;
	v14 =	vimm.s32 $0x17161514;
	v15 =	vimm.s32 $0x1B1A1918  }
0xd: {  	v17 =	vimm.s32 $0x5040302;
	v51 =	vimm.s32 $0x76543210;
	v53 =	vimm.s32 $0x87654321  }
0xe: {  	vm15 =	vcmask $0x1F1C;
	v0 =	vsel vm13, $0x1, v0;
	v18 =	vand.u32 $0x7, v30  }
0xf: {  	v31 =	vadd.s32 $0x1, v30;
	v55 =	vsel vm13, $0x2, v54;
	v19 =	vadd.s32 $0x2, v30  }
0x10: {  	v2 =	vsel vm13, $0x4, v2;
	v20 =	vadd.s32 $0x3, v30;
	v21 =	vadd.s32 $0x4, v30  }
0x11: {  	v22 =	vadd.s32 $0x5, v30;
	v61 =	vsel vm13, $0x5, v60;
	v0 =	vsel vm12, $0x82, v0  }
0x12: {  	v26 =	vadd.s32 $0x9, v30;
	v28 =	vadd.s32 $0xB, v30;
	v0 =	vsel vm11, $0x103, v0  }
0x13: {  	v29 =	vadd.s32 $0xC, v30;
	v3 =	vunpack.c.0.s8.s32 v8;
	v0 =	vsel vm10, $0x184, v0  }
0x14: {  	v42 =	vadd.s32 $0xE, v30;
	v8 =	vimm.s32 $0x16151413;
	v0 =	vsel vm9, $0x205, v0  }
0x15: {  	v12 =	vunpack.c.0.s8.s32 v12;
	v13 =	vunpack.c.0.s8.s32 v13;
	v0 =	vsel vm8, $0x286, v0  }
0x16: {  	v14 =	vunpack.c.0.s8.s32 v14;
	v15 =	vunpack.c.0.s8.s32 v15;
	v0 =	vsel vm7, $0x307, v0  }
0x17: {  	v39 =	vunpack.c.0.s8.s32 v17;
	v54 =	vunpack.c.l.s4.s8 v53;
	v0 =	vsel vm6, $0x1, v0  }
0x18: {  	v1 =	vmul.u32 $0x81, v18;
	v2 =	vsel vm12, $0x85, v2;
	v0 =	vsel vm5, $0x82, v0  }
0x19: {  	v8 =	vunpack.c.0.s8.s32 v8;
	v17 =	vmul.u32 $0x1900, v18;
	v0 =	vsel vm4, $0x103, v0  }
0x1a: {  	v2 =	vsel vm11, $0x106, v2;
	v38 =	vsel vm14, v12, v13;
	v0 =	vsel vm3, $0x184, v0  }
0x1b: {  	v12 =	vimm.s32 $0x4030201;
	v14 =	vsel vm14, v15, v14;
	v0 =	vsel vm2, $0x205, v0  }
0x1c: {  	[tilespmem:$0x1FDC0] =	vst v1;
	v1 =	vsel vm13, $0x3, v56;
	v2 =	vsel vm10, $0x187, v2;
	v0 =	vsel vm1, $0x286, v0  }
0x1d: {  	v12 =	vunpack.c.0.s8.s32 v12;
	v46 =	vcombine.low v14, v38;
	v0 =	vsel vm0, $0x307, v0  }
0x1e: {  	v14 =	vimm.s32 $0x6050403;
	v56 =	vimm.s32 $0xA9876543;
	[tilespmem:$0x1FDD0] =	vst v0;
	v0 =	vsel vm12, $0x83, v55  }
0x1f: {  	v1 =	vsel vm12, $0x84, v1;
	v2 =	vsel vm9, $0x200, v2;
	v0 =	vsel vm11, $0x104, v0  }
0x20: {  	v40 =	vunpack.c.0.s8.s32 v14;
	v1 =	vsel vm11, $0x105, v1;
	v0 =	vsel vm10, $0x185, v0  }
0x21: {  	v2 =	vsel vm8, $0x281, v2;
	v1 =	vsel vm10, $0x186, v1;
	v0 =	vsel vm9, $0x206, v0  }
0x22: {  	v2 =	vsel vm7, $0x302, v2;
	v1 =	vsel vm9, $0x207, v1;
	v0 =	vsel vm8, $0x287, v0  }
0x23: {  	v2 =	vsel vm6, $0x4, v2;
	v1 =	vsel vm8, $0x280, v1;
	v0 =	vsel vm7, $0x300, v0  }
0x24: {  	v2 =	vsel vm5, $0x85, v2;
	v1 =	vsel vm7, $0x301, v1;
	v0 =	vsel vm6, $0x2, v0  }
0x25: {  	v2 =	vsel vm4, $0x106, v2;
	v1 =	vsel vm6, $0x3, v1;
	v0 =	vsel vm5, $0x83, v0  }
0x26: {  	v58 =	vsel vm3, $0x187, v2;
	v1 =	vsel vm5, $0x84, v1;
	v0 =	vsel vm4, $0x104, v0  }
0x27: {  	v2 =	vsel vm13, $0x7, v63;
	v1 =	vsel vm4, $0x105, v1;
	v0 =	vsel vm3, $0x185, v0  }
0x28: {  	v63 =	vimm.s32 $0xC0B0A09;
	v1 =	vsel vm3, $0x186, v1;
	v0 =	vsel vm2, $0x206, v0  }
0x29: {  	v2 =	vsel vm12, $0x80, v2;
	v1 =	vsel vm2, $0x207, v1;
	v0 =	vsel vm1, $0x287, v0  }
0x2a: {  	v2 =	vsel vm11, $0x101, v2;
	v57 =	vsel vm1, $0x280, v1;
	v0 =	vsel vm0, $0x300, v0  }
0x2b: {  	v59 =	vsel vm2, $0x200, v58;
	v2 =	vsel vm10, $0x182, v2;
	[tilespmem:$0x1FDE0] =	vst v0;
	v0 =	vsel vm0, $0x301, v57  }
0x2c: {  	v2 =	vsel vm9, $0x203, v2;
	v1 =	vsel vm13, $0x6, v62;
	[tilespmem:$0x1FDF0] =	vst v0;
	v0 =	vsel vm1, $0x281, v59  }
0x2d: {  	v55 =	vimm.s32 $0x98765432;
	v1 =	vsel vm12, $0x87, v1;
	v0 =	vsel vm0, $0x302, v0  }
0x2e: {  	v2 =	vsel vm8, $0x284, v2;
	v1 =	vsel vm11, $0x100, v1;
	[tilespmem:$0x1FE00] =	vst v0;
	v0 =	vsel vm12, $0x86, v61  }
0x2f: {  	v2 =	vsel vm7, $0x305, v2;
	v1 =	vsel vm10, $0x181, v1;
	v0 =	vsel vm11, $0x107, v0  }
0x30: {  	v2 =	vsel vm6, $0x7, v2;
	v1 =	vsel vm9, $0x202, v1;
	v0 =	vsel vm10, $0x180, v0  }
0x31: {  	v2 =	vsel vm5, $0x80, v2;
	v1 =	vsel vm8, $0x283, v1;
	v0 =	vsel vm9, $0x201, v0  }
0x32: {  	v2 =	vsel vm4, $0x101, v2;
	v1 =	vsel vm7, $0x304, v1;
	v0 =	vsel vm8, $0x282, v0  }
0x33: {  	v2 =	vsel vm3, $0x182, v2;
	v1 =	vsel vm6, $0x6, v1;
	v0 =	vsel vm7, $0x303, v0  }
0x34: {  	v5 =	vsel vm2, $0x203, v2;
	v1 =	vsel vm5, $0x87, v1;
	v0 =	vsel vm6, $0x5, v0  }
0x35: {  	v2 =	vunpack.c.0.s8.s32 v10;
	v1 =	vsel vm4, $0x100, v1;
	v0 =	vsel vm5, $0x86, v0  }
0x36: {  	v62 =	vimm.s32 $0x43218765;
	v1 =	vsel vm3, $0x181, v1;
	v0 =	vsel vm4, $0x107, v0  }
0x37: {  	v12 =	vsel vm14, v12, v2;
	v4 =	vsel vm2, $0x202, v1;
	v0 =	vsel vm3, $0x180, v0  }
0x38: {  	v1 =	vsel vm1, $0x284, v5;
	v5 =	vunpack.c.0.s8.s32 v11;
	v0 =	vsel vm2, $0x201, v0  }
0x39: {  	v11 =	vunpack.c.0.s8.s32 v36;
	v6 =	vsel vm0, $0x305, v1;
	v0 =	vsel vm1, $0x282, v0  }
0x3a: {  	v57 =	vsel vm14, v13, v15;
	[tilespmem:$0x1FE30] =	vst v6;
	v6 =	vimm.s32 $0x1D1C1B1A;
	v0 =	vsel vm0, $0x303, v0  }
0x3b: {  	v59 =	vimm.s32 $0x32107654;
	v6 =	vunpack.c.0.s8.s32 v6;
	[tilespmem:$0x1FE10] =	vst v0;
	v0 =	vsel vm1, $0x283, v4  }
0x3c: {  	s0 =	rddreg [dreg:$0x0];
	v4 =	vunpack.c.0.s8.s32 v9;
	v9 =	vimm.s32 $0x1A191817;
	v0 =	vsel vm0, $0x304, v0  }
0x3d: {  	s1 =	rddreg [dreg:$0x1];
	s3 =	simm.s32 $0x0;
	v61 =	vimm.s32 $0xB0A0908;
	v9 =	vunpack.c.0.s8.s32 v9;
	[tilespmem:$0x1FE20] =	vst v0;
	v0 =	vunpack.c.0.s8.s32 v7  }
0x3e: {  	[smem:$0x7FF] =	sst s3;
	v7 =	vunpack.c.0.s8.s32 v32;
	v10 =	vsel vm14, v2, v4;
	v32 =	vimm.s32 $0x54329876  }
0x3f: {  	s2 =	rddreg [dreg:$0x2];
	v8 =	vsel vm14, v9, v8;
	_ =	strace $0x80000047;
	v52 =	vsel vm14, v11, v9;
	[tilespmem:$0x1FE50] =	vst v18;
	v18 =	vmul.u32 $0xC8, v18  }
0x40: {  	v1 =	vsel vm14, v3, v0;
	v0 =	vunpack.c.0.s8.s32 v33;
	v34 =	vsel vm14, v7, v5  }
0x41: {  	[tilespmem:$0x1FE60] =	vst v31;
	v3 =	vsel vm14, v4, v3;
	v4 =	vunpack.c.l.s4.s8 v51;
	v33 =	vimm.s32 $0xD0C0B0A  }
0x42: {  	[tilespmem:$0x1FE70] =	vst v28;
	v43 =	vcombine.low v1, v10;
	v1 =	vunpack.c.0.s8.s32 v37;
	v47 =	vcombine.low v3, v12  }
0x43: {  	[tilespmem:$0x1FE80] =	vst v29;
	v3 =	vunpack.c.0.s8.s32 v54;
	v37 =	vunpack.c.l.s4.s8 v32;
	v35 =	vsel vm14, v0, v6  }
0x44: {  	[tilespmem:$0x1FE90] =	vst v19;
	v49 =	vsel vm14, v39, v0;
	v6 =	vsel vm14, v6, v7;
	v4 =	vunpack.c.0.s8.s32 v4  }
0x45: {  	[tilespmem:$0x1FEA0] =	vst v42;
	v7 =	vunpack.c.l.s4.s8 v56;
	v44 =	vcombine.low v34, v35;
	v16 =	vsel vm14, v1, v11  }
0x46: {  	[tilespmem:$0x1FEC0] =	vst v26;
	v49 =	vcombine.low v6, v49;
	v50 =	vsel vm14, v40, v1;
	v6 =	vunpack.c.l.s4.s8 v55  }
0x47: {  	[tilespmem:$0x1FED0] =	vst v20;
	v3 =	vand.u32 $0xF, v3;
	vm14 =	vcmask $0x2F10;
	v11 =	vimm.s32 $0x579  }
0x48: {  	[tilespmem:$0x1FEE0] =	vst v46;
	v34 =	vimm.s32 $0x6543A987;
	v58 =	vunpack.c.0.s8.s32 v6;
	v6 =	vunpack.c.l.s4.s8 v59  }
0x49: {  	[tilespmem:$0x1FF00] =	vst v21;
	v38 =	vunpack.c.0.s8.s32 v37;
	v40 =	vimm.s32 $0xE0D0C0B;
	v45 =	vcombine.low v8, v16  }
0x4a: {  	[tilespmem:$0x1FF20] =	vst v22;
	v50 =	vcombine.low v52, v50;
	v51 =	vcombine.low v57, v4;
	v6 =	vunpack.c.0.s8.s32 v6  }
0x4b: {  	[tilespmem:$0x1FFD0] =	vst v17;
	v7 =	vunpack.c.0.s8.s32 v7;
	v52 =	vcombine.low v10, v3;
	v4 =	vunpack.c.0.s8.s32 v61  }
0x4c: {  	[tilespmem:$0x1FFF0] =	vst v18;
	v8 =	vunpack.c.l.s4.s8 v62;
	v10 =	vand.u32 $0xF, v6;
	v6 =	vsel vm13, $0x0, v11  }
0x4d: {  	s4 =	srdreg.scid;
	s7 =	stileid.u32;
	[tilespmem:$0x1FEB0] =	vst v43;
	v3 =	vunpack.c.0.s8.s32 v63;
	v39 =	vunpack.c.l.s4.s8 v34;
	v6 =	vsel vm12, $0xC8, v6  }
0x4e: {  	s19 =	simm.s32 $0x8;
	s20 =	simm.s32 $0xD20;
	s21 =	simm.s32 $0x64;
	[tilespmem:$0x1FEF0] =	vst v47;
	v57 =	vand.u32 $0xF, v38;
	v60 =	vand.u32 $0xF, v58;
	v6 =	vsel vm11, $0x190, v6  }
0x4f: {  	s22 =	simm.s32 $0x1520;
	s28 =	simm.s32 $0x1120;
	s29 =	simm.s32 $0xDD20;
	[tilespmem:$0x1FF70] =	vst v44;
	v7 =	vand.u32 $0xF, v7;
	v53 =	vcombine.low v35, v60;
	v6 =	vsel vm10, $0x258, v6  }
0x50: {  	s12 =	simm.s32 $0x5;
	s15 =	simm.s32 $0x6;
	s4 =	sand.u32 $0x1, s4;
	[tilespmem:$0x1FF10] =	vst v50;
	v5 =	vsel vm14, v10, v13;
	vm12 =	vcmask $0x3F30;
	v35 =	vsel vm9, $0x320, v6  }
0x51: {  	s5 =	sadd.s32 $0x80600, s1;
	s8 =	sshll.u32 s7, $0xA;
	s9 =	sshll.u32 s4, $0x9;
	v8 =	vunpack.c.0.s8.s32 v8;
	[tilespmem:$0x1FF30] =	vst v52;
	v55 =	vsel vm12, v4, v5;
	v4 =	vsel vm8, $0x3E8, v35  }
0x52: {  	s6 =	sadd.s32 $0x1313400, s1;
	s24 =	ssub.s32 $0x2, s4;
	s8 =	sor.u32 s9, s8;
	[tilespmem:$0x1FF90] =	vst v45;
	v54 =	vcombine.low v16, v7;
	v16 =	vshrl.u32 v30, $0x3;
	v4 =	vsel vm7, $0x4B0, v4  }
0x53: {  	s7 =	sadd.s32 $0xF42A00, s1;
	s4 =	sshrl.u32 s24, $0x1;
	s9 =	smul.u32 $0x1A, s8;
	v59 =	vunpack.c.0.s8.s32 v33;
	v0 =	vsel vm14, v57, v0;
	[tilespmem:$0x1FFC0] =	vst v16;
	v4 =	vsel vm15, $0x578, v4  }
0x54: {  	s10 =	sor.u32 $0x8, s8;
	s1 =	ssub.s32 s24, s4;
	s25 =	sshrl.u32 s8, $0x3;
	v58 =	vunpack.c.0.s8.s32 v39;
	v36 =	vand.u32 $0xF, v8;
	[tilespmem:$0x1FF50] =	vst v54;
	v4 =	vsel vm6, $0x1, v4  }
0x55: {  	s13 =	sor.u32 $0x10, s8;
	s14 =	sor.u32 $0x18, s8;
	s24 =	simm.s32 $0x3;
	v60 =	vunpack.c.0.s8.s32 v40;
	v2 =	vsel vm14, v36, v2;
	[tilespmem:$0x1FF40] =	vst v53;
	v48 =	vsel vm5, $0xC9, v4  }
0x56: {  	s11 =	smul.u32 $0x1A, s10;
	s4 =	sadd.s32 s0, s25;
	s30 =	sshrl.u32 s10, $0x3;
	v56 =	vsel vm12, v3, v2;
	v57 =	vsel vm12, v59, v0;
	[tilespmem:$0x1FF60] =	vst v55;
	v2 =	vsel vm4, $0x191, v48  }
0x57: {  	s1 =	smax.u32 s1, $0x1;
	s26 =	sadd.s32 s5, s9;
	[dreg:$0x4] =	wrdreg s4;
	[tilespmem:$0x1FF80] =	vst v56;
	v4 =	vand.u32 $0xF, v58;
	v58 =	vmul.u32 $0x20, v16;
	v2 =	vsel vm3, $0x259, v2  }
0x58: {  	v23 =	vadd.s32 $0x6, v30;
	s25 =	simm.s32 $0x2;
	s31 =	sadd.s32 s5, s11;
	[dreg:$0x5] =	wrdreg s26;
	[tilespmem:$0x1FFA0] =	vst v57;
	v61 =	vsel vm14, v4, v1;
	v2 =	vsel vm2, $0x321, v2  }
0x59: {  	v24 =	vadd.s32 $0x7, v30;
	s10 =	simm.s32 $0x4;
	s9 =	simm.s32 $0x1A520;
	[dreg:$0x7] =	wrdreg s31;
	v48 =	vsel vm12, v60, v61;
	[tilespmem:$0x1FFE0] =	vst v58;
	v62 =	vsel vm1, $0x3E9, v2  }
0x5a: {  	v25 =	vadd.s32 $0x8, v30;
	v27 =	vadd.s32 $0xA, v30;
	s11 =	simm.s32 $0x1AB60;
	s4 =	sadd.s32 s0, s30;
	[dreg:$0x8] =	wrdreg s1;
	[tilespmem:$0x1FFB0] =	vst v48;
	v63 =	vsel vm0, $0x4B1, v62  }
0x5b: {  	v41 =	vadd.s32 $0xD, v30;
	v14 =	vadd.s32 $0xF, v30;
	v15 =	vor.u32 $0x10, v30;
	s26 =	simm.s32 $0x18;
	[dreg:$0x6] =	wrdreg s4;
	s4 =	simm.s32 $0x0;
	[tilespmem:$0x1FE40] =	vst v63  }
.LBB2_1:
0x5c: {  	[dreg:$0x9] =	wrdreg s4  }
0x5d: {  	s1 =	rddreg [dreg:$0x4]  }
0x5e: {  	[tilespmem:s3], [sflag:$0x1] =	stream.linear.gather [hbm4b:s1+s3], $0x8, $0x38;
	[tilespmem:$0x1B1A0] =	vst v63  }
0x5f: {  	s16 =	rddreg [dreg:$0x5];
	s17 =	simm.s32 $0x20;
	s18 =	simm.s32 $0x1  }
0x60: {  	[tilespmem:s17], [sflag:$0x1] =	stream.linear.gather [hbm4b:s16+s3], $0x680, $0x38;
	[tilespmem:$0x1B1A0] =	vst v63  }
0x61: {  	_ =	swait.ge [sflag:s18], $0x8  }
0x62: {  	[sflag:s18] =	ssyncset.done $0x0  }
0x63: {  	[sflag:s18] =	ssyncadd.s32 $0xFFFFFFF8  }
0x64: {  	_ =	swait.ge [sflag:s18], $0x680  }
0x65: {  	v1 =	vld [tilespmem:$0x1FE50];
	_ =	sdelay $0x5  }
0x66: {  	[sflag:s18] =	ssyncset.done $0x0  }
0x67: {  	[sflag:s18] =	ssyncadd.s32 $0xFFFFF980  }
0x68: {  	v0 =	vld.idx.msk [tilespmem:v1+s3+$0x0], $0xffff;
	_ =	sdelay $0x4  }
0x69: {  	s23 =	simm.s32 $0x10;
	v0 =	vshra.s32 v0, $0x2  }
0x6a: {  	[tilespmem:v1+s23+$0x0] =	vst.idx.msk $0xff, v0  }
0x6b: {  	[tilespmem:s20], [sflag:$0x3] =	stream.indirect.gather [hbm4b:s7+s19], $0x80, s23, s19, $0xb8;
	[tilespmem:$0x1B1A0] =	vst v63  }
0x6c: {  	_ = 	snop  }
0x6d: {  	[tilespmem:s22], [sflag:$0x3] =	stream.indirect.gather [hbm4b:s6+s21], $0x20, s17, s21, $0xb8;
	[tilespmem:$0x1B1A0] =	vst v63  }
0x6e: {  	s30 =	simm.s32 $0x88;
	s31 =	simm.s32 $0x21A0  }
0x6f: {  	[tilespmem:s31], [sflag:$0x3] =	stream.indirect.gather [hbm4b:s6+s21], $0x20, s30, s21, $0xb8;
	[tilespmem:$0x1B1A0] =	vst v63  }
0x70: {  	s16 =	simm.s32 $0xF0;
	s17 =	simm.s32 $0x2E20  }
0x71: {  	[tilespmem:s17], [sflag:$0x3] =	stream.indirect.gather [hbm4b:s6+s21], $0x20, s16, s21, $0xb8;
	[tilespmem:$0x1B1A0] =	vst v63  }
0x72: {  	s18 =	simm.s32 $0x158;
	s23 =	simm.s32 $0x3AA0  }
0x73: {  	[tilespmem:s23], [sflag:$0x3] =	stream.indirect.gather [hbm4b:s6+s21], $0x20, s18, s21, $0xb8;
	[tilespmem:$0x1B1A0] =	vst v63  }
0x74: {  	s30 =	simm.s32 $0x1C0;
	s31 =	simm.s32 $0x4720  }
0x75: {  	[tilespmem:s31], [sflag:$0x3] =	stream.indirect.gather [hbm4b:s6+s21], $0x20, s30, s21, $0xb8;
	[tilespmem:$0x1B1A0] =	vst v63  }
0x76: {  	s16 =	simm.s32 $0x228;
	s17 =	simm.s32 $0x53A0  }
0x77: {  	[tilespmem:s17], [sflag:$0x3] =	stream.indirect.gather [hbm4b:s6+s21], $0x20, s16, s21, $0xb8;
	[tilespmem:$0x1B1A0] =	vst v63  }
0x78: {  	s18 =	simm.s32 $0x290;
	s23 =	simm.s32 $0x6020  }
0x79: {  	[tilespmem:s23], [sflag:$0x3] =	stream.indirect.gather [hbm4b:s6+s21], $0x20, s18, s21, $0xb8;
	[tilespmem:$0x1B1A0] =	vst v63  }
0x7a: {  	s30 =	simm.s32 $0x2F8;
	s31 =	simm.s32 $0x6CA0  }
0x7b: {  	[tilespmem:s31], [sflag:$0x3] =	stream.indirect.gather [hbm4b:s6+s21], $0x20, s30, s21, $0xb8;
	[tilespmem:$0x1B1A0] =	vst v63  }
0x7c: {  	s16 =	simm.s32 $0x360;
	s17 =	simm.s32 $0x7920  }
0x7d: {  	[tilespmem:s17], [sflag:$0x3] =	stream.indirect.gather [hbm4b:s6+s21], $0x20, s16, s21, $0xb8;
	[tilespmem:$0x1B1A0] =	vst v63  }
0x7e: {  	s18 =	simm.s32 $0x3C8;
	s23 =	simm.s32 $0x85A0  }
0x7f: {  	[tilespmem:s23], [sflag:$0x3] =	stream.indirect.gather [hbm4b:s6+s21], $0x20, s18, s21, $0xb8;
	[tilespmem:$0x1B1A0] =	vst v63  }
0x80: {  	s30 =	simm.s32 $0x430;
	s31 =	simm.s32 $0x9220  }
0x81: {  	[tilespmem:s31], [sflag:$0x3] =	stream.indirect.gather [hbm4b:s6+s21], $0x20, s30, s21, $0xb8;
	[tilespmem:$0x1B1A0] =	vst v63  }
0x82: {  	s16 =	simm.s32 $0x498;
	s17 =	simm.s32 $0x9EA0  }
0x83: {  	[tilespmem:s17], [sflag:$0x3] =	stream.indirect.gather [hbm4b:s6+s21], $0x20, s16, s21, $0xb8;
	[tilespmem:$0x1B1A0] =	vst v63  }
0x84: {  	s18 =	simm.s32 $0x500;
	s23 =	simm.s32 $0xAB20  }
0x85: {  	[tilespmem:s23], [sflag:$0x3] =	stream.indirect.gather [hbm4b:s6+s21], $0x20, s18, s21, $0xb8;
	[tilespmem:$0x1B1A0] =	vst v63  }
0x86: {  	s30 =	simm.s32 $0x568;
	s31 =	simm.s32 $0xB7A0  }
0x87: {  	[tilespmem:s31], [sflag:$0x3] =	stream.indirect.gather [hbm4b:s6+s21], $0x20, s30, s21, $0xb8;
	[tilespmem:$0x1B1A0] =	vst v63  }
0x88: {  	s4 =	simm.s32 $0x5D0;
	s16 =	simm.s32 $0xC420  }
0x89: {  	[tilespmem:s16], [sflag:$0x3] =	stream.indirect.gather [hbm4b:s6+s21], $0x20, s4, s21, $0xb8;
	[tilespmem:$0x1B1A0] =	vst v63  }
0x8a: {  	s17 =	simm.s32 $0x638;
	s18 =	simm.s32 $0xD0A0  }
0x8b: {  	[tilespmem:s18], [sflag:$0x3] =	stream.indirect.gather [hbm4b:s6+s21], $0x20, s17, s21, $0xb8;
	[tilespmem:$0x1B1A0] =	vst v63  }
0x8c: {  	s23 =	rddreg [dreg:$0x6]  }
0x8d: {  	[tilespmem:s19], [sflag:$0x2] =	stream.linear.gather [hbm4b:s23+s3], $0x8, $0x38;
	[tilespmem:$0x1B1A0] =	vst v63  }
0x8e: {  	s30 =	rddreg [dreg:$0x7];
	s31 =	simm.s32 $0x6A0;
	s17 =	simm.s32 $0x0  }
0x8f: {  	[tilespmem:s31], [sflag:$0x2] =	stream.linear.gather [hbm4b:s30+s3], $0x680, $0x38;
	[tilespmem:$0x1B1A0] =	vst v63  }
.LBB2_2:
0x90: {  	_ =	swait.ge [sflag:s24], $0x400  }
0x91: {  	[sflag:s24] =	ssyncset.done $0x0  }
0x92: {  	[sflag:s24] =	ssyncadd.s32 $0xFFFFFC00  }
0x93: {  	_ =	swait.ge [sflag:s24], $0xC800  }
0x94: {  	[sflag:s24] =	ssyncset.done $0x0  }
0x95: {  	[sflag:s24] =	ssyncadd.s32 $0xFFFF3800  }
0x96: {  	_ =	swait.ge [sflag:s25], $0x8  }
0x97: {  	[sflag:s25] =	ssyncset.done $0x0  }
0x98: {  	[sflag:s25] =	ssyncadd.s32 $0xFFFFFFF8  }
0x99: {  	_ =	swait.ge [sflag:s25], $0x680  }
0x9a: {  	v1 =	vld [tilespmem:$0x1FE50];
	_ =	sdelay $0x5  }
0x9b: {  	[sflag:s25] =	ssyncset.done $0x0  }
0x9c: {  	[sflag:s25] =	ssyncadd.s32 $0xFFFFF980  }
0x9d: {  	v0 =	vld.idx.msk [tilespmem:v1+s19+$0x0], $0xffff;
	_ =	sdelay $0x4  }
0x9e: {  	v0 =	vshra.s32 v0, $0x2  }
0x9f: {  	[tilespmem:v1+s26+$0x0] =	vst.idx.msk $0xff, v0  }
0xa0: {  	[tilespmem:s28], [sflag:$0x4] =	stream.indirect.gather [hbm4b:s7+s19], $0x80, s26, s19, $0xb8;
	[tilespmem:$0x1B1A0] =	vst v63  }
0xa1: {  	s1 =	simm.s32 $0x6A0  }
0xa2: {  	[tilespmem:s29], [sflag:$0x4] =	stream.indirect.gather [hbm4b:s6+s21], $0x20, s1, s21, $0xb8;
	[tilespmem:$0x1B1A0] =	vst v63  }
0xa3: {  	s30 =	simm.s32 $0x708;
	s4 =	simm.s32 $0xE9A0  }
0xa4: {  	[tilespmem:s4], [sflag:$0x4] =	stream.indirect.gather [hbm4b:s6+s21], $0x20, s30, s21, $0xb8;
	[tilespmem:$0x1B1A0] =	vst v63  }
0xa5: {  	s16 =	simm.s32 $0x770;
	s18 =	simm.s32 $0xF620  }
0xa6: {  	[tilespmem:s18], [sflag:$0x4] =	stream.indirect.gather [hbm4b:s6+s21], $0x20, s16, s21, $0xb8;
	[tilespmem:$0x1B1A0] =	vst v63  }
0xa7: {  	s23 =	simm.s32 $0x7D8;
	s30 =	simm.s32 $0x102A0  }
0xa8: {  	[tilespmem:s30], [sflag:$0x4] =	stream.indirect.gather [hbm4b:s6+s21], $0x20, s23, s21, $0xb8;
	[tilespmem:$0x1B1A0] =	vst v63  }
0xa9: {  	s16 =	simm.s32 $0x840;
	s18 =	simm.s32 $0x10F20  }
0xaa: {  	[tilespmem:s18], [sflag:$0x4] =	stream.indirect.gather [hbm4b:s6+s21], $0x20, s16, s21, $0xb8;
	[tilespmem:$0x1B1A0] =	vst v63  }
0xab: {  	s23 =	simm.s32 $0x8A8;
	s30 =	simm.s32 $0x11BA0  }
0xac: {  	[tilespmem:s30], [sflag:$0x4] =	stream.indirect.gather [hbm4b:s6+s21], $0x20, s23, s21, $0xb8;
	[tilespmem:$0x1B1A0] =	vst v63  }
0xad: {  	s16 =	simm.s32 $0x910;
	s18 =	simm.s32 $0x12820  }
0xae: {  	[tilespmem:s18], [sflag:$0x4] =	stream.indirect.gather [hbm4b:s6+s21], $0x20, s16, s21, $0xb8;
	[tilespmem:$0x1B1A0] =	vst v63  }
0xaf: {  	s23 =	simm.s32 $0x978;
	s30 =	simm.s32 $0x134A0  }
0xb0: {  	[tilespmem:s30], [sflag:$0x4] =	stream.indirect.gather [hbm4b:s6+s21], $0x20, s23, s21, $0xb8;
	[tilespmem:$0x1B1A0] =	vst v63  }
0xb1: {  	s16 =	simm.s32 $0x9E0;
	s18 =	simm.s32 $0x14120  }
0xb2: {  	[tilespmem:s18], [sflag:$0x4] =	stream.indirect.gather [hbm4b:s6+s21], $0x20, s16, s21, $0xb8;
	[tilespmem:$0x1B1A0] =	vst v63  }
0xb3: {  	s23 =	simm.s32 $0xA48;
	s30 =	simm.s32 $0x14DA0  }
0xb4: {  	[tilespmem:s30], [sflag:$0x4] =	stream.indirect.gather [hbm4b:s6+s21], $0x20, s23, s21, $0xb8;
	[tilespmem:$0x1B1A0] =	vst v63  }
0xb5: {  	s16 =	simm.s32 $0xAB0;
	s18 =	simm.s32 $0x15A20  }
0xb6: {  	[tilespmem:s18], [sflag:$0x4] =	stream.indirect.gather [hbm4b:s6+s21], $0x20, s16, s21, $0xb8;
	[tilespmem:$0x1B1A0] =	vst v63  }
0xb7: {  	s31 =	sshll.u32 s17, $0x4;
	s23 =	simm.s32 $0xB18;
	s30 =	simm.s32 $0x166A0  }
0xb8: {  	[tilespmem:s30], [sflag:$0x4] =	stream.indirect.gather [hbm4b:s6+s21], $0x20, s23, s21, $0xb8;
	[tilespmem:$0x1B1A0] =	vst v63  }
0xb9: {  	p0 =	seq.s32 s17, $0x1F;
	s16 =	simm.s32 $0xB80;
	s18 =	simm.s32 $0x17320  }
0xba: {  	[tilespmem:s18], [sflag:$0x4] =	stream.indirect.gather [hbm4b:s6+s21], $0x20, s16, s21, $0xb8;
	[tilespmem:$0x1B1A0] =	vst v63  }
0xbb: {  	p1 =	seq.s32 @!p0 s17, $0x0;
	s23 =	simm.s32 $0xBE8;
	s30 =	simm.s32 $0x17FA0  }
0xbc: {  	[tilespmem:s30], [sflag:$0x4] =	stream.indirect.gather [hbm4b:s6+s21], $0x20, s23, s21, $0xb8;
	[tilespmem:$0x1B1A0] =	vst v63  }
0xbd: {  	p1 =	por p0, !p1;
	s16 =	simm.s32 $0xC50;
	s18 =	simm.s32 $0x18C20  }
0xbe: {  	[tilespmem:s18], [sflag:$0x4] =	stream.indirect.gather [hbm4b:s6+s21], $0x20, s16, s21, $0xb8;
	[tilespmem:$0x1B1A0] =	vst v63  }
0xbf: {  	s1 =	sadd.s32 @!p0 s31, s13;
	s23 =	simm.s32 $0xCB8;
	s30 =	simm.s32 $0x198A0  }
0xc0: {  	[tilespmem:s30], [sflag:$0x4] =	stream.indirect.gather [hbm4b:s6+s21], $0x20, s23, s21, $0xb8;
	[tilespmem:$0x1B1A0] =	vst v63  }
.Ltmp0:
0xc1: {  	s4 =	sshrl.u32 @!p0 s1, $0x3;
	(pc) =	sbr.rel @!p1 .LBB2_3-.Ltmp0, $4  }
0xc2: {  	s1 =	smul.u32 @!p0 $0x1A, s1;
	s4 =	sadd.s32 @!p0 s0, s4;
	s30 =	simm.s32 @!p0 $0x0  }
0xc3: {  	[tilespmem:s30], [sflag:$0x1] =	stream.linear.gather @!p0 [hbm4b:s4+s30], $0x8, $0x38;
	[tilespmem:$0x1B1A0] =	vst v63  }
0xc4: {  	s1 =	sadd.s32 @!p0 s5, s1;
	s4 =	simm.s32 @!p0 $0x20  }
0xc5: {  	[tilespmem:s4], [sflag:$0x1] =	stream.linear.gather @!p0 [hbm4b:s1+s30], $0x680, $0x38;
	[tilespmem:$0x1B1A0] =	vst v63  }
.Ltmp1:
0xc6: {  	(pc) =	sbr.rel .LBB2_5-.Ltmp1, $4  }
0xc7: {  	_ = 	snop  }
0xc8: {  	_ =	swait.ge [sflag:s12], $0x640  }
0xc9: {  	[sflag:s12] =	ssyncset.done $0x0  }
0xca: {  	p1 =	por $0x0, $0x0;
	[sflag:s12] =	ssyncadd.s32 $0xFFFFF9C0  }
.LBB2_3:
0xcb: {  	p1 =	por @!p0 $0x1, $0x1  }
.LBB2_5:
0xcc: {  	v0 =	vld [tilespmem:$0x1FE50];
	_ =	sdelay $0x6  }
0xcd: {  	s1 =	simm.s32 $0x0  }
0xce: {  	v0 =	vld.idx.msk [tilespmem:v0+s1+$0x0], $0xffff;
	_ =	sdelay $0x2  }
0xcf: {  	v4 =	vld [tilespmem:$0x1FDC0]  }
0xd0: {  	v5 =	vld [tilespmem:$0x1FDD0]  }
0xd1: {  	v0 =	vshll.u32 v0, $0x5  }
0xd2: {  	v6 =	vld [tilespmem:$0x1FDE0];
	v1 =	vor.u32 v30, v0;
	v2 =	vor.u32 v31, v0  }
0xd3: {  	v7 =	vor.u32 v19, v0;
	v8 =	vor.u32 v20, v0;
	v1 =	vand.u32 $0x68, v1  }
0xd4: {  	v2 =	vand.u32 $0x78, v2;
	v59 =	vor.u32 v4, v1;
	v1 =	vand.u32 $0x78, v7;
	v7 =	vld [tilespmem:$0x1FDF0]  }
0xd5: {  	v60 =	vor.u32 v5, v2;
	v2 =	vand.u32 $0x78, v8;
	v8 =	vld [tilespmem:$0x1FE00]  }
0xd6: {  	v9 =	vor.u32 v22, v0  }
0xd7: {  	v61 =	vor.u32 v6, v1;
	v1 =	vand.u32 $0x78, v9;
	v9 =	vld [tilespmem:$0x1FE10]  }
0xd8: {  	v3 =	vor.u32 v21, v0;
	v10 =	vor.u32 v23, v0;
	v11 =	vor.u32 v24, v0  }
0xd9: {  	v3 =	vand.u32 $0x78, v3;
	[tilespmem:$0x1FD70] =	vst v59;
	v62 =	vor.u32 v7, v2;
	v2 =	vand.u32 $0x78, v10;
	v10 =	vld [tilespmem:$0x1FE20]  }
0xda: {  	[tilespmem:$0x1FD80] =	vst v60;
	v63 =	vor.u32 v8, v3;
	v3 =	vand.u32 $0x78, v11;
	v11 =	vld [tilespmem:$0x1FE30]  }
0xdb: {  	[tilespmem:$0x1FD90] =	vst v61  }
0xdc: {  	v34 =	vor.u32 v25, v0;
	v1 =	vor.u32 v9, v1;
	[tilespmem:$0x1FDA0] =	vst v62  }
0xdd: {  	v35 =	vor.u32 v26, v0;
	v36 =	vor.u32 v27, v0;
	[tilespmem:$0x1FBC0] =	vst v1;
	v1 =	vand.u32 $0x78, v34  }
0xde: {  	v39 =	vor.u32 v28, v0;
	v40 =	vor.u32 v29, v0;
	[tilespmem:$0x1FDB0] =	vst v63;
	v1 =	vor.u32 v4, v1  }
0xdf: {  	[tilespmem:$0x1FBF0] =	vst v1;
	v1 =	vand.u32 $0x78, v39;
	v32 =	vor.u32 v10, v2;
	v33 =	vor.u32 v11, v3  }
0xe0: {  	v2 =	vand.u32 $0x78, v35;
	v3 =	vand.u32 $0x78, v36;
	v1 =	vor.u32 v7, v1;
	[tilespmem:$0x1FBD0] =	vst v32  }
0xe1: {  	v35 =	vor.u32 v42, v0;
	v36 =	vor.u32 v14, v0;
	v42 =	vor.u32 v44, v0;
	[tilespmem:$0x1FBE0] =	vst v33  }
0xe2: {  	v37 =	vor.u32 v5, v2;
	v38 =	vor.u32 v6, v3;
	v32 =	vor.u32 v41, v0;
	[tilespmem:$0x1FC20] =	vst v1  }
0xe3: {  	v2 =	vand.u32 $0x78, v40;
	v1 =	vand.u32 $0x78, v35;
	v40 =	vor.u32 v43, v0;
	[tilespmem:$0x1FC00] =	vst v37  }
0xe4: {  	v43 =	vor.u32 v45, v0;
	v35 =	vor.u32 v47, v0;
	[tilespmem:$0x1FC10] =	vst v38;
	v33 =	vor.u32 v8, v2  }
0xe5: {  	v47 =	vor.u32 v53, v0;
	v3 =	vand.u32 $0x78, v32;
	v1 =	vor.u32 v10, v1;
	[tilespmem:$0x1FC30] =	vst v33  }
0xe6: {  	v37 =	vor.u32 v15, v0;
	v2 =	vand.u32 $0x78, v36;
	v34 =	vor.u32 v9, v3;
	[tilespmem:$0x1FC50] =	vst v1  }
0xe7: {  	v36 =	vor.u32 v49, v0;
	v3 =	vand.u32 $0x78, v37;
	v38 =	vor.u32 v11, v2;
	[tilespmem:$0x1FC40] =	vst v34  }
0xe8: {  	v1 =	vand.u32 $0x78, v40;
	v2 =	vand.u32 $0x78, v42;
	[tilespmem:$0x1FC60] =	vst v38;
	v39 =	vor.u32 v4, v3  }
0xe9: {  	v40 =	vor.u32 v51, v0;
	v42 =	vor.u32 v52, v0;
	v1 =	vor.u32 v5, v1;
	[tilespmem:$0x1FC70] =	vst v39  }
0xea: {  	v52 =	vor.u32 v55, v0;
	v3 =	vand.u32 $0x78, v43;
	v32 =	vor.u32 v6, v2;
	[tilespmem:$0x1FC80] =	vst v1  }
0xeb: {  	v34 =	vor.u32 v46, v0;
	v2 =	vand.u32 $0x78, v35;
	[tilespmem:$0x1FC90] =	vst v32;
	v33 =	vor.u32 v7, v3  }
0xec: {  	v55 =	vor.u32 v56, v0;
	v1 =	vand.u32 $0x78, v34;
	v37 =	vor.u32 v9, v2;
	[tilespmem:$0x1FCA0] =	vst v33  }
0xed: {  	v56 =	vor.u32 v57, v0;
	v3 =	vand.u32 $0x78, v36;
	v1 =	vor.u32 v8, v1;
	[tilespmem:$0x1FCC0] =	vst v37  }
0xee: {  	v39 =	vor.u32 v50, v0;
	v2 =	vand.u32 $0x78, v40;
	v38 =	vor.u32 v10, v3;
	[tilespmem:$0x1FCB0] =	vst v1  }
0xef: {  	v50 =	vor.u32 v54, v0;
	v3 =	vand.u32 $0x78, v42;
	v43 =	vor.u32 v4, v2;
	[tilespmem:$0x1FCD0] =	vst v38  }
0xf0: {  	v0 =	vor.u32 v48, v0;
	v2 =	vand.u32 $0x78, v50;
	[tilespmem:$0x1FCF0] =	vst v43;
	v46 =	vor.u32 v5, v3  }
0xf1: {  	v0 =	vand.u32 $0x78, v0;
	v53 =	vor.u32 v7, v2;
	[tilespmem:$0x1FD00] =	vst v46  }
0xf2: {  	v1 =	vand.u32 $0x78, v39;
	v0 =	vor.u32 v11, v0;
	[tilespmem:$0x1FD20] =	vst v53  }
0xf3: {  	v3 =	vand.u32 $0x78, v52;
	v1 =	vor.u32 v11, v1;
	[tilespmem:$0x1FD60] =	vst v0  }
0xf4: {  	v54 =	vor.u32 v8, v3;
	[tilespmem:$0x1FCE0] =	vst v1;
	v1 =	vand.u32 $0x78, v47  }
0xf5: {  	v2 =	vand.u32 $0x78, v56;
	[tilespmem:$0x1FD30] =	vst v54;
	v1 =	vor.u32 v6, v1  }
0xf6: {  	v57 =	vor.u32 v10, v2;
	[tilespmem:$0x1FD10] =	vst v1;
	v1 =	vand.u32 $0x78, v55  }
0xf7: {  	[tilespmem:$0x1FD50] =	vst v57;
	v1 =	vor.u32 v9, v1  }
0xf8: {  	s30 =	sor.u32 $0x8, s31;
	[tilespmem:$0x1FD40] =	vst v1  }
.LBB2_6:
0xf9: {  	v0 =	vld [tilespmem:$0x1FE40];
	_ =	sdelay $0x4  }
0xfa: {  	v0 =	vadd.s32 s1, v0  }
0xfb: {  	v7 =	vshll.u32 v0, $0x5  }
0xfc: {  	[tilespmem:$0x1FB90] =	vst v0;
	v0 =	vor.u32 v30, v7  }
0xfd: {  	v1 =	vor.u32 v31, v7;
	_ =	sdelay $0x1  }
0xfe: {  	v2 =	vor.u32 v19, v7  }
0xff: {  	v52 =	vld.idx.msk [tilespmem:v59+s20+$0x0], $0xffff  }
0x100: {  	v3 =	vor.u32 v20, v7;
	v0 =	vld.idx.msk [tilespmem:v0+s22+$0x0], $0xffff  }
0x101: {  	v1 =	vld.idx.msk [tilespmem:v1+s22+$0x0], $0xffff  }
0x102: {  	v4 =	vor.u32 v21, v7;
	v43 =	vld.idx.msk [tilespmem:v60+s20+$0x0], $0xffff  }
0x103: {  	v5 =	vor.u32 v22, v7;
	v2 =	vld.idx.msk [tilespmem:v2+s22+$0x0], $0xffff  }
0x104: {  	v42 =	vld.idx.msk [tilespmem:v61+s20+$0x0], $0xffff  }
0x105: {  	v6 =	vor.u32 v23, v7;
	v3 =	vld.idx.msk [tilespmem:v3+s22+$0x0], $0xffff  }
0x106: {  	v50 =	vld.idx.msk [tilespmem:v62+s20+$0x0], $0xffff  }
0x107: {  	v9 =	vor.u32 v24, v7;
	v4 =	vld.idx.msk [tilespmem:v4+s22+$0x0], $0xffff  }
0x108: {  	v5 =	vld.idx.msk [tilespmem:v5+s22+$0x0], $0xffff  }
0x109: {  	v57 =	vld [tilespmem:$0x1FBC0]  }
0x10a: {  	v60 =	vld.idx.msk [tilespmem:v6+s22+$0x0], $0xffff  }
0x10b: {  	v61 =	vld [tilespmem:$0x1FBD0]  }
0x10c: {  	v9 =	vld.idx.msk [tilespmem:v9+s22+$0x0], $0xffff  }
0x10d: {  	v36 =	vld [tilespmem:$0x1FBE0]  }
0x10e: {  	v38 =	vld [tilespmem:$0x1FBF0]  }
0x10f: {  	v48 =	vld [tilespmem:$0x1FC00]  }
0x110: {  	v62 =	vor.u32 v26, v7;
	v54 =	vld [tilespmem:$0x1FC10]  }
0x111: {  	v34 =	vld [tilespmem:$0x1FC20]  }
0x112: {  	v11 =	vld [tilespmem:$0x1FEA0];
	v0 =	vsub.f32 v52, v0  }
0x113: {  	v18 =	vld [tilespmem:$0x1FC90];
	v1 =	vsub.f32 v43, v1  }
0x114: {  	v8 =	vmul.f32 v0, v0;
	v0 =	vld.idx.msk [tilespmem:v63+s20+$0x0], $0xffff  }
0x115: {  	v2 =	vsub.f32 v42, v2;
	v40 =	vld.idx.msk [tilespmem:v62+s22+$0x0], $0xffff;
	v1 =	vmul.f32 v1, v1  }
0x116: {  	v59 =	vor.u32 v25, v7;
	v47 =	vld.idx.msk [tilespmem:v57+s20+$0x0], $0xffff  }
0x117: {  	v3 =	vsub.f32 v50, v3;
	v2 =	vmul.f32 v2, v2;
	v46 =	vld.idx.msk [tilespmem:v61+s20+$0x0], $0xffff;
	v1 =	vadd.f32 v1, v8  }
0x118: {  	v32 =	vmov v41;
	v55 =	vor.u32 v29, v7;
	v41 =	vld.idx.msk [tilespmem:v36+s20+$0x0], $0xffff  }
0x119: {  	v3 =	vmul.f32 v3, v3;
	v16 =	vld.idx.msk [tilespmem:v38+s20+$0x0], $0xffff;
	v1 =	vadd.f32 v2, v1;
	v4 =	vsub.f32 v0, v4  }
0x11a: {  	v10 =	vor.u32 v28, v7;
	v12 =	vld.idx.msk [tilespmem:v48+s20+$0x0], $0xffff  }
0x11b: {  	s4 =	sadd.s32 $0x2, s1;
	v6 =	vld.idx.msk [tilespmem:v54+s20+$0x0], $0xffff;
	v1 =	vadd.f32 v3, v1;
	v5 =	vsub.f32 v47, v5;
	v63 =	vmul.f32 v4, v4  }
0x11c: {  	v13 =	vmov s4;
	v11 =	vor.u32 v11, v7;
	v38 =	vor.u32 v14, v7;
	v8 =	vld.idx.msk [tilespmem:v59+s22+$0x0], $0xffff  }
0x11d: {  	v36 =	vld.idx.msk [tilespmem:v55+s22+$0x0], $0xffff;
	v2 =	vsub.f32 v46, v60;
	v39 =	vmul.f32 v5, v5;
	v1 =	vadd.f32 v63, v1  }
0x11e: {  	v37 =	vor.u32 v27, v7;
	v48 =	vld [tilespmem:$0x1FC40];
	v55 =	vshll.u32 v13, $0x5  }
0x11f: {  	[tilespmem:$0x1FB20] =	vst v13;
	v13 =	vld [tilespmem:$0x1FC50];
	v53 =	vsub.f32 v41, v9;
	v2 =	vmul.f32 v2, v2;
	v1 =	vadd.f32 v39, v1  }
0x120: {  	v59 =	vld.idx.msk [tilespmem:v10+s22+$0x0], $0xffff  }
0x121: {  	v11 =	vld.idx.msk [tilespmem:v11+s22+$0x0], $0xffff;
	v57 =	vsub.f32 v16, v8;
	v56 =	vmul.f32 v53, v53;
	v1 =	vadd.f32 v2, v1  }
0x122: {  	v9 =	vld.idx.msk [tilespmem:v38+s22+$0x0], $0xffff  }
0x123: {  	v33 =	vor.u32 v32, v7;
	v4 =	vld.idx.msk [tilespmem:v37+s22+$0x0], $0xffff;
	v3 =	vmul.f32 v57, v57;
	v2 =	vadd.f32 v56, v1  }
0x124: {  	v37 =	vld [tilespmem:$0x1FC30]  }
0x125: {  	v2 =	vadd.f32 v3, v2;
	v3 =	vor.u32 v58, v55;
	v55 =	vld.idx.msk [tilespmem:v18+s20+$0x0], $0xffff  }
0x126: {  	v18 =	vld [tilespmem:$0x1FEE0]  }
0x127: {  	v1 =	vld.idx.msk [tilespmem:v34+s20+$0x0], $0xffff  }
0x128: {  	v5 =	vsub.f32 v12, v40;
	v40 =	vld.idx.msk [tilespmem:v33+s22+$0x0], $0xffff  }
0x129: {  	v3 =	vadd.s32 v17, v3;
	v17 =	vld [tilespmem:$0x1FC70]  }
0x12a: {  	v62 =	vld.idx.msk [tilespmem:v48+s20+$0x0], $0xffff;
	v35 =	vmul.f32 v5, v5;
	v4 =	vsub.f32 v6, v4  }
0x12b: {  	v57 =	vor.u32 v30, v3;
	v33 =	vor.u32 v18, v7;
	v18 =	vld [tilespmem:$0x1FCA0]  }
0x12c: {  	v39 =	vmul.f32 v4, v4;
	v56 =	vld [tilespmem:$0x1FC60];
	v2 =	vadd.f32 v35, v2;
	v8 =	vsub.f32 v1, v59  }
0x12d: {  	v59 =	vld.idx.msk [tilespmem:v13+s20+$0x0], $0xffff  }
0x12e: {  	v13 =	vld [tilespmem:$0x1FEB0];
	v2 =	vadd.f32 v39, v2;
	v8 =	vmul.f32 v8, v8  }
0x12f: {  	v63 =	vld.idx.msk [tilespmem:v37+s20+$0x0], $0xffff  }
0x130: {  	v2 =	vadd.f32 v8, v2;
	v8 =	vld.idx.msk [tilespmem:v57+s22+$0x0], $0xffff  }
0x131: {  	v53 =	vor.u32 v15, v7;
	v54 =	vld.idx.msk [tilespmem:v17+s20+$0x0], $0xffff  }
0x132: {  	v39 =	vmov v14;
	v14 =	vor.u32 v31, v3;
	v17 =	vld [tilespmem:$0x1FC80]  }
0x133: {  	v13 =	vor.u32 v13, v7;
	v57 =	vld.idx.msk [tilespmem:v18+s20+$0x0], $0xffff  }
0x134: {  	v5 =	vsub.f32 v63, v36;
	v18 =	vld [tilespmem:$0x1FEF0]  }
0x135: {  	v56 =	vld.idx.msk [tilespmem:v56+s20+$0x0], $0xffff  }
0x136: {  	v10 =	vld.idx.msk [tilespmem:v53+s22+$0x0], $0xffff;
	v4 =	vsub.f32 v62, v40;
	v5 =	vmul.f32 v5, v5  }
0x137: {  	v34 =	vmov v15;
	v15 =	vor.u32 v44, v7;
	v11 =	vsub.f32 v59, v11;
	v14 =	vld.idx.msk [tilespmem:v14+s22+$0x0], $0xffff  }
0x138: {  	v40 =	vor.u32 v49, v7;
	v4 =	vmul.f32 v4, v4;
	v2 =	vadd.f32 v5, v2;
	v58 =	vld.idx.msk [tilespmem:v13+s22+$0x0], $0xffff  }
0x139: {  	v11 =	vmul.f32 v11, v11;
	v13 =	vor.u32 v19, v3;
	v37 =	vor.u32 v18, v7;
	v18 =	vld [tilespmem:$0x1FCB0]  }
0x13a: {  	v2 =	vadd.f32 v4, v2;
	v9 =	vsub.f32 v56, v9;
	v53 =	vld.idx.msk [tilespmem:v17+s20+$0x0], $0xffff;
	v17 =	vor.u32 v20, v3  }
0x13b: {  	v60 =	vor.u32 v45, v7  }
0x13c: {  	v15 =	vld.idx.msk [tilespmem:v15+s22+$0x0], $0xffff;
	v2 =	vadd.f32 v11, v2;
	v9 =	vmul.f32 v9, v9  }
0x13d: {  	v44 =	vld.idx.msk [tilespmem:v40+s22+$0x0], $0xffff;
	v10 =	vsub.f32 v54, v10  }
0x13e: {  	v36 =	vsub.f32 v43, v14;
	v2 =	vadd.f32 v9, v2;
	v61 =	vld.idx.msk [tilespmem:v13+s22+$0x0], $0xffff;
	v13 =	vor.u32 v21, v3  }
0x13f: {  	v35 =	vmul.f32 v10, v10;
	v14 =	vld.idx.msk [tilespmem:v17+s22+$0x0], $0xffff;
	v17 =	vor.u32 v22, v3;
	v5 =	vsub.f32 v53, v58  }
0x140: {  	v4 =	vld.idx.msk [tilespmem:v60+s22+$0x0], $0xffff  }
0x141: {  	v38 =	vsub.f32 v55, v15;
	v2 =	vadd.f32 v35, v2;
	v5 =	vmul.f32 v5, v5;
	v58 =	vld.idx.msk [tilespmem:v18+s20+$0x0], $0xffff  }
0x142: {  	v48 =	vor.u32 v23, v3;
	v8 =	vsub.f32 v52, v8;
	v18 =	vld [tilespmem:$0x1FCC0]  }
0x143: {  	v10 =	vmul.f32 v36, v36;
	v36 =	vmul.f32 v38, v38;
	v13 =	vld.idx.msk [tilespmem:v13+s22+$0x0], $0xffff;
	v2 =	vadd.f32 v5, v2  }
0x144: {  	v35 =	vsub.f32 v50, v14;
	v14 =	vld.idx.msk [tilespmem:v17+s22+$0x0], $0xffff;
	v17 =	vor.u32 v24, v3  }
0x145: {  	v8 =	vmul.f32 v8, v8;
	v11 =	vsub.f32 v42, v61;
	v5 =	vadd.f32 v36, v2;
	v36 =	vld [tilespmem:$0x1FCD0]  }
0x146: {  	v15 =	vld.idx.msk [tilespmem:v33+s22+$0x0], $0xffff  }
0x147: {  	v8 =	vadd.f32 v10, v8;
	v9 =	vld.idx.msk [tilespmem:v37+s22+$0x0], $0xffff;
	v33 =	vmul.f32 v11, v11  }
0x148: {  	v45 =	vor.u32 v25, v3;
	v4 =	vsub.f32 v57, v4;
	v38 =	vsub.f32 v0, v13;
	v13 =	vld.idx.msk [tilespmem:v48+s22+$0x0], $0xffff  }
0x149: {  	v8 =	vadd.f32 v33, v8;
	v37 =	vmul.f32 v35, v35;
	v61 =	vsub.f32 v47, v14;
	v14 =	vld.idx.msk [tilespmem:v17+s22+$0x0], $0xffff  }
0x14a: {  	v4 =	vmul.f32 v4, v4;
	v60 =	vld.idx.msk [tilespmem:v18+s20+$0x0], $0xffff  }
0x14b: {  	v40 =	vmul.f32 v38, v38;
	v8 =	vadd.f32 v37, v8;
	v18 =	vld [tilespmem:$0x1FF10]  }
0x14c: {  	v4 =	vadd.f32 v4, v5;
	v15 =	vsub.f32 v58, v15;
	v17 =	vor.u32 v26, v3  }
0x14d: {  	v35 =	vmov v49;
	v49 =	vor.u32 v51, v7;
	v8 =	vadd.f32 v40, v8;
	v2 =	vld.idx.msk [tilespmem:v36+s20+$0x0], $0xffff  }
0x14e: {  	v38 =	vsub.f32 v46, v13;
	v13 =	vld.idx.msk [tilespmem:v45+s22+$0x0], $0xffff;
	v45 =	vor.u32 v27, v3;
	v37 =	vmul.f32 v61, v61  }
0x14f: {  	v20 =	vld [tilespmem:$0x1FF60];
	v5 =	vmul.f32 v15, v15;
	v36 =	vmovc v51;
	v51 =	vor.u32 v28, v3;
	v33 =	vsub.f32 v41, v14  }
0x150: {  	v40 =	vmul.f32 v38, v38;
	v8 =	vadd.f32 v37, v8;
	v48 =	vor.u32 v18, v7;
	v18 =	vld [tilespmem:$0x1FCE0]  }
0x151: {  	v17 =	vld.idx.msk [tilespmem:v17+s22+$0x0], $0xffff;
	v9 =	vsub.f32 v60, v9;
	v38 =	vmul.f32 v33, v33;
	v33 =	vor.u32 v29, v3  }
0x152: {  	v14 =	vld [tilespmem:$0x1FCF0];
	v8 =	vadd.f32 v40, v8;
	v44 =	vsub.f32 v2, v44  }
0x153: {  	v4 =	vadd.f32 v5, v4;
	v40 =	vsub.f32 v16, v13;
	v13 =	vld.idx.msk [tilespmem:v45+s22+$0x0], $0xffff;
	v37 =	vmul.f32 v9, v9  }
0x154: {  	v8 =	vadd.f32 v38, v8;
	v38 =	vmul.f32 v44, v44;
	v44 =	vld.idx.msk [tilespmem:v51+s22+$0x0], $0xffff  }
0x155: {  	v5 =	vadd.f32 v37, v4;
	v37 =	vmul.f32 v40, v40;
	v40 =	vld [tilespmem:$0x1FD00]  }
0x156: {  	v45 =	vld.idx.msk [tilespmem:v33+s22+$0x0], $0xffff  }
0x157: {  	v5 =	vadd.f32 v38, v5;
	v38 =	vld [tilespmem:$0x1FD10]  }
0x158: {  	v51 =	vor.u32 v32, v3;
	v61 =	vld.idx.msk [tilespmem:v18+s20+$0x0], $0xffff  }
0x159: {  	v17 =	vsub.f32 v12, v17;
	v18 =	vld [tilespmem:$0x1FF30]  }
0x15a: {  	v33 =	vld [tilespmem:$0x1FEA0]  }
0x15b: {  	v9 =	vld.idx.msk [tilespmem:v49+s22+$0x0], $0xffff;
	v17 =	vmul.f32 v17, v17;
	v8 =	vadd.f32 v37, v8  }
0x15c: {  	v15 =	vld.idx.msk [tilespmem:v48+s22+$0x0], $0xffff  }
0x15d: {  	v8 =	vadd.f32 v17, v8;
	v17 =	vld.idx.msk [tilespmem:v51+s22+$0x0], $0xffff  }
0x15e: {  	v48 =	vor.u32 v18, v7;
	v18 =	vld [tilespmem:$0x1FF40]  }
0x15f: {  	v19 =	vor.u32 v33, v3;
	v10 =	vld.idx.msk [tilespmem:v38+s20+$0x0], $0xffff  }
0x160: {  	v33 =	vor.u32 v39, v3;
	v38 =	vld [tilespmem:$0x1FD20]  }
0x161: {  	v4 =	vld.idx.msk [tilespmem:v40+s20+$0x0], $0xffff;
	v40 =	vsub.f32 v1, v44  }
0x162: {  	v14 =	vld.idx.msk [tilespmem:v14+s20+$0x0], $0xffff  }
0x163: {  	v11 =	vmul.f32 v40, v40;
	v40 =	vor.u32 v20, v7;
	v20 =	vld [tilespmem:$0x1FF80]  }
0x164: {  	v13 =	vsub.f32 v6, v13;
	v19 =	vld.idx.msk [tilespmem:v19+s22+$0x0], $0xffff;
	v49 =	vor.u32 v18, v7  }
0x165: {  	v51 =	vsub.f32 v62, v17;
	v17 =	vld.idx.msk [tilespmem:v33+s22+$0x0], $0xffff  }
0x166: {  	v13 =	vmul.f32 v13, v13;
	v48 =	vld.idx.msk [tilespmem:v48+s22+$0x0], $0xffff  }
0x167: {  	v15 =	vsub.f32 v61, v15;
	v18 =	vld [tilespmem:$0x1FF50]  }
0x168: {  	v13 =	vadd.f32 v13, v8;
	v8 =	vld.idx.msk [tilespmem:v38+s20+$0x0], $0xffff  }
0x169: {  	v45 =	vsub.f32 v63, v45;
	v37 =	vmul.f32 v15, v15;
	v15 =	vld.idx.msk [tilespmem:v49+s22+$0x0], $0xffff;
	v49 =	vor.u32 v34, v3  }
0x16a: {  	v9 =	vsub.f32 v14, v9;
	v38 =	vor.u32 v20, v7;
	v20 =	vld [tilespmem:$0x1FF70]  }
0x16b: {  	v33 =	vld [tilespmem:$0x1FEB0];
	v11 =	vadd.f32 v11, v13;
	v13 =	vmul.f32 v45, v45  }
0x16c: {  	v9 =	vmul.f32 v9, v9;
	v5 =	vadd.f32 v37, v5;
	v48 =	vsub.f32 v4, v48  }
0x16d: {  	v11 =	vadd.f32 v13, v11  }
0x16e: {  	v5 =	vadd.f32 v9, v5;
	v13 =	vsub.f32 v59, v19;
	v37 =	vmul.f32 v48, v48;
	v19 =	vld.idx.msk [tilespmem:v49+s22+$0x0], $0xffff  }
0x16f: {  	s16 =	sadd.s32 $0x4, s1;
	v18 =	vor.u32 v18, v7;
	v49 =	vor.u32 v20, v3;
	v20 =	vld [tilespmem:$0x1FD30]  }
0x170: {  	v21 =	vmov s16;
	v9 =	vadd.f32 v37, v5;
	v37 =	vor.u32 v33, v3  }
0x171: {  	[tilespmem:$0x1FB40] =	vst v21;
	v33 =	vmul.f32 v13, v13;
	v13 =	vshll.u32 v21, $0x5;
	v21 =	vld [tilespmem:$0x1FFE0]  }
0x172: {  	v45 =	vld.idx.msk [tilespmem:v38+s22+$0x0], $0xffff  }
0x173: {  	v38 =	vld [tilespmem:$0x1FFD0]  }
0x174: {  	v18 =	vld.idx.msk [tilespmem:v18+s22+$0x0], $0xffff  }
0x175: {  	v44 =	vld.idx.msk [tilespmem:v37+s22+$0x0], $0xffff  }
0x176: {  	v5 =	vmul.f32 v51, v51;
	v37 =	vld [tilespmem:$0x1FEE0]  }
0x177: {  	v48 =	vld.idx.msk [tilespmem:v20+s20+$0x0], $0xffff  }
0x178: {  	v15 =	vsub.f32 v10, v15;
	v5 =	vadd.f32 v5, v11;
	v20 =	vld [tilespmem:$0x1FF90];
	_ =	sdelay $0x1  }
0x179: {  	v17 =	vsub.f32 v56, v17;
	v15 =	vmul.f32 v15, v15;
	v11 =	vadd.f32 v33, v5  }
0x17a: {  	v13 =	vor.u32 v21, v13;
	v18 =	vsub.f32 v8, v18;
	v21 =	vor.u32 v37, v3  }
0x17b: {  	v40 =	vld.idx.msk [tilespmem:v40+s22+$0x0], $0xffff;
	v5 =	vadd.s32 v38, v13;
	v13 =	vmul.f32 v17, v17;
	v17 =	vsub.f32 v54, v19  }
0x17c: {  	v9 =	vadd.f32 v15, v9;
	v15 =	vmul.f32 v18, v18;
	v18 =	vld [tilespmem:$0x1FD40];
	v20 =	vor.u32 v20, v3  }
0x17d: {  	v11 =	vadd.f32 v13, v11;
	v13 =	vmul.f32 v17, v17;
	_ =	sdelay $0x1  }
0x17e: {  	v11 =	vadd.f32 v13, v11;
	v13 =	vld.idx.msk [tilespmem:v21+s22+$0x0], $0xffff  }
0x17f: {  	v21 =	vld [tilespmem:$0x1FE90]  }
0x180: {  	v17 =	vld.idx.msk [tilespmem:v20+s22+$0x0], $0xffff;
	v20 =	vsub.f32 v48, v40  }
0x181: {  	v19 =	vld.idx.msk [tilespmem:v49+s22+$0x0], $0xffff  }
0x182: {  	v22 =	vor.u32 v30, v5;
	v9 =	vadd.f32 v15, v9;
	v37 =	vld [tilespmem:$0x1FEF0];
	v20 =	vmul.f32 v20, v20  }
0x183: {  	v49 =	vld.idx.msk [tilespmem:v18+s20+$0x0], $0xffff  }
0x184: {  	v15 =	vsub.f32 v53, v44;
	v18 =	vor.u32 v31, v5;
	v9 =	vadd.f32 v20, v9;
	v20 =	vld [tilespmem:$0x1FD50]  }
0x185: {  	v33 =	vmov v23;
	v23 =	vld [tilespmem:$0x1FFA0];
	v21 =	vor.u32 v21, v5  }
0x186: {  	v38 =	vld [tilespmem:$0x1FF10];
	v19 =	vsub.f32 v55, v19;
	v15 =	vmul.f32 v15, v15  }
0x187: {  	v22 =	vld.idx.msk [tilespmem:v22+s22+$0x0], $0xffff  }
0x188: {  	v11 =	vadd.f32 v15, v11;
	v15 =	vmul.f32 v19, v19;
	v40 =	vor.u32 v37, v3;
	v37 =	vmovc v24;
	v24 =	vld [tilespmem:$0x1FED0]  }
0x189: {  	v18 =	vld.idx.msk [tilespmem:v18+s22+$0x0], $0xffff  }
0x18a: {  	v11 =	vadd.f32 v15, v11;
	v15 =	vld.idx.msk [tilespmem:v21+s22+$0x0], $0xffff  }
0x18b: {  	v45 =	vsub.f32 v49, v45;
	v21 =	vld [tilespmem:$0x1FF00]  }
0x18c: {  	v44 =	vld.idx.msk [tilespmem:v20+s20+$0x0], $0xffff  }
0x18d: {  	v23 =	vor.u32 v23, v7;
	v20 =	vmul.f32 v45, v45;
	v45 =	vld.idx.msk [tilespmem:v40+s22+$0x0], $0xffff  }
0x18e: {  	v24 =	vor.u32 v24, v5;
	v17 =	vsub.f32 v57, v17;
	v40 =	vor.u32 v38, v3;
	v38 =	vmovc v25;
	v25 =	vld [tilespmem:$0x1FF20]  }
0x18f: {  	v19 =	vor.u32 v35, v3  }
0x190: {  	v13 =	vsub.f32 v58, v13;
	v17 =	vmul.f32 v17, v17  }
0x191: {  	v21 =	vor.u32 v21, v5  }
0x192: {  	v23 =	vld.idx.msk [tilespmem:v23+s22+$0x0], $0xffff;
	v13 =	vmul.f32 v13, v13;
	v18 =	vsub.f32 v43, v18;
	v11 =	vadd.f32 v17, v11  }
0x193: {  	v22 =	vsub.f32 v52, v22;
	v24 =	vld.idx.msk [tilespmem:v24+s22+$0x0], $0xffff;
	v25 =	vor.u32 v25, v5  }
0x194: {  	v17 =	vld.idx.msk [tilespmem:v19+s22+$0x0], $0xffff;
	v18 =	vmul.f32 v18, v18;
	v11 =	vadd.f32 v13, v11  }
0x195: {  	v13 =	vsub.f32 v42, v15;
	v9 =	vadd.f32 v20, v9;
	v20 =	vmul.f32 v22, v22  }
0x196: {  	v15 =	vld.idx.msk [tilespmem:v21+s22+$0x0], $0xffff;
	v21 =	vor.u32 v33, v5  }
0x197: {  	v13 =	vmul.f32 v13, v13;
	v18 =	vadd.f32 v18, v20;
	v19 =	vsub.f32 v44, v23;
	v23 =	vld.idx.msk [tilespmem:v40+s22+$0x0], $0xffff  }
0x198: {  	v20 =	vsub.f32 v50, v24;
	v22 =	vsub.f32 v60, v45;
	v24 =	vld.idx.msk [tilespmem:v25+s22+$0x0], $0xffff;
	v25 =	vor.u32 v37, v5  }
0x199: {  	v17 =	vsub.f32 v2, v17;
	v13 =	vadd.f32 v13, v18  }
0x19a: {  	v18 =	vmul.f32 v20, v20;
	v20 =	vor.u32 v38, v5;
	v22 =	vmul.f32 v22, v22  }
0x19b: {  	v45 =	vor.u32 v36, v3;
	v15 =	vsub.f32 v0, v15;
	v21 =	vld.idx.msk [tilespmem:v21+s22+$0x0], $0xffff  }
0x19c: {  	v17 =	vmul.f32 v17, v17;
	v40 =	vld [tilespmem:$0x1FF30];
	v11 =	vadd.f32 v22, v11;
	v22 =	vsub.f32 v61, v23  }
0x19d: {  	v13 =	vadd.f32 v18, v13;
	v15 =	vmul.f32 v15, v15;
	v18 =	vsub.f32 v47, v24;
	v24 =	vld.idx.msk [tilespmem:v25+s22+$0x0], $0xffff  }
0x19e: {  	v11 =	vadd.f32 v17, v11;
	v17 =	vmul.f32 v22, v22  }
0x19f: {  	v13 =	vadd.f32 v15, v13;
	v15 =	vmul.f32 v18, v18;
	v18 =	vld.idx.msk [tilespmem:v20+s22+$0x0], $0xffff;
	v20 =	vor.u32 v27, v5  }
0x1a0: {  	v23 =	vld.idx.msk [tilespmem:v45+s22+$0x0], $0xffff;
	v11 =	vadd.f32 v17, v11;
	v17 =	vsub.f32 v46, v21  }
0x1a1: {  	v51 =	vor.u32 v40, v3;
	v45 =	vld [tilespmem:$0x1FF40];
	v25 =	vor.u32 v26, v5  }
0x1a2: {  	v26 =	vld [tilespmem:$0x1FFB0];
	v13 =	vadd.f32 v15, v13;
	v15 =	vmul.f32 v17, v17;
	v17 =	vsub.f32 v41, v24;
	_ =	sdelay $0x1  }
0x1a3: {  	v13 =	vadd.f32 v15, v13;
	v15 =	vmul.f32 v17, v17;
	v17 =	vsub.f32 v16, v18;
	v18 =	vld.idx.msk [tilespmem:v20+s22+$0x0], $0xffff  }
0x1a4: {  	v20 =	vld [tilespmem:$0x1FD60]  }
0x1a5: {  	v22 =	vld.idx.msk [tilespmem:v51+s22+$0x0], $0xffff  }
0x1a6: {  	v40 =	vor.u32 v45, v3;
	v7 =	vor.u32 v26, v7;
	v26 =	vld [tilespmem:$0x1FF50]  }
0x1a7: {  	v24 =	vld.idx.msk [tilespmem:v25+s22+$0x0], $0xffff  }
0x1a8: {  	v21 =	vsub.f32 v14, v23  }
0x1a9: {  	v25 =	vor.u32 v28, v5  }
0x1aa: {  	v21 =	vmul.f32 v21, v21;
	v22 =	vsub.f32 v4, v22  }
0x1ab: {  	v23 =	vld.idx.msk [tilespmem:v40+s22+$0x0], $0xffff;
	v13 =	vadd.f32 v15, v13;
	v15 =	vmul.f32 v17, v17;
	v40 =	vor.u32 v26, v3  }
0x1ac: {  	v11 =	vadd.f32 v21, v11;
	v17 =	vsub.f32 v12, v24;
	v45 =	vld.idx.msk [tilespmem:v20+s20+$0x0], $0xffff;
	v20 =	vmul.f32 v22, v22  }
0x1ad: {  	v51 =	vld [tilespmem:$0x1FF80];
	v13 =	vadd.f32 v15, v13  }
0x1ae: {  	v15 =	vmul.f32 v17, v17;
	v17 =	vsub.f32 v6, v18;
	v11 =	vadd.f32 v20, v11;
	v20 =	vld.idx.msk [tilespmem:v25+s22+$0x0], $0xffff  }
0x1af: {  	v25 =	vld [tilespmem:$0x1FF60]  }
0x1b0: {  	s18 =	sadd.s32 $0x6, s1;
	v21 =	vor.u32 v29, v5;
	v13 =	vadd.f32 v15, v13;
	v15 =	vmul.f32 v17, v17;
	v24 =	vld.idx.msk [tilespmem:v40+s22+$0x0], $0xffff  }
0x1b1: {  	v26 =	vmov s18;
	v40 =	vld [tilespmem:$0x1FFA0]  }
0x1b2: {  	[tilespmem:$0x1FB60] =	vst v26;
	v13 =	vadd.f32 v15, v13;
	v15 =	vshll.u32 v26, $0x5;
	v26 =	vld [tilespmem:$0x1FFE0]  }
0x1b3: {  	v18 =	vld [tilespmem:$0x1FEA0];
	v22 =	vsub.f32 v10, v23;
	v23 =	vor.u32 v32, v5  }
0x1b4: {  	v19 =	vmul.f32 v19, v19;
	v25 =	vor.u32 v25, v3  }
0x1b5: {  	v21 =	vld.idx.msk [tilespmem:v21+s22+$0x0], $0xffff  }
0x1b6: {  	v19 =	vadd.f32 v19, v9;
	v7 =	vld.idx.msk [tilespmem:v7+s22+$0x0], $0xffff  }
0x1b7: {  	v9 =	vor.u32 v51, v3;
	v15 =	vor.u32 v26, v15;
	v26 =	vor.u32 v40, v3;
	v40 =	vld [tilespmem:$0x1FFD0]  }
0x1b8: {  	v22 =	vmul.f32 v22, v22;
	v18 =	vor.u32 v18, v5;
	v17 =	vsub.f32 v1, v20;
	v20 =	vld.idx.msk [tilespmem:v23+s22+$0x0], $0xffff  }
0x1b9: {  	v23 =	vsub.f32 v8, v24;
	v24 =	vld.idx.msk [tilespmem:v25+s22+$0x0], $0xffff  }
0x1ba: {  	v11 =	vadd.f32 v22, v11;
	v22 =	vor.u32 v39, v5  }
0x1bb: {  	v21 =	vsub.f32 v63, v21  }
0x1bc: {  	v51 =	vld.idx.msk [tilespmem:v9+s22+$0x0], $0xffff;
	v7 =	vsub.f32 v45, v7;
	v9 =	vadd.s32 v40, v15;
	v15 =	vmul.f32 v23, v23  }
0x1bd: {  	v21 =	vmul.f32 v21, v21;
	v18 =	vld.idx.msk [tilespmem:v18+s22+$0x0], $0xffff;
	v17 =	vmul.f32 v17, v17  }
0x1be: {  	v7 =	vmul.f32 v7, v7;
	v11 =	vadd.f32 v15, v11;
	v15 =	vsub.f32 v48, v24;
	v24 =	vld [tilespmem:$0x1FEB0]  }
0x1bf: {  	v22 =	vld.idx.msk [tilespmem:v22+s22+$0x0], $0xffff;
	v13 =	vadd.f32 v17, v13;
	v25 =	vor.u32 v34, v5;
	v20 =	vsub.f32 v62, v20  }
0x1c0: {  	v7 =	vadd.f32 v7, v19;
	v40 =	vmov v27;
	v27 =	vld [tilespmem:$0x1FED0]  }
0x1c1: {  	v19 =	vld [tilespmem:$0x1FF00];
	v23 =	vor.u32 v31, v9;
	v13 =	vadd.f32 v21, v13;
	v20 =	vmul.f32 v20, v20  }
0x1c2: {  	v26 =	vld.idx.msk [tilespmem:v26+s22+$0x0], $0xffff;
	v17 =	vor.u32 v30, v9  }
0x1c3: {  	v13 =	vadd.f32 v20, v13;
	v20 =	vld [tilespmem:$0x1FF70];
	v24 =	vor.u32 v24, v5  }
0x1c4: {  	v18 =	vsub.f32 v59, v18;
	v21 =	vld.idx.msk [tilespmem:v25+s22+$0x0], $0xffff  }
0x1c5: {  	v27 =	vor.u32 v27, v9;
	v25 =	vsub.f32 v49, v51;
	v51 =	vld [tilespmem:$0x1FE90]  }
0x1c6: {  	v18 =	vmul.f32 v18, v18;
	v22 =	vsub.f32 v56, v22;
	v23 =	vld.idx.msk [tilespmem:v23+s22+$0x0], $0xffff  }
0x1c7: {  	v17 =	vld.idx.msk [tilespmem:v17+s22+$0x0], $0xffff;
	v15 =	vmul.f32 v15, v15  }
0x1c8: {  	v22 =	vmul.f32 v22, v22;
	v13 =	vadd.f32 v18, v13;
	v20 =	vor.u32 v20, v5;
	v18 =	vld.idx.msk [tilespmem:v24+s22+$0x0], $0xffff  }
0x1c9: {  	v11 =	vadd.f32 v15, v11;
	v15 =	vmul.f32 v25, v25;
	v21 =	vsub.f32 v54, v21;
	v24 =	vld [tilespmem:$0x1FF90]  }
0x1ca: {  	v13 =	vadd.f32 v22, v13;
	v22 =	vld.idx.msk [tilespmem:v27+s22+$0x0], $0xffff;
	v51 =	vor.u32 v51, v9  }
0x1cb: {  	v11 =	vadd.f32 v15, v11;
	v15 =	vmul.f32 v21, v21;
	v21 =	vsub.f32 v43, v23;
	v23 =	vld [tilespmem:$0x1FF20]  }
0x1cc: {  	v25 =	vsub.f32 v44, v26;
	v26 =	vld [tilespmem:$0x1FEE0]  }
0x1cd: {  	v19 =	vor.u32 v19, v9;
	v27 =	vld [tilespmem:$0x1FEF0]  }
0x1ce: {  	v17 =	vsub.f32 v52, v17;
	v20 =	vld.idx.msk [tilespmem:v20+s22+$0x0], $0xffff;
	v24 =	vor.u32 v24, v5  }
0x1cf: {  	v51 =	vld.idx.msk [tilespmem:v51+s22+$0x0], $0xffff  }
0x1d0: {  	v17 =	vmul.f32 v17, v17;
	v21 =	vmul.f32 v21, v21;
	v23 =	vor.u32 v23, v9  }
0x1d1: {  	v18 =	vsub.f32 v53, v18  }
0x1d2: {  	v19 =	vld.idx.msk [tilespmem:v19+s22+$0x0], $0xffff;
	v26 =	vor.u32 v26, v5;
	v13 =	vadd.f32 v15, v13;
	v17 =	vadd.f32 v21, v17  }
0x1d3: {  	v20 =	vsub.f32 v55, v20;
	v18 =	vmul.f32 v18, v18;
	v15 =	vld.idx.msk [tilespmem:v24+s22+$0x0], $0xffff;
	v24 =	vor.u32 v33, v9  }
0x1d4: {  	[tilespmem:$0x1FB30] =	vst v7;
	v27 =	vor.u32 v27, v5;
	v21 =	vsub.f32 v50, v22;
	v7 =	vsub.f32 v42, v51;
	v51 =	vld [tilespmem:$0x1FEC0]  }
0x1d5: {  	v22 =	vld.idx.msk [tilespmem:v23+s22+$0x0], $0xffff;
	v23 =	vor.u32 v37, v9;
	v13 =	vadd.f32 v18, v13;
	v18 =	vmul.f32 v20, v20;
	_ =	sdelay $0x1  }
0x1d6: {  	v7 =	vmul.f32 v7, v7;
	v20 =	vld.idx.msk [tilespmem:v26+s22+$0x0], $0xffff;
	v13 =	vadd.f32 v18, v13  }
0x1d7: {  	v18 =	vsub.f32 v0, v19;
	v15 =	vsub.f32 v57, v15;
	v19 =	vld.idx.msk [tilespmem:v24+s22+$0x0], $0xffff  }
0x1d8: {  	v7 =	vadd.f32 v7, v17;
	v17 =	vmul.f32 v21, v21;
	v26 =	vor.u32 v35, v5;
	v24 =	vld.idx.msk [tilespmem:v27+s22+$0x0], $0xffff  }
0x1d9: {  	v23 =	vld.idx.msk [tilespmem:v23+s22+$0x0], $0xffff;
	v27 =	vor.u32 v51, v9;
	v15 =	vmul.f32 v15, v15  }
0x1da: {  	v17 =	vadd.f32 v17, v7;
	v22 =	vsub.f32 v47, v22;
	v18 =	vmul.f32 v18, v18  }
0x1db: {  	v21 =	vor.u32 v38, v9;
	v51 =	vsub.f32 v58, v20;
	v20 =	vld [tilespmem:$0x1FF10];
	v13 =	vadd.f32 v15, v13  }
0x1dc: {  	v15 =	vadd.f32 v18, v17;
	v17 =	vmul.f32 v22, v22;
	v18 =	vsub.f32 v46, v19  }
0x1dd: {  	v25 =	vmul.f32 v25, v25;
	v22 =	vsub.f32 v60, v24;
	v24 =	vld.idx.msk [tilespmem:v26+s22+$0x0], $0xffff;
	v26 =	vor.u32 v28, v9  }
0x1de: {  	v15 =	vadd.f32 v17, v15;
	v17 =	vmul.f32 v18, v18;
	v18 =	vsub.f32 v41, v23;
	v23 =	vld.idx.msk [tilespmem:v27+s22+$0x0], $0xffff;
	_ =	sdelay $0x1  }
0x1df: {  	v7 =	vadd.f32 v25, v11;
	v11 =	vmul.f32 v51, v51;
	v20 =	vor.u32 v20, v5;
	v19 =	vld.idx.msk [tilespmem:v21+s22+$0x0], $0xffff  }
0x1e0: {  	v21 =	vor.u32 v40, v9;
	v15 =	vadd.f32 v17, v15;
	v17 =	vmul.f32 v18, v18  }
0x1e1: {  	v25 =	vor.u32 v36, v5;
	v11 =	vadd.f32 v11, v13;
	v13 =	vmul.f32 v22, v22;
	v22 =	vld [tilespmem:$0x1FF30]  }
0x1e2: {  	v15 =	vadd.f32 v17, v15;
	v17 =	vsub.f32 v12, v23;
	v23 =	vld.idx.msk [tilespmem:v26+s22+$0x0], $0xffff  }
0x1e3: {  	v26 =	vld [tilespmem:$0x1FF40]  }
0x1e4: {  	v11 =	vadd.f32 v13, v11;
	v20 =	vld.idx.msk [tilespmem:v20+s22+$0x0], $0xffff;
	v13 =	vsub.f32 v16, v19  }
0x1e5: {  	v18 =	vld.idx.msk [tilespmem:v21+s22+$0x0], $0xffff;
	v19 =	vor.u32 v29, v9;
	v21 =	vsub.f32 v2, v24  }
0x1e6: {  	v24 =	vld.idx.msk [tilespmem:v25+s22+$0x0], $0xffff;
	v22 =	vor.u32 v22, v5;
	v13 =	vmul.f32 v13, v13  }
0x1e7: {  	v27 =	vld [tilespmem:$0x1FFB0];
	v25 =	vor.u32 v32, v9;
	v21 =	vmul.f32 v21, v21  }
0x1e8: {  	v13 =	vadd.f32 v13, v15;
	v15 =	vmul.f32 v17, v17;
	v17 =	vld [tilespmem:$0x1FEA0];
	v26 =	vor.u32 v26, v5  }
0x1e9: {  	v11 =	vadd.f32 v21, v11;
	v21 =	vld [tilespmem:$0x1FF50];
	v20 =	vsub.f32 v61, v20  }
0x1ea: {  	v18 =	vsub.f32 v6, v18;
	v19 =	vld.idx.msk [tilespmem:v19+s22+$0x0], $0xffff  }
0x1eb: {  	v24 =	vsub.f32 v14, v24;
	v22 =	vld.idx.msk [tilespmem:v22+s22+$0x0], $0xffff;
	v20 =	vmul.f32 v20, v20  }
0x1ec: {  	v13 =	vadd.f32 v15, v13;
	v15 =	vmul.f32 v18, v18;
	v18 =	vsub.f32 v1, v23;
	v23 =	vld.idx.msk [tilespmem:v25+s22+$0x0], $0xffff  }
0x1ed: {  	v25 =	vor.u32 v39, v9;
	v11 =	vadd.f32 v20, v11;
	v20 =	vmul.f32 v24, v24;
	v24 =	vld.idx.msk [tilespmem:v26+s22+$0x0], $0xffff  }
0x1ee: {  	v21 =	vor.u32 v21, v5;
	v26 =	vld [tilespmem:$0x1FF60]  }
0x1ef: {  	v13 =	vadd.f32 v15, v13;
	v15 =	vmul.f32 v18, v18;
	v19 =	vsub.f32 v63, v19  }
0x1f0: {  	v3 =	vor.u32 v27, v3;
	v22 =	vsub.f32 v4, v22  }
0x1f1: {  	v13 =	vadd.f32 v15, v13;
	v15 =	vmul.f32 v19, v19;
	v19 =	vsub.f32 v62, v23;
	v23 =	vld [tilespmem:$0x1FEB0]  }
0x1f2: {  	v17 =	vor.u32 v17, v9;
	v11 =	vadd.f32 v20, v11;
	v20 =	vmul.f32 v22, v22;
	v22 =	vld.idx.msk [tilespmem:v25+s22+$0x0], $0xffff  }
0x1f3: {  	v25 =	vld [tilespmem:$0x1FF80];
	v26 =	vor.u32 v26, v5  }
0x1f4: {  	v51 =	vld.idx.msk [tilespmem:v21+s22+$0x0], $0xffff;
	v21 =	vor.u32 v34, v9;
	_ =	sdelay $0x1  }
0x1f5: {  	v3 =	vld.idx.msk [tilespmem:v3+s22+$0x0], $0xffff  }
0x1f6: {  	v17 =	vld.idx.msk [tilespmem:v17+s22+$0x0], $0xffff;
	v11 =	vadd.f32 v20, v11;
	v23 =	vor.u32 v23, v9;
	v20 =	vsub.f32 v10, v24  }
0x1f7: {  	v25 =	vor.u32 v25, v5;
	v24 =	vld.idx.msk [tilespmem:v26+s22+$0x0], $0xffff  }
0x1f8: {  	v13 =	vadd.f32 v15, v13;
	v15 =	vmul.f32 v19, v19;
	v19 =	vmul.f32 v20, v20;
	v20 =	vld.idx.msk [tilespmem:v21+s22+$0x0], $0xffff  }
0x1f9: {  	v21 =	vld [tilespmem:$0x1FF70]  }
0x1fa: {  	v26 =	vld [tilespmem:$0x1FFA0]  }
0x1fb: {  	v11 =	vadd.f32 v19, v11;
	v19 =	vld.idx.msk [tilespmem:v23+s22+$0x0], $0xffff  }
0x1fc: {  	v17 =	vsub.f32 v59, v17;
	v23 =	vsub.f32 v48, v24;
	v24 =	vld.idx.msk [tilespmem:v25+s22+$0x0], $0xffff  }
0x1fd: {  	v18 =	vsub.f32 v45, v3;
	v13 =	vadd.f32 v15, v13;
	v25 =	vld [tilespmem:$0x1FE40]  }
0x1fe: {  	v3 =	vsub.f32 v8, v51;
	v15 =	vmul.f32 v17, v17;
	v17 =	vsub.f32 v56, v22;
	v22 =	vld [tilespmem:$0x1FF90]  }
0x1ff: {  	v26 =	vor.u32 v26, v5  }
0x200: {  	v3 =	vmul.f32 v3, v3  }
0x201: {  	s23 =	sadd.s32 $0x8, s1;
	v27 =	vld [tilespmem:$0x1FEF0];
	v13 =	vadd.f32 v15, v13;
	v21 =	vor.u32 v21, v9  }
0x202: {  	v15 =	vmul.f32 v17, v17;
	v11 =	vadd.f32 v3, v11;
	v25 =	vadd.s32 s23, v25  }
0x203: {  	v17 =	vld [tilespmem:$0x1FEE0];
	v22 =	vor.u32 v22, v9;
	v23 =	vmul.f32 v23, v23;
	v3 =	vshll.u32 v25, $0x5  }
0x204: {  	v20 =	vsub.f32 v54, v20;
	[tilespmem:$0x1FBB0] =	vst v25;
	v25 =	vld.idx.msk [tilespmem:v26+s22+$0x0], $0xffff;
	v26 =	vor.u32 v31, v3  }
0x205: {  	v18 =	vmul.f32 v18, v18;
	v11 =	vadd.f32 v23, v11;
	v23 =	vld [tilespmem:$0x1FE90]  }
0x206: {  	v27 =	vor.u32 v27, v9;
	v13 =	vadd.f32 v15, v13;
	v20 =	vmul.f32 v20, v20;
	v21 =	vld.idx.msk [tilespmem:v21+s22+$0x0], $0xffff  }
0x207: {  	v7 =	vadd.f32 v18, v7;
	v18 =	vld [tilespmem:$0x1FF00];
	v24 =	vsub.f32 v49, v24  }
0x208: {  	v19 =	vsub.f32 v53, v19;
	v17 =	vor.u32 v17, v9;
	v13 =	vadd.f32 v20, v13;
	v22 =	vld.idx.msk [tilespmem:v22+s22+$0x0], $0xffff  }
0x209: {  	v15 =	vor.u32 v30, v3;
	v20 =	vmul.f32 v24, v24;
	v24 =	vsub.f32 v44, v25;
	v25 =	vld.idx.msk [tilespmem:v26+s22+$0x0], $0xffff  }
0x20a: {  	v19 =	vmul.f32 v19, v19;
	v23 =	vor.u32 v23, v3;
	v26 =	vld [tilespmem:$0x1FED0]  }
0x20b: {  	v21 =	vsub.f32 v55, v21;
	v11 =	vadd.f32 v20, v11;
	v20 =	vmul.f32 v24, v24;
	v24 =	vld.idx.msk [tilespmem:v27+s22+$0x0], $0xffff  }
0x20c: {  	v27 =	vld [tilespmem:$0x1FF10]  }
0x20d: {  	v13 =	vadd.f32 v19, v13;
	v17 =	vld.idx.msk [tilespmem:v17+s22+$0x0], $0xffff;
	v21 =	vmul.f32 v21, v21;
	v22 =	vsub.f32 v57, v22  }
0x20e: {  	v19 =	vor.u32 v35, v9;
	v15 =	vld.idx.msk [tilespmem:v15+s22+$0x0], $0xffff  }
0x20f: {  	v13 =	vadd.f32 v21, v13;
	v21 =	vmul.f32 v22, v22;
	v51 =	vld.idx.msk [tilespmem:v23+s22+$0x0], $0xffff  }
0x210: {  	v23 =	vld [tilespmem:$0x1FF20];
	v26 =	vor.u32 v26, v3  }
0x211: {  	v13 =	vadd.f32 v21, v13;
	v21 =	vsub.f32 v43, v25;
	v25 =	vld [tilespmem:$0x1FF30];
	v27 =	vor.u32 v27, v9  }
0x212: {  	v17 =	vsub.f32 v58, v17  }
0x213: {  	v18 =	vor.u32 v18, v3;
	v19 =	vld.idx.msk [tilespmem:v19+s22+$0x0], $0xffff  }
0x214: {  	v17 =	vmul.f32 v17, v17;
	v11 =	vadd.f32 v20, v11;
	v20 =	vor.u32 v36, v9  }
0x215: {  	v15 =	vsub.f32 v52, v15;
	v23 =	vor.u32 v23, v3;
	v22 =	vld.idx.msk [tilespmem:v26+s22+$0x0], $0xffff  }
0x216: {  	v13 =	vadd.f32 v17, v13;
	v17 =	vsub.f32 v60, v24;
	v25 =	vor.u32 v25, v9;
	v24 =	vld.idx.msk [tilespmem:v27+s22+$0x0], $0xffff  }
0x217: {  	v15 =	vmul.f32 v15, v15;
	v21 =	vmul.f32 v21, v21;
	v27 =	vld [tilespmem:$0x1FF40]  }
0x218: {  	[tilespmem:$0x1FB50] =	vst v7;
	v18 =	vld.idx.msk [tilespmem:v18+s22+$0x0], $0xffff;
	v19 =	vsub.f32 v2, v19;
	v7 =	vsub.f32 v42, v51  }
0x219: {  	v17 =	vmul.f32 v17, v17;
	v20 =	vld.idx.msk [tilespmem:v20+s22+$0x0], $0xffff;
	v15 =	vadd.f32 v21, v15;
	v26 =	vor.u32 v33, v3  }
0x21a: {  	v7 =	vmul.f32 v7, v7;
	v21 =	vsub.f32 v50, v22;
	v22 =	vld.idx.msk [tilespmem:v23+s22+$0x0], $0xffff;
	v23 =	vor.u32 v37, v3  }
0x21b: {  	v13 =	vadd.f32 v17, v13;
	v17 =	vmul.f32 v19, v19;
	v19 =	vsub.f32 v61, v24;
	v24 =	vld.idx.msk [tilespmem:v25+s22+$0x0], $0xffff  }
0x21c: {  	v7 =	vadd.f32 v7, v15;
	v27 =	vor.u32 v27, v9;
	v25 =	vld [tilespmem:$0x1FFB0]  }
0x21d: {  	v13 =	vadd.f32 v17, v13;
	v17 =	vsub.f32 v0, v18;
	v15 =	vmul.f32 v21, v21  }
0x21e: {  	v18 =	vld.idx.msk [tilespmem:v26+s22+$0x0], $0xffff  }
0x21f: {  	v7 =	vadd.f32 v15, v7;
	v15 =	vmul.f32 v17, v17;
	v17 =	vsub.f32 v47, v22;
	v22 =	vld.idx.msk [tilespmem:v23+s22+$0x0], $0xffff  }
0x220: {  	v20 =	vsub.f32 v14, v20;
	v19 =	vmul.f32 v19, v19;
	v23 =	vld [tilespmem:$0x1FEC0]  }
0x221: {  	v21 =	vor.u32 v38, v3;
	v5 =	vor.u32 v25, v5;
	v25 =	vld.idx.msk [tilespmem:v27+s22+$0x0], $0xffff  }
0x222: {  	v13 =	vadd.f32 v19, v13;
	v19 =	vmul.f32 v20, v20;
	v20 =	vld [tilespmem:$0x1FF50];
	_ =	sdelay $0x1  }
0x223: {  	v18 =	vsub.f32 v46, v18;
	v24 =	vsub.f32 v4, v24  }
0x224: {  	v7 =	vadd.f32 v15, v7;
	v15 =	vmul.f32 v17, v17;
	v13 =	vadd.f32 v19, v13  }
0x225: {  	v17 =	vld.idx.msk [tilespmem:v21+s22+$0x0], $0xffff;
	v21 =	vmul.f32 v24, v24;
	v23 =	vor.u32 v23, v3;
	v24 =	vsub.f32 v10, v25  }
0x226: {  	v7 =	vadd.f32 v15, v7;
	v15 =	vmul.f32 v18, v18;
	v20 =	vor.u32 v20, v9  }
0x227: {  	s16 =	sadd.s32 $0xA, s1;
	v18 =	vsub.f32 v41, v22;
	v13 =	vadd.f32 v21, v13;
	v21 =	vmul.f32 v24, v24;
	v24 =	vld [tilespmem:$0x1FF60]  }
0x228: {  	v26 =	vld [tilespmem:$0x1FFE0];
	v25 =	vmov s16  }
0x229: {  	v7 =	vadd.f32 v15, v7;
	v15 =	vmul.f32 v18, v18;
	[tilespmem:$0x1FB70] =	vst v25;
	v51 =	vshll.u32 v25, $0x5;
	v25 =	vld [tilespmem:$0x1FEA0]  }
0x22a: {  	v19 =	vor.u32 v40, v3;
	v17 =	vsub.f32 v16, v17;
	v22 =	vld.idx.msk [tilespmem:v23+s22+$0x0], $0xffff  }
0x22b: {  	v7 =	vadd.f32 v15, v7;
	v23 =	vor.u32 v28, v3;
	v20 =	vld.idx.msk [tilespmem:v20+s22+$0x0], $0xffff  }
0x22c: {  	v15 =	vmul.f32 v17, v17;
	v13 =	vadd.f32 v21, v13;
	v21 =	vld [tilespmem:$0x1FF80];
	v24 =	vor.u32 v24, v9  }
0x22d: {  	v27 =	vld [tilespmem:$0x1FFD0]  }
0x22e: {  	v15 =	vadd.f32 v15, v7;
	v7 =	vor.u32 v26, v51;
	v26 =	vld [tilespmem:$0x1FFA0]  }
0x22f: {  	v18 =	vld.idx.msk [tilespmem:v19+s22+$0x0], $0xffff;
	v19 =	vor.u32 v29, v3  }
0x230: {  	v25 =	vor.u32 v25, v3;
	v17 =	vsub.f32 v12, v22;
	v22 =	vld.idx.msk [tilespmem:v23+s22+$0x0], $0xffff  }
0x231: {  	v21 =	vor.u32 v21, v9;
	v20 =	vsub.f32 v8, v20;
	v24 =	vld.idx.msk [tilespmem:v24+s22+$0x0], $0xffff  }
0x232: {  	v5 =	vld.idx.msk [tilespmem:v5+s22+$0x0], $0xffff;
	v7 =	vadd.s32 v27, v7;
	v23 =	vor.u32 v32, v3  }
0x233: {  	v26 =	vor.u32 v26, v9;
	v17 =	vmul.f32 v17, v17;
	v20 =	vmul.f32 v20, v20  }
0x234: {  	v18 =	vsub.f32 v6, v18;
	v19 =	vld.idx.msk [tilespmem:v19+s22+$0x0], $0xffff;
	v27 =	vor.u32 v31, v7  }
0x235: {  	v15 =	vadd.f32 v17, v15;
	v13 =	vadd.f32 v20, v13;
	v20 =	vld.idx.msk [tilespmem:v25+s22+$0x0], $0xffff  }
0x236: {  	v18 =	vmul.f32 v18, v18;
	v21 =	vld.idx.msk [tilespmem:v21+s22+$0x0], $0xffff;
	v22 =	vsub.f32 v1, v22;
	v24 =	vsub.f32 v48, v24  }
0x237: {  	v28 =	vor.u32 v39, v3;
	v5 =	vsub.f32 v45, v5;
	v17 =	vor.u32 v30, v7;
	v23 =	vld.idx.msk [tilespmem:v23+s22+$0x0], $0xffff  }
0x238: {  	v15 =	vadd.f32 v18, v15;
	v18 =	vmul.f32 v22, v22;
	v22 =	vmul.f32 v24, v24;
	v24 =	vld.idx.msk [tilespmem:v26+s22+$0x0], $0xffff  }
0x239: {  	v5 =	vmul.f32 v5, v5;
	v26 =	vld.idx.msk [tilespmem:v27+s22+$0x0], $0xffff  }
0x23a: {  	v27 =	vld [tilespmem:$0x1FED0]  }
0x23b: {  	v5 =	vadd.f32 v5, v11;
	v25 =	vld [tilespmem:$0x1FE90];
	v21 =	vsub.f32 v49, v21  }
0x23c: {  	v19 =	vsub.f32 v63, v19;
	v15 =	vadd.f32 v18, v15;
	v17 =	vld.idx.msk [tilespmem:v17+s22+$0x0], $0xffff  }
0x23d: {  	v18 =	vor.u32 v34, v3;
	v13 =	vadd.f32 v22, v13;
	v21 =	vmul.f32 v21, v21;
	v22 =	vld.idx.msk [tilespmem:v28+s22+$0x0], $0xffff  }
0x23e: {  	v19 =	vmul.f32 v19, v19;
	v23 =	vsub.f32 v62, v23;
	v28 =	vld [tilespmem:$0x1FEB0]  }
0x23f: {  	[tilespmem:$0x1FB80] =	vst v5;
	v5 =	vadd.f32 v21, v13;
	v21 =	vld [tilespmem:$0x1FFB0];
	v27 =	vor.u32 v27, v7  }
0x240: {  	v15 =	vadd.f32 v19, v15;
	v19 =	vmul.f32 v23, v23;
	v13 =	vld [tilespmem:$0x1FF00]  }
0x241: {  	v25 =	vor.u32 v25, v7;
	v20 =	vsub.f32 v59, v20;
	v23 =	vld [tilespmem:$0x1FF20]  }
0x242: {  	v15 =	vadd.f32 v19, v15;
	v18 =	vld.idx.msk [tilespmem:v18+s22+$0x0], $0xffff  }
0x243: {  	v19 =	vmul.f32 v20, v20;
	v20 =	vsub.f32 v43, v26;
	v26 =	vld [tilespmem:$0x1FF70];
	v28 =	vor.u32 v28, v3  }
0x244: {  	v22 =	vsub.f32 v56, v22;
	v9 =	vor.u32 v21, v9;
	v21 =	vld.idx.msk [tilespmem:v27+s22+$0x0], $0xffff  }
0x245: {  	v15 =	vadd.f32 v19, v15;
	v13 =	vor.u32 v13, v7;
	v27 =	vld [tilespmem:$0x1FF90]  }
0x246: {  	v51 =	vld.idx.msk [tilespmem:v25+s22+$0x0], $0xffff;
	v19 =	vmul.f32 v20, v20;
	v20 =	vmul.f32 v22, v22;
	v22 =	vor.u32 v33, v7  }
0x247: {  	v23 =	vor.u32 v23, v7;
	v18 =	vsub.f32 v54, v18  }
0x248: {  	v17 =	vsub.f32 v52, v17;
	v26 =	vor.u32 v26, v3;
	v25 =	vld.idx.msk [tilespmem:v28+s22+$0x0], $0xffff  }
0x249: {  	v15 =	vadd.f32 v20, v15;
	v18 =	vmul.f32 v18, v18  }
0x24a: {  	v17 =	vmul.f32 v17, v17;
	v13 =	vld.idx.msk [tilespmem:v13+s22+$0x0], $0xffff;
	v27 =	vor.u32 v27, v3  }
0x24b: {  	v11 =	vsub.f32 v42, v51;
	v15 =	vadd.f32 v18, v15;
	v18 =	vld.idx.msk [tilespmem:v22+s22+$0x0], $0xffff  }
0x24c: {  	v17 =	vadd.f32 v19, v17;
	v19 =	vsub.f32 v50, v21;
	v21 =	vld.idx.msk [tilespmem:v23+s22+$0x0], $0xffff;
	v23 =	vor.u32 v37, v7  }
0x24d: {  	v11 =	vmul.f32 v11, v11;
	v20 =	vsub.f32 v53, v25;
	v25 =	vld.idx.msk [tilespmem:v26+s22+$0x0], $0xffff  }
0x24e: {  	v26 =	vld [tilespmem:$0x1FEE0]  }
0x24f: {  	v11 =	vadd.f32 v11, v17;
	v17 =	vmul.f32 v19, v19;
	v22 =	vld.idx.msk [tilespmem:v27+s22+$0x0], $0xffff  }
0x250: {  	v27 =	vld [tilespmem:$0x1FEF0]  }
0x251: {  	v11 =	vadd.f32 v17, v11;
	v17 =	vsub.f32 v47, v21;
	v21 =	vld.idx.msk [tilespmem:v23+s22+$0x0], $0xffff  }
0x252: {  	v23 =	vld [tilespmem:$0x1FEC0]  }
0x253: {  	v19 =	vor.u32 v38, v7;
	v13 =	vsub.f32 v0, v13  }
0x254: {  	v26 =	vor.u32 v26, v3  }
0x255: {  	v20 =	vmul.f32 v20, v20;
	v13 =	vmul.f32 v13, v13  }
0x256: {  	v25 =	vsub.f32 v55, v25;
	v27 =	vor.u32 v27, v3  }
0x257: {  	v15 =	vadd.f32 v20, v15;
	v11 =	vadd.f32 v13, v11;
	v23 =	vor.u32 v23, v7  }
0x258: {  	v19 =	vld.idx.msk [tilespmem:v19+s22+$0x0], $0xffff;
	v13 =	vmul.f32 v17, v17;
	v17 =	vmul.f32 v25, v25;
	v22 =	vsub.f32 v57, v22  }
0x259: {  	v20 =	vld.idx.msk [tilespmem:v26+s22+$0x0], $0xffff  }
0x25a: {  	v18 =	vsub.f32 v46, v18;
	v15 =	vadd.f32 v17, v15;
	v17 =	vmul.f32 v22, v22;
	v22 =	vld [tilespmem:$0x1FF10]  }
0x25b: {  	v25 =	vor.u32 v40, v7;
	v26 =	vld.idx.msk [tilespmem:v27+s22+$0x0], $0xffff  }
0x25c: {  	v11 =	vadd.f32 v13, v11;
	v13 =	vmul.f32 v18, v18;
	v18 =	vsub.f32 v41, v21;
	v21 =	vld.idx.msk [tilespmem:v23+s22+$0x0], $0xffff  }
0x25d: {  	v27 =	vor.u32 v35, v3;
	v23 =	vld [tilespmem:$0x1FE70]  }
0x25e: {  	v11 =	vadd.f32 v13, v11;
	v13 =	vmul.f32 v18, v18;
	v20 =	vsub.f32 v58, v20  }
0x25f: {  	v15 =	vadd.f32 v17, v15;
	v17 =	vsub.f32 v16, v19  }
0x260: {  	v18 =	vld.idx.msk [tilespmem:v25+s22+$0x0], $0xffff;
	v11 =	vadd.f32 v13, v11;
	v20 =	vmul.f32 v20, v20;
	v25 =	vsub.f32 v60, v26  }
0x261: {  	v13 =	vmul.f32 v17, v17;
	v22 =	vor.u32 v22, v3;
	v17 =	vsub.f32 v12, v21  }
0x262: {  	v23 =	vor.u32 v23, v7;
	v26 =	vld.idx.msk [tilespmem:v27+s22+$0x0], $0xffff;
	v15 =	vadd.f32 v20, v15;
	v20 =	vmul.f32 v25, v25  }
0x263: {  	v11 =	vadd.f32 v13, v11;
	v13 =	vmul.f32 v17, v17;
	v17 =	vld [tilespmem:$0x1FEA0]  }
0x264: {  	v19 =	vor.u32 v29, v7;
	v15 =	vadd.f32 v20, v15;
	v20 =	vld [tilespmem:$0x1FF30]  }
0x265: {  	v28 =	vld [tilespmem:$0x1FE90]  }
0x266: {  	v22 =	vld.idx.msk [tilespmem:v22+s22+$0x0], $0xffff;
	v25 =	vor.u32 v36, v3  }
0x267: {  	v21 =	vld.idx.msk [tilespmem:v23+s22+$0x0], $0xffff;
	v23 =	vor.u32 v32, v7  }
0x268: {  	v9 =	vld.idx.msk [tilespmem:v9+s22+$0x0], $0xffff;
	v17 =	vor.u32 v17, v7  }
0x269: {  	v18 =	vsub.f32 v6, v18;
	v19 =	vld.idx.msk [tilespmem:v19+s22+$0x0], $0xffff;
	v26 =	vsub.f32 v2, v26;
	v20 =	vor.u32 v20, v3  }
0x26a: {  	v27 =	vld [tilespmem:$0x1FF40]  }
0x26b: {  	v11 =	vadd.f32 v13, v11;
	v13 =	vmul.f32 v18, v18;
	v26 =	vmul.f32 v26, v26;
	v25 =	vld.idx.msk [tilespmem:v25+s22+$0x0], $0xffff  }
0x26c: {  	v22 =	vsub.f32 v61, v22;
	v18 =	vsub.f32 v1, v21;
	v21 =	vld.idx.msk [tilespmem:v23+s22+$0x0], $0xffff;
	v23 =	vor.u32 v39, v7  }
0x26d: {  	v11 =	vadd.f32 v13, v11;
	v15 =	vadd.f32 v26, v15;
	v17 =	vld.idx.msk [tilespmem:v17+s22+$0x0], $0xffff  }
0x26e: {  	v13 =	vmul.f32 v18, v18;
	v18 =	vor.u32 v34, v7;
	v51 =	vld.idx.msk [tilespmem:v20+s22+$0x0], $0xffff;
	v20 =	vmul.f32 v22, v22  }
0x26f: {  	v24 =	vsub.f32 v44, v24;
	v19 =	vsub.f32 v63, v19;
	v27 =	vor.u32 v27, v3;
	v22 =	vld [tilespmem:$0x1FEB0]  }
0x270: {  	v15 =	vadd.f32 v20, v15;
	v20 =	vsub.f32 v14, v25;
	v25 =	vld [tilespmem:$0x1FF50]  }
0x271: {  	v11 =	vadd.f32 v13, v11;
	v13 =	vmul.f32 v19, v19;
	v19 =	vsub.f32 v62, v21;
	v21 =	vld.idx.msk [tilespmem:v23+s22+$0x0], $0xffff  }
0x272: {  	v26 =	vld [tilespmem:$0x1FF60]  }
0x273: {  	v24 =	vmul.f32 v24, v24;
	v11 =	vadd.f32 v13, v11;
	v18 =	vld.idx.msk [tilespmem:v18+s22+$0x0], $0xffff  }
0x274: {  	v23 =	vld.idx.msk [tilespmem:v27+s22+$0x0], $0xffff;
	v13 =	vmul.f32 v19, v19;
	v17 =	vsub.f32 v59, v17;
	v22 =	vor.u32 v22, v7  }
0x275: {  	v24 =	vadd.f32 v24, v5;
	v19 =	vmul.f32 v20, v20;
	v20 =	vld [tilespmem:$0x1FF70];
	v25 =	vor.u32 v25, v3  }
0x276: {  	v27 =	vld [tilespmem:$0x1FFE0];
	v11 =	vadd.f32 v13, v11;
	v13 =	vmul.f32 v17, v17;
	v17 =	vsub.f32 v56, v21  }
0x277: {  	v9 =	vsub.f32 v45, v9;
	v26 =	vor.u32 v26, v3;
	v5 =	vsub.f32 v4, v51;
	v21 =	vld [tilespmem:$0x1FF90]  }
0x278: {  	v11 =	vadd.f32 v13, v11;
	v13 =	vmul.f32 v17, v17;
	v17 =	vsub.f32 v54, v18;
	v18 =	vld [tilespmem:$0x1FEE0]  }
0x279: {  	v15 =	vadd.f32 v19, v15;
	v5 =	vmul.f32 v5, v5;
	v19 =	vld.idx.msk [tilespmem:v22+s22+$0x0], $0xffff;
	v22 =	vsub.f32 v10, v23  }
0x27a: {  	v9 =	vmul.f32 v9, v9;
	v20 =	vor.u32 v20, v7;
	v23 =	vld.idx.msk [tilespmem:v25+s22+$0x0], $0xffff  }
0x27b: {  	v5 =	vadd.f32 v5, v15;
	v15 =	vmul.f32 v22, v22;
	v22 =	vld [tilespmem:$0x1FF80]  }
0x27c: {  	v9 =	vadd.f32 v9, v24;
	v11 =	vadd.f32 v13, v11;
	v13 =	vmul.f32 v17, v17;
	v17 =	vld [tilespmem:$0x1FEF0]  }
0x27d: {  	s18 =	sadd.s32 $0xC, s1;
	v21 =	vor.u32 v21, v7;
	v25 =	vld.idx.msk [tilespmem:v26+s22+$0x0], $0xffff  }
0x27e: {  	[tilespmem:$0x1FBA0] =	vst v9;
	v9 =	vld [tilespmem:$0x1FFD0];
	v18 =	vor.u32 v18, v7;
	v15 =	vadd.f32 v15, v5;
	v5 =	vmov s18  }
0x27f: {  	v11 =	vadd.f32 v13, v11;
	v20 =	vld.idx.msk [tilespmem:v20+s22+$0x0], $0xffff;
	v13 =	vshll.u32 v5, $0x5  }
0x280: {  	v13 =	vor.u32 v27, v13;
	v27 =	vld [tilespmem:$0x1FFD0];
	v22 =	vor.u32 v22, v3;
	v23 =	vsub.f32 v8, v23  }
0x281: {  	v51 =	vld [tilespmem:$0x1FF00];
	v17 =	vor.u32 v17, v7;
	v19 =	vsub.f32 v53, v19  }
0x282: {  	v21 =	vld.idx.msk [tilespmem:v21+s22+$0x0], $0xffff;
	v25 =	vsub.f32 v48, v25;
	v23 =	vmul.f32 v23, v23  }
0x283: {  	v26 =	vor.u32 v35, v7;
	v19 =	vmul.f32 v19, v19;
	v18 =	vld.idx.msk [tilespmem:v18+s22+$0x0], $0xffff  }
0x284: {  	v20 =	vsub.f32 v55, v20;
	v15 =	vadd.f32 v23, v15;
	v23 =	vmul.f32 v25, v25;
	v25 =	vld [tilespmem:$0x1FF10]  }
0x285: {  	v13 =	vadd.s32 v27, v13;
	v22 =	vld.idx.msk [tilespmem:v22+s22+$0x0], $0xffff  }
0x286: {  	v11 =	vadd.f32 v19, v11;
	v17 =	vld.idx.msk [tilespmem:v17+s22+$0x0], $0xffff;
	v20 =	vmul.f32 v20, v20;
	v19 =	vor.u32 v30, v13  }
0x287: {  	v21 =	vsub.f32 v57, v21;
	v27 =	vor.u32 v31, v13;
	v24 =	vor.u32 v51, v13;
	v51 =	vld [tilespmem:$0x1FF30]  }
0x288: {  	v11 =	vadd.f32 v20, v11;
	v15 =	vadd.f32 v23, v15;
	v23 =	vld [tilespmem:$0x1FED0]  }
0x289: {  	v20 =	vmul.f32 v21, v21;
	v18 =	vsub.f32 v58, v18;
	v21 =	vld.idx.msk [tilespmem:v26+s22+$0x0], $0xffff;
	v25 =	vor.u32 v25, v7  }
0x28a: {  	v26 =	vld [tilespmem:$0x1FFA0];
	v22 =	vsub.f32 v49, v22  }
0x28b: {  	v28 =	vor.u32 v28, v13;
	v11 =	vadd.f32 v20, v11;
	v18 =	vmul.f32 v18, v18;
	v19 =	vld.idx.msk [tilespmem:v19+s22+$0x0], $0xffff  }
0x28c: {  	v17 =	vsub.f32 v60, v17;
	v20 =	vmul.f32 v22, v22;
	v22 =	vld.idx.msk [tilespmem:v27+s22+$0x0], $0xffff  }
0x28d: {  	v11 =	vadd.f32 v18, v11;
	v23 =	vor.u32 v23, v13;
	v27 =	vor.u32 v51, v7;
	v51 =	vld [tilespmem:$0x1FF20]  }
0x28e: {  	v17 =	vmul.f32 v17, v17;
	v21 =	vsub.f32 v2, v21;
	v18 =	vld.idx.msk [tilespmem:v25+s22+$0x0], $0xffff;
	v25 =	vor.u32 v36, v7  }
0x28f: {  	v29 =	vld [tilespmem:$0x1FFE0]  }
0x290: {  	v21 =	vmul.f32 v21, v21;
	v20 =	vadd.f32 v20, v15;
	v15 =	vadd.f32 v17, v11;
	v17 =	vld.idx.msk [tilespmem:v28+s22+$0x0], $0xffff  }
0x291: {  	s23 =	sadd.s32 $0xE, s1;
	v26 =	vor.u32 v26, v3;
	v19 =	vsub.f32 v52, v19  }
0x292: {  	v11 =	vmov s23;
	v23 =	vld.idx.msk [tilespmem:v23+s22+$0x0], $0xffff;
	v21 =	vadd.f32 v21, v15;
	v22 =	vsub.f32 v43, v22  }
0x293: {  	v15 =	vshll.u32 v11, $0x5;
	v28 =	vor.u32 v51, v13;
	v19 =	vmul.f32 v19, v19;
	v25 =	vld.idx.msk [tilespmem:v25+s22+$0x0], $0xffff  }
0x294: {  	v24 =	vld.idx.msk [tilespmem:v24+s22+$0x0], $0xffff;
	v15 =	vor.u32 v29, v15;
	v29 =	vor.u32 v33, v13;
	v22 =	vmul.f32 v22, v22  }
0x295: {  	v15 =	vadd.s32 v9, v15;
	v18 =	vsub.f32 v61, v18;
	v17 =	vsub.f32 v42, v17  }
0x296: {  	v26 =	vld.idx.msk [tilespmem:v26+s22+$0x0], $0xffff;
	v19 =	vadd.f32 v22, v19;
	v22 =	vor.u32 v30, v15;
	v30 =	vor.u32 v31, v15  }
0x297: {  	v27 =	vld.idx.msk [tilespmem:v27+s22+$0x0], $0xffff;
	v17 =	vmul.f32 v17, v17;
	v23 =	vsub.f32 v50, v23  }
0x298: {  	v18 =	vmul.f32 v18, v18;
	v28 =	vld.idx.msk [tilespmem:v28+s22+$0x0], $0xffff;
	v25 =	vsub.f32 v14, v25  }
0x299: {  	v17 =	vadd.f32 v17, v19;
	v19 =	vmul.f32 v23, v23;
	v23 =	vsub.f32 v0, v24;
	v24 =	vld.idx.msk [tilespmem:v29+s22+$0x0], $0xffff  }
0x29a: {  	v18 =	vadd.f32 v18, v21;
	v21 =	vmul.f32 v25, v25;
	v25 =	vld [tilespmem:$0x1FE90]  }
0x29b: {  	v29 =	vld.idx.msk [tilespmem:v30+s22+$0x0], $0xffff  }
0x29c: {  	v31 =	vor.u32 v37, v13;
	v17 =	vadd.f32 v19, v17;
	v23 =	vmul.f32 v23, v23;
	v30 =	vld [tilespmem:$0x1FED0]  }
0x29d: {  	v26 =	vsub.f32 v44, v26  }
0x29e: {  	v27 =	vsub.f32 v4, v27;
	v23 =	vadd.f32 v23, v17;
	v17 =	vld [tilespmem:$0x1FEC0]  }
0x29f: {  	v19 =	vor.u32 v38, v13;
	v25 =	vor.u32 v25, v15  }
0x2a0: {  	v22 =	vld.idx.msk [tilespmem:v22+s22+$0x0], $0xffff;
	v18 =	vadd.f32 v21, v18;
	v21 =	vmul.f32 v26, v26;
	v26 =	vmul.f32 v27, v27  }
0x2a1: {  	v28 =	vsub.f32 v47, v28;
	v27 =	vld.idx.msk [tilespmem:v31+s22+$0x0], $0xffff;
	v30 =	vor.u32 v30, v15  }
0x2a2: {  	v18 =	vadd.f32 v26, v18;
	v26 =	vsub.f32 v43, v29;
	v29 =	vld [tilespmem:$0x1FF20]  }
0x2a3: {  	v31 =	vor.u32 v17, v13;
	v17 =	vadd.f32 v21, v20;
	v21 =	vld [tilespmem:$0x1FF00]  }
0x2a4: {  	v28 =	vmul.f32 v28, v28;
	v20 =	vld.idx.msk [tilespmem:v25+s22+$0x0], $0xffff  }
0x2a5: {  	v24 =	vsub.f32 v46, v24;
	v19 =	vld.idx.msk [tilespmem:v19+s22+$0x0], $0xffff  }
0x2a6: {  	v23 =	vadd.f32 v28, v23;
	v22 =	vsub.f32 v52, v22;
	v28 =	vld.idx.msk [tilespmem:v30+s22+$0x0], $0xffff  }
0x2a7: {  	v24 =	vmul.f32 v24, v24;
	v29 =	vor.u32 v29, v15  }
0x2a8: {  	v27 =	vsub.f32 v41, v27;
	v22 =	vmul.f32 v22, v22;
	v26 =	vmul.f32 v26, v26;
	v30 =	vld.idx.msk [tilespmem:v31+s22+$0x0], $0xffff  }
0x2a9: {  	v23 =	vadd.f32 v24, v23;
	v21 =	vor.u32 v21, v15;
	v31 =	vld [tilespmem:$0x1FE70];
	v20 =	vsub.f32 v42, v20  }
0x2aa: {  	v22 =	vadd.f32 v26, v22;
	v26 =	vmul.f32 v27, v27;
	v25 =	vor.u32 v40, v13  }
0x2ab: {  	v19 =	vsub.f32 v16, v19;
	v27 =	vsub.f32 v50, v28;
	v28 =	vld [tilespmem:$0x1FE80];
	v20 =	vmul.f32 v20, v20  }
0x2ac: {  	v23 =	vadd.f32 v26, v23;
	v26 =	vld.idx.msk [tilespmem:v29+s22+$0x0], $0xffff;
	v29 =	vor.u32 v37, v15  }
0x2ad: {  	v19 =	vmul.f32 v19, v19;
	v20 =	vadd.f32 v20, v22;
	v22 =	vsub.f32 v12, v30  }
0x2ae: {  	v31 =	vor.u32 v31, v13;
	v21 =	vld.idx.msk [tilespmem:v21+s22+$0x0], $0xffff;
	v27 =	vmul.f32 v27, v27  }
0x2af: {  	v19 =	vadd.f32 v19, v23;
	v25 =	vld.idx.msk [tilespmem:v25+s22+$0x0], $0xffff;
	v22 =	vmul.f32 v22, v22  }
0x2b0: {  	v24 =	vor.u32 v33, v15;
	v20 =	vadd.f32 v27, v20;
	v27 =	vld [tilespmem:$0x1FF40]  }
0x2b1: {  	v28 =	vor.u32 v28, v13;
	v19 =	vadd.f32 v22, v19;
	v22 =	vsub.f32 v47, v26;
	v26 =	vld.idx.msk [tilespmem:v29+s22+$0x0], $0xffff  }
0x2b2: {  	v29 =	vld [tilespmem:$0x1FEC0]  }
0x2b3: {  	v30 =	vld.idx.msk [tilespmem:v31+s22+$0x0], $0xffff;
	v0 =	vsub.f32 v0, v21  }
0x2b4: {  	v23 =	vor.u32 v38, v15  }
0x2b5: {  	v21 =	vld.idx.msk [tilespmem:v24+s22+$0x0], $0xffff;
	v0 =	vmul.f32 v0, v0;
	v27 =	vor.u32 v27, v7  }
0x2b6: {  	v25 =	vsub.f32 v6, v25;
	v28 =	vld.idx.msk [tilespmem:v28+s22+$0x0], $0xffff  }
0x2b7: {  	v0 =	vadd.f32 v0, v20;
	v29 =	vor.u32 v29, v15  }
0x2b8: {  	v42 =	vld [tilespmem:$0x1FEA0];
	v20 =	vmul.f32 v25, v25;
	v22 =	vmul.f32 v22, v22;
	v25 =	vsub.f32 v1, v30  }
0x2b9: {  	v23 =	vld.idx.msk [tilespmem:v23+s22+$0x0], $0xffff;
	v24 =	vor.u32 v32, v13  }
0x2ba: {  	v19 =	vadd.f32 v20, v19;
	v0 =	vadd.f32 v22, v0;
	v20 =	vmul.f32 v25, v25;
	v22 =	vld.idx.msk [tilespmem:v27+s22+$0x0], $0xffff  }
0x2bb: {  	v21 =	vsub.f32 v46, v21;
	v27 =	vsub.f32 v63, v28;
	v28 =	vld [tilespmem:$0x1FE70]  }
0x2bc: {  	v19 =	vadd.f32 v20, v19;
	v20 =	vsub.f32 v41, v26;
	v26 =	vld.idx.msk [tilespmem:v29+s22+$0x0], $0xffff  }
0x2bd: {  	v30 =	vor.u32 v40, v15;
	v21 =	vmul.f32 v21, v21;
	v29 =	vld [tilespmem:$0x1FE80]  }
0x2be: {  	v24 =	vld.idx.msk [tilespmem:v24+s22+$0x0], $0xffff;
	v25 =	vor.u32 v42, v13  }
0x2bf: {  	v0 =	vadd.f32 v21, v0;
	v21 =	vor.u32 v39, v13  }
0x2c0: {  	v28 =	vor.u32 v28, v15  }
0x2c1: {  	v43 =	vld [tilespmem:$0x1FEB0]  }
0x2c2: {  	v16 =	vsub.f32 v16, v23;
	v23 =	vld.idx.msk [tilespmem:v30+s22+$0x0], $0xffff;
	v20 =	vmul.f32 v20, v20;
	v29 =	vor.u32 v29, v15  }
0x2c3: {  	v24 =	vsub.f32 v62, v24;
	v27 =	vmul.f32 v27, v27;
	v25 =	vld.idx.msk [tilespmem:v25+s22+$0x0], $0xffff  }
0x2c4: {  	v16 =	vmul.f32 v16, v16;
	v0 =	vadd.f32 v20, v0;
	v20 =	vor.u32 v32, v15;
	v21 =	vld.idx.msk [tilespmem:v21+s22+$0x0], $0xffff  }
0x2c5: {  	v24 =	vmul.f32 v24, v24;
	v19 =	vadd.f32 v27, v19;
	v12 =	vsub.f32 v12, v26;
	v26 =	vld.idx.msk [tilespmem:v28+s22+$0x0], $0xffff  }
0x2c6: {  	v27 =	vor.u32 v42, v15;
	v0 =	vadd.f32 v16, v0;
	v16 =	vld [tilespmem:$0x1FF50]  }
0x2c7: {  	v6 =	vsub.f32 v6, v23;
	v19 =	vadd.f32 v24, v19;
	v23 =	vld.idx.msk [tilespmem:v29+s22+$0x0], $0xffff  }
0x2c8: {  	v24 =	vsub.f32 v59, v25;
	v25 =	vor.u32 v34, v13;
	v12 =	vmul.f32 v12, v12  }
0x2c9: {  	v9 =	vor.u32 v43, v13;
	v6 =	vmul.f32 v6, v6;
	v20 =	vld.idx.msk [tilespmem:v20+s22+$0x0], $0xffff  }
0x2ca: {  	v46 =	vld [tilespmem:$0x1FEE0];
	v0 =	vadd.f32 v12, v0;
	v1 =	vsub.f32 v1, v26;
	v26 =	vor.u32 v39, v15  }
0x2cb: {  	v24 =	vmul.f32 v24, v24;
	v21 =	vsub.f32 v56, v21;
	v27 =	vld.idx.msk [tilespmem:v27+s22+$0x0], $0xffff;
	v16 =	vor.u32 v16, v7  }
0x2cc: {  	v12 =	vld [tilespmem:$0x1FF60];
	v0 =	vadd.f32 v6, v0;
	v1 =	vmul.f32 v1, v1;
	v23 =	vsub.f32 v63, v23  }
0x2cd: {  	v28 =	vor.u32 v34, v15;
	v19 =	vadd.f32 v24, v19;
	v21 =	vmul.f32 v21, v21;
	v24 =	vld.idx.msk [tilespmem:v25+s22+$0x0], $0xffff  }
0x2ce: {  	v51 =	vsub.f32 v62, v20;
	v6 =	vld.idx.msk [tilespmem:v9+s22+$0x0], $0xffff;
	v0 =	vadd.f32 v1, v0;
	v20 =	vmul.f32 v23, v23  }
0x2cf: {  	v19 =	vadd.f32 v21, v19;
	v21 =	vld.idx.msk [tilespmem:v26+s22+$0x0], $0xffff  }
0x2d0: {  	v22 =	vsub.f32 v10, v22;
	v0 =	vadd.f32 v20, v0;
	v20 =	vld [tilespmem:$0x1FF70]  }
0x2d1: {  	v26 =	vld [tilespmem:$0x1FF70]  }
0x2d2: {  	v22 =	vmul.f32 v22, v22;
	v16 =	vld.idx.msk [tilespmem:v16+s22+$0x0], $0xffff  }
0x2d3: {  	v25 =	vld.idx.msk [tilespmem:v28+s22+$0x0], $0xffff;
	v12 =	vor.u32 v12, v7  }
0x2d4: {  	v18 =	vadd.f32 v22, v18;
	v22 =	vor.u32 v43, v15;
	v23 =	vsub.f32 v59, v27;
	v27 =	vld [tilespmem:$0x1FF90]  }
0x2d5: {  	v24 =	vsub.f32 v54, v24;
	v20 =	vor.u32 v20, v13  }
0x2d6: {  	v9 =	vld [tilespmem:$0x1FF90];
	v1 =	vmul.f32 v51, v51;
	v26 =	vor.u32 v26, v15  }
0x2d7: {  	v47 =	vld [tilespmem:$0x1FEF0];
	v28 =	vor.u32 v46, v15;
	v6 =	vsub.f32 v53, v6;
	v24 =	vmul.f32 v24, v24  }
0x2d8: {  	v16 =	vsub.f32 v8, v16;
	v12 =	vld.idx.msk [tilespmem:v12+s22+$0x0], $0xffff;
	v23 =	vmul.f32 v23, v23;
	v0 =	vadd.f32 v1, v0  }
0x2d9: {  	v22 =	vld.idx.msk [tilespmem:v22+s22+$0x0], $0xffff;
	v25 =	vsub.f32 v54, v25;
	v27 =	vor.u32 v27, v15;
	v21 =	vsub.f32 v56, v21  }
0x2da: {  	v16 =	vmul.f32 v16, v16;
	v0 =	vadd.f32 v23, v0;
	v23 =	vor.u32 v46, v13;
	v20 =	vld.idx.msk [tilespmem:v20+s22+$0x0], $0xffff  }
0x2db: {  	v6 =	vmul.f32 v6, v6;
	v1 =	vor.u32 v9, v13;
	v21 =	vmul.f32 v21, v21;
	v26 =	vld.idx.msk [tilespmem:v26+s22+$0x0], $0xffff  }
0x2dc: {  	v52 =	vld [tilespmem:$0x1FF30];
	v16 =	vadd.f32 v16, v18;
	v18 =	vadd.f32 v24, v19;
	v19 =	vmul.f32 v25, v25  }
0x2dd: {  	v50 =	vld [tilespmem:$0x1FF10];
	v24 =	vor.u32 v35, v13;
	v12 =	vsub.f32 v48, v12;
	v0 =	vadd.f32 v21, v0  }
0x2de: {  	v6 =	vadd.f32 v6, v18;
	v18 =	vor.u32 v47, v13;
	v21 =	vsub.f32 v53, v22;
	v22 =	vld.idx.msk [tilespmem:v27+s22+$0x0], $0xffff  }
0x2df: {  	v23 =	vld.idx.msk [tilespmem:v23+s22+$0x0], $0xffff;
	v0 =	vadd.f32 v19, v0;
	v19 =	vor.u32 v47, v15;
	v20 =	vsub.f32 v55, v20  }
0x2e0: {  	v12 =	vmul.f32 v12, v12;
	v21 =	vmul.f32 v21, v21;
	v25 =	vsub.f32 v55, v26;
	v26 =	vld.idx.msk [tilespmem:v28+s22+$0x0], $0xffff  }
0x2e1: {  	v1 =	vld.idx.msk [tilespmem:v1+s22+$0x0], $0xffff;
	v27 =	vor.u32 v35, v15;
	v20 =	vmul.f32 v20, v20  }
0x2e2: {  	v56 =	vld [tilespmem:$0x1FF80];
	v12 =	vadd.f32 v12, v16;
	v0 =	vadd.f32 v21, v0;
	v16 =	vmul.f32 v25, v25  }
0x2e3: {  	v18 =	vld.idx.msk [tilespmem:v18+s22+$0x0], $0xffff;
	v6 =	vadd.f32 v20, v6;
	v20 =	vsub.f32 v57, v22  }
0x2e4: {  	v21 =	vsub.f32 v58, v23;
	v19 =	vld.idx.msk [tilespmem:v19+s22+$0x0], $0xffff;
	v0 =	vadd.f32 v16, v0;
	v16 =	vor.u32 v50, v13  }
0x2e5: {  	v22 =	vld.idx.msk [tilespmem:v24+s22+$0x0], $0xffff;
	v23 =	vsub.f32 v58, v26;
	v24 =	vor.u32 v50, v15;
	v20 =	vmul.f32 v20, v20  }
0x2e6: {  	v53 =	vld [tilespmem:$0x1FF40];
	v1 =	vsub.f32 v57, v1;
	v51 =	vmul.f32 v21, v21;
	v21 =	vor.u32 v36, v13  }
0x2e7: {  	v25 =	vld.idx.msk [tilespmem:v27+s22+$0x0], $0xffff;
	v0 =	vadd.f32 v20, v0;
	v20 =	vmul.f32 v23, v23;
	v23 =	vor.u32 v36, v15  }
0x2e8: {  	v57 =	vld [tilespmem:$0x1FFA0]  }
0x2e9: {  	v1 =	vmul.f32 v1, v1;
	v58 =	vsub.f32 v60, v18;
	v18 =	vsub.f32 v60, v19;
	v16 =	vld.idx.msk [tilespmem:v16+s22+$0x0], $0xffff  }
0x2ea: {  	v19 =	vor.u32 v56, v7;
	v0 =	vadd.f32 v20, v0;
	v20 =	vsub.f32 v2, v22;
	v22 =	vld.idx.msk [tilespmem:v24+s22+$0x0], $0xffff  }
0x2eb: {  	v1 =	vadd.f32 v1, v6;
	v21 =	vld.idx.msk [tilespmem:v21+s22+$0x0], $0xffff;
	v18 =	vmul.f32 v18, v18;
	v24 =	vor.u32 v52, v13  }
0x2ec: {  	v6 =	vmul.f32 v58, v58;
	v9 =	vmul.f32 v20, v20;
	v20 =	vld.idx.msk [tilespmem:v23+s22+$0x0], $0xffff;
	v23 =	vor.u32 v52, v15  }
0x2ed: {  	v54 =	vld [tilespmem:$0x1FF50];
	v2 =	vsub.f32 v2, v25;
	v0 =	vadd.f32 v18, v0;
	v18 =	vor.u32 v53, v13  }
0x2ee: {  	v55 =	vld [tilespmem:$0x1FF60];
	v1 =	vadd.f32 v51, v1;
	v51 =	vsub.f32 v61, v16;
	v16 =	vor.u32 v53, v15  }
0x2ef: {  	v58 =	vld.idx.msk [tilespmem:v19+s22+$0x0], $0xffff;
	v2 =	vmul.f32 v2, v2;
	v19 =	vsub.f32 v61, v22  }
0x2f0: {  	v1 =	vadd.f32 v6, v1;
	v21 =	vsub.f32 v14, v21;
	v22 =	vor.u32 v57, v7;
	v24 =	vld.idx.msk [tilespmem:v24+s22+$0x0], $0xffff  }
0x2f1: {  	v0 =	vadd.f32 v2, v0;
	v19 =	vmul.f32 v19, v19;
	v14 =	vsub.f32 v14, v20;
	v23 =	vld.idx.msk [tilespmem:v23+s22+$0x0], $0xffff  }
0x2f2: {  	v1 =	vadd.f32 v9, v1;
	v6 =	vmul.f32 v51, v51;
	v18 =	vld.idx.msk [tilespmem:v18+s22+$0x0], $0xffff;
	v20 =	vor.u32 v54, v13  }
0x2f3: {  	v16 =	vld.idx.msk [tilespmem:v16+s22+$0x0], $0xffff;
	v0 =	vadd.f32 v19, v0;
	v19 =	vor.u32 v54, v15;
	v14 =	vmul.f32 v14, v14  }
0x2f4: {  	v9 =	vmul.f32 v21, v21;
	v2 =	vsub.f32 v49, v58;
	v1 =	vadd.f32 v6, v1  }
0x2f5: {  	v6 =	vor.u32 v55, v15;
	v0 =	vadd.f32 v14, v0;
	v14 =	vld.idx.msk [tilespmem:v22+s22+$0x0], $0xffff;
	v22 =	vsub.f32 v4, v24  }
0x2f6: {  	v21 =	vor.u32 v55, v13;
	v4 =	vsub.f32 v4, v23  }
0x2f7: {  	v2 =	vmul.f32 v2, v2;
	v1 =	vadd.f32 v9, v1;
	v20 =	vld.idx.msk [tilespmem:v20+s22+$0x0], $0xffff;
	v22 =	vmul.f32 v22, v22  }
0x2f8: {  	v18 =	vsub.f32 v10, v18;
	v10 =	vsub.f32 v10, v16;
	v19 =	vld.idx.msk [tilespmem:v19+s22+$0x0], $0xffff;
	v4 =	vmul.f32 v4, v4  }
0x2f9: {  	v2 =	vadd.f32 v2, v12;
	v1 =	vadd.f32 v22, v1;
	v22 =	vor.u32 v56, v15  }
0x2fa: {  	v12 =	vor.u32 v57, v15;
	v6 =	vld.idx.msk [tilespmem:v6+s22+$0x0], $0xffff;
	v10 =	vmul.f32 v10, v10;
	v0 =	vadd.f32 v4, v0;
	_ =	sdelay $0x1  }
0x2fb: {  	v51 =	vld [tilespmem:$0x1FFB0];
	v0 =	vadd.f32 v10, v0  }
0x2fc: {  	v21 =	vld.idx.msk [tilespmem:v21+s22+$0x0], $0xffff;
	v10 =	vsub.f32 v8, v20;
	v8 =	vsub.f32 v8, v19  }
0x2fd: {  	v19 =	vld.idx.msk [tilespmem:v22+s22+$0x0], $0xffff  }
0x2fe: {  	v12 =	vld.idx.msk [tilespmem:v12+s22+$0x0], $0xffff;
	v6 =	vsub.f32 v48, v6;
	v8 =	vmul.f32 v8, v8  }
0x2ff: {  	v16 =	vor.u32 v56, v13;
	v18 =	vmul.f32 v18, v18  }
0x300: {  	v6 =	vmul.f32 v6, v6;
	v0 =	vadd.f32 v8, v0  }
0x301: {  	v4 =	vor.u32 v57, v13;
	v1 =	vadd.f32 v18, v1;
	v18 =	vsub.f32 v48, v21  }
0x302: {  	v48 =	vld [tilespmem:$0x1FFB0];
	v10 =	vmul.f32 v10, v10;
	v0 =	vadd.f32 v6, v0;
	v6 =	vsub.f32 v49, v19  }
0x303: {  	v3 =	vor.u32 v51, v3;
	v12 =	vsub.f32 v44, v12  }
0x304: {  	v16 =	vld.idx.msk [tilespmem:v16+s22+$0x0], $0xffff;
	v51 =	vmul.f32 v18, v18;
	v1 =	vadd.f32 v10, v1;
	v6 =	vmul.f32 v6, v6;
	_ =	sdelay $0x1  }
0x305: {  	v9 =	vld [tilespmem:$0x1FFB0];
	v1 =	vadd.f32 v51, v1;
	v51 =	vmul.f32 v12, v12;
	v0 =	vadd.f32 v6, v0  }
0x306: {  	v4 =	vld.idx.msk [tilespmem:v4+s22+$0x0], $0xffff;
	v13 =	vor.u32 v48, v13  }
0x307: {  	v0 =	vadd.f32 v51, v0;
	v51 =	vld [tilespmem:$0x1FB30]  }
0x308: {  	v31 =	vld [tilespmem:$0x1FE60];
	v8 =	vsub.f32 v49, v16  }
0x309: {  	v29 =	vld [tilespmem:$0x1FE80]  }
0x30a: {  	v7 =	vor.u32 v9, v7;
	v9 =	vld [tilespmem:$0x1FB20];
	v8 =	vmul.f32 v8, v8  }
0x30b: {  	v4 =	vsub.f32 v44, v4;
	v10 =	vld.idx.msk [tilespmem:v13+s22+$0x0], $0xffff  }
0x30c: {  	v1 =	vadd.f32 v8, v1;
	v8 =	vsub.f32 $0.0e+00, v51;
	v51 =	vld [tilespmem:$0x1FB40]  }
0x30d: {  	v62 =	vld [tilespmem:$0x1FDA0]  }
0x30e: {  	v3 =	vld.idx.msk [tilespmem:v3+s22+$0x0], $0xffff;
	v4 =	vmul.f32 v4, v4  }
0x30f: {  	v7 =	vld.idx.msk [tilespmem:v7+s22+$0x0], $0xffff;
	v15 =	vor.u32 v48, v15  }
0x310: {  	v1 =	vadd.f32 v4, v1;
	v4 =	vand.u32 $0xF3, v9;
	v9 =	vld [tilespmem:$0x1FB80]  }
0x311: {  	v6 =	vsub.f32 v45, v10;
	v10 =	vand.u32 $0xF5, v51;
	v51 =	vld [tilespmem:$0x1FB50]  }
0x312: {  	v16 =	vld [tilespmem:$0x1FFC0]  }
0x313: {  	v18 =	vld [tilespmem:$0x1FFF0]  }
0x314: {  	v13 =	vld.idx.msk [tilespmem:v15+s22+$0x0], $0xffff  }
0x315: {  	v14 =	vsub.f32 v44, v14;
	v15 =	vsub.f32 $0.0e+00, v9;
	v9 =	vld [tilespmem:$0x1FB90]  }
0x316: {  	v12 =	vsub.f32 $0.0e+00, v51;
	v51 =	vld [tilespmem:$0x1FB60]  }
0x317: {  	v63 =	vld [tilespmem:$0x1FDB0];
	v14 =	vmul.f32 v14, v14;
	v7 =	vsub.f32 v45, v7;
	v4 =	vor.u32 v16, v4  }
0x318: {  	v59 =	vld [tilespmem:$0x1FD70];
	v3 =	vsub.f32 v45, v3;
	v4 =	vadd.s32 v18, v4  }
0x319: {  	v28 =	vld [tilespmem:$0x1FE70];
	v2 =	vadd.f32 v14, v2;
	v7 =	vmul.f32 v7, v7;
	v10 =	vor.u32 v16, v10  }
0x31a: {  	v5 =	vand.u32 $0xFD, v5;
	v26 =	vld [tilespmem:$0x1FEC0];
	v3 =	vmul.f32 v3, v3;
	v10 =	vadd.s32 v18, v10  }
0x31b: {  	v2 =	vadd.f32 v7, v2;
	v7 =	vsub.f32 v45, v13;
	v13 =	vand.u32 $0xF7, v51;
	v51 =	vld [tilespmem:$0x1FB70]  }
0x31c: {  	v11 =	vand.u32 $0xFF, v11;
	v60 =	vld [tilespmem:$0x1FD80];
	v3 =	vadd.f32 v3, v17;
	v5 =	vor.u32 v16, v5  }
0x31d: {  	[tilespmem:v4+s9+$0x0] =	vst.idx.msk $0xffff, v12;
	v4 =	vmul.f32 v6, v6;
	v6 =	vor.u32 v16, v11;
	v11 =	vld [tilespmem:$0x1FBB0]  }
0x31e: {  	v61 =	vld [tilespmem:$0x1FD90];
	v5 =	vadd.s32 v18, v5;
	v7 =	vmul.f32 v7, v7;
	[tilespmem:v9+s9+$0x0] =	vst.idx.msk $0xffff, v8  }
0x31f: {  	v8 =	vld [tilespmem:$0x1FBA0];
	[tilespmem:v10+s9+$0x0] =	vst.idx.msk $0xffff, v15;
	v10 =	vadd.s32 v18, v6;
	v1 =	vadd.f32 v4, v1  }
0x320: {  	v58 =	vld [tilespmem:$0x1FFE0];
	v0 =	vadd.f32 v7, v0;
	v13 =	vor.u32 v16, v13;
	v14 =	vand.u32 $0xFB, v51  }
0x321: {  	v21 =	vld [tilespmem:$0x1FF00];
	v1 =	vsub.f32 $0.0e+00, v1;
	v13 =	vadd.s32 v18, v13;
	v14 =	vor.u32 v16, v14  }
0x322: {  	p2 =	slt.u32 s1, $0xB0;
	v20 =	vld [tilespmem:$0x1FED0];
	v0 =	vsub.f32 $0.0e+00, v0;
	v9 =	vadd.s32 v18, v14  }
.Ltmp2:
0x323: {  	v22 =	vld [tilespmem:$0x1FF20];
	v3 =	vsub.f32 $0.0e+00, v3;
	[tilespmem:v5+s9+$0x0] =	vst.idx.msk $0xffff, v1;
	(pc) =	sbr.rel @p2 .LBB2_6-.Ltmp2, $4  }
0x324: {  	v17 =	vld [tilespmem:$0x1FFD0];
	v8 =	vsub.f32 $0.0e+00, v8;
	[tilespmem:v10+s9+$0x0] =	vst.idx.msk $0xffff, v0  }
0x325: {  	v19 =	vld [tilespmem:$0x1FE90];
	v2 =	vsub.f32 $0.0e+00, v2;
	[tilespmem:v11+s9+$0x0] =	vst.idx.msk $0xffff, v3  }
0x326: {  	v41 =	vmovc v32;
	v30 =	vlaneseq.u32;
	v27 =	vmovc v40;
	v25 =	vmov v38;
	v24 =	vmov v37;
	v44 =	vld [tilespmem:$0x1FF70];
	[tilespmem:v13+s9+$0x0] =	vst.idx.msk $0xffff, v8  }
0x327: {  	s4 =	simm.s32 $0xBE;
	s1 =	sadd.s32 $0x10, s1;
	v23 =	vmovc v33;
	v49 =	vmovc v35;
	v45 =	vld [tilespmem:$0x1FF90];
	v15 =	vmov v34;
	v51 =	vmov v36;
	v14 =	vmov v39;
	[tilespmem:v9+s9+$0x0] =	vst.idx.msk $0xffff, v2  }
.LBB2_7:
0x328: {  	s4 =	sadd.s32 $0x2, s4  }
0x329: {  	v0 =	vmov s4  }
0x32a: {  	v1 =	vshll.u32 v0, $0x5  }
0x32b: {  	v1 =	vor.u32 v58, v1  }
0x32c: {  	v1 =	vadd.s32 v17, v1  }
0x32d: {  	v2 =	vor.u32 v30, v1  }
0x32e: {  	v4 =	vor.u32 v19, v1  }
0x32f: {  	v5 =	vld.idx.msk [tilespmem:v59+s20+$0x0], $0xffff;
	v3 =	vor.u32 v31, v1  }
0x330: {  	v7 =	vld.idx.msk [tilespmem:v60+s20+$0x0], $0xffff  }
0x331: {  	v9 =	vld.idx.msk [tilespmem:v61+s20+$0x0], $0xffff  }
0x332: {  	v6 =	vor.u32 v20, v1;
	v2 =	vld.idx.msk [tilespmem:v2+s22+$0x0], $0xffff  }
0x333: {  	v10 =	vor.u32 v22, v1;
	v4 =	vld.idx.msk [tilespmem:v4+s22+$0x0], $0xffff  }
0x334: {  	v3 =	vld.idx.msk [tilespmem:v3+s22+$0x0], $0xffff;
	_ =	sdelay $0x1  }
0x335: {  	v11 =	vld.idx.msk [tilespmem:v62+s20+$0x0], $0xffff  }
0x336: {  	v6 =	vld.idx.msk [tilespmem:v6+s22+$0x0], $0xffff  }
0x337: {  	v4 =	vsub.f32 v9, v4;
	v9 =	vld.idx.msk [tilespmem:v10+s22+$0x0], $0xffff  }
0x338: {  	v8 =	vor.u32 v21, v1;
	v2 =	vsub.f32 v5, v2;
	v3 =	vsub.f32 v7, v3;
	v10 =	vld [tilespmem:$0x1FBC0];
	_ =	sdelay $0x1  }
0x339: {  	v2 =	vmul.f32 v2, v2;
	v3 =	vmul.f32 v3, v3;
	_ =	sdelay $0x1  }
0x33a: {  	v2 =	vadd.f32 v3, v2;
	v3 =	vmul.f32 v4, v4;
	v4 =	vsub.f32 v11, v6;
	v11 =	vld [tilespmem:$0x1FBD0]  }
0x33b: {  	v12 =	vor.u32 v23, v1;
	v5 =	vld.idx.msk [tilespmem:v8+s22+$0x0], $0xffff  }
0x33c: {  	v7 =	vld.idx.msk [tilespmem:v63+s20+$0x0], $0xffff;
	_ =	sdelay $0x1  }
0x33d: {  	v10 =	vld.idx.msk [tilespmem:v10+s20+$0x0], $0xffff;
	_ =	sdelay $0x1  }
0x33e: {  	v6 =	vld.idx.msk [tilespmem:v12+s22+$0x0], $0xffff  }
0x33f: {  	v2 =	vadd.f32 v3, v2;
	v3 =	vmul.f32 v4, v4;
	v4 =	vsub.f32 v7, v5;
	v7 =	vld [tilespmem:$0x1FBE0]  }
0x340: {  	v8 =	vor.u32 v24, v1;
	v11 =	vld.idx.msk [tilespmem:v11+s20+$0x0], $0xffff  }
0x341: {  	v2 =	vadd.f32 v3, v2;
	v3 =	vmul.f32 v4, v4;
	v4 =	vsub.f32 v10, v9;
	v10 =	vld [tilespmem:$0x1FBF0];
	_ =	sdelay $0x1  }
0x342: {  	v13 =	vor.u32 v25, v1;
	_ =	sdelay $0x1  }
0x343: {  	v2 =	vadd.f32 v3, v2;
	v3 =	vmul.f32 v4, v4;
	v4 =	vsub.f32 v11, v6;
	v11 =	vld [tilespmem:$0x1FC00]  }
0x344: {  	v12 =	vor.u32 v26, v1;
	v5 =	vld.idx.msk [tilespmem:v8+s22+$0x0], $0xffff  }
0x345: {  	v7 =	vld.idx.msk [tilespmem:v7+s20+$0x0], $0xffff  }
0x346: {  	v9 =	vld.idx.msk [tilespmem:v13+s22+$0x0], $0xffff  }
0x347: {  	v10 =	vld.idx.msk [tilespmem:v10+s20+$0x0], $0xffff;
	_ =	sdelay $0x1  }
0x348: {  	v6 =	vld.idx.msk [tilespmem:v12+s22+$0x0], $0xffff  }
0x349: {  	v2 =	vadd.f32 v3, v2;
	v3 =	vmul.f32 v4, v4;
	v4 =	vsub.f32 v7, v5;
	v7 =	vld [tilespmem:$0x1FC10]  }
0x34a: {  	v8 =	vor.u32 v27, v1;
	v11 =	vld.idx.msk [tilespmem:v11+s20+$0x0], $0xffff  }
0x34b: {  	v2 =	vadd.f32 v3, v2;
	v3 =	vmul.f32 v4, v4;
	v4 =	vsub.f32 v10, v9;
	v10 =	vld [tilespmem:$0x1FC20];
	_ =	sdelay $0x1  }
0x34c: {  	v13 =	vor.u32 v28, v1;
	_ =	sdelay $0x1  }
0x34d: {  	v2 =	vadd.f32 v3, v2;
	v3 =	vmul.f32 v4, v4;
	v4 =	vsub.f32 v11, v6;
	v11 =	vld [tilespmem:$0x1FC30]  }
0x34e: {  	v12 =	vor.u32 v29, v1;
	v5 =	vld.idx.msk [tilespmem:v8+s22+$0x0], $0xffff  }
0x34f: {  	v7 =	vld.idx.msk [tilespmem:v7+s20+$0x0], $0xffff  }
0x350: {  	v9 =	vld.idx.msk [tilespmem:v13+s22+$0x0], $0xffff  }
0x351: {  	v10 =	vld.idx.msk [tilespmem:v10+s20+$0x0], $0xffff;
	_ =	sdelay $0x1  }
0x352: {  	v6 =	vld.idx.msk [tilespmem:v12+s22+$0x0], $0xffff  }
0x353: {  	v2 =	vadd.f32 v3, v2;
	v3 =	vmul.f32 v4, v4;
	v4 =	vsub.f32 v7, v5;
	v7 =	vld [tilespmem:$0x1FC40]  }
0x354: {  	v8 =	vor.u32 v41, v1;
	v11 =	vld.idx.msk [tilespmem:v11+s20+$0x0], $0xffff  }
0x355: {  	v2 =	vadd.f32 v3, v2;
	v3 =	vmul.f32 v4, v4;
	v4 =	vsub.f32 v10, v9;
	v10 =	vld [tilespmem:$0x1FC50];
	_ =	sdelay $0x1  }
0x356: {  	v13 =	vor.u32 v42, v1;
	_ =	sdelay $0x1  }
0x357: {  	v2 =	vadd.f32 v3, v2;
	v3 =	vmul.f32 v4, v4;
	v4 =	vsub.f32 v11, v6;
	v11 =	vld [tilespmem:$0x1FC60]  }
0x358: {  	v12 =	vor.u32 v14, v1;
	v5 =	vld.idx.msk [tilespmem:v8+s22+$0x0], $0xffff  }
0x359: {  	v7 =	vld.idx.msk [tilespmem:v7+s20+$0x0], $0xffff  }
0x35a: {  	v9 =	vld.idx.msk [tilespmem:v13+s22+$0x0], $0xffff  }
0x35b: {  	v10 =	vld.idx.msk [tilespmem:v10+s20+$0x0], $0xffff;
	_ =	sdelay $0x1  }
0x35c: {  	v6 =	vld.idx.msk [tilespmem:v12+s22+$0x0], $0xffff  }
0x35d: {  	v2 =	vadd.f32 v3, v2;
	v3 =	vmul.f32 v4, v4;
	v4 =	vsub.f32 v7, v5;
	v7 =	vld [tilespmem:$0x1FC70]  }
0x35e: {  	v8 =	vor.u32 v15, v1;
	v11 =	vld.idx.msk [tilespmem:v11+s20+$0x0], $0xffff  }
0x35f: {  	v2 =	vadd.f32 v3, v2;
	v3 =	vmul.f32 v4, v4;
	v4 =	vsub.f32 v10, v9;
	v10 =	vld [tilespmem:$0x1FC80];
	_ =	sdelay $0x1  }
0x360: {  	v13 =	vor.u32 v43, v1;
	_ =	sdelay $0x1  }
0x361: {  	v2 =	vadd.f32 v3, v2;
	v3 =	vmul.f32 v4, v4;
	v4 =	vsub.f32 v11, v6;
	v11 =	vld [tilespmem:$0x1FC90]  }
0x362: {  	v12 =	vor.u32 v44, v1;
	v5 =	vld.idx.msk [tilespmem:v8+s22+$0x0], $0xffff  }
0x363: {  	v7 =	vld.idx.msk [tilespmem:v7+s20+$0x0], $0xffff  }
0x364: {  	v9 =	vld.idx.msk [tilespmem:v13+s22+$0x0], $0xffff  }
0x365: {  	v10 =	vld.idx.msk [tilespmem:v10+s20+$0x0], $0xffff;
	_ =	sdelay $0x1  }
0x366: {  	v6 =	vld.idx.msk [tilespmem:v12+s22+$0x0], $0xffff  }
0x367: {  	v2 =	vadd.f32 v3, v2;
	v3 =	vmul.f32 v4, v4;
	v4 =	vsub.f32 v7, v5;
	v7 =	vld [tilespmem:$0x1FCA0]  }
0x368: {  	v8 =	vor.u32 v45, v1;
	v11 =	vld.idx.msk [tilespmem:v11+s20+$0x0], $0xffff  }
0x369: {  	v2 =	vadd.f32 v3, v2;
	v3 =	vmul.f32 v4, v4;
	v4 =	vsub.f32 v10, v9;
	v10 =	vld [tilespmem:$0x1FCB0];
	_ =	sdelay $0x1  }
0x36a: {  	v13 =	vor.u32 v46, v1;
	_ =	sdelay $0x1  }
0x36b: {  	v2 =	vadd.f32 v3, v2;
	v3 =	vmul.f32 v4, v4;
	v4 =	vsub.f32 v11, v6;
	v11 =	vld [tilespmem:$0x1FCC0]  }
0x36c: {  	v12 =	vor.u32 v47, v1;
	v5 =	vld.idx.msk [tilespmem:v8+s22+$0x0], $0xffff  }
0x36d: {  	v7 =	vld.idx.msk [tilespmem:v7+s20+$0x0], $0xffff  }
0x36e: {  	v9 =	vld.idx.msk [tilespmem:v13+s22+$0x0], $0xffff  }
0x36f: {  	v10 =	vld.idx.msk [tilespmem:v10+s20+$0x0], $0xffff;
	_ =	sdelay $0x1  }
0x370: {  	v6 =	vld.idx.msk [tilespmem:v12+s22+$0x0], $0xffff  }
0x371: {  	v2 =	vadd.f32 v3, v2;
	v3 =	vmul.f32 v4, v4;
	v4 =	vsub.f32 v7, v5;
	v7 =	vld [tilespmem:$0x1FCD0]  }
0x372: {  	v8 =	vor.u32 v49, v1;
	v11 =	vld.idx.msk [tilespmem:v11+s20+$0x0], $0xffff  }
0x373: {  	v2 =	vadd.f32 v3, v2;
	v3 =	vmul.f32 v4, v4;
	v4 =	vsub.f32 v10, v9;
	v10 =	vld [tilespmem:$0x1FCE0];
	_ =	sdelay $0x1  }
0x374: {  	v13 =	vor.u32 v50, v1;
	_ =	sdelay $0x1  }
0x375: {  	v2 =	vadd.f32 v3, v2;
	v3 =	vmul.f32 v4, v4;
	v4 =	vsub.f32 v11, v6;
	v11 =	vld [tilespmem:$0x1FCF0]  }
0x376: {  	v12 =	vor.u32 v51, v1;
	v5 =	vld.idx.msk [tilespmem:v8+s22+$0x0], $0xffff  }
0x377: {  	v7 =	vld.idx.msk [tilespmem:v7+s20+$0x0], $0xffff  }
0x378: {  	v9 =	vld.idx.msk [tilespmem:v13+s22+$0x0], $0xffff  }
0x379: {  	v10 =	vld.idx.msk [tilespmem:v10+s20+$0x0], $0xffff;
	_ =	sdelay $0x1  }
0x37a: {  	v6 =	vld.idx.msk [tilespmem:v12+s22+$0x0], $0xffff  }
0x37b: {  	v2 =	vadd.f32 v3, v2;
	v3 =	vmul.f32 v4, v4;
	v4 =	vsub.f32 v7, v5;
	v7 =	vld [tilespmem:$0x1FD00]  }
0x37c: {  	v8 =	vor.u32 v52, v1;
	v11 =	vld.idx.msk [tilespmem:v11+s20+$0x0], $0xffff  }
0x37d: {  	v2 =	vadd.f32 v3, v2;
	v3 =	vmul.f32 v4, v4;
	v4 =	vsub.f32 v10, v9;
	v10 =	vld [tilespmem:$0x1FD10];
	_ =	sdelay $0x1  }
0x37e: {  	v13 =	vor.u32 v53, v1;
	_ =	sdelay $0x1  }
0x37f: {  	v2 =	vadd.f32 v3, v2;
	v3 =	vmul.f32 v4, v4;
	v4 =	vsub.f32 v11, v6;
	v11 =	vld [tilespmem:$0x1FD20]  }
0x380: {  	v12 =	vor.u32 v54, v1;
	v5 =	vld.idx.msk [tilespmem:v8+s22+$0x0], $0xffff  }
0x381: {  	v7 =	vld.idx.msk [tilespmem:v7+s20+$0x0], $0xffff  }
0x382: {  	v9 =	vld.idx.msk [tilespmem:v13+s22+$0x0], $0xffff  }
0x383: {  	v10 =	vld.idx.msk [tilespmem:v10+s20+$0x0], $0xffff;
	_ =	sdelay $0x1  }
0x384: {  	v6 =	vld.idx.msk [tilespmem:v12+s22+$0x0], $0xffff  }
0x385: {  	v2 =	vadd.f32 v3, v2;
	v3 =	vmul.f32 v4, v4;
	v4 =	vsub.f32 v7, v5;
	v7 =	vld [tilespmem:$0x1FD30]  }
0x386: {  	v8 =	vor.u32 v55, v1;
	v11 =	vld.idx.msk [tilespmem:v11+s20+$0x0], $0xffff  }
0x387: {  	v2 =	vadd.f32 v3, v2;
	v3 =	vmul.f32 v4, v4;
	v4 =	vsub.f32 v10, v9;
	v9 =	vld [tilespmem:$0x1FD40];
	_ =	sdelay $0x1  }
0x388: {  	v13 =	vor.u32 v56, v1;
	v10 =	vld [tilespmem:$0x1FD50]  }
0x389: {  	v12 =	vor.u32 v57, v1  }
0x38a: {  	v2 =	vadd.f32 v3, v2;
	v3 =	vmul.f32 v4, v4;
	v4 =	vsub.f32 v11, v6;
	v11 =	vld [tilespmem:$0x1FD60]  }
0x38b: {  	v5 =	vld.idx.msk [tilespmem:v8+s22+$0x0], $0xffff  }
0x38c: {  	v1 =	vor.u32 v48, v1;
	v7 =	vld.idx.msk [tilespmem:v7+s20+$0x0], $0xffff  }
0x38d: {  	v8 =	vld.idx.msk [tilespmem:v13+s22+$0x0], $0xffff  }
0x38e: {  	v9 =	vld.idx.msk [tilespmem:v9+s20+$0x0], $0xffff  }
0x38f: {  	v6 =	vld.idx.msk [tilespmem:v12+s22+$0x0], $0xffff  }
0x390: {  	v10 =	vld.idx.msk [tilespmem:v10+s20+$0x0], $0xffff  }
0x391: {  	v1 =	vld.idx.msk [tilespmem:v1+s22+$0x0], $0xffff;
	v2 =	vadd.f32 v3, v2;
	v3 =	vmul.f32 v4, v4;
	v4 =	vsub.f32 v7, v5  }
0x392: {  	v5 =	vld.idx.msk [tilespmem:v11+s20+$0x0], $0xffff  }
0x393: {  	v2 =	vadd.f32 v3, v2;
	v4 =	vmul.f32 v4, v4;
	v9 =	vsub.f32 v9, v8;
	_ =	sdelay $0x1  }
0x394: {  	v2 =	vadd.f32 v4, v2;
	v10 =	vsub.f32 v10, v6;
	v3 =	vmul.f32 v9, v9;
	_ =	sdelay $0x1  }
0x395: {  	v11 =	vmul.f32 v10, v10;
	v2 =	vadd.f32 v3, v2;
	v1 =	vsub.f32 v5, v1  }
0x396: {  	v0 =	vand.u32 $0xFF, v0  }
0x397: {  	v0 =	vor.u32 v16, v0;
	v2 =	vadd.f32 v11, v2;
	v1 =	vmul.f32 v1, v1  }
0x398: {  	p2 =	slt.u32 s4, $0xC6;
	v0 =	vadd.s32 v18, v0  }
.Ltmp3:
0x399: {  	v1 =	vadd.f32 v1, v2;
	(pc) =	sbr.rel @p2 .LBB2_7-.Ltmp3, $3  }
0x39a: {  	_ = 	snop  }
0x39b: {  	v1 =	vsub.f32 $0.0e+00, v1;
	_ =	sdelay $0x1  }
0x39c: {  	[tilespmem:v0+s9+$0x0] =	vst.idx.msk $0xffff, v1  }
0x39d: {  	s1 =	sadd.s32 s8, s31  }
0x39e: {  	s1 =	smul.u32 $0x19, s1;
	_ =	sdelay $0x1  }
0x39f: {  	s1 =	sadd.s32 s2, s1  }
0x3a0: {  	[hbm4b:s1+s3] =	stream.linear.scatter [tilespmem:s9], [sflag:$0x5], $0x640, $0x38;
	[tilespmem:$0x1B1A0] =	vst v63  }
0x3a1: {  	_ =	swait.ge [sflag:s10], $0x400  }
0x3a2: {  	[sflag:s10] =	ssyncset.done $0x0  }
0x3a3: {  	[sflag:s10] =	ssyncadd.s32 $0xFFFFFC00  }
0x3a4: {  	_ =	swait.ge [sflag:s10], $0xC800  }
0x3a5: {  	[sflag:s10] =	ssyncset.done $0x0  }
0x3a6: {  	s1 =	simm.s32 @!p0 $0x1;
	[sflag:s10] =	ssyncadd.s32 $0xFFFF3800  }
0x3a7: {  	v0 =	vlaneseq.u32 @!p0;
	_ =	swait.ge @!p0 [sflag:s1], $0x8  }
0x3a8: {  	v0 =	vand.u32 @!p0 $0x7, v0;
	[sflag:s1] =	ssyncset.done @!p0 $0x0  }
0x3a9: {  	[sflag:s1] =	ssyncadd.s32 @!p0 $0xFFFFFFF8  }
0x3aa: {  	_ =	swait.ge @!p0 [sflag:s1], $0x680  }
0x3ab: {  	[sflag:s1] =	ssyncset.done @!p0 $0x0  }
0x3ac: {  	[sflag:s1] =	ssyncadd.s32 @!p0 $0xFFFFF980;
	s1 =	simm.s32 @!p0 $0x0  }
0x3ad: {  	v1 =	vld.idx.msk @!p0 [tilespmem:v0+s1+$0x0], $0xffff;
	_ =	sdelay $0x4  }
0x3ae: {  	s4 =	simm.s32 @!p0 $0x10;
	v1 =	vshra.s32 @!p0 v1, $0x2  }
0x3af: {  	s16 =	simm.s32 @!p0 $0x8;
	s18 =	simm.s32 @!p0 $0xD20;
	[tilespmem:v0+s4+$0x0] =	vst.idx.msk @!p0 $0xff, v1  }
0x3b0: {  	[tilespmem:s18], [sflag:$0x3] =	stream.indirect.gather @!p0 [hbm4b:s7+s16], $0x80, s4, s16, $0xb8;
	[tilespmem:$0x1B1A0] =	vst v63  }
0x3b1: {  	s23 =	simm.s32 @!p0 $0x1520;
	s4 =	simm.s32 @!p0 $0x64;
	s18 =	simm.s32 @!p0 $0x20  }
0x3b2: {  	[tilespmem:s23], [sflag:$0x3] =	stream.indirect.gather @!p0 [hbm4b:s6+s4], $0x20, s18, s4, $0xb8;
	[tilespmem:$0x1B1A0] =	vst v63  }
0x3b3: {  	s18 =	simm.s32 @!p0 $0x88;
	s23 =	simm.s32 @!p0 $0x21A0  }
0x3b4: {  	[tilespmem:s23], [sflag:$0x3] =	stream.indirect.gather @!p0 [hbm4b:s6+s4], $0x20, s18, s4, $0xb8;
	[tilespmem:$0x1B1A0] =	vst v63  }
0x3b5: {  	s18 =	simm.s32 @!p0 $0xF0;
	s23 =	simm.s32 @!p0 $0x2E20  }
0x3b6: {  	[tilespmem:s23], [sflag:$0x3] =	stream.indirect.gather @!p0 [hbm4b:s6+s4], $0x20, s18, s4, $0xb8;
	[tilespmem:$0x1B1A0] =	vst v63  }
0x3b7: {  	s18 =	simm.s32 @!p0 $0x158;
	s23 =	simm.s32 @!p0 $0x3AA0  }
0x3b8: {  	[tilespmem:s23], [sflag:$0x3] =	stream.indirect.gather @!p0 [hbm4b:s6+s4], $0x20, s18, s4, $0xb8;
	[tilespmem:$0x1B1A0] =	vst v63  }
0x3b9: {  	s18 =	simm.s32 @!p0 $0x1C0;
	s23 =	simm.s32 @!p0 $0x4720  }
0x3ba: {  	[tilespmem:s23], [sflag:$0x3] =	stream.indirect.gather @!p0 [hbm4b:s6+s4], $0x20, s18, s4, $0xb8;
	[tilespmem:$0x1B1A0] =	vst v63  }
0x3bb: {  	s18 =	simm.s32 @!p0 $0x228;
	s23 =	simm.s32 @!p0 $0x53A0  }
0x3bc: {  	[tilespmem:s23], [sflag:$0x3] =	stream.indirect.gather @!p0 [hbm4b:s6+s4], $0x20, s18, s4, $0xb8;
	[tilespmem:$0x1B1A0] =	vst v63  }
0x3bd: {  	s18 =	simm.s32 @!p0 $0x290;
	s23 =	simm.s32 @!p0 $0x6020  }
0x3be: {  	[tilespmem:s23], [sflag:$0x3] =	stream.indirect.gather @!p0 [hbm4b:s6+s4], $0x20, s18, s4, $0xb8;
	[tilespmem:$0x1B1A0] =	vst v63  }
0x3bf: {  	s18 =	simm.s32 @!p0 $0x2F8;
	s23 =	simm.s32 @!p0 $0x6CA0  }
0x3c0: {  	[tilespmem:s23], [sflag:$0x3] =	stream.indirect.gather @!p0 [hbm4b:s6+s4], $0x20, s18, s4, $0xb8;
	[tilespmem:$0x1B1A0] =	vst v63  }
0x3c1: {  	s18 =	simm.s32 @!p0 $0x360;
	s23 =	simm.s32 @!p0 $0x7920  }
0x3c2: {  	[tilespmem:s23], [sflag:$0x3] =	stream.indirect.gather @!p0 [hbm4b:s6+s4], $0x20, s18, s4, $0xb8;
	[tilespmem:$0x1B1A0] =	vst v63  }
0x3c3: {  	s18 =	simm.s32 @!p0 $0x3C8;
	s23 =	simm.s32 @!p0 $0x85A0  }
0x3c4: {  	[tilespmem:s23], [sflag:$0x3] =	stream.indirect.gather @!p0 [hbm4b:s6+s4], $0x20, s18, s4, $0xb8;
	[tilespmem:$0x1B1A0] =	vst v63  }
0x3c5: {  	s18 =	simm.s32 @!p0 $0x430;
	s23 =	simm.s32 @!p0 $0x9220  }
0x3c6: {  	[tilespmem:s23], [sflag:$0x3] =	stream.indirect.gather @!p0 [hbm4b:s6+s4], $0x20, s18, s4, $0xb8;
	[tilespmem:$0x1B1A0] =	vst v63  }
0x3c7: {  	s18 =	simm.s32 @!p0 $0x498;
	s23 =	simm.s32 @!p0 $0x9EA0  }
0x3c8: {  	[tilespmem:s23], [sflag:$0x3] =	stream.indirect.gather @!p0 [hbm4b:s6+s4], $0x20, s18, s4, $0xb8;
	[tilespmem:$0x1B1A0] =	vst v63  }
0x3c9: {  	s18 =	simm.s32 @!p0 $0x500;
	s23 =	simm.s32 @!p0 $0xAB20  }
0x3ca: {  	[tilespmem:s23], [sflag:$0x3] =	stream.indirect.gather @!p0 [hbm4b:s6+s4], $0x20, s18, s4, $0xb8;
	[tilespmem:$0x1B1A0] =	vst v63  }
0x3cb: {  	s18 =	simm.s32 @!p0 $0x568;
	s23 =	simm.s32 @!p0 $0xB7A0  }
0x3cc: {  	[tilespmem:s23], [sflag:$0x3] =	stream.indirect.gather @!p0 [hbm4b:s6+s4], $0x20, s18, s4, $0xb8;
	[tilespmem:$0x1B1A0] =	vst v63  }
0x3cd: {  	s18 =	simm.s32 @!p0 $0x5D0;
	s23 =	simm.s32 @!p0 $0xC420  }
0x3ce: {  	[tilespmem:s23], [sflag:$0x3] =	stream.indirect.gather @!p0 [hbm4b:s6+s4], $0x20, s18, s4, $0xb8;
	[tilespmem:$0x1B1A0] =	vst v63  }
0x3cf: {  	s18 =	simm.s32 @!p0 $0x638;
	s23 =	simm.s32 @!p0 $0xD0A0  }
0x3d0: {  	[tilespmem:s23], [sflag:$0x3] =	stream.indirect.gather @!p0 [hbm4b:s6+s4], $0x20, s18, s4, $0xb8;
	[tilespmem:$0x1B1A0] =	vst v63  }
0x3d1: {  	s4 =	sadd.s32 @!p0 s31, s14  }
0x3d2: {  	s18 =	sshrl.u32 @!p0 s4, $0x3  }
0x3d3: {  	s4 =	smul.u32 @!p0 $0x1A, s4;
	s18 =	sadd.s32 @!p0 s0, s18  }
0x3d4: {  	[tilespmem:s16], [sflag:$0x2] =	stream.linear.gather @!p0 [hbm4b:s18+s1], $0x8, $0x38;
	[tilespmem:$0x1B1A0] =	vst v63  }
0x3d5: {  	s4 =	sadd.s32 @!p0 s5, s4;
	s16 =	simm.s32 @!p0 $0x6A0  }
0x3d6: {  	[tilespmem:s16], [sflag:$0x2] =	stream.linear.gather @!p0 [hbm4b:s4+s1], $0x680, $0x38;
	[tilespmem:$0x1B1A0] =	vst v63  }
0x3d7: {  	p0 =	por p0, !p1  }
0x3d8: {  	_ =	swait.ge @p0 [sflag:s15], $0x640  }
0x3d9: {  	v7 =	vld [tilespmem:$0x1FE50];
	_ =	sdelay $0x5  }
0x3da: {  	[sflag:s15] =	ssyncset.done @p0 $0x0  }
0x3db: {  	[sflag:s15] =	ssyncadd.s32 @p0 $0xFFFFF9C0  }
0x3dc: {  	v0 =	vld.idx.msk [tilespmem:v7+s19+$0x0], $0xffff;
	_ =	sdelay $0x4  }
0x3dd: {  	v0 =	vshll.u32 v0, $0x5  }
0x3de: {  	v5 =	vld [tilespmem:$0x1FDD0];
	v8 =	vor.u32 v30, v0  }
0x3df: {  	v1 =	vand.u32 $0x68, v8;
	v8 =	vld [tilespmem:$0x1FE00];
	_ =	sdelay $0x1  }
0x3e0: {  	v4 =	vld [tilespmem:$0x1FDC0];
	v2 =	vor.u32 v31, v0;
	v3 =	vor.u32 v21, v0  }
0x3e1: {  	v6 =	vld [tilespmem:$0x1FDE0];
	v10 =	vor.u32 v20, v0;
	v2 =	vand.u32 $0x78, v2;
	v3 =	vand.u32 $0x78, v3  }
0x3e2: {  	v7 =	vld [tilespmem:$0x1FDF0];
	v60 =	vor.u32 v5, v2;
	v2 =	vand.u32 $0x78, v10;
	v10 =	vor.u32 v24, v0  }
0x3e3: {  	v63 =	vor.u32 v8, v3;
	v3 =	vand.u32 $0x78, v10;
	v10 =	vld [tilespmem:$0x1FE20];
	_ =	sdelay $0x1  }
0x3e4: {  	v9 =	vor.u32 v19, v0  }
0x3e5: {  	v59 =	vor.u32 v4, v1;
	v1 =	vand.u32 $0x78, v9;
	v9 =	vor.u32 v23, v0  }
0x3e6: {  	v11 =	vor.u32 v22, v0;
	v62 =	vor.u32 v7, v2;
	v2 =	vand.u32 $0x78, v9  }
0x3e7: {  	v61 =	vor.u32 v6, v1;
	v1 =	vand.u32 $0x78, v11;
	v9 =	vld [tilespmem:$0x1FE10];
	v11 =	vor.u32 v10, v2  }
0x3e8: {  	[tilespmem:$0x1F930] =	vst v11;
	v11 =	vld [tilespmem:$0x1FE30];
	_ =	sdelay $0x3  }
0x3e9: {  	[tilespmem:$0x1FAD0] =	vst v59;
	v1 =	vor.u32 v9, v1  }
0x3ea: {  	[tilespmem:$0x1F920] =	vst v1;
	v1 =	vor.u32 v11, v3  }
0x3eb: {  	[tilespmem:$0x1F940] =	vst v1;
	v1 =	vor.u32 v25, v0  }
0x3ec: {  	[tilespmem:$0x1FAE0] =	vst v60;
	v2 =	vor.u32 v26, v0;
	v1 =	vand.u32 $0x78, v1  }
0x3ed: {  	[tilespmem:$0x1FAF0] =	vst v61;
	v2 =	vand.u32 $0x78, v2;
	v3 =	vor.u32 v27, v0;
	v1 =	vor.u32 v4, v1  }
0x3ee: {  	v3 =	vand.u32 $0x78, v3;
	[tilespmem:$0x1F950] =	vst v1;
	v1 =	vor.u32 v5, v2;
	v2 =	vor.u32 v29, v0  }
0x3ef: {  	v41 =	vor.u32 v41, v0;
	[tilespmem:$0x1F960] =	vst v1;
	v1 =	vor.u32 v6, v3;
	v2 =	vand.u32 $0x78, v2  }
0x3f0: {  	v3 =	vand.u32 $0x78, v41;
	[tilespmem:$0x1F970] =	vst v1;
	v1 =	vor.u32 v28, v0;
	v41 =	vor.u32 v8, v2  }
0x3f1: {  	v2 =	vor.u32 v14, v0;
	v1 =	vand.u32 $0x78, v1;
	[tilespmem:$0x1F990] =	vst v41;
	v41 =	vor.u32 v9, v3  }
0x3f2: {  	v2 =	vand.u32 $0x78, v2;
	v1 =	vor.u32 v7, v1;
	[tilespmem:$0x1F9A0] =	vst v41;
	v41 =	vor.u32 v15, v0  }
0x3f3: {  	[tilespmem:$0x1F980] =	vst v1;
	v1 =	vor.u32 v42, v0;
	v3 =	vand.u32 $0x78, v41;
	v41 =	vor.u32 v11, v2  }
0x3f4: {  	v1 =	vand.u32 $0x78, v1;
	[tilespmem:$0x1F9C0] =	vst v41;
	v41 =	vor.u32 v4, v3  }
0x3f5: {  	v1 =	vor.u32 v10, v1;
	[tilespmem:$0x1F9D0] =	vst v41;
	v41 =	vor.u32 v44, v0  }
0x3f6: {  	[tilespmem:$0x1F9B0] =	vst v1;
	v1 =	vor.u32 v43, v0;
	v2 =	vand.u32 $0x78, v41  }
0x3f7: {  	[tilespmem:$0x1FB00] =	vst v62;
	v43 =	vor.u32 v45, v0;
	v1 =	vand.u32 $0x78, v1;
	v41 =	vor.u32 v6, v2  }
0x3f8: {  	v3 =	vand.u32 $0x78, v43;
	v1 =	vor.u32 v5, v1;
	[tilespmem:$0x1F9F0] =	vst v41  }
0x3f9: {  	v46 =	vor.u32 v46, v0;
	v50 =	vor.u32 v50, v0;
	v43 =	vor.u32 v7, v3;
	[tilespmem:$0x1F9E0] =	vst v1  }
0x3fa: {  	v41 =	vor.u32 v47, v0;
	[tilespmem:$0x1FA00] =	vst v43;
	v43 =	vor.u32 v49, v0;
	v1 =	vand.u32 $0x78, v46  }
0x3fb: {  	[tilespmem:$0x1FB10] =	vst v63;
	v2 =	vand.u32 $0x78, v41;
	v41 =	vor.u32 v51, v0;
	v1 =	vor.u32 v8, v1  }
0x3fc: {  	v51 =	vor.u32 v54, v0;
	v3 =	vand.u32 $0x78, v43;
	v46 =	vor.u32 v9, v2;
	[tilespmem:$0x1FA10] =	vst v1  }
0x3fd: {  	v43 =	vor.u32 v52, v0;
	v2 =	vand.u32 $0x78, v41;
	[tilespmem:$0x1FA20] =	vst v46;
	v47 =	vor.u32 v10, v3  }
0x3fe: {  	v52 =	vor.u32 v55, v0;
	v1 =	vand.u32 $0x78, v50;
	v46 =	vor.u32 v4, v2;
	[tilespmem:$0x1FA30] =	vst v47  }
0x3ff: {  	v55 =	vor.u32 v56, v0;
	v3 =	vand.u32 $0x78, v43;
	v1 =	vor.u32 v11, v1;
	[tilespmem:$0x1FA50] =	vst v46  }
0x400: {  	v56 =	vor.u32 v57, v0;
	v2 =	vand.u32 $0x78, v51;
	v47 =	vor.u32 v5, v3;
	[tilespmem:$0x1FA40] =	vst v1  }
0x401: {  	v50 =	vor.u32 v53, v0;
	v3 =	vand.u32 $0x78, v52;
	v53 =	vor.u32 v7, v2;
	[tilespmem:$0x1FA60] =	vst v47  }
0x402: {  	v2 =	vand.u32 $0x78, v56;
	[tilespmem:$0x1FA80] =	vst v53;
	v54 =	vor.u32 v8, v3  }
0x403: {  	v0 =	vor.u32 v48, v0;
	v1 =	vand.u32 $0x78, v50;
	v57 =	vor.u32 v10, v2;
	[tilespmem:$0x1FA90] =	vst v54  }
0x404: {  	v0 =	vand.u32 $0x78, v0;
	v1 =	vor.u32 v6, v1;
	[tilespmem:$0x1FAB0] =	vst v57  }
0x405: {  	v0 =	vor.u32 v11, v0;
	[tilespmem:$0x1FA70] =	vst v1;
	v1 =	vand.u32 $0x78, v55  }
0x406: {  	[tilespmem:$0x1FAC0] =	vst v0;
	v1 =	vor.u32 v9, v1  }
0x407: {  	s1 =	simm.s32 $0x0;
	[tilespmem:$0x1FAA0] =	vst v1  }
.LBB2_9:
0x408: {  	v0 =	vld [tilespmem:$0x1FE40];
	_ =	sdelay $0x4  }
0x409: {  	v0 =	vadd.s32 s1, v0  }
0x40a: {  	v7 =	vshll.u32 v0, $0x5  }
0x40b: {  	[tilespmem:$0x1F8F0] =	vst v0;
	v0 =	vor.u32 v30, v7;
	_ =	sdelay $0x1  }
0x40c: {  	v1 =	vor.u32 v31, v7;
	_ =	sdelay $0x1  }
0x40d: {  	v2 =	vor.u32 v19, v7  }
0x40e: {  	v0 =	vld.idx.msk [tilespmem:v0+s29+$0x0], $0xffff  }
0x40f: {  	v52 =	vld.idx.msk [tilespmem:v59+s28+$0x0], $0xffff  }
0x410: {  	v1 =	vld.idx.msk [tilespmem:v1+s29+$0x0], $0xffff  }
0x411: {  	v43 =	vld.idx.msk [tilespmem:v60+s28+$0x0], $0xffff  }
0x412: {  	v3 =	vor.u32 v20, v7;
	v2 =	vld.idx.msk [tilespmem:v2+s29+$0x0], $0xffff  }
0x413: {  	v4 =	vor.u32 v21, v7;
	v51 =	vld.idx.msk [tilespmem:v61+s28+$0x0], $0xffff  }
0x414: {  	v5 =	vor.u32 v22, v7;
	v50 =	vld.idx.msk [tilespmem:v62+s28+$0x0], $0xffff  }
0x415: {  	v6 =	vor.u32 v23, v7;
	v62 =	vld [tilespmem:$0x1F920]  }
0x416: {  	v53 =	vld [tilespmem:$0x1F930]  }
0x417: {  	v3 =	vld.idx.msk [tilespmem:v3+s29+$0x0], $0xffff  }
0x418: {  	v4 =	vld.idx.msk [tilespmem:v4+s29+$0x0], $0xffff  }
0x419: {  	v5 =	vld.idx.msk [tilespmem:v5+s29+$0x0], $0xffff  }
0x41a: {  	v48 =	vld.idx.msk [tilespmem:v6+s29+$0x0], $0xffff  }
0x41b: {  	v56 =	vld [tilespmem:$0x1F940]  }
0x41c: {  	v9 =	vor.u32 v24, v7;
	v59 =	vld [tilespmem:$0x1F950]  }
0x41d: {  	v54 =	vor.u32 v26, v7;
	v47 =	vld.idx.msk [tilespmem:v62+s28+$0x0], $0xffff  }
0x41e: {  	v0 =	vsub.f32 v52, v0;
	v1 =	vsub.f32 v43, v1;
	v46 =	vld.idx.msk [tilespmem:v53+s28+$0x0], $0xffff  }
0x41f: {  	v62 =	vld [tilespmem:$0x1F960]  }
0x420: {  	v2 =	vsub.f32 v51, v2;
	v8 =	vmul.f32 v0, v0;
	v1 =	vmul.f32 v1, v1;
	v0 =	vld.idx.msk [tilespmem:v63+s28+$0x0], $0xffff  }
0x421: {  	v9 =	vld.idx.msk [tilespmem:v9+s29+$0x0], $0xffff;
	v63 =	vor.u32 v25, v7  }
0x422: {  	v61 =	vld.idx.msk [tilespmem:v54+s29+$0x0], $0xffff;
	v2 =	vmul.f32 v2, v2;
	v1 =	vadd.f32 v1, v8  }
0x423: {  	v3 =	vsub.f32 v50, v3;
	v41 =	vld.idx.msk [tilespmem:v56+s28+$0x0], $0xffff  }
0x424: {  	v1 =	vadd.f32 v2, v1;
	v2 =	vsub.f32 v46, v48;
	v48 =	vld [tilespmem:$0x1F970]  }
0x425: {  	v3 =	vmul.f32 v3, v3;
	v16 =	vld.idx.msk [tilespmem:v59+s28+$0x0], $0xffff;
	v4 =	vsub.f32 v0, v4  }
0x426: {  	v57 =	vor.u32 v27, v7;
	v8 =	vld.idx.msk [tilespmem:v63+s29+$0x0], $0xffff  }
0x427: {  	v1 =	vadd.f32 v3, v1;
	v5 =	vsub.f32 v47, v5;
	v55 =	vmul.f32 v4, v4;
	v12 =	vld.idx.msk [tilespmem:v62+s28+$0x0], $0xffff;
	_ =	sdelay $0x1  }
0x428: {  	v53 =	vor.u32 v29, v7;
	v60 =	vmul.f32 v5, v5;
	v1 =	vadd.f32 v55, v1  }
0x429: {  	v11 =	vld [tilespmem:$0x1F980];
	v63 =	vsub.f32 v41, v9  }
0x42a: {  	s4 =	sadd.s32 $0x2, s1;
	v4 =	vld.idx.msk [tilespmem:v57+s29+$0x0], $0xffff;
	v2 =	vmul.f32 v2, v2;
	v55 =	vsub.f32 v16, v8;
	v1 =	vadd.f32 v60, v1  }
0x42b: {  	v13 =	vmov s4;
	v54 =	vmul.f32 v63, v63;
	v6 =	vld.idx.msk [tilespmem:v48+s28+$0x0], $0xffff;
	v5 =	vsub.f32 v12, v61  }
0x42c: {  	[tilespmem:$0x1F880] =	vst v13;
	v3 =	vmul.f32 v55, v55;
	v55 =	vshll.u32 v13, $0x5;
	v13 =	vld [tilespmem:$0x1F9B0];
	v1 =	vadd.f32 v2, v1  }
0x42d: {  	v48 =	vmul.f32 v5, v5;
	v5 =	vld.idx.msk [tilespmem:v53+s29+$0x0], $0xffff  }
0x42e: {  	v2 =	vadd.f32 v54, v1;
	v53 =	vld [tilespmem:$0x1F990];
	_ =	sdelay $0x1  }
0x42f: {  	v2 =	vadd.f32 v3, v2;
	v4 =	vsub.f32 v6, v4  }
0x430: {  	v18 =	vld [tilespmem:$0x1F9F0]  }
0x431: {  	v1 =	vld.idx.msk [tilespmem:v11+s28+$0x0], $0xffff;
	v2 =	vadd.f32 v48, v2;
	v59 =	vmul.f32 v4, v4  }
0x432: {  	v10 =	vor.u32 v28, v7;
	v48 =	vld [tilespmem:$0x1F9A0]  }
0x433: {  	v2 =	vadd.f32 v59, v2;
	v59 =	vld.idx.msk [tilespmem:v13+s28+$0x0], $0xffff  }
0x434: {  	v13 =	vld [tilespmem:$0x1FEB0]  }
0x435: {  	v11 =	vor.u32 v42, v7;
	v63 =	vld.idx.msk [tilespmem:v53+s28+$0x0], $0xffff  }
0x436: {  	v54 =	vor.u32 v14, v7;
	v53 =	vor.u32 v15, v7;
	v15 =	vld [tilespmem:$0x1F9D0]  }
0x437: {  	v56 =	vld.idx.msk [tilespmem:v10+s29+$0x0], $0xffff;
	v57 =	vor.u32 v32, v7  }
0x438: {  	v3 =	vor.u32 v58, v55;
	v55 =	vld.idx.msk [tilespmem:v18+s28+$0x0], $0xffff  }
0x439: {  	v18 =	vld [tilespmem:$0x1FEE0]  }
0x43a: {  	v11 =	vld.idx.msk [tilespmem:v11+s29+$0x0], $0xffff;
	v13 =	vor.u32 v13, v7  }
0x43b: {  	v9 =	vld.idx.msk [tilespmem:v54+s29+$0x0], $0xffff  }
0x43c: {  	v4 =	vld.idx.msk [tilespmem:v57+s29+$0x0], $0xffff  }
0x43d: {  	v62 =	vld.idx.msk [tilespmem:v48+s28+$0x0], $0xffff  }
0x43e: {  	v3 =	vadd.s32 v17, v3;
	v8 =	vsub.f32 v1, v56;
	v54 =	vld.idx.msk [tilespmem:v15+s28+$0x0], $0xffff;
	v15 =	vor.u32 v44, v7  }
0x43f: {  	v58 =	vld.idx.msk [tilespmem:v13+s29+$0x0], $0xffff;
	v13 =	vor.u32 v19, v3  }
0x440: {  	v8 =	vmul.f32 v8, v8;
	v5 =	vsub.f32 v63, v5;
	_ =	sdelay $0x1  }
0x441: {  	v17 =	vld [tilespmem:$0x1F9E0];
	v2 =	vadd.f32 v8, v2;
	v5 =	vmul.f32 v5, v5;
	v4 =	vsub.f32 v62, v4  }
0x442: {  	v18 =	vor.u32 v18, v7;
	v15 =	vld.idx.msk [tilespmem:v15+s29+$0x0], $0xffff  }
0x443: {  	v11 =	vsub.f32 v59, v11;
	v2 =	vadd.f32 v5, v2;
	v4 =	vmul.f32 v4, v4;
	v48 =	vld.idx.msk [tilespmem:v13+s29+$0x0], $0xffff;
	_ =	sdelay $0x1  }
0x444: {  	v11 =	vmul.f32 v11, v11;
	v2 =	vadd.f32 v4, v2  }
0x445: {  	v56 =	vld [tilespmem:$0x1F9C0]  }
0x446: {  	v2 =	vadd.f32 v11, v2  }
0x447: {  	v13 =	vor.u32 v21, v3;
	v11 =	vsub.f32 v51, v48;
	v48 =	vsub.f32 v55, v15;
	v15 =	vld.idx.msk [tilespmem:v18+s29+$0x0], $0xffff  }
0x448: {  	v18 =	vld [tilespmem:$0x1FA10]  }
0x449: {  	v57 =	vor.u32 v30, v3;
	v10 =	vld.idx.msk [tilespmem:v53+s29+$0x0], $0xffff  }
0x44a: {  	v14 =	vor.u32 v31, v3;
	v53 =	vld.idx.msk [tilespmem:v17+s28+$0x0], $0xffff  }
0x44b: {  	v19 =	vld [tilespmem:$0x1FA00]  }
0x44c: {  	v17 =	vor.u32 v20, v3;
	v20 =	vor.u32 v23, v3;
	v13 =	vld.idx.msk [tilespmem:v13+s29+$0x0], $0xffff  }
0x44d: {  	v56 =	vld.idx.msk [tilespmem:v56+s28+$0x0], $0xffff  }
0x44e: {  	v61 =	vor.u32 v45, v7;
	v8 =	vld.idx.msk [tilespmem:v57+s29+$0x0], $0xffff  }
0x44f: {  	v14 =	vld.idx.msk [tilespmem:v14+s29+$0x0], $0xffff  }
0x450: {  	v5 =	vsub.f32 v53, v58;
	v58 =	vld.idx.msk [tilespmem:v18+s28+$0x0], $0xffff  }
0x451: {  	v18 =	vor.u32 v49, v7;
	v49 =	vsub.f32 v0, v13;
	v13 =	vld.idx.msk [tilespmem:v20+s29+$0x0], $0xffff  }
0x452: {  	v9 =	vsub.f32 v56, v9;
	v20 =	vld [tilespmem:$0x1FA20]  }
0x453: {  	v8 =	vsub.f32 v52, v8;
	v4 =	vld.idx.msk [tilespmem:v61+s29+$0x0], $0xffff  }
0x454: {  	v9 =	vmul.f32 v9, v9;
	v61 =	vsub.f32 v43, v14;
	v10 =	vsub.f32 v54, v10;
	v57 =	vld.idx.msk [tilespmem:v19+s28+$0x0], $0xffff  }
0x455: {  	v8 =	vmul.f32 v8, v8;
	v19 =	vld [tilespmem:$0x1FEF0]  }
0x456: {  	v60 =	vmul.f32 v10, v10;
	v10 =	vmul.f32 v61, v61;
	v2 =	vadd.f32 v9, v2  }
0x457: {  	v14 =	vld.idx.msk [tilespmem:v17+s29+$0x0], $0xffff;
	v17 =	vor.u32 v22, v3  }
0x458: {  	v8 =	vadd.f32 v10, v8;
	v2 =	vadd.f32 v60, v2;
	v60 =	vmul.f32 v11, v11;
	_ =	sdelay $0x1  }
0x459: {  	v19 =	vor.u32 v19, v7;
	v8 =	vadd.f32 v60, v8;
	v60 =	vld.idx.msk [tilespmem:v20+s28+$0x0], $0xffff  }
0x45a: {  	v20 =	vld [tilespmem:$0x1FF10];
	_ =	sdelay $0x1  }
0x45b: {  	v5 =	vmul.f32 v5, v5;
	v61 =	vsub.f32 v50, v14;
	v14 =	vld.idx.msk [tilespmem:v17+s29+$0x0], $0xffff  }
0x45c: {  	v17 =	vor.u32 v24, v3  }
0x45d: {  	v2 =	vadd.f32 v5, v2;
	v9 =	vld.idx.msk [tilespmem:v19+s29+$0x0], $0xffff;
	v19 =	vor.u32 v25, v3  }
0x45e: {  	v5 =	vmul.f32 v48, v48;
	v48 =	vmul.f32 v61, v61;
	v20 =	vor.u32 v20, v7  }
0x45f: {  	v4 =	vsub.f32 v57, v4  }
0x460: {  	v61 =	vld [tilespmem:$0x1FA30];
	v8 =	vadd.f32 v48, v8;
	v48 =	vmul.f32 v49, v49;
	v49 =	vsub.f32 v47, v14  }
0x461: {  	v5 =	vadd.f32 v5, v2;
	v4 =	vmul.f32 v4, v4;
	v14 =	vld.idx.msk [tilespmem:v17+s29+$0x0], $0xffff;
	v15 =	vsub.f32 v58, v15  }
0x462: {  	v8 =	vadd.f32 v48, v8;
	v48 =	vmul.f32 v49, v49;
	v49 =	vsub.f32 v46, v13;
	v13 =	vld.idx.msk [tilespmem:v19+s29+$0x0], $0xffff  }
0x463: {  	v4 =	vadd.f32 v4, v5;
	v5 =	vmul.f32 v15, v15;
	v15 =	vld.idx.msk [tilespmem:v20+s29+$0x0], $0xffff  }
0x464: {  	v20 =	vld [tilespmem:$0x1FA40];
	_ =	sdelay $0x2  }
0x465: {  	v23 =	vld [tilespmem:$0x1FF50];
	v8 =	vadd.f32 v48, v8;
	v48 =	vmul.f32 v49, v49;
	v49 =	vsub.f32 v41, v14  }
0x466: {  	v17 =	vor.u32 v26, v3;
	v2 =	vld.idx.msk [tilespmem:v61+s28+$0x0], $0xffff  }
0x467: {  	v18 =	vld.idx.msk [tilespmem:v18+s29+$0x0], $0xffff;
	v8 =	vadd.f32 v48, v8;
	v48 =	vmul.f32 v49, v49;
	v49 =	vsub.f32 v16, v13  }
0x468: {  	v19 =	vor.u32 v27, v3;
	v14 =	vld [tilespmem:$0x1FA50]  }
0x469: {  	v22 =	vor.u32 v28, v3;
	v10 =	vmul.f32 v49, v49;
	v49 =	vld [tilespmem:$0x1FA60]  }
0x46a: {  	v21 =	vor.u32 v36, v7;
	v61 =	vld.idx.msk [tilespmem:v20+s28+$0x0], $0xffff  }
0x46b: {  	v20 =	vld [tilespmem:$0x1FF30]  }
0x46c: {  	v17 =	vld.idx.msk [tilespmem:v17+s29+$0x0], $0xffff;
	v18 =	vsub.f32 v2, v18  }
0x46d: {  	v13 =	vld.idx.msk [tilespmem:v19+s29+$0x0], $0xffff;
	v9 =	vsub.f32 v60, v9  }
0x46e: {  	v8 =	vadd.f32 v48, v8;
	v48 =	vmul.f32 v18, v18;
	v18 =	vld.idx.msk [tilespmem:v22+s29+$0x0], $0xffff  }
0x46f: {  	v4 =	vadd.f32 v5, v4;
	v19 =	vor.u32 v29, v3;
	v5 =	vmul.f32 v9, v9;
	v9 =	vld.idx.msk [tilespmem:v21+s29+$0x0], $0xffff  }
0x470: {  	v21 =	vld [tilespmem:$0x1FF40];
	v20 =	vor.u32 v20, v7  }
0x471: {  	v17 =	vsub.f32 v12, v17;
	v22 =	vor.u32 v32, v3;
	v5 =	vadd.f32 v5, v4;
	v4 =	vld.idx.msk [tilespmem:v49+s28+$0x0], $0xffff  }
0x472: {  	v24 =	vor.u32 v42, v3;
	v49 =	vld [tilespmem:$0x1FA70];
	v15 =	vsub.f32 v61, v15  }
0x473: {  	v8 =	vadd.f32 v10, v8;
	v17 =	vmul.f32 v17, v17;
	v14 =	vld.idx.msk [tilespmem:v14+s28+$0x0], $0xffff  }
0x474: {  	v19 =	vld.idx.msk [tilespmem:v19+s29+$0x0], $0xffff;
	v5 =	vadd.f32 v48, v5;
	v48 =	vmul.f32 v15, v15  }
0x475: {  	v8 =	vadd.f32 v17, v8;
	v20 =	vld.idx.msk [tilespmem:v20+s29+$0x0], $0xffff  }
0x476: {  	v17 =	vld.idx.msk [tilespmem:v22+s29+$0x0], $0xffff;
	v21 =	vor.u32 v21, v7;
	v5 =	vadd.f32 v48, v5;
	v48 =	vsub.f32 v1, v18  }
0x477: {  	v23 =	vor.u32 v23, v7;
	v22 =	vld.idx.msk [tilespmem:v24+s29+$0x0], $0xffff  }
0x478: {  	v9 =	vsub.f32 v14, v9;
	v11 =	vmul.f32 v48, v48;
	v48 =	vld [tilespmem:$0x1FA80]  }
0x479: {  	v13 =	vsub.f32 v6, v13;
	v24 =	vld [tilespmem:$0x1FA90];
	v18 =	vor.u32 v39, v3  }
0x47a: {  	v9 =	vmul.f32 v9, v9;
	v10 =	vld.idx.msk [tilespmem:v49+s28+$0x0], $0xffff;
	v20 =	vsub.f32 v4, v20  }
0x47b: {  	v13 =	vmul.f32 v13, v13;
	v15 =	vld.idx.msk [tilespmem:v21+s29+$0x0], $0xffff  }
0x47c: {  	v21 =	vld.idx.msk [tilespmem:v23+s29+$0x0], $0xffff;
	v5 =	vadd.f32 v9, v5;
	v49 =	vmul.f32 v20, v20  }
0x47d: {  	v13 =	vadd.f32 v13, v8;
	v19 =	vsub.f32 v63, v19;
	v20 =	vld [tilespmem:$0x1FF60]  }
0x47e: {  	v23 =	vor.u32 v34, v3;
	v9 =	vadd.f32 v49, v5;
	v49 =	vsub.f32 v62, v17;
	v17 =	vld.idx.msk [tilespmem:v18+s29+$0x0], $0xffff  }
0x47f: {  	v18 =	vld [tilespmem:$0x1FEB0]  }
0x480: {  	v11 =	vadd.f32 v11, v13;
	v13 =	vmul.f32 v19, v19;
	v8 =	vld.idx.msk [tilespmem:v48+s28+$0x0], $0xffff  }
0x481: {  	s23 =	sadd.s32 $0x4, s1  }
0x482: {  	v25 =	vmov s23;
	v19 =	vld [tilespmem:$0x1FF80];
	v11 =	vadd.f32 v13, v11;
	v13 =	vsub.f32 v59, v22  }
0x483: {  	v15 =	vsub.f32 v10, v15;
	v22 =	vld.idx.msk [tilespmem:v23+s29+$0x0], $0xffff;
	v23 =	vor.u32 v44, v3;
	v20 =	vor.u32 v20, v7  }
0x484: {  	[tilespmem:$0x1F8A0] =	vst v25;
	v44 =	vmul.f32 v13, v13;
	v13 =	vshll.u32 v25, $0x5;
	v25 =	vld [tilespmem:$0x1FFE0];
	v18 =	vor.u32 v18, v3  }
0x485: {  	v15 =	vmul.f32 v15, v15;
	v48 =	vld.idx.msk [tilespmem:v24+s28+$0x0], $0xffff;
	v21 =	vsub.f32 v8, v21  }
0x486: {  	v5 =	vmul.f32 v49, v49;
	v49 =	vld [tilespmem:$0x1FFD0]  }
0x487: {  	v9 =	vadd.f32 v15, v9;
	v15 =	vmul.f32 v21, v21;
	v21 =	vld [tilespmem:$0x1FAA0]  }
0x488: {  	v24 =	vor.u32 v45, v3;
	v5 =	vadd.f32 v5, v11;
	v20 =	vld.idx.msk [tilespmem:v20+s29+$0x0], $0xffff  }
0x489: {  	v17 =	vsub.f32 v56, v17;
	v18 =	vld.idx.msk [tilespmem:v18+s29+$0x0], $0xffff  }
0x48a: {  	v45 =	vld [tilespmem:$0x1FEE0];
	v13 =	vor.u32 v25, v13;
	v11 =	vadd.f32 v44, v5  }
0x48b: {  	v5 =	vadd.s32 v49, v13;
	v13 =	vmul.f32 v17, v17;
	v17 =	vsub.f32 v54, v22  }
0x48c: {  	v22 =	vld.idx.msk [tilespmem:v23+s29+$0x0], $0xffff  }
0x48d: {  	v11 =	vadd.f32 v13, v11;
	v13 =	vmul.f32 v17, v17;
	v9 =	vadd.f32 v15, v9;
	v17 =	vld.idx.msk [tilespmem:v24+s29+$0x0], $0xffff  }
0x48e: {  	v19 =	vor.u32 v19, v7;
	v15 =	vsub.f32 v53, v18;
	v18 =	vsub.f32 v48, v20;
	v20 =	vld [tilespmem:$0x1FE90]  }
0x48f: {  	v25 =	vor.u32 v45, v3;
	v24 =	vld [tilespmem:$0x1FEF0]  }
0x490: {  	v26 =	vld [tilespmem:$0x1FFA0];
	v18 =	vmul.f32 v18, v18  }
0x491: {  	v23 =	vor.u32 v30, v5;
	v49 =	vld.idx.msk [tilespmem:v21+s28+$0x0], $0xffff  }
0x492: {  	v21 =	vor.u32 v31, v5;
	v9 =	vadd.f32 v18, v9;
	v18 =	vld [tilespmem:$0x1FAB0]  }
0x493: {  	v19 =	vld.idx.msk [tilespmem:v19+s29+$0x0], $0xffff;
	v11 =	vadd.f32 v13, v11;
	v20 =	vor.u32 v20, v5  }
0x494: {  	v13 =	vld.idx.msk [tilespmem:v25+s29+$0x0], $0xffff;
	v22 =	vsub.f32 v55, v22;
	v24 =	vor.u32 v24, v3;
	v15 =	vmul.f32 v15, v15  }
0x495: {  	v25 =	vld [tilespmem:$0x1FED0]  }
0x496: {  	v23 =	vld.idx.msk [tilespmem:v23+s29+$0x0], $0xffff;
	v11 =	vadd.f32 v15, v11;
	v15 =	vmul.f32 v22, v22  }
0x497: {  	v21 =	vld.idx.msk [tilespmem:v21+s29+$0x0], $0xffff  }
0x498: {  	v11 =	vadd.f32 v15, v11;
	v15 =	vld.idx.msk [tilespmem:v20+s29+$0x0], $0xffff  }
0x499: {  	v19 =	vsub.f32 v49, v19;
	v20 =	vld.idx.msk [tilespmem:v24+s29+$0x0], $0xffff  }
0x49a: {  	v44 =	vld.idx.msk [tilespmem:v18+s28+$0x0], $0xffff  }
0x49b: {  	v18 =	vmul.f32 v19, v19;
	v19 =	vld [tilespmem:$0x1FF00]  }
0x49c: {  	v25 =	vor.u32 v25, v5;
	v24 =	vld [tilespmem:$0x1FF10]  }
0x49d: {  	v27 =	vld [tilespmem:$0x1FF20];
	v26 =	vor.u32 v26, v7  }
0x49e: {  	v17 =	vsub.f32 v57, v17;
	v22 =	vor.u32 v35, v3;
	_ =	sdelay $0x1  }
0x49f: {  	v17 =	vmul.f32 v17, v17;
	v13 =	vsub.f32 v58, v13;
	v19 =	vor.u32 v19, v5  }
0x4a0: {  	v23 =	vsub.f32 v52, v23;
	v25 =	vld.idx.msk [tilespmem:v25+s29+$0x0], $0xffff;
	v21 =	vsub.f32 v43, v21;
	v24 =	vor.u32 v24, v3  }
0x4a1: {  	v26 =	vld.idx.msk [tilespmem:v26+s29+$0x0], $0xffff;
	v27 =	vor.u32 v27, v5;
	v13 =	vmul.f32 v13, v13;
	v11 =	vadd.f32 v17, v11  }
0x4a2: {  	v17 =	vld.idx.msk [tilespmem:v22+s29+$0x0], $0xffff;
	v22 =	vmul.f32 v23, v23;
	v21 =	vmul.f32 v21, v21  }
0x4a3: {  	v11 =	vadd.f32 v13, v11;
	v9 =	vadd.f32 v18, v9  }
0x4a4: {  	v21 =	vadd.f32 v21, v22;
	v13 =	vsub.f32 v51, v15;
	v15 =	vld.idx.msk [tilespmem:v19+s29+$0x0], $0xffff;
	v19 =	vor.u32 v33, v5  }
0x4a5: {  	v22 =	vsub.f32 v50, v25;
	v20 =	vsub.f32 v60, v20;
	v23 =	vld.idx.msk [tilespmem:v24+s29+$0x0], $0xffff  }
0x4a6: {  	v25 =	vld.idx.msk [tilespmem:v27+s29+$0x0], $0xffff;
	v18 =	vsub.f32 v44, v26;
	v13 =	vmul.f32 v13, v13;
	v26 =	vor.u32 v37, v5  }
0x4a7: {  	v17 =	vsub.f32 v2, v17;
	v20 =	vmul.f32 v20, v20;
	v24 =	vor.u32 v36, v3  }
0x4a8: {  	v13 =	vadd.f32 v13, v21;
	v21 =	vmul.f32 v22, v22;
	v22 =	vor.u32 v38, v5  }
0x4a9: {  	v15 =	vsub.f32 v0, v15;
	v19 =	vld.idx.msk [tilespmem:v19+s29+$0x0], $0xffff  }
0x4aa: {  	v45 =	vld [tilespmem:$0x1FFB0];
	v17 =	vmul.f32 v17, v17;
	v11 =	vadd.f32 v20, v11;
	v20 =	vsub.f32 v61, v23  }
0x4ab: {  	v13 =	vadd.f32 v21, v13;
	v21 =	vsub.f32 v47, v25;
	v25 =	vld.idx.msk [tilespmem:v26+s29+$0x0], $0xffff;
	v15 =	vmul.f32 v15, v15  }
0x4ac: {  	v11 =	vadd.f32 v17, v11;
	v23 =	vld.idx.msk [tilespmem:v24+s29+$0x0], $0xffff;
	v17 =	vmul.f32 v20, v20  }
0x4ad: {  	v13 =	vadd.f32 v15, v13;
	v15 =	vmul.f32 v21, v21;
	v21 =	vld.idx.msk [tilespmem:v22+s29+$0x0], $0xffff;
	v22 =	vor.u32 v40, v5  }
0x4ae: {  	v24 =	vld [tilespmem:$0x1FF40];
	v11 =	vadd.f32 v17, v11;
	v17 =	vsub.f32 v46, v19  }
0x4af: {  	v26 =	vld [tilespmem:$0x1FEC0]  }
0x4b0: {  	v13 =	vadd.f32 v15, v13;
	v15 =	vmul.f32 v17, v17;
	v17 =	vsub.f32 v41, v25  }
0x4b1: {  	v7 =	vor.u32 v45, v7;
	v27 =	vld [tilespmem:$0x1FF30]  }
0x4b2: {  	v13 =	vadd.f32 v15, v13;
	v15 =	vmul.f32 v17, v17;
	v17 =	vsub.f32 v16, v21;
	v21 =	vld.idx.msk [tilespmem:v22+s29+$0x0], $0xffff  }
0x4b3: {  	v24 =	vor.u32 v24, v3;
	v22 =	vld [tilespmem:$0x1FAC0]  }
0x4b4: {  	v26 =	vor.u32 v26, v5;
	_ =	sdelay $0x2  }
0x4b5: {  	v7 =	vld.idx.msk [tilespmem:v7+s29+$0x0], $0xffff  }
0x4b6: {  	v27 =	vor.u32 v27, v3;
	v19 =	vsub.f32 v14, v23;
	v23 =	vld.idx.msk [tilespmem:v24+s29+$0x0], $0xffff  }
0x4b7: {  	v24 =	vld.idx.msk [tilespmem:v26+s29+$0x0], $0xffff  }
0x4b8: {  	v26 =	vld [tilespmem:$0x1FF50]  }
0x4b9: {  	v45 =	vld.idx.msk [tilespmem:v22+s28+$0x0], $0xffff;
	_ =	sdelay $0x1  }
0x4ba: {  	v20 =	vld.idx.msk [tilespmem:v27+s29+$0x0], $0xffff  }
0x4bb: {  	v18 =	vmul.f32 v18, v18;
	v13 =	vadd.f32 v15, v13  }
0x4bc: {  	v15 =	vmul.f32 v17, v17;
	v26 =	vor.u32 v26, v3;
	v17 =	vsub.f32 v12, v24  }
0x4bd: {  	v9 =	vadd.f32 v18, v9;
	v18 =	vsub.f32 v45, v7;
	v7 =	vld [tilespmem:$0x1FF80]  }
0x4be: {  	v13 =	vadd.f32 v15, v13;
	v15 =	vmul.f32 v17, v17;
	v17 =	vsub.f32 v6, v21  }
0x4bf: {  	v20 =	vsub.f32 v4, v20;
	v25 =	vor.u32 v28, v5;
	v19 =	vmul.f32 v19, v19  }
0x4c0: {  	s31 =	sadd.s32 $0x6, s1;
	v13 =	vadd.f32 v15, v13;
	v15 =	vmul.f32 v17, v17  }
0x4c1: {  	v11 =	vadd.f32 v19, v11;
	v19 =	vmul.f32 v20, v20;
	v24 =	vld.idx.msk [tilespmem:v26+s29+$0x0], $0xffff;
	v26 =	vmov s31  }
0x4c2: {  	[tilespmem:$0x1F8C0] =	vst v26;
	v13 =	vadd.f32 v15, v13;
	v15 =	vshll.u32 v26, $0x5;
	v26 =	vld [tilespmem:$0x1FFE0];
	v7 =	vor.u32 v7, v3;
	_ =	sdelay $0x1  }
0x4c3: {  	v11 =	vadd.f32 v19, v11;
	v19 =	vld.idx.msk [tilespmem:v25+s29+$0x0], $0xffff  }
0x4c4: {  	v20 =	vor.u32 v29, v5;
	v25 =	vld [tilespmem:$0x1FF60];
	_ =	sdelay $0x1  }
0x4c5: {  	v22 =	vsub.f32 v10, v23;
	v23 =	vor.u32 v32, v5;
	v15 =	vor.u32 v26, v15;
	v26 =	vld.idx.msk [tilespmem:v7+s29+$0x0], $0xffff  }
0x4c6: {  	v7 =	vld [tilespmem:$0x1FFA0]  }
0x4c7: {  	v21 =	vor.u32 v42, v5  }
0x4c8: {  	v20 =	vld.idx.msk [tilespmem:v20+s29+$0x0], $0xffff;
	v25 =	vor.u32 v25, v3;
	_ =	sdelay $0x1  }
0x4c9: {  	v17 =	vsub.f32 v1, v19;
	v19 =	vld.idx.msk [tilespmem:v23+s29+$0x0], $0xffff  }
0x4ca: {  	v27 =	vor.u32 v7, v3;
	v7 =	vld [tilespmem:$0x1FFD0]  }
0x4cb: {  	v22 =	vmul.f32 v22, v22;
	v21 =	vld.idx.msk [tilespmem:v21+s29+$0x0], $0xffff  }
0x4cc: {  	v17 =	vmul.f32 v17, v17;
	v20 =	vsub.f32 v63, v20;
	v23 =	vsub.f32 v8, v24;
	v24 =	vld.idx.msk [tilespmem:v25+s29+$0x0], $0xffff;
	_ =	sdelay $0x1  }
0x4cd: {  	v11 =	vadd.f32 v22, v11;
	v13 =	vadd.f32 v17, v13;
	v20 =	vmul.f32 v20, v20  }
0x4ce: {  	v19 =	vsub.f32 v62, v19;
	v7 =	vadd.s32 v7, v15;
	v15 =	vmul.f32 v23, v23  }
0x4cf: {  	v25 =	vor.u32 v34, v5;
	v13 =	vadd.f32 v20, v13;
	v20 =	vsub.f32 v59, v21  }
0x4d0: {  	v19 =	vmul.f32 v19, v19;
	v11 =	vadd.f32 v15, v11;
	v15 =	vsub.f32 v48, v24;
	v24 =	vld [tilespmem:$0x1FEB0];
	_ =	sdelay $0x1  }
0x4d1: {  	v22 =	vor.u32 v39, v5;
	v13 =	vadd.f32 v19, v13;
	v19 =	vmul.f32 v20, v20;
	v20 =	vld [tilespmem:$0x1FF70]  }
0x4d2: {  	v28 =	vld [tilespmem:$0x1FED0]  }
0x4d3: {  	v21 =	vld.idx.msk [tilespmem:v25+s29+$0x0], $0xffff;
	v23 =	vor.u32 v31, v7  }
0x4d4: {  	v25 =	vsub.f32 v49, v26;
	v26 =	vld.idx.msk [tilespmem:v27+s29+$0x0], $0xffff;
	v24 =	vor.u32 v24, v5  }
0x4d5: {  	v18 =	vmul.f32 v18, v18;
	v27 =	vld [tilespmem:$0x1FE90]  }
0x4d6: {  	v22 =	vld.idx.msk [tilespmem:v22+s29+$0x0], $0xffff;
	v20 =	vor.u32 v20, v5  }
0x4d7: {  	v9 =	vadd.f32 v18, v9;
	v18 =	vld [tilespmem:$0x1FF00];
	v17 =	vor.u32 v30, v7  }
0x4d8: {  	v23 =	vld.idx.msk [tilespmem:v23+s29+$0x0], $0xffff  }
0x4d9: {  	v13 =	vadd.f32 v19, v13;
	v15 =	vmul.f32 v15, v15;
	v19 =	vld.idx.msk [tilespmem:v24+s29+$0x0], $0xffff  }
0x4da: {  	v27 =	vor.u32 v27, v7;
	v24 =	vld [tilespmem:$0x1FF90]  }
0x4db: {  	v21 =	vsub.f32 v54, v21;
	v20 =	vld.idx.msk [tilespmem:v20+s29+$0x0], $0xffff;
	v11 =	vadd.f32 v15, v11;
	v15 =	vmul.f32 v25, v25  }
0x4dc: {  	v22 =	vsub.f32 v56, v22;
	v28 =	vor.u32 v28, v7;
	v17 =	vld.idx.msk [tilespmem:v17+s29+$0x0], $0xffff  }
0x4dd: {  	v11 =	vadd.f32 v15, v11;
	v15 =	vmul.f32 v21, v21;
	v21 =	vsub.f32 v43, v23;
	v23 =	vld [tilespmem:$0x1FF20]  }
0x4de: {  	v22 =	vmul.f32 v22, v22;
	v25 =	vsub.f32 v44, v26;
	v26 =	vld [tilespmem:$0x1FEE0]  }
0x4df: {  	[tilespmem:$0x1F890] =	vst v9;
	v9 =	vld.idx.msk [tilespmem:v27+s29+$0x0], $0xffff;
	v24 =	vor.u32 v24, v5  }
0x4e0: {  	v13 =	vadd.f32 v22, v13;
	v27 =	vld [tilespmem:$0x1FEF0]  }
0x4e1: {  	v18 =	vor.u32 v18, v7;
	v17 =	vsub.f32 v52, v17  }
0x4e2: {  	v22 =	vld.idx.msk [tilespmem:v28+s29+$0x0], $0xffff;
	v13 =	vadd.f32 v15, v13;
	v23 =	vor.u32 v23, v7  }
0x4e3: {  	v26 =	vor.u32 v26, v5;
	v17 =	vmul.f32 v17, v17;
	v19 =	vsub.f32 v53, v19  }
0x4e4: {  	v21 =	vmul.f32 v21, v21;
	v9 =	vsub.f32 v51, v9;
	v15 =	vld.idx.msk [tilespmem:v24+s29+$0x0], $0xffff;
	v24 =	vor.u32 v33, v7  }
0x4e5: {  	v20 =	vsub.f32 v55, v20;
	v27 =	vor.u32 v27, v5;
	v19 =	vmul.f32 v19, v19  }
0x4e6: {  	v18 =	vld.idx.msk [tilespmem:v18+s29+$0x0], $0xffff;
	v17 =	vadd.f32 v21, v17;
	v9 =	vmul.f32 v9, v9  }
0x4e7: {  	v21 =	vsub.f32 v50, v22;
	v22 =	vld.idx.msk [tilespmem:v23+s29+$0x0], $0xffff;
	v13 =	vadd.f32 v19, v13;
	v19 =	vmul.f32 v20, v20  }
0x4e8: {  	v9 =	vadd.f32 v9, v17;
	v20 =	vld.idx.msk [tilespmem:v26+s29+$0x0], $0xffff  }
0x4e9: {  	v17 =	vmul.f32 v21, v21;
	v23 =	vor.u32 v37, v7;
	v13 =	vadd.f32 v19, v13;
	v19 =	vld.idx.msk [tilespmem:v24+s29+$0x0], $0xffff  }
0x4ea: {  	v26 =	vor.u32 v35, v5;
	v15 =	vsub.f32 v57, v15;
	v24 =	vld.idx.msk [tilespmem:v27+s29+$0x0], $0xffff  }
0x4eb: {  	v18 =	vsub.f32 v0, v18;
	v17 =	vadd.f32 v17, v9;
	v9 =	vld [tilespmem:$0x1FEC0]  }
0x4ec: {  	v15 =	vmul.f32 v15, v15  }
0x4ed: {  	v18 =	vmul.f32 v18, v18;
	v22 =	vsub.f32 v47, v22  }
0x4ee: {  	v21 =	vor.u32 v38, v7;
	v23 =	vld.idx.msk [tilespmem:v23+s29+$0x0], $0xffff;
	v13 =	vadd.f32 v15, v13  }
0x4ef: {  	v15 =	vadd.f32 v18, v17;
	v17 =	vmul.f32 v22, v22;
	v22 =	vsub.f32 v60, v24;
	v24 =	vld.idx.msk [tilespmem:v26+s29+$0x0], $0xffff  }
0x4f0: {  	v25 =	vmul.f32 v25, v25;
	v27 =	vor.u32 v9, v7;
	v26 =	vld [tilespmem:$0x1FE70];
	_ =	sdelay $0x1  }
0x4f1: {  	v9 =	vadd.f32 v25, v11;
	v11 =	vsub.f32 v58, v20;
	v20 =	vld [tilespmem:$0x1FF10]  }
0x4f2: {  	v18 =	vsub.f32 v46, v19  }
0x4f3: {  	v11 =	vmul.f32 v11, v11;
	v19 =	vld.idx.msk [tilespmem:v21+s29+$0x0], $0xffff;
	v21 =	vor.u32 v40, v7;
	v15 =	vadd.f32 v17, v15  }
0x4f4: {  	v17 =	vmul.f32 v18, v18;
	v18 =	vsub.f32 v41, v23;
	v23 =	vld.idx.msk [tilespmem:v27+s29+$0x0], $0xffff;
	v26 =	vor.u32 v26, v7;
	_ =	sdelay $0x1  }
0x4f5: {  	v25 =	vor.u32 v36, v5;
	v20 =	vor.u32 v20, v5;
	v11 =	vadd.f32 v11, v13  }
0x4f6: {  	v13 =	vmul.f32 v22, v22;
	v22 =	vld [tilespmem:$0x1FF30];
	v15 =	vadd.f32 v17, v15;
	v17 =	vmul.f32 v18, v18  }
0x4f7: {  	v18 =	vld.idx.msk [tilespmem:v21+s29+$0x0], $0xffff;
	v21 =	vsub.f32 v2, v24  }
0x4f8: {  	v15 =	vadd.f32 v17, v15;
	v17 =	vsub.f32 v12, v23;
	v23 =	vld.idx.msk [tilespmem:v26+s29+$0x0], $0xffff  }
0x4f9: {  	v26 =	vld [tilespmem:$0x1FF40]  }
0x4fa: {  	v11 =	vadd.f32 v13, v11;
	v20 =	vld.idx.msk [tilespmem:v20+s29+$0x0], $0xffff;
	v21 =	vmul.f32 v21, v21  }
0x4fb: {  	v13 =	vsub.f32 v16, v19;
	v24 =	vld.idx.msk [tilespmem:v25+s29+$0x0], $0xffff;
	v22 =	vor.u32 v22, v5  }
0x4fc: {  	v19 =	vor.u32 v29, v7;
	v11 =	vadd.f32 v21, v11;
	v21 =	vld [tilespmem:$0x1FF50]  }
0x4fd: {  	v25 =	vor.u32 v32, v7;
	v13 =	vmul.f32 v13, v13  }
0x4fe: {  	v26 =	vor.u32 v26, v5  }
0x4ff: {  	v27 =	vld [tilespmem:$0x1FFB0];
	v13 =	vadd.f32 v13, v15;
	v15 =	vmul.f32 v17, v17;
	v20 =	vsub.f32 v61, v20  }
0x500: {  	v17 =	vor.u32 v42, v7;
	v18 =	vsub.f32 v6, v18;
	v24 =	vsub.f32 v14, v24;
	v22 =	vld.idx.msk [tilespmem:v22+s29+$0x0], $0xffff  }
0x501: {  	v19 =	vld.idx.msk [tilespmem:v19+s29+$0x0], $0xffff;
	v13 =	vadd.f32 v15, v13;
	v20 =	vmul.f32 v20, v20;
	v21 =	vor.u32 v21, v5  }
0x502: {  	v15 =	vmul.f32 v18, v18;
	v18 =	vsub.f32 v1, v23;
	v23 =	vld.idx.msk [tilespmem:v25+s29+$0x0], $0xffff;
	v25 =	vor.u32 v39, v7  }
0x503: {  	v11 =	vadd.f32 v20, v11;
	v20 =	vmul.f32 v24, v24;
	v24 =	vld.idx.msk [tilespmem:v26+s29+$0x0], $0xffff  }
0x504: {  	v26 =	vld [tilespmem:$0x1FF60]  }
0x505: {  	v17 =	vld.idx.msk [tilespmem:v17+s29+$0x0], $0xffff;
	v22 =	vsub.f32 v4, v22  }
0x506: {  	v13 =	vadd.f32 v15, v13;
	v19 =	vsub.f32 v63, v19;
	v15 =	vmul.f32 v18, v18;
	v42 =	vld.idx.msk [tilespmem:v21+s29+$0x0], $0xffff  }
0x507: {  	v3 =	vor.u32 v27, v3;
	v11 =	vadd.f32 v20, v11;
	v20 =	vmul.f32 v22, v22;
	v22 =	vld.idx.msk [tilespmem:v25+s29+$0x0], $0xffff  }
0x508: {  	v13 =	vadd.f32 v15, v13;
	v15 =	vmul.f32 v19, v19;
	v19 =	vsub.f32 v62, v23;
	v23 =	vld [tilespmem:$0x1FEB0]  }
0x509: {  	v21 =	vor.u32 v34, v7;
	v25 =	vld [tilespmem:$0x1FF80];
	v26 =	vor.u32 v26, v5  }
0x50a: {  	v17 =	vsub.f32 v59, v17;
	v13 =	vadd.f32 v15, v13;
	v15 =	vmul.f32 v19, v19;
	_ =	sdelay $0x1  }
0x50b: {  	v3 =	vld.idx.msk [tilespmem:v3+s29+$0x0], $0xffff;
	v11 =	vadd.f32 v20, v11;
	v13 =	vadd.f32 v15, v13;
	v15 =	vmul.f32 v17, v17  }
0x50c: {  	v23 =	vor.u32 v23, v7;
	v20 =	vsub.f32 v10, v24;
	v17 =	vsub.f32 v56, v22;
	v22 =	vld [tilespmem:$0x1FF90]  }
0x50d: {  	v25 =	vor.u32 v25, v5;
	v24 =	vld.idx.msk [tilespmem:v26+s29+$0x0], $0xffff  }
0x50e: {  	v19 =	vmul.f32 v20, v20;
	v20 =	vld.idx.msk [tilespmem:v21+s29+$0x0], $0xffff  }
0x50f: {  	v21 =	vld [tilespmem:$0x1FF70]  }
0x510: {  	v26 =	vld [tilespmem:$0x1FFA0]  }
0x511: {  	v11 =	vadd.f32 v19, v11;
	v19 =	vld.idx.msk [tilespmem:v23+s29+$0x0], $0xffff  }
0x512: {  	v23 =	vsub.f32 v48, v24;
	v24 =	vld.idx.msk [tilespmem:v25+s29+$0x0], $0xffff  }
0x513: {  	v18 =	vsub.f32 v45, v3;
	v3 =	vsub.f32 v8, v42;
	v25 =	vld [tilespmem:$0x1FE40]  }
0x514: {  	v13 =	vadd.f32 v15, v13;
	v15 =	vmul.f32 v17, v17;
	v17 =	vld [tilespmem:$0x1FEE0]  }
0x515: {  	v3 =	vmul.f32 v3, v3;
	v26 =	vor.u32 v26, v5;
	_ =	sdelay $0x1  }
0x516: {  	s16 =	sadd.s32 $0x8, s1;
	v27 =	vld [tilespmem:$0x1FEF0];
	v11 =	vadd.f32 v3, v11;
	v21 =	vor.u32 v21, v7;
	v23 =	vmul.f32 v23, v23  }
0x517: {  	v18 =	vmul.f32 v18, v18;
	v22 =	vor.u32 v22, v7;
	v25 =	vadd.s32 s16, v25  }
0x518: {  	v17 =	vor.u32 v17, v7;
	v11 =	vadd.f32 v23, v11;
	v23 =	vld [tilespmem:$0x1FE90];
	v3 =	vshll.u32 v25, $0x5  }
0x519: {  	v20 =	vsub.f32 v54, v20;
	[tilespmem:$0x1F910] =	vst v25;
	v25 =	vld.idx.msk [tilespmem:v26+s29+$0x0], $0xffff;
	v26 =	vor.u32 v31, v3  }
0x51a: {  	v9 =	vadd.f32 v18, v9;
	v18 =	vld [tilespmem:$0x1FF00]  }
0x51b: {  	v27 =	vor.u32 v27, v7;
	v13 =	vadd.f32 v15, v13;
	v20 =	vmul.f32 v20, v20;
	v21 =	vld.idx.msk [tilespmem:v21+s29+$0x0], $0xffff  }
0x51c: {  	v22 =	vld.idx.msk [tilespmem:v22+s29+$0x0], $0xffff;
	v24 =	vsub.f32 v49, v24  }
0x51d: {  	v19 =	vsub.f32 v53, v19;
	v13 =	vadd.f32 v20, v13;
	v17 =	vld.idx.msk [tilespmem:v17+s29+$0x0], $0xffff;
	v15 =	vor.u32 v30, v3  }
0x51e: {  	v20 =	vmul.f32 v24, v24;
	v23 =	vor.u32 v23, v3;
	v24 =	vsub.f32 v44, v25;
	v25 =	vld.idx.msk [tilespmem:v26+s29+$0x0], $0xffff  }
0x51f: {  	v19 =	vmul.f32 v19, v19;
	v26 =	vld [tilespmem:$0x1FED0]  }
0x520: {  	v21 =	vsub.f32 v55, v21;
	v11 =	vadd.f32 v20, v11;
	v20 =	vmul.f32 v24, v24;
	v24 =	vld.idx.msk [tilespmem:v27+s29+$0x0], $0xffff  }
0x521: {  	v13 =	vadd.f32 v19, v13;
	v27 =	vld [tilespmem:$0x1FF10]  }
0x522: {  	v19 =	vor.u32 v35, v7;
	v22 =	vsub.f32 v57, v22;
	v21 =	vmul.f32 v21, v21;
	v15 =	vld.idx.msk [tilespmem:v15+s29+$0x0], $0xffff  }
0x523: {  	v42 =	vld.idx.msk [tilespmem:v23+s29+$0x0], $0xffff  }
0x524: {  	v13 =	vadd.f32 v21, v13;
	v21 =	vmul.f32 v22, v22;
	v23 =	vld [tilespmem:$0x1FF20];
	v26 =	vor.u32 v26, v3  }
0x525: {  	v17 =	vsub.f32 v58, v17;
	v18 =	vor.u32 v18, v3  }
0x526: {  	v13 =	vadd.f32 v21, v13;
	v21 =	vsub.f32 v43, v25;
	v25 =	vld [tilespmem:$0x1FF30];
	v27 =	vor.u32 v27, v7  }
0x527: {  	v17 =	vmul.f32 v17, v17;
	v19 =	vld.idx.msk [tilespmem:v19+s29+$0x0], $0xffff  }
0x528: {  	[tilespmem:$0x1F8B0] =	vst v9;
	v9 =	vadd.f32 v20, v11;
	v15 =	vsub.f32 v52, v15  }
0x529: {  	v13 =	vadd.f32 v17, v13;
	v17 =	vsub.f32 v60, v24;
	v23 =	vor.u32 v23, v3;
	v22 =	vld.idx.msk [tilespmem:v26+s29+$0x0], $0xffff  }
0x52a: {  	v18 =	vld.idx.msk [tilespmem:v18+s29+$0x0], $0xffff;
	v20 =	vor.u32 v36, v7;
	v15 =	vmul.f32 v15, v15;
	v21 =	vmul.f32 v21, v21  }
0x52b: {  	v11 =	vsub.f32 v51, v42;
	v17 =	vmul.f32 v17, v17;
	v25 =	vor.u32 v25, v7;
	v24 =	vld.idx.msk [tilespmem:v27+s29+$0x0], $0xffff  }
0x52c: {  	v19 =	vsub.f32 v2, v19;
	v15 =	vadd.f32 v21, v15;
	v27 =	vld [tilespmem:$0x1FF40]  }
0x52d: {  	v11 =	vmul.f32 v11, v11;
	v26 =	vor.u32 v33, v3;
	v13 =	vadd.f32 v17, v13  }
0x52e: {  	v17 =	vmul.f32 v19, v19;
	v21 =	vsub.f32 v50, v22;
	v22 =	vld.idx.msk [tilespmem:v23+s29+$0x0], $0xffff;
	v23 =	vor.u32 v37, v3  }
0x52f: {  	v20 =	vld.idx.msk [tilespmem:v20+s29+$0x0], $0xffff;
	v11 =	vadd.f32 v11, v15  }
0x530: {  	v13 =	vadd.f32 v17, v13;
	v19 =	vsub.f32 v61, v24;
	v24 =	vld.idx.msk [tilespmem:v25+s29+$0x0], $0xffff  }
0x531: {  	v17 =	vsub.f32 v0, v18;
	v27 =	vor.u32 v27, v7;
	v25 =	vld [tilespmem:$0x1FFB0];
	v15 =	vmul.f32 v21, v21  }
0x532: {  	v18 =	vld.idx.msk [tilespmem:v26+s29+$0x0], $0xffff  }
0x533: {  	v11 =	vadd.f32 v15, v11;
	v15 =	vmul.f32 v17, v17;
	v17 =	vsub.f32 v47, v22;
	v22 =	vld.idx.msk [tilespmem:v23+s29+$0x0], $0xffff  }
0x534: {  	v23 =	vld [tilespmem:$0x1FEC0]  }
0x535: {  	v20 =	vsub.f32 v14, v20;
	v21 =	vor.u32 v38, v3;
	v19 =	vmul.f32 v19, v19  }
0x536: {  	v5 =	vor.u32 v25, v5;
	v25 =	vld.idx.msk [tilespmem:v27+s29+$0x0], $0xffff  }
0x537: {  	v13 =	vadd.f32 v19, v13;
	v19 =	vmul.f32 v20, v20;
	v20 =	vld [tilespmem:$0x1FF50];
	_ =	sdelay $0x1  }
0x538: {  	v18 =	vsub.f32 v46, v18;
	v24 =	vsub.f32 v4, v24;
	v23 =	vor.u32 v23, v3  }
0x539: {  	v11 =	vadd.f32 v15, v11;
	v15 =	vmul.f32 v17, v17;
	v17 =	vld.idx.msk [tilespmem:v21+s29+$0x0], $0xffff;
	v13 =	vadd.f32 v19, v13  }
0x53a: {  	v26 =	vld [tilespmem:$0x1FFE0];
	v19 =	vor.u32 v40, v3;
	v21 =	vmul.f32 v24, v24;
	v24 =	vsub.f32 v10, v25  }
0x53b: {  	v11 =	vadd.f32 v15, v11;
	v15 =	vmul.f32 v18, v18;
	v20 =	vor.u32 v20, v7;
	v5 =	vld.idx.msk [tilespmem:v5+s29+$0x0], $0xffff  }
0x53c: {  	v18 =	vsub.f32 v41, v22;
	v13 =	vadd.f32 v21, v13;
	v21 =	vmul.f32 v24, v24;
	v24 =	vld [tilespmem:$0x1FF60]  }
0x53d: {  	v22 =	vld.idx.msk [tilespmem:v23+s29+$0x0], $0xffff  }
0x53e: {  	v11 =	vadd.f32 v15, v11;
	v15 =	vmul.f32 v18, v18;
	v17 =	vsub.f32 v16, v17;
	v23 =	vld [tilespmem:$0x1FE70]  }
0x53f: {  	v42 =	vld.idx.msk [tilespmem:v19+s29+$0x0], $0xffff  }
0x540: {  	s18 =	sadd.s32 $0xA, s1;
	v11 =	vadd.f32 v15, v11;
	v15 =	vmul.f32 v17, v17;
	v13 =	vadd.f32 v21, v13;
	v21 =	vld [tilespmem:$0x1FF80]  }
0x541: {  	v25 =	vmov s18;
	v20 =	vld.idx.msk [tilespmem:v20+s29+$0x0], $0xffff  }
0x542: {  	[tilespmem:$0x1F8D0] =	vst v25;
	v11 =	vadd.f32 v15, v11;
	v15 =	vshll.u32 v25, $0x5;
	v25 =	vld [tilespmem:$0x1FEA0];
	v24 =	vor.u32 v24, v7  }
0x543: {  	v15 =	vor.u32 v26, v15;
	v26 =	vld [tilespmem:$0x1FFA0];
	v23 =	vor.u32 v23, v3  }
0x544: {  	v27 =	vsub.f32 v6, v42;
	v42 =	vld [tilespmem:$0x1FFD0]  }
0x545: {  	v21 =	vor.u32 v21, v7  }
0x546: {  	v19 =	vor.u32 v29, v3;
	v17 =	vsub.f32 v12, v22  }
0x547: {  	v25 =	vor.u32 v25, v3;
	v24 =	vld.idx.msk [tilespmem:v24+s29+$0x0], $0xffff  }
0x548: {  	v18 =	vsub.f32 v45, v5;
	v20 =	vsub.f32 v8, v20;
	v17 =	vmul.f32 v17, v17;
	v22 =	vld.idx.msk [tilespmem:v23+s29+$0x0], $0xffff  }
0x549: {  	v26 =	vor.u32 v26, v7;
	v5 =	vadd.s32 v42, v15;
	v23 =	vor.u32 v32, v3  }
0x54a: {  	v15 =	vmul.f32 v20, v20;
	v11 =	vadd.f32 v17, v11;
	v20 =	vld.idx.msk [tilespmem:v21+s29+$0x0], $0xffff;
	v21 =	vmul.f32 v27, v27  }
0x54b: {  	v19 =	vld.idx.msk [tilespmem:v19+s29+$0x0], $0xffff;
	v27 =	vor.u32 v31, v5  }
0x54c: {  	v11 =	vadd.f32 v21, v11;
	v21 =	vld.idx.msk [tilespmem:v25+s29+$0x0], $0xffff  }
0x54d: {  	v25 =	vld [tilespmem:$0x1FE90];
	v24 =	vsub.f32 v48, v24;
	v22 =	vsub.f32 v1, v22  }
0x54e: {  	v28 =	vor.u32 v39, v3;
	v23 =	vld.idx.msk [tilespmem:v23+s29+$0x0], $0xffff  }
0x54f: {  	v13 =	vadd.f32 v15, v13;
	v15 =	vmul.f32 v22, v22;
	v22 =	vmul.f32 v24, v24;
	v24 =	vld.idx.msk [tilespmem:v26+s29+$0x0], $0xffff  }
0x550: {  	v18 =	vmul.f32 v18, v18;
	v26 =	vld.idx.msk [tilespmem:v27+s29+$0x0], $0xffff  }
0x551: {  	v17 =	vor.u32 v30, v5;
	v20 =	vsub.f32 v49, v20;
	v27 =	vld [tilespmem:$0x1FED0]  }
0x552: {  	v9 =	vadd.f32 v18, v9;
	v18 =	vld [tilespmem:$0x1FF00];
	v25 =	vor.u32 v25, v5  }
0x553: {  	v20 =	vmul.f32 v20, v20;
	v13 =	vadd.f32 v22, v13;
	v22 =	vld.idx.msk [tilespmem:v28+s29+$0x0], $0xffff  }
0x554: {  	v19 =	vsub.f32 v63, v19;
	v11 =	vadd.f32 v15, v11;
	v15 =	vor.u32 v34, v3;
	v28 =	vld [tilespmem:$0x1FEB0]  }
0x555: {  	v42 =	vadd.f32 v20, v13;
	v20 =	vld [tilespmem:$0x1FFB0]  }
0x556: {  	v19 =	vmul.f32 v19, v19;
	v17 =	vld.idx.msk [tilespmem:v17+s29+$0x0], $0xffff;
	v23 =	vsub.f32 v62, v23;
	v27 =	vor.u32 v27, v5  }
0x557: {  	v13 =	vld.idx.msk [tilespmem:v25+s29+$0x0], $0xffff  }
0x558: {  	v11 =	vadd.f32 v19, v11;
	v19 =	vmul.f32 v23, v23;
	v23 =	vld [tilespmem:$0x1FF20]  }
0x559: {  	v18 =	vor.u32 v18, v5;
	v21 =	vsub.f32 v59, v21;
	v15 =	vld.idx.msk [tilespmem:v15+s29+$0x0], $0xffff  }
0x55a: {  	v28 =	vor.u32 v28, v3;
	v7 =	vor.u32 v20, v7;
	v20 =	vsub.f32 v43, v26;
	v26 =	vld [tilespmem:$0x1FF70]  }
0x55b: {  	v11 =	vadd.f32 v19, v11;
	v19 =	vmul.f32 v21, v21;
	v21 =	vld.idx.msk [tilespmem:v27+s29+$0x0], $0xffff  }
0x55c: {  	v22 =	vsub.f32 v56, v22;
	v27 =	vld [tilespmem:$0x1FF90]  }
0x55d: {  	v17 =	vsub.f32 v52, v17;
	v11 =	vadd.f32 v19, v11;
	v23 =	vor.u32 v23, v5  }
0x55e: {  	v18 =	vld.idx.msk [tilespmem:v18+s29+$0x0], $0xffff;
	v19 =	vmul.f32 v20, v20;
	v20 =	vmul.f32 v22, v22;
	v22 =	vor.u32 v33, v5  }
0x55f: {  	v25 =	vld.idx.msk [tilespmem:v28+s29+$0x0], $0xffff;
	v15 =	vsub.f32 v54, v15;
	v26 =	vor.u32 v26, v3  }
0x560: {  	v17 =	vmul.f32 v17, v17;
	v13 =	vsub.f32 v51, v13  }
0x561: {  	v11 =	vadd.f32 v20, v11;
	v15 =	vmul.f32 v15, v15;
	v27 =	vor.u32 v27, v3  }
0x562: {  	v17 =	vadd.f32 v19, v17;
	v19 =	vsub.f32 v50, v21;
	v21 =	vld.idx.msk [tilespmem:v23+s29+$0x0], $0xffff  }
0x563: {  	v23 =	vor.u32 v37, v5;
	v11 =	vadd.f32 v15, v11;
	v15 =	vsub.f32 v0, v18;
	v18 =	vld.idx.msk [tilespmem:v22+s29+$0x0], $0xffff  }
0x564: {  	v13 =	vmul.f32 v13, v13;
	v20 =	vsub.f32 v53, v25;
	v25 =	vld.idx.msk [tilespmem:v26+s29+$0x0], $0xffff  }
0x565: {  	v26 =	vld [tilespmem:$0x1FEE0]  }
0x566: {  	v13 =	vadd.f32 v13, v17;
	v17 =	vmul.f32 v19, v19;
	v22 =	vld.idx.msk [tilespmem:v27+s29+$0x0], $0xffff  }
0x567: {  	v27 =	vld [tilespmem:$0x1FEF0]  }
0x568: {  	v13 =	vadd.f32 v17, v13;
	v17 =	vsub.f32 v47, v21;
	v21 =	vld.idx.msk [tilespmem:v23+s29+$0x0], $0xffff  }
0x569: {  	v23 =	vld [tilespmem:$0x1FEC0]  }
0x56a: {  	v19 =	vor.u32 v38, v5  }
0x56b: {  	v26 =	vor.u32 v26, v3  }
0x56c: {  	v15 =	vmul.f32 v15, v15;
	v20 =	vmul.f32 v20, v20  }
0x56d: {  	v25 =	vsub.f32 v55, v25;
	v27 =	vor.u32 v27, v3  }
0x56e: {  	v11 =	vadd.f32 v20, v11;
	v13 =	vadd.f32 v15, v13;
	v23 =	vor.u32 v23, v5  }
0x56f: {  	v15 =	vmul.f32 v17, v17;
	v19 =	vld.idx.msk [tilespmem:v19+s29+$0x0], $0xffff;
	v22 =	vsub.f32 v57, v22;
	v17 =	vmul.f32 v25, v25  }
0x570: {  	v20 =	vld.idx.msk [tilespmem:v26+s29+$0x0], $0xffff  }
0x571: {  	v18 =	vsub.f32 v46, v18;
	v11 =	vadd.f32 v17, v11;
	v17 =	vmul.f32 v22, v22;
	v22 =	vld [tilespmem:$0x1FF10]  }
0x572: {  	v25 =	vor.u32 v40, v5;
	v26 =	vld.idx.msk [tilespmem:v27+s29+$0x0], $0xffff  }
0x573: {  	v13 =	vadd.f32 v15, v13;
	v15 =	vmul.f32 v18, v18;
	v18 =	vsub.f32 v41, v21;
	v21 =	vld.idx.msk [tilespmem:v23+s29+$0x0], $0xffff  }
0x574: {  	v27 =	vor.u32 v35, v3;
	v23 =	vld [tilespmem:$0x1FE70]  }
0x575: {  	v13 =	vadd.f32 v15, v13;
	v15 =	vmul.f32 v18, v18;
	v20 =	vsub.f32 v58, v20  }
0x576: {  	v11 =	vadd.f32 v17, v11;
	v17 =	vsub.f32 v16, v19  }
0x577: {  	v13 =	vadd.f32 v15, v13;
	v18 =	vld.idx.msk [tilespmem:v25+s29+$0x0], $0xffff;
	v25 =	vsub.f32 v60, v26;
	v20 =	vmul.f32 v20, v20  }
0x578: {  	v15 =	vmul.f32 v17, v17;
	v22 =	vor.u32 v22, v3;
	v17 =	vsub.f32 v12, v21  }
0x579: {  	v23 =	vor.u32 v23, v5;
	v26 =	vld.idx.msk [tilespmem:v27+s29+$0x0], $0xffff;
	v11 =	vadd.f32 v20, v11;
	v20 =	vmul.f32 v25, v25  }
0x57a: {  	v13 =	vadd.f32 v15, v13;
	v15 =	vmul.f32 v17, v17;
	v17 =	vld [tilespmem:$0x1FEA0]  }
0x57b: {  	v19 =	vor.u32 v29, v5;
	v11 =	vadd.f32 v20, v11;
	v20 =	vld [tilespmem:$0x1FF30]  }
0x57c: {  	v28 =	vld [tilespmem:$0x1FE90]  }
0x57d: {  	v24 =	vsub.f32 v44, v24;
	v22 =	vld.idx.msk [tilespmem:v22+s29+$0x0], $0xffff;
	v25 =	vor.u32 v36, v3  }
0x57e: {  	v21 =	vld.idx.msk [tilespmem:v23+s29+$0x0], $0xffff;
	v23 =	vor.u32 v32, v5  }
0x57f: {  	v24 =	vmul.f32 v24, v24;
	v7 =	vld.idx.msk [tilespmem:v7+s29+$0x0], $0xffff;
	v17 =	vor.u32 v17, v5  }
0x580: {  	v19 =	vld.idx.msk [tilespmem:v19+s29+$0x0], $0xffff;
	v18 =	vsub.f32 v6, v18;
	v26 =	vsub.f32 v2, v26;
	v20 =	vor.u32 v20, v3  }
0x581: {  	[tilespmem:$0x1F8E0] =	vst v9;
	v9 =	vadd.f32 v24, v42;
	v27 =	vld [tilespmem:$0x1FF40]  }
0x582: {  	v13 =	vadd.f32 v15, v13;
	v15 =	vmul.f32 v18, v18;
	v26 =	vmul.f32 v26, v26;
	v25 =	vld.idx.msk [tilespmem:v25+s29+$0x0], $0xffff  }
0x583: {  	v22 =	vsub.f32 v61, v22;
	v18 =	vsub.f32 v1, v21;
	v21 =	vld.idx.msk [tilespmem:v23+s29+$0x0], $0xffff;
	v23 =	vor.u32 v39, v5  }
0x584: {  	v13 =	vadd.f32 v15, v13;
	v11 =	vadd.f32 v26, v11;
	v17 =	vld.idx.msk [tilespmem:v17+s29+$0x0], $0xffff  }
0x585: {  	v15 =	vmul.f32 v18, v18;
	v18 =	vor.u32 v34, v5;
	v42 =	vld.idx.msk [tilespmem:v20+s29+$0x0], $0xffff;
	v20 =	vmul.f32 v22, v22  }
0x586: {  	v27 =	vor.u32 v27, v3;
	v19 =	vsub.f32 v63, v19;
	v22 =	vld [tilespmem:$0x1FEB0]  }
0x587: {  	v11 =	vadd.f32 v20, v11;
	v20 =	vsub.f32 v14, v25;
	v25 =	vld [tilespmem:$0x1FF50]  }
0x588: {  	v13 =	vadd.f32 v15, v13;
	v15 =	vmul.f32 v19, v19;
	v19 =	vsub.f32 v62, v21;
	v21 =	vld.idx.msk [tilespmem:v23+s29+$0x0], $0xffff  }
0x589: {  	v26 =	vld [tilespmem:$0x1FF60]  }
0x58a: {  	v13 =	vadd.f32 v15, v13;
	v18 =	vld.idx.msk [tilespmem:v18+s29+$0x0], $0xffff  }
0x58b: {  	v23 =	vld.idx.msk [tilespmem:v27+s29+$0x0], $0xffff;
	v15 =	vmul.f32 v19, v19;
	v17 =	vsub.f32 v59, v17;
	v22 =	vor.u32 v22, v5  }
0x58c: {  	v7 =	vsub.f32 v45, v7;
	v19 =	vmul.f32 v20, v20;
	v20 =	vld [tilespmem:$0x1FF70];
	v25 =	vor.u32 v25, v3  }
0x58d: {  	v27 =	vld [tilespmem:$0x1FFE0];
	v13 =	vadd.f32 v15, v13;
	v15 =	vmul.f32 v17, v17;
	v17 =	vsub.f32 v56, v21  }
0x58e: {  	v24 =	vmul.f32 v7, v7;
	v26 =	vor.u32 v26, v3;
	v7 =	vsub.f32 v4, v42;
	v21 =	vld [tilespmem:$0x1FF90]  }
0x58f: {  	v13 =	vadd.f32 v15, v13;
	v15 =	vmul.f32 v17, v17;
	v17 =	vsub.f32 v54, v18;
	v18 =	vld [tilespmem:$0x1FEE0]  }
0x590: {  	v11 =	vadd.f32 v19, v11;
	v7 =	vmul.f32 v7, v7;
	v19 =	vld.idx.msk [tilespmem:v22+s29+$0x0], $0xffff;
	v22 =	vsub.f32 v10, v23  }
0x591: {  	v20 =	vor.u32 v20, v5;
	v23 =	vld.idx.msk [tilespmem:v25+s29+$0x0], $0xffff  }
0x592: {  	v7 =	vadd.f32 v7, v11;
	v42 =	vmul.f32 v22, v22;
	v22 =	vld [tilespmem:$0x1FF80]  }
0x593: {  	v13 =	vadd.f32 v15, v13;
	v15 =	vmul.f32 v17, v17;
	v17 =	vld [tilespmem:$0x1FEF0];
	v21 =	vor.u32 v21, v5  }
0x594: {  	s23 =	sadd.s32 $0xC, s1;
	v25 =	vld.idx.msk [tilespmem:v26+s29+$0x0], $0xffff  }
0x595: {  	v29 =	vld [tilespmem:$0x1FFE0];
	v18 =	vor.u32 v18, v5;
	v11 =	vadd.f32 v42, v7;
	v7 =	vmov s23  }
0x596: {  	v15 =	vadd.f32 v15, v13;
	v20 =	vld.idx.msk [tilespmem:v20+s29+$0x0], $0xffff;
	v13 =	vshll.u32 v7, $0x5  }
0x597: {  	v13 =	vor.u32 v27, v13;
	v27 =	vld [tilespmem:$0x1FFD0];
	v22 =	vor.u32 v22, v3;
	v23 =	vsub.f32 v8, v23  }
0x598: {  	v17 =	vor.u32 v17, v5;
	v21 =	vld.idx.msk [tilespmem:v21+s29+$0x0], $0xffff  }
0x599: {  	v42 =	vld [tilespmem:$0x1FF00];
	v19 =	vsub.f32 v53, v19;
	v25 =	vsub.f32 v48, v25;
	v23 =	vmul.f32 v23, v23  }
0x59a: {  	v26 =	vor.u32 v35, v5;
	v18 =	vld.idx.msk [tilespmem:v18+s29+$0x0], $0xffff  }
0x59b: {  	v19 =	vmul.f32 v19, v19;
	v11 =	vadd.f32 v23, v11;
	v23 =	vmul.f32 v25, v25;
	v25 =	vld [tilespmem:$0x1FF10]  }
0x59c: {  	v9 =	vadd.f32 v24, v9;
	v20 =	vsub.f32 v55, v20;
	v13 =	vadd.s32 v27, v13;
	v22 =	vld.idx.msk [tilespmem:v22+s29+$0x0], $0xffff  }
0x59d: {  	v15 =	vadd.f32 v19, v15;
	v17 =	vld.idx.msk [tilespmem:v17+s29+$0x0], $0xffff;
	v21 =	vsub.f32 v57, v21;
	v19 =	vor.u32 v30, v13  }
0x59e: {  	v20 =	vmul.f32 v20, v20;
	v27 =	vor.u32 v31, v13;
	v24 =	vor.u32 v42, v13;
	v42 =	vld [tilespmem:$0x1FF30]  }
0x59f: {  	v11 =	vadd.f32 v23, v11;
	v23 =	vld [tilespmem:$0x1FED0]  }
0x5a0: {  	v15 =	vadd.f32 v20, v15;
	v20 =	vmul.f32 v21, v21;
	v21 =	vld.idx.msk [tilespmem:v26+s29+$0x0], $0xffff;
	v25 =	vor.u32 v25, v5  }
0x5a1: {  	v18 =	vsub.f32 v58, v18;
	v26 =	vld [tilespmem:$0x1FFA0];
	v22 =	vsub.f32 v49, v22  }
0x5a2: {  	v28 =	vor.u32 v28, v13;
	v17 =	vsub.f32 v60, v17;
	v19 =	vld.idx.msk [tilespmem:v19+s29+$0x0], $0xffff  }
0x5a3: {  	v18 =	vmul.f32 v18, v18;
	v15 =	vadd.f32 v20, v15;
	v20 =	vmul.f32 v22, v22;
	v22 =	vld.idx.msk [tilespmem:v27+s29+$0x0], $0xffff  }
0x5a4: {  	v17 =	vmul.f32 v17, v17;
	v23 =	vor.u32 v23, v13;
	v27 =	vor.u32 v42, v5;
	v42 =	vld [tilespmem:$0x1FF20]  }
0x5a5: {  	v15 =	vadd.f32 v18, v15;
	v21 =	vsub.f32 v2, v21;
	v18 =	vld.idx.msk [tilespmem:v25+s29+$0x0], $0xffff;
	v25 =	vor.u32 v36, v5  }
0x5a6: {  	[tilespmem:$0x1F900] =	vst v9;
	v9 =	vld [tilespmem:$0x1FFD0]  }
0x5a7: {  	s31 =	sadd.s32 $0xE, s1;
	v26 =	vor.u32 v26, v3;
	v15 =	vadd.f32 v17, v15;
	v17 =	vld.idx.msk [tilespmem:v28+s29+$0x0], $0xffff;
	v21 =	vmul.f32 v21, v21  }
0x5a8: {  	v20 =	vadd.f32 v20, v11;
	v11 =	vmov s31;
	v19 =	vsub.f32 v52, v19  }
0x5a9: {  	v21 =	vadd.f32 v21, v15;
	v15 =	vshll.u32 v11, $0x5;
	v23 =	vld.idx.msk [tilespmem:v23+s29+$0x0], $0xffff;
	v22 =	vsub.f32 v43, v22  }
0x5aa: {  	v15 =	vor.u32 v29, v15;
	v28 =	vor.u32 v42, v13;
	v25 =	vld.idx.msk [tilespmem:v25+s29+$0x0], $0xffff  }
0x5ab: {  	v24 =	vld.idx.msk [tilespmem:v24+s29+$0x0], $0xffff;
	v29 =	vor.u32 v33, v13;
	v19 =	vmul.f32 v19, v19;
	v22 =	vmul.f32 v22, v22  }
0x5ac: {  	v17 =	vsub.f32 v51, v17;
	v15 =	vadd.s32 v9, v15;
	v18 =	vsub.f32 v61, v18  }
0x5ad: {  	v26 =	vld.idx.msk [tilespmem:v26+s29+$0x0], $0xffff;
	v19 =	vadd.f32 v22, v19;
	v22 =	vor.u32 v30, v15;
	v30 =	vor.u32 v31, v15  }
0x5ae: {  	v27 =	vld.idx.msk [tilespmem:v27+s29+$0x0], $0xffff;
	v17 =	vmul.f32 v17, v17;
	v23 =	vsub.f32 v50, v23  }
0x5af: {  	v18 =	vmul.f32 v18, v18;
	v28 =	vld.idx.msk [tilespmem:v28+s29+$0x0], $0xffff;
	v25 =	vsub.f32 v14, v25  }
0x5b0: {  	v17 =	vadd.f32 v17, v19;
	v19 =	vmul.f32 v23, v23;
	v23 =	vsub.f32 v0, v24;
	v24 =	vld.idx.msk [tilespmem:v29+s29+$0x0], $0xffff  }
0x5b1: {  	v18 =	vadd.f32 v18, v21;
	v21 =	vmul.f32 v25, v25;
	v25 =	vld [tilespmem:$0x1FE90]  }
0x5b2: {  	v17 =	vadd.f32 v19, v17;
	v23 =	vmul.f32 v23, v23;
	v29 =	vld.idx.msk [tilespmem:v30+s29+$0x0], $0xffff  }
0x5b3: {  	v30 =	vld [tilespmem:$0x1FED0]  }
0x5b4: {  	v31 =	vor.u32 v37, v13;
	v23 =	vadd.f32 v23, v17;
	v17 =	vld [tilespmem:$0x1FEC0];
	_ =	sdelay $0x1  }
0x5b5: {  	v26 =	vsub.f32 v44, v26;
	v27 =	vsub.f32 v4, v27  }
0x5b6: {  	v18 =	vadd.f32 v21, v18;
	v25 =	vor.u32 v25, v15  }
0x5b7: {  	v22 =	vld.idx.msk [tilespmem:v22+s29+$0x0], $0xffff;
	v21 =	vmul.f32 v26, v26;
	v26 =	vmul.f32 v27, v27;
	v30 =	vor.u32 v30, v15  }
0x5b8: {  	v28 =	vsub.f32 v47, v28;
	v27 =	vld.idx.msk [tilespmem:v31+s29+$0x0], $0xffff;
	v31 =	vor.u32 v17, v13  }
0x5b9: {  	v18 =	vadd.f32 v26, v18;
	v26 =	vsub.f32 v43, v29;
	v29 =	vld [tilespmem:$0x1FF20]  }
0x5ba: {  	v19 =	vor.u32 v38, v13;
	v28 =	vmul.f32 v28, v28;
	v17 =	vadd.f32 v21, v20;
	v21 =	vld [tilespmem:$0x1FF00]  }
0x5bb: {  	v20 =	vld.idx.msk [tilespmem:v25+s29+$0x0], $0xffff  }
0x5bc: {  	v23 =	vadd.f32 v28, v23;
	v28 =	vld.idx.msk [tilespmem:v30+s29+$0x0], $0xffff  }
0x5bd: {  	v30 =	vld.idx.msk [tilespmem:v31+s29+$0x0], $0xffff  }
0x5be: {  	v24 =	vsub.f32 v46, v24;
	v31 =	vld [tilespmem:$0x1FE70]  }
0x5bf: {  	v19 =	vld.idx.msk [tilespmem:v19+s29+$0x0], $0xffff;
	v22 =	vsub.f32 v52, v22  }
0x5c0: {  	v24 =	vmul.f32 v24, v24;
	v27 =	vsub.f32 v41, v27;
	v29 =	vor.u32 v29, v15  }
0x5c1: {  	v22 =	vmul.f32 v22, v22;
	v26 =	vmul.f32 v26, v26;
	v21 =	vor.u32 v21, v15  }
0x5c2: {  	v23 =	vadd.f32 v24, v23;
	v25 =	vor.u32 v40, v13;
	v20 =	vsub.f32 v51, v20  }
0x5c3: {  	v22 =	vadd.f32 v26, v22;
	v26 =	vmul.f32 v27, v27;
	v31 =	vor.u32 v31, v13  }
0x5c4: {  	v19 =	vsub.f32 v16, v19;
	v27 =	vsub.f32 v50, v28;
	v28 =	vld [tilespmem:$0x1FE80];
	v20 =	vmul.f32 v20, v20  }
0x5c5: {  	v23 =	vadd.f32 v26, v23;
	v26 =	vld.idx.msk [tilespmem:v29+s29+$0x0], $0xffff;
	v29 =	vor.u32 v37, v15  }
0x5c6: {  	v19 =	vmul.f32 v19, v19;
	v21 =	vld.idx.msk [tilespmem:v21+s29+$0x0], $0xffff;
	v20 =	vadd.f32 v20, v22;
	v22 =	vsub.f32 v12, v30  }
0x5c7: {  	v25 =	vld.idx.msk [tilespmem:v25+s29+$0x0], $0xffff;
	v27 =	vmul.f32 v27, v27  }
0x5c8: {  	v24 =	vor.u32 v33, v15;
	v19 =	vadd.f32 v19, v23;
	v30 =	vld.idx.msk [tilespmem:v31+s29+$0x0], $0xffff;
	v22 =	vmul.f32 v22, v22  }
0x5c9: {  	v20 =	vadd.f32 v27, v20;
	v27 =	vld [tilespmem:$0x1FF40]  }
0x5ca: {  	v28 =	vor.u32 v28, v13;
	v19 =	vadd.f32 v22, v19;
	v22 =	vsub.f32 v47, v26;
	v26 =	vld.idx.msk [tilespmem:v29+s29+$0x0], $0xffff  }
0x5cb: {  	v0 =	vsub.f32 v0, v21;
	v29 =	vld [tilespmem:$0x1FEC0]  }
0x5cc: {  	v23 =	vor.u32 v38, v15  }
0x5cd: {  	v21 =	vld.idx.msk [tilespmem:v24+s29+$0x0], $0xffff;
	v0 =	vmul.f32 v0, v0  }
0x5ce: {  	v25 =	vsub.f32 v6, v25;
	v27 =	vor.u32 v27, v5  }
0x5cf: {  	v28 =	vld.idx.msk [tilespmem:v28+s29+$0x0], $0xffff;
	v0 =	vadd.f32 v0, v20  }
0x5d0: {  	v20 =	vmul.f32 v25, v25;
	v25 =	vsub.f32 v1, v30;
	v29 =	vor.u32 v29, v15  }
0x5d1: {  	v23 =	vld.idx.msk [tilespmem:v23+s29+$0x0], $0xffff;
	v22 =	vmul.f32 v22, v22  }
0x5d2: {  	v21 =	vsub.f32 v46, v21;
	v19 =	vadd.f32 v20, v19;
	v20 =	vmul.f32 v25, v25;
	v25 =	vld [tilespmem:$0x1FEA0]  }
0x5d3: {  	v24 =	vor.u32 v32, v13;
	v0 =	vadd.f32 v22, v0;
	v22 =	vld.idx.msk [tilespmem:v27+s29+$0x0], $0xffff  }
0x5d4: {  	v21 =	vmul.f32 v21, v21;
	v27 =	vsub.f32 v63, v28;
	v28 =	vld [tilespmem:$0x1FE70]  }
0x5d5: {  	v30 =	vor.u32 v40, v15;
	v19 =	vadd.f32 v20, v19;
	v20 =	vsub.f32 v41, v26;
	v26 =	vld.idx.msk [tilespmem:v29+s29+$0x0], $0xffff  }
0x5d6: {  	v0 =	vadd.f32 v21, v0;
	v21 =	vor.u32 v39, v13;
	v29 =	vld [tilespmem:$0x1FE80];
	_ =	sdelay $0x1  }
0x5d7: {  	v24 =	vld.idx.msk [tilespmem:v24+s29+$0x0], $0xffff;
	v25 =	vor.u32 v25, v13  }
0x5d8: {  	v43 =	vld [tilespmem:$0x1FEB0];
	v28 =	vor.u32 v28, v15  }
0x5d9: {  	v16 =	vsub.f32 v16, v23;
	v23 =	vld.idx.msk [tilespmem:v30+s29+$0x0], $0xffff;
	v27 =	vmul.f32 v27, v27  }
0x5da: {  	v20 =	vmul.f32 v20, v20;
	v21 =	vld.idx.msk [tilespmem:v21+s29+$0x0], $0xffff;
	v29 =	vor.u32 v29, v15  }
0x5db: {  	v16 =	vmul.f32 v16, v16;
	v19 =	vadd.f32 v27, v19;
	v27 =	vld [tilespmem:$0x1FEA0]  }
0x5dc: {  	v24 =	vsub.f32 v62, v24;
	v0 =	vadd.f32 v20, v0;
	v20 =	vor.u32 v32, v15;
	v25 =	vld.idx.msk [tilespmem:v25+s29+$0x0], $0xffff  }
0x5dd: {  	v12 =	vsub.f32 v12, v26;
	v26 =	vld.idx.msk [tilespmem:v28+s29+$0x0], $0xffff  }
0x5de: {  	v24 =	vmul.f32 v24, v24;
	v0 =	vadd.f32 v16, v0;
	v16 =	vld [tilespmem:$0x1FF50]  }
0x5df: {  	v9 =	vor.u32 v43, v13;
	v6 =	vsub.f32 v6, v23;
	v23 =	vld.idx.msk [tilespmem:v29+s29+$0x0], $0xffff  }
0x5e0: {  	v19 =	vadd.f32 v24, v19;
	v12 =	vmul.f32 v12, v12  }
0x5e1: {  	v6 =	vmul.f32 v6, v6;
	v20 =	vld.idx.msk [tilespmem:v20+s29+$0x0], $0xffff;
	v27 =	vor.u32 v27, v15;
	v24 =	vsub.f32 v59, v25  }
0x5e2: {  	v46 =	vld [tilespmem:$0x1FEE0];
	v0 =	vadd.f32 v12, v0;
	v1 =	vsub.f32 v1, v26;
	v26 =	vor.u32 v39, v15  }
0x5e3: {  	v21 =	vsub.f32 v56, v21;
	v16 =	vor.u32 v16, v5;
	v12 =	vld [tilespmem:$0x1FF60];
	v24 =	vmul.f32 v24, v24  }
0x5e4: {  	v0 =	vadd.f32 v6, v0;
	v6 =	vld.idx.msk [tilespmem:v9+s29+$0x0], $0xffff;
	v1 =	vmul.f32 v1, v1;
	v23 =	vsub.f32 v63, v23  }
0x5e5: {  	v21 =	vmul.f32 v21, v21;
	v25 =	vor.u32 v34, v13;
	v9 =	vld [tilespmem:$0x1FF90];
	v19 =	vadd.f32 v24, v19  }
0x5e6: {  	v42 =	vsub.f32 v62, v20;
	v27 =	vld.idx.msk [tilespmem:v27+s29+$0x0], $0xffff;
	v0 =	vadd.f32 v1, v0;
	v20 =	vmul.f32 v23, v23  }
0x5e7: {  	v22 =	vsub.f32 v10, v22;
	v19 =	vadd.f32 v21, v19;
	v21 =	vld.idx.msk [tilespmem:v26+s29+$0x0], $0xffff  }
0x5e8: {  	v28 =	vor.u32 v34, v15;
	v0 =	vadd.f32 v20, v0;
	v20 =	vld [tilespmem:$0x1FF70]  }
0x5e9: {  	v22 =	vmul.f32 v22, v22;
	v12 =	vor.u32 v12, v5;
	v26 =	vld [tilespmem:$0x1FF70]  }
0x5ea: {  	v16 =	vld.idx.msk [tilespmem:v16+s29+$0x0], $0xffff  }
0x5eb: {  	v18 =	vadd.f32 v22, v18;
	v24 =	vld.idx.msk [tilespmem:v25+s29+$0x0], $0xffff  }
0x5ec: {  	v22 =	vor.u32 v43, v15;
	v1 =	vmul.f32 v42, v42;
	v23 =	vsub.f32 v59, v27;
	v27 =	vld [tilespmem:$0x1FF90]  }
0x5ed: {  	v25 =	vld.idx.msk [tilespmem:v28+s29+$0x0], $0xffff;
	v20 =	vor.u32 v20, v13  }
0x5ee: {  	v12 =	vld.idx.msk [tilespmem:v12+s29+$0x0], $0xffff;
	v23 =	vmul.f32 v23, v23;
	v0 =	vadd.f32 v1, v0;
	v26 =	vor.u32 v26, v15  }
0x5ef: {  	v28 =	vor.u32 v46, v15;
	v16 =	vsub.f32 v8, v16;
	v1 =	vor.u32 v9, v13  }
0x5f0: {  	v47 =	vld [tilespmem:$0x1FEF0];
	v24 =	vsub.f32 v54, v24;
	v0 =	vadd.f32 v23, v0;
	v23 =	vor.u32 v46, v13  }
0x5f1: {  	v22 =	vld.idx.msk [tilespmem:v22+s29+$0x0], $0xffff;
	v6 =	vsub.f32 v53, v6;
	v27 =	vor.u32 v27, v15;
	v21 =	vsub.f32 v56, v21  }
0x5f2: {  	v16 =	vmul.f32 v16, v16;
	v25 =	vsub.f32 v54, v25;
	v24 =	vmul.f32 v24, v24;
	v20 =	vld.idx.msk [tilespmem:v20+s29+$0x0], $0xffff  }
0x5f3: {  	v6 =	vmul.f32 v6, v6;
	v12 =	vsub.f32 v48, v12;
	v21 =	vmul.f32 v21, v21;
	v26 =	vld.idx.msk [tilespmem:v26+s29+$0x0], $0xffff  }
0x5f4: {  	v16 =	vadd.f32 v16, v18;
	v18 =	vadd.f32 v24, v19;
	v19 =	vmul.f32 v25, v25;
	v1 =	vld.idx.msk [tilespmem:v1+s29+$0x0], $0xffff  }
0x5f5: {  	v24 =	vor.u32 v35, v13;
	v12 =	vmul.f32 v12, v12;
	v0 =	vadd.f32 v21, v0;
	v23 =	vld.idx.msk [tilespmem:v23+s29+$0x0], $0xffff  }
0x5f6: {  	v6 =	vadd.f32 v6, v18;
	v18 =	vor.u32 v47, v13;
	v21 =	vsub.f32 v53, v22;
	v22 =	vld.idx.msk [tilespmem:v27+s29+$0x0], $0xffff  }
0x5f7: {  	v50 =	vld [tilespmem:$0x1FF10];
	v0 =	vadd.f32 v19, v0;
	v19 =	vor.u32 v47, v15;
	v20 =	vsub.f32 v55, v20  }
0x5f8: {  	v27 =	vor.u32 v35, v15;
	v21 =	vmul.f32 v21, v21;
	v25 =	vsub.f32 v55, v26;
	v26 =	vld.idx.msk [tilespmem:v28+s29+$0x0], $0xffff  }
0x5f9: {  	v52 =	vld [tilespmem:$0x1FF30];
	v12 =	vadd.f32 v12, v16;
	v1 =	vsub.f32 v57, v1;
	v20 =	vmul.f32 v20, v20  }
0x5fa: {  	v56 =	vld [tilespmem:$0x1FF80];
	v0 =	vadd.f32 v21, v0;
	v21 =	vsub.f32 v58, v23;
	v16 =	vmul.f32 v25, v25  }
0x5fb: {  	v18 =	vld.idx.msk [tilespmem:v18+s29+$0x0], $0xffff;
	v6 =	vadd.f32 v20, v6;
	v20 =	vsub.f32 v57, v22  }
0x5fc: {  	v19 =	vld.idx.msk [tilespmem:v19+s29+$0x0], $0xffff;
	v42 =	vmul.f32 v21, v21;
	v21 =	vor.u32 v36, v13;
	v0 =	vadd.f32 v16, v0  }
0x5fd: {  	v22 =	vld.idx.msk [tilespmem:v24+s29+$0x0], $0xffff;
	v23 =	vsub.f32 v58, v26;
	v24 =	vor.u32 v50, v15;
	v20 =	vmul.f32 v20, v20  }
0x5fe: {  	v53 =	vld [tilespmem:$0x1FF40];
	v1 =	vmul.f32 v1, v1;
	v16 =	vor.u32 v50, v13  }
0x5ff: {  	v25 =	vld.idx.msk [tilespmem:v27+s29+$0x0], $0xffff;
	v0 =	vadd.f32 v20, v0;
	v20 =	vmul.f32 v23, v23;
	v23 =	vor.u32 v36, v15  }
0x600: {  	v57 =	vld [tilespmem:$0x1FFA0];
	v58 =	vsub.f32 v60, v18  }
0x601: {  	v18 =	vsub.f32 v60, v19;
	v1 =	vadd.f32 v1, v6;
	v21 =	vld.idx.msk [tilespmem:v21+s29+$0x0], $0xffff  }
0x602: {  	v19 =	vor.u32 v56, v5;
	v0 =	vadd.f32 v20, v0;
	v20 =	vsub.f32 v2, v22;
	v22 =	vld.idx.msk [tilespmem:v24+s29+$0x0], $0xffff  }
0x603: {  	v6 =	vmul.f32 v58, v58;
	v1 =	vadd.f32 v42, v1;
	v16 =	vld.idx.msk [tilespmem:v16+s29+$0x0], $0xffff;
	v24 =	vor.u32 v52, v13  }
0x604: {  	v18 =	vmul.f32 v18, v18;
	v9 =	vmul.f32 v20, v20;
	v20 =	vld.idx.msk [tilespmem:v23+s29+$0x0], $0xffff  }
0x605: {  	v54 =	vld [tilespmem:$0x1FF50];
	v2 =	vsub.f32 v2, v25;
	v1 =	vadd.f32 v6, v1  }
0x606: {  	v55 =	vld [tilespmem:$0x1FF60];
	v21 =	vsub.f32 v14, v21;
	v0 =	vadd.f32 v18, v0;
	v23 =	vor.u32 v52, v15  }
0x607: {  	v58 =	vld.idx.msk [tilespmem:v19+s29+$0x0], $0xffff;
	v18 =	vor.u32 v53, v13;
	v2 =	vmul.f32 v2, v2;
	v19 =	vsub.f32 v61, v22  }
0x608: {  	v42 =	vsub.f32 v61, v16;
	v16 =	vor.u32 v53, v15;
	v22 =	vor.u32 v57, v5;
	v24 =	vld.idx.msk [tilespmem:v24+s29+$0x0], $0xffff  }
0x609: {  	v0 =	vadd.f32 v2, v0;
	v19 =	vmul.f32 v19, v19;
	v14 =	vsub.f32 v14, v20  }
0x60a: {  	v1 =	vadd.f32 v9, v1;
	v6 =	vmul.f32 v42, v42;
	v42 =	vld [tilespmem:$0x1FFB0];
	v20 =	vor.u32 v54, v13  }
0x60b: {  	v23 =	vld.idx.msk [tilespmem:v23+s29+$0x0], $0xffff;
	v0 =	vadd.f32 v19, v0;
	v19 =	vor.u32 v54, v15;
	v14 =	vmul.f32 v14, v14  }
0x60c: {  	v9 =	vmul.f32 v21, v21;
	v1 =	vadd.f32 v6, v1;
	v18 =	vld.idx.msk [tilespmem:v18+s29+$0x0], $0xffff  }
0x60d: {  	v6 =	vor.u32 v55, v15;
	v0 =	vadd.f32 v14, v0;
	v14 =	vld.idx.msk [tilespmem:v22+s29+$0x0], $0xffff;
	v22 =	vsub.f32 v4, v24  }
0x60e: {  	v2 =	vsub.f32 v49, v58;
	v16 =	vld.idx.msk [tilespmem:v16+s29+$0x0], $0xffff  }
0x60f: {  	v21 =	vor.u32 v55, v13;
	v1 =	vadd.f32 v9, v1;
	v20 =	vld.idx.msk [tilespmem:v20+s29+$0x0], $0xffff;
	v22 =	vmul.f32 v22, v22  }
0x610: {  	v2 =	vmul.f32 v2, v2;
	v4 =	vsub.f32 v4, v23;
	v19 =	vld.idx.msk [tilespmem:v19+s29+$0x0], $0xffff  }
0x611: {  	v1 =	vadd.f32 v22, v1;
	v22 =	vor.u32 v56, v15  }
0x612: {  	v2 =	vadd.f32 v2, v12;
	v12 =	vor.u32 v57, v15;
	v6 =	vld.idx.msk [tilespmem:v6+s29+$0x0], $0xffff;
	v4 =	vmul.f32 v4, v4  }
0x613: {  	v18 =	vsub.f32 v10, v18;
	v10 =	vsub.f32 v10, v16;
	v16 =	vor.u32 v56, v13  }
0x614: {  	v21 =	vld.idx.msk [tilespmem:v21+s29+$0x0], $0xffff;
	v3 =	vor.u32 v42, v3;
	v0 =	vadd.f32 v4, v0  }
0x615: {  	v9 =	vld [tilespmem:$0x1FFB0];
	v10 =	vmul.f32 v10, v10;
	v42 =	vsub.f32 v8, v20;
	v8 =	vsub.f32 v8, v19  }
0x616: {  	v18 =	vmul.f32 v18, v18;
	v19 =	vld.idx.msk [tilespmem:v22+s29+$0x0], $0xffff  }
0x617: {  	v12 =	vld.idx.msk [tilespmem:v12+s29+$0x0], $0xffff;
	v6 =	vsub.f32 v48, v6;
	v0 =	vadd.f32 v10, v0;
	v8 =	vmul.f32 v8, v8  }
0x618: {  	v1 =	vadd.f32 v18, v1;
	v16 =	vld.idx.msk [tilespmem:v16+s29+$0x0], $0xffff;
	v10 =	vmul.f32 v42, v42  }
0x619: {  	v18 =	vsub.f32 v48, v21;
	v6 =	vmul.f32 v6, v6;
	v0 =	vadd.f32 v8, v0  }
0x61a: {  	v4 =	vor.u32 v57, v13;
	v1 =	vadd.f32 v10, v1  }
0x61b: {  	v48 =	vld [tilespmem:$0x1FFB0];
	v42 =	vmul.f32 v18, v18;
	v0 =	vadd.f32 v6, v0;
	v6 =	vsub.f32 v49, v19  }
0x61c: {  	v5 =	vor.u32 v9, v5;
	v12 =	vsub.f32 v44, v12  }
0x61d: {  	v1 =	vadd.f32 v42, v1;
	v42 =	vsub.f32 v49, v16;
	v6 =	vmul.f32 v6, v6;
	_ =	sdelay $0x1  }
0x61e: {  	v31 =	vld [tilespmem:$0x1FE60];
	v8 =	vmul.f32 v42, v42;
	v42 =	vmul.f32 v12, v12;
	v0 =	vadd.f32 v6, v0  }
0x61f: {  	v4 =	vld.idx.msk [tilespmem:v4+s29+$0x0], $0xffff;
	v13 =	vor.u32 v48, v13  }
0x620: {  	v0 =	vadd.f32 v42, v0;
	v42 =	vld [tilespmem:$0x1F890]  }
0x621: {  	v5 =	vld.idx.msk [tilespmem:v5+s29+$0x0], $0xffff  }
0x622: {  	v29 =	vld [tilespmem:$0x1FE80]  }
0x623: {  	v9 =	vld [tilespmem:$0x1F880]  }
0x624: {  	v14 =	vsub.f32 v44, v14;
	v4 =	vsub.f32 v44, v4;
	v10 =	vld.idx.msk [tilespmem:v13+s29+$0x0], $0xffff  }
0x625: {  	v1 =	vadd.f32 v8, v1;
	v8 =	vsub.f32 $0.0e+00, v42;
	v42 =	vld [tilespmem:$0x1F8A0]  }
0x626: {  	v62 =	vld [tilespmem:$0x1FB00];
	v14 =	vmul.f32 v14, v14;
	v5 =	vsub.f32 v45, v5  }
0x627: {  	v63 =	vld [tilespmem:$0x1FB10];
	v4 =	vmul.f32 v4, v4  }
0x628: {  	v2 =	vadd.f32 v14, v2;
	v15 =	vor.u32 v48, v15;
	v16 =	vld [tilespmem:$0x1FFC0];
	v5 =	vmul.f32 v5, v5  }
0x629: {  	v1 =	vadd.f32 v4, v1;
	v4 =	vand.u32 $0xF3, v9;
	v9 =	vld [tilespmem:$0x1F8E0]  }
0x62a: {  	v2 =	vadd.f32 v5, v2;
	v5 =	vsub.f32 v45, v10;
	v10 =	vand.u32 $0xF5, v42;
	v42 =	vld [tilespmem:$0x1F8B0]  }
0x62b: {  	v18 =	vld [tilespmem:$0x1FFF0]  }
0x62c: {  	v3 =	vld.idx.msk [tilespmem:v3+s29+$0x0], $0xffff  }
0x62d: {  	v13 =	vld.idx.msk [tilespmem:v15+s29+$0x0], $0xffff  }
0x62e: {  	v15 =	vsub.f32 $0.0e+00, v9;
	v9 =	vld [tilespmem:$0x1F8F0]  }
0x62f: {  	v4 =	vor.u32 v16, v4;
	v12 =	vsub.f32 $0.0e+00, v42;
	v42 =	vld [tilespmem:$0x1F8C0]  }
0x630: {  	v59 =	vld [tilespmem:$0x1FAD0];
	v4 =	vadd.s32 v18, v4  }
0x631: {  	v28 =	vld [tilespmem:$0x1FE70];
	v3 =	vsub.f32 v45, v3  }
0x632: {  	v26 =	vld [tilespmem:$0x1FEC0];
	v10 =	vor.u32 v16, v10  }
0x633: {  	v60 =	vld [tilespmem:$0x1FAE0];
	v3 =	vmul.f32 v3, v3;
	v10 =	vadd.s32 v18, v10  }
0x634: {  	v6 =	vsub.f32 v45, v13;
	v13 =	vand.u32 $0xF7, v42;
	v42 =	vld [tilespmem:$0x1F8D0]  }
0x635: {  	v7 =	vand.u32 $0xFD, v7;
	v11 =	vand.u32 $0xFF, v11;
	v61 =	vld [tilespmem:$0x1FAF0];
	v3 =	vadd.f32 v3, v17;
	[tilespmem:v4+s11+$0x0] =	vst.idx.msk $0xffff, v12  }
0x636: {  	v4 =	vmul.f32 v5, v5;
	v5 =	vor.u32 v16, v7;
	v7 =	vor.u32 v16, v11;
	v11 =	vld [tilespmem:$0x1F910]  }
0x637: {  	v58 =	vld [tilespmem:$0x1FFE0];
	v6 =	vmul.f32 v6, v6;
	[tilespmem:v9+s11+$0x0] =	vst.idx.msk $0xffff, v8;
	v5 =	vadd.s32 v18, v5  }
0x638: {  	v8 =	vld [tilespmem:$0x1F900];
	[tilespmem:v10+s11+$0x0] =	vst.idx.msk $0xffff, v15;
	v10 =	vadd.s32 v18, v7;
	v1 =	vadd.f32 v4, v1  }
0x639: {  	v20 =	vld [tilespmem:$0x1FED0];
	v0 =	vadd.f32 v6, v0;
	v13 =	vor.u32 v16, v13;
	v14 =	vand.u32 $0xFB, v42  }
0x63a: {  	v21 =	vld [tilespmem:$0x1FF00];
	v1 =	vsub.f32 $0.0e+00, v1;
	v13 =	vadd.s32 v18, v13;
	v14 =	vor.u32 v16, v14  }
0x63b: {  	p0 =	slt.u32 s1, $0xB0;
	v22 =	vld [tilespmem:$0x1FF20];
	v0 =	vsub.f32 $0.0e+00, v0;
	v9 =	vadd.s32 v18, v14  }
.Ltmp4:
0x63c: {  	v17 =	vld [tilespmem:$0x1FFD0];
	v3 =	vsub.f32 $0.0e+00, v3;
	[tilespmem:v5+s11+$0x0] =	vst.idx.msk $0xffff, v1;
	(pc) =	sbr.rel @p0 .LBB2_9-.Ltmp4, $4  }
0x63d: {  	v19 =	vld [tilespmem:$0x1FE90];
	v8 =	vsub.f32 $0.0e+00, v8;
	[tilespmem:v10+s11+$0x0] =	vst.idx.msk $0xffff, v0  }
0x63e: {  	v44 =	vld [tilespmem:$0x1FF70];
	v2 =	vsub.f32 $0.0e+00, v2;
	[tilespmem:v11+s11+$0x0] =	vst.idx.msk $0xffff, v3  }
0x63f: {  	v51 =	vmovc v36;
	v41 =	vmovc v32;
	v30 =	vlaneseq.u32;
	v27 =	vmov v40;
	v25 =	vmov v38;
	v45 =	vld [tilespmem:$0x1FF90];
	[tilespmem:v13+s11+$0x0] =	vst.idx.msk $0xffff, v8  }
0x640: {  	s4 =	simm.s32 $0xBE;
	s1 =	sadd.s32 $0x10, s1;
	v24 =	vmovc v37;
	v23 =	vmovc v33;
	v49 =	vmov v35;
	v15 =	vmov v34;
	v42 =	vld [tilespmem:$0x1FEA0];
	v14 =	vmov v39;
	[tilespmem:v9+s11+$0x0] =	vst.idx.msk $0xffff, v2  }
.LBB2_10:
0x641: {  	s4 =	sadd.s32 $0x2, s4  }
0x642: {  	v0 =	vmov s4  }
0x643: {  	v1 =	vshll.u32 v0, $0x5  }
0x644: {  	v1 =	vor.u32 v58, v1  }
0x645: {  	v1 =	vadd.s32 v17, v1  }
0x646: {  	v5 =	vld.idx.msk [tilespmem:v59+s28+$0x0], $0xffff;
	v2 =	vor.u32 v30, v1  }
0x647: {  	v7 =	vld.idx.msk [tilespmem:v60+s28+$0x0], $0xffff;
	v3 =	vor.u32 v31, v1  }
0x648: {  	v9 =	vld.idx.msk [tilespmem:v61+s28+$0x0], $0xffff;
	v8 =	vor.u32 v21, v1  }
0x649: {  	v37 =	vld.idx.msk [tilespmem:v63+s28+$0x0], $0xffff  }
0x64a: {  	v40 =	vld [tilespmem:$0x1F920];
	v4 =	vor.u32 v19, v1  }
0x64b: {  	v2 =	vld.idx.msk [tilespmem:v2+s29+$0x0], $0xffff  }
0x64c: {  	v6 =	vor.u32 v20, v1;
	v3 =	vld.idx.msk [tilespmem:v3+s29+$0x0], $0xffff  }
0x64d: {  	v36 =	vld.idx.msk [tilespmem:v8+s29+$0x0], $0xffff  }
0x64e: {  	v34 =	vld [tilespmem:$0x1F930]  }
0x64f: {  	v10 =	vor.u32 v22, v1;
	v4 =	vld.idx.msk [tilespmem:v4+s29+$0x0], $0xffff  }
0x650: {  	v11 =	vld.idx.msk [tilespmem:v62+s28+$0x0], $0xffff  }
0x651: {  	v12 =	vor.u32 v23, v1;
	v6 =	vld.idx.msk [tilespmem:v6+s29+$0x0], $0xffff;
	v2 =	vsub.f32 v5, v2  }
0x652: {  	v3 =	vsub.f32 v7, v3;
	v36 =	vsub.f32 v37, v36;
	v37 =	vld [tilespmem:$0x1F940]  }
0x653: {  	v38 =	vor.u32 v24, v1  }
0x654: {  	v39 =	vld.idx.msk [tilespmem:v10+s29+$0x0], $0xffff;
	v4 =	vsub.f32 v9, v4;
	v2 =	vmul.f32 v2, v2;
	v3 =	vmul.f32 v3, v3  }
0x655: {  	v10 =	vld.idx.msk [tilespmem:v40+s28+$0x0], $0xffff  }
0x656: {  	v33 =	vsub.f32 v11, v6;
	v6 =	vld.idx.msk [tilespmem:v12+s29+$0x0], $0xffff;
	v32 =	vmul.f32 v4, v4;
	v2 =	vadd.f32 v3, v2  }
0x657: {  	v13 =	vor.u32 v25, v1;
	v11 =	vld.idx.msk [tilespmem:v34+s28+$0x0], $0xffff  }
0x658: {  	v2 =	vadd.f32 v32, v2;
	v32 =	vld [tilespmem:$0x1F950]  }
0x659: {  	v12 =	vor.u32 v26, v1;
	v5 =	vld.idx.msk [tilespmem:v38+s29+$0x0], $0xffff;
	v35 =	vmul.f32 v33, v33  }
0x65a: {  	v7 =	vld.idx.msk [tilespmem:v37+s28+$0x0], $0xffff  }
0x65b: {  	v39 =	vsub.f32 v10, v39;
	v38 =	vmul.f32 v36, v36;
	v2 =	vadd.f32 v35, v2;
	v35 =	vld [tilespmem:$0x1F960]  }
0x65c: {  	v8 =	vor.u32 v27, v1;
	v40 =	vld.idx.msk [tilespmem:v13+s29+$0x0], $0xffff  }
0x65d: {  	v33 =	vmul.f32 v39, v39;
	v2 =	vadd.f32 v38, v2;
	v38 =	vld [tilespmem:$0x1F970]  }
0x65e: {  	v34 =	vsub.f32 v11, v6;
	v6 =	vld.idx.msk [tilespmem:v12+s29+$0x0], $0xffff  }
0x65f: {  	v2 =	vadd.f32 v33, v2;
	v33 =	vld [tilespmem:$0x1F980]  }
0x660: {  	v36 =	vmul.f32 v34, v34;
	v37 =	vsub.f32 v7, v5;
	v10 =	vld.idx.msk [tilespmem:v32+s28+$0x0], $0xffff  }
0x661: {  	v13 =	vor.u32 v28, v1;
	v5 =	vld.idx.msk [tilespmem:v8+s29+$0x0], $0xffff  }
0x662: {  	v2 =	vadd.f32 v36, v2;
	v36 =	vld [tilespmem:$0x1F990];
	v39 =	vmul.f32 v37, v37  }
0x663: {  	v12 =	vor.u32 v29, v1;
	v11 =	vld.idx.msk [tilespmem:v35+s28+$0x0], $0xffff  }
0x664: {  	v2 =	vadd.f32 v39, v2;
	v39 =	vld [tilespmem:$0x1F9A0]  }
0x665: {  	v7 =	vld.idx.msk [tilespmem:v38+s28+$0x0], $0xffff;
	v40 =	vsub.f32 v10, v40  }
0x666: {  	v8 =	vor.u32 v41, v1;
	v32 =	vld.idx.msk [tilespmem:v13+s29+$0x0], $0xffff  }
0x667: {  	v10 =	vld.idx.msk [tilespmem:v33+s28+$0x0], $0xffff;
	v34 =	vmul.f32 v40, v40  }
0x668: {  	v35 =	vsub.f32 v11, v6;
	v6 =	vld.idx.msk [tilespmem:v12+s29+$0x0], $0xffff  }
0x669: {  	v13 =	vor.u32 v42, v1;
	v2 =	vadd.f32 v34, v2;
	v34 =	vld [tilespmem:$0x1F9B0]  }
0x66a: {  	v11 =	vld.idx.msk [tilespmem:v36+s28+$0x0], $0xffff;
	v37 =	vmul.f32 v35, v35;
	v38 =	vsub.f32 v7, v5  }
0x66b: {  	v5 =	vld.idx.msk [tilespmem:v8+s29+$0x0], $0xffff  }
0x66c: {  	v7 =	vld.idx.msk [tilespmem:v39+s28+$0x0], $0xffff;
	v2 =	vadd.f32 v37, v2;
	v40 =	vmul.f32 v38, v38;
	v32 =	vsub.f32 v10, v32  }
0x66d: {  	v12 =	vor.u32 v14, v1;
	v37 =	vld [tilespmem:$0x1F9C0]  }
0x66e: {  	v33 =	vld.idx.msk [tilespmem:v13+s29+$0x0], $0xffff;
	v8 =	vor.u32 v15, v1;
	v2 =	vadd.f32 v40, v2;
	v35 =	vmul.f32 v32, v32  }
0x66f: {  	v40 =	vld [tilespmem:$0x1F9D0]  }
0x670: {  	v36 =	vsub.f32 v11, v6;
	v2 =	vadd.f32 v35, v2;
	v35 =	vld [tilespmem:$0x1F9E0]  }
0x671: {  	v10 =	vld.idx.msk [tilespmem:v34+s28+$0x0], $0xffff  }
0x672: {  	v13 =	vor.u32 v43, v1;
	v6 =	vld.idx.msk [tilespmem:v12+s29+$0x0], $0xffff;
	v38 =	vmul.f32 v36, v36;
	v39 =	vsub.f32 v7, v5  }
0x673: {  	v5 =	vld.idx.msk [tilespmem:v8+s29+$0x0], $0xffff  }
0x674: {  	v2 =	vadd.f32 v38, v2;
	v38 =	vld [tilespmem:$0x1F9F0];
	v32 =	vmul.f32 v39, v39  }
0x675: {  	v11 =	vld.idx.msk [tilespmem:v37+s28+$0x0], $0xffff  }
0x676: {  	v12 =	vor.u32 v44, v1;
	v2 =	vadd.f32 v32, v2;
	v32 =	vld [tilespmem:$0x1FA00];
	v33 =	vsub.f32 v10, v33  }
0x677: {  	v34 =	vld.idx.msk [tilespmem:v13+s29+$0x0], $0xffff  }
0x678: {  	v8 =	vor.u32 v45, v1;
	v7 =	vld.idx.msk [tilespmem:v40+s28+$0x0], $0xffff;
	v36 =	vmul.f32 v33, v33  }
0x679: {  	v10 =	vld.idx.msk [tilespmem:v35+s28+$0x0], $0xffff  }
0x67a: {  	v2 =	vadd.f32 v36, v2;
	v36 =	vld [tilespmem:$0x1FA10]  }
0x67b: {  	v13 =	vor.u32 v46, v1;
	v37 =	vsub.f32 v11, v6;
	v6 =	vld.idx.msk [tilespmem:v12+s29+$0x0], $0xffff  }
0x67c: {  	v11 =	vld.idx.msk [tilespmem:v38+s28+$0x0], $0xffff  }
0x67d: {  	v39 =	vmul.f32 v37, v37;
	v40 =	vsub.f32 v7, v5;
	v5 =	vld.idx.msk [tilespmem:v8+s29+$0x0], $0xffff  }
0x67e: {  	v12 =	vor.u32 v47, v1;
	v7 =	vld.idx.msk [tilespmem:v32+s28+$0x0], $0xffff  }
0x67f: {  	v2 =	vadd.f32 v39, v2;
	v33 =	vmul.f32 v40, v40;
	v39 =	vld [tilespmem:$0x1FA20]  }
0x680: {  	v35 =	vld.idx.msk [tilespmem:v13+s29+$0x0], $0xffff;
	v8 =	vor.u32 v49, v1;
	v34 =	vsub.f32 v10, v34  }
0x681: {  	v13 =	vor.u32 v50, v1;
	v2 =	vadd.f32 v33, v2;
	v33 =	vld [tilespmem:$0x1FA30]  }
0x682: {  	v37 =	vmul.f32 v34, v34;
	v38 =	vsub.f32 v11, v6;
	v10 =	vld.idx.msk [tilespmem:v36+s28+$0x0], $0xffff  }
0x683: {  	v6 =	vld.idx.msk [tilespmem:v12+s29+$0x0], $0xffff  }
0x684: {  	v2 =	vadd.f32 v37, v2;
	v40 =	vmul.f32 v38, v38;
	v37 =	vld [tilespmem:$0x1FA40];
	v32 =	vsub.f32 v7, v5  }
0x685: {  	v5 =	vld.idx.msk [tilespmem:v8+s29+$0x0], $0xffff  }
0x686: {  	v2 =	vadd.f32 v40, v2;
	v36 =	vld.idx.msk [tilespmem:v13+s29+$0x0], $0xffff;
	v34 =	vmul.f32 v32, v32  }
0x687: {  	v11 =	vld.idx.msk [tilespmem:v39+s28+$0x0], $0xffff;
	v35 =	vsub.f32 v10, v35  }
0x688: {  	v13 =	vor.u32 v53, v1;
	v2 =	vadd.f32 v34, v2;
	v34 =	vld [tilespmem:$0x1FA60]  }
0x689: {  	v12 =	vor.u32 v51, v1;
	v40 =	vld [tilespmem:$0x1FA50];
	v38 =	vmul.f32 v35, v35  }
0x68a: {  	v8 =	vor.u32 v52, v1;
	v7 =	vld.idx.msk [tilespmem:v33+s28+$0x0], $0xffff  }
0x68b: {  	v2 =	vadd.f32 v38, v2;
	v38 =	vld [tilespmem:$0x1FA70]  }
0x68c: {  	v10 =	vld.idx.msk [tilespmem:v37+s28+$0x0], $0xffff  }
0x68d: {  	v37 =	vld.idx.msk [tilespmem:v13+s29+$0x0], $0xffff;
	v39 =	vsub.f32 v11, v6  }
0x68e: {  	v6 =	vld.idx.msk [tilespmem:v12+s29+$0x0], $0xffff  }
0x68f: {  	v32 =	vmul.f32 v39, v39;
	v33 =	vsub.f32 v7, v5;
	v5 =	vld.idx.msk [tilespmem:v8+s29+$0x0], $0xffff  }
0x690: {  	v7 =	vld.idx.msk [tilespmem:v34+s28+$0x0], $0xffff  }
0x691: {  	v2 =	vadd.f32 v32, v2;
	v32 =	vld [tilespmem:$0x1FA80]  }
0x692: {  	v12 =	vor.u32 v54, v1;
	v11 =	vld.idx.msk [tilespmem:v40+s28+$0x0], $0xffff;
	v35 =	vmul.f32 v33, v33;
	v36 =	vsub.f32 v10, v36  }
0x693: {  	v10 =	vld.idx.msk [tilespmem:v38+s28+$0x0], $0xffff  }
0x694: {  	v2 =	vadd.f32 v35, v2;
	v39 =	vmul.f32 v36, v36;
	v35 =	vld [tilespmem:$0x1FA90];
	_ =	sdelay $0x1  }
0x695: {  	v8 =	vor.u32 v55, v1;
	v2 =	vadd.f32 v39, v2;
	v39 =	vld [tilespmem:$0x1FAA0];
	v34 =	vsub.f32 v7, v5  }
0x696: {  	v40 =	vsub.f32 v11, v6;
	v6 =	vld.idx.msk [tilespmem:v12+s29+$0x0], $0xffff  }
0x697: {  	v13 =	vor.u32 v56, v1;
	v36 =	vmul.f32 v34, v34;
	v34 =	vld [tilespmem:$0x1FAB0];
	v37 =	vsub.f32 v10, v37  }
0x698: {  	v11 =	vld.idx.msk [tilespmem:v32+s28+$0x0], $0xffff  }
0x699: {  	v12 =	vor.u32 v57, v1;
	v33 =	vmul.f32 v40, v40;
	v40 =	vmul.f32 v37, v37;
	v37 =	vld [tilespmem:$0x1FAC0]  }
0x69a: {  	v5 =	vld.idx.msk [tilespmem:v8+s29+$0x0], $0xffff  }
0x69b: {  	v1 =	vor.u32 v48, v1;
	v7 =	vld.idx.msk [tilespmem:v35+s28+$0x0], $0xffff  }
0x69c: {  	v2 =	vadd.f32 v33, v2;
	v38 =	vld.idx.msk [tilespmem:v13+s29+$0x0], $0xffff  }
0x69d: {  	v9 =	vld.idx.msk [tilespmem:v39+s28+$0x0], $0xffff  }
0x69e: {  	v33 =	vld.idx.msk [tilespmem:v12+s29+$0x0], $0xffff;
	v2 =	vadd.f32 v36, v2;
	v32 =	vsub.f32 v11, v6  }
0x69f: {  	v10 =	vld.idx.msk [tilespmem:v34+s28+$0x0], $0xffff  }
0x6a0: {  	v1 =	vld.idx.msk [tilespmem:v1+s29+$0x0], $0xffff;
	v2 =	vadd.f32 v40, v2;
	v35 =	vmul.f32 v32, v32;
	v36 =	vsub.f32 v7, v5  }
0x6a1: {  	v5 =	vld.idx.msk [tilespmem:v37+s28+$0x0], $0xffff  }
0x6a2: {  	v2 =	vadd.f32 v35, v2;
	v38 =	vsub.f32 v9, v38;
	v4 =	vmul.f32 v36, v36;
	_ =	sdelay $0x1  }
0x6a3: {  	v2 =	vadd.f32 v4, v2;
	v3 =	vmul.f32 v38, v38;
	v39 =	vsub.f32 v10, v33;
	_ =	sdelay $0x1  }
0x6a4: {  	v2 =	vadd.f32 v3, v2;
	v40 =	vmul.f32 v39, v39;
	v1 =	vsub.f32 v5, v1  }
0x6a5: {  	v0 =	vand.u32 $0xFF, v0  }
0x6a6: {  	v0 =	vor.u32 v16, v0;
	v2 =	vadd.f32 v40, v2;
	v1 =	vmul.f32 v1, v1  }
0x6a7: {  	p0 =	slt.u32 s4, $0xC6;
	v0 =	vadd.s32 v18, v0  }
.Ltmp5:
0x6a8: {  	v1 =	vadd.f32 v1, v2;
	(pc) =	sbr.rel @p0 .LBB2_10-.Ltmp5, $3  }
0x6a9: {  	_ = 	snop  }
0x6aa: {  	v1 =	vsub.f32 $0.0e+00, v1;
	_ =	sdelay $0x1  }
0x6ab: {  	[tilespmem:v0+s11+$0x0] =	vst.idx.msk $0xffff, v1  }
0x6ac: {  	s17 =	sadd.s32 $0x1, s17  }
0x6ad: {  	p0 =	sne.s32 s17, $0x20  }
.Ltmp6:
0x6ae: {  	s1 =	sadd.s32 s8, s30;
	(pc) =	sbr.rel @p0 .LBB2_2-.Ltmp6, $3  }
0x6af: {  	s1 =	smul.u32 $0x19, s1;
	_ =	sdelay $0x1  }
0x6b0: {  	s1 =	sadd.s32 s2, s1  }
0x6b1: {  	[hbm4b:s1+s3] =	stream.linear.scatter [tilespmem:s11], [sflag:$0x6], $0x640, $0x38;
	[tilespmem:$0x1B1A0] =	vst v63  }
0x6b2: {  	_ =	swait.ge [sflag:s12], $0x640  }
0x6b3: {  	[sflag:s12] =	ssyncset.done $0x0  }
0x6b4: {  	[sflag:s12] =	ssyncadd.s32 $0xFFFFF9C0  }
0x6b5: {  	_ =	swait.ge [sflag:s15], $0x640  }
0x6b6: {  	s4 =	rddreg [dreg:$0x9]  }
0x6b7: {  	s1 =	rddreg [dreg:$0x8];
	s4 =	sadd.s32 $0x1, s4  }
0x6b8: {  	p0 =	sne.s32 s4, s1  }
.Ltmp7:
0x6b9: {  	_ = 	snop;
	(pc) =	sbr.rel @p0 .LBB2_1-.Ltmp7, $3  }
0x6ba: {  	_ =	sdelay $0x1  }
0x6bb: {  	[sflag:s15] =	ssyncset.done $0x0  }
0x6bc: {  	[sflag:s15] =	ssyncadd.s32 $0xFFFFF9C0  }
0x6bd: {  	_ =	sfence.sel $0x180000  }
0x6be: {  	[bflag:$0x0] =	sbarrier.arrive $0xFFFF  }
0x6bf: {  	_ =	strace $0x90000047  }
0x6c0: {  	s0 =	stileid.u32;
	[bflag:$0x2] =	sbarrier.arrive $0xFFFF  }
0x6c1: {  	p0 =	sne.s32 s0, $0x0;
	s0 =	rddreg [dreg:$0x3]  }
0x6c2: {  	s0 =	sadd.s32 @!p0 $0x100000, s0  }
0x6c3: {  	[sflag:s0] =	ssyncadd.tile.s32 @!p0 $0x1;
	_ =	shalt  }
.Lfunc_end2:
_tile_overlayer_lowered:
.L_overlay_start_2:
0x6c4: {  	(tag) =	ssettag $0x2  }
0x6c5: {  	s0 =	rddreg [dreg:$0x0];
	s2 =	stileid.u32  }
0x6c6: {  	s1 =	rddreg [dreg:$0x1];
	p0 =	sne.s32 s2, $0x0  }
0x6c7: {  	s3 =	rddreg [dreg:$0x2];
	[bflag:$0x3] =	sbarrier.arrive $0xFFFF;
	s2 =	simm.s32 @!p0 $0x1C07  }
0x6c8: {  	[timem:s3], [sflag:s2] =	dma.local @!p0 [hbm:s0], s1  }
0x6c9: {  	s0 =	simm.s32 @!p0 $0x7  }
0x6ca: {  	_ =	swait.ge @!p0 [sflag:s0], s1  }
0x6cb: {  	s1 =	ssub.s32 @!p0 $0x0, s1;
	[sflag:s0] =	ssyncset.done @!p0 $0x0  }
0x6cc: {  	[sflag:s0] =	ssyncadd.s32 @!p0 s1  }
0x6cd: {  	[bflag:$0x3] =	sbarrier.arrive $0xFFFF  }
0x6ce: {  	_ =	shalt  }

</sc_bundles>
